<compile_context>
chip_gen: v7x
topology: tpu7x:2x2x1
jax: 0.10.2.dev20260603
libtpu: 0.0.44.dev20260713+nightly
codegen_flags: <defaults>
</compile_context>

<pallas_src>
import functools

import jax
import jax.numpy as jnp
from jax import lax
from jax.experimental import pallas as pl
from jax.experimental.pallas import tpu as pltpu
from jax.experimental.pallas import tpu_sc as plsc

N = 10000
E = 320000
D = 128
G = 8
EPS = 1e-5

NC = 2
NS = 16
NW = NC * NS
EPW = E // NW
CHUNK = 125
NCH = EPW // CHUNK
NPAD = 10240
RPT = NPAD // NS

_mesh = plsc.VectorSubcoreMesh(core_axis_name="c", subcore_axis_name="s")


@functools.partial(
    pl.kernel,
    out_type=jax.ShapeDtypeStruct((NW, N), jnp.float32),
    mesh=_mesh,
    scratch_types=[
        pltpu.VMEM((EPW,), jnp.int32),
        pltpu.VMEM((N,), jnp.float32),
    ],
    compiler_params=pltpu.CompilerParams(needs_layout_passes=False),
)
def _deg_kernel(dst_hbm, out_hbm, dsti_v, hist_v):
    wid = lax.axis_index("s") * NC + lax.axis_index("c")

    zeros16 = jnp.zeros((16,), jnp.float32)

    def zbody(i, carry):
        hist_v[pl.ds(i * 16, 16)] = zeros16
        return carry

    lax.fori_loop(0, N // 16, zbody, 0, unroll=4)

    pltpu.sync_copy(dst_hbm.at[wid], dsti_v)

    ones16 = jnp.ones((16,), jnp.float32)

    def body(i, carry):
        idx = dsti_v[pl.ds(i * 16, 16)]
        plsc.addupdate_scatter(hist_v, [idx], ones16)
        return carry

    lax.fori_loop(0, EPW // 16, body, 0, unroll=4)

    pltpu.sync_copy(hist_v, out_hbm.at[wid])


@functools.partial(
    pl.kernel,
    out_type=jax.ShapeDtypeStruct((NC, NPAD, D), jnp.float32),
    mesh=_mesh,
    scratch_types=[
        pltpu.VMEM_SHARED((NPAD, D), jnp.float32),
        pltpu.VMEM((NCH // 2, CHUNK), jnp.int32),
        pltpu.VMEM((NCH // 2, CHUNK), jnp.int32),
        pltpu.VMEM((CHUNK, D), jnp.float32),
        pltpu.VMEM((CHUNK, D), jnp.float32),
        pltpu.SemaphoreType.DMA,
        pltpu.SemaphoreType.DMA,
    ],
)
def _scatter_kernel(hp_hbm, src_hbm, dst_hbm, out_hbm,
                    acc, srci_v, dsti_v, rows0, rows1, sem0, sem1):
    cid = lax.axis_index("c")
    sid = lax.axis_index("s")
    wid = sid * NC + cid
    half_n = NCH // 2

    zeros16 = jnp.zeros((16,), jnp.float32)

    def zb(i, carry):
        rows0[i // 8, pl.ds((i % 8) * 16, 16)] = zeros16
        return carry

    lax.fori_loop(0, 64 * 8, zb, 0, unroll=8)

    def zc(j, carry):
        pltpu.sync_copy(rows0.at[pl.ds(0, 64)],
                        acc.at[pl.ds(sid * RPT + j * 64, 64)])
        return carry

    lax.fori_loop(0, RPT // 64, zc, 0)
    plsc.subcore_barrier()

    rows = (rows0, rows1)
    sems = (sem0, sem1)

    for half in range(2):
        pltpu.sync_copy(src_hbm.at[wid, pl.ds(half * half_n, half_n)], srci_v)
        pltpu.sync_copy(dst_hbm.at[wid, pl.ds(half * half_n, half_n)], dsti_v)

        pltpu.async_copy(hp_hbm.at[srci_v.at[0]], rows0, sem0)

        def pair(base, carry):
            for b in range(2):
                c = base * 2 + b
                nb = 1 - b

                @pl.when(c + 1 < half_n)
                def _():
                    pltpu.async_copy(hp_hbm.at[srci_v.at[c + 1]],
                                     rows[nb], sems[nb])

                pltpu.make_async_copy(hp_hbm.at[srci_v.at[c]],
                                      rows[b], sems[b]).wait()
                pltpu.sync_copy(rows[b], acc.at[dsti_v.at[c]], add=True)
            return carry

        lax.fori_loop(0, half_n // 2, pair, 0)

    plsc.subcore_barrier()
    pltpu.sync_copy(acc.at[pl.ds(sid * RPT, RPT)],
                    out_hbm.at[cid, pl.ds(sid * RPT, RPT)])


def _dis_from(degT):
    return lax.rsqrt(jnp.sum(degT, axis=1, keepdims=True) + 2.0)


def _pre_body(x_ref, w_ref, degp_ref, out_ref):
    dis = _dis_from(degp_ref[...])
    out_ref[...] = dis * jnp.dot(x_ref[...], w_ref[...],
                                 preferred_element_type=jnp.float32)


def _mid_body(s_ref, hp_ref, degp_ref, b_ref, g_ref, bt_ref, hres_ref,
              wn_ref, h_out_ref, hpn_out_ref):
    dis = _dis_from(degp_ref[...])
    pre = dis * (s_ref[0, :N] + s_ref[1, :N] + 2.0 * hp_ref[...]) + b_ref[...]
    mu = jnp.mean(pre, axis=0, keepdims=True)
    var = jnp.mean((pre - mu) ** 2, axis=0, keepdims=True)
    bn = g_ref[...] * (pre - mu) * lax.rsqrt(var + EPS) + bt_ref[...]
    h_new = jnp.maximum(bn, 0.0) + hres_ref[...]
    h_out_ref[...] = h_new
    hpn_out_ref[...] = dis * jnp.dot(h_new, wn_ref[...],
                                     preferred_element_type=jnp.float32)


def _final_body(s_ref, hp_ref, degp_ref, b_ref, batch_ref, fcw_ref, fcb_ref,
                out_ref):
    dis = _dis_from(degp_ref[...])
    h3 = dis * (s_ref[0, :N] + s_ref[1, :N] + 2.0 * hp_ref[...]) + b_ref[...]
    gids = lax.broadcasted_iota(jnp.int32, (G, N), 0)
    onehot = (gids == batch_ref[...]).astype(jnp.float32)
    pooled = jnp.dot(onehot, h3, preferred_element_type=jnp.float32)
    res = jnp.dot(pooled, fcw_ref[...],
                  preferred_element_type=jnp.float32) + fcb_ref[...]
    out_ref[...] = jnp.broadcast_to(res, (G, 128))


_pre_call = pl.pallas_call(
    _pre_body, out_shape=jax.ShapeDtypeStruct((N, D), jnp.float32))

_mid_call = pl.pallas_call(
    _mid_body,
    out_shape=(jax.ShapeDtypeStruct((N, D), jnp.float32),
               jax.ShapeDtypeStruct((N, D), jnp.float32)))

_final_call = pl.pallas_call(
    _final_body, out_shape=jax.ShapeDtypeStruct((G, 128), jnp.float32))


def kernel(x, edge_index, batch, W1, b1, g1, bt1, W2, b2, g2, bt2, W3, b3,
           fcW, fcb):
    src = edge_index[0].reshape(NW, NCH, CHUNK)
    dst = edge_index[1].reshape(NW, NCH, CHUNK)

    degp = _deg_kernel(edge_index[1].reshape(NW, EPW)).T

    b1r = b1.reshape(1, D); g1r = g1.reshape(1, D); bt1r = bt1.reshape(1, D)
    b2r = b2.reshape(1, D); g2r = g2.reshape(1, D); bt2r = bt2.reshape(1, D)
    b3r = b3.reshape(1, D)
    batch_r = batch.reshape(1, N)
    fcb_r = fcb.reshape(1, 1)

    h1p = _pre_call(x, W1, degp)
    s1 = _scatter_kernel(h1p, src, dst)
    h_after1, h2p = _mid_call(s1, h1p, degp, b1r, g1r, bt1r, x, W2)
    s2 = _scatter_kernel(h2p, src, dst)
    h_after2, h3p = _mid_call(s2, h2p, degp, b2r, g2r, bt2r, h_after1, W3)
    s3 = _scatter_kernel(h3p, src, dst)
    out = _final_call(s3, h3p, degp, b3r, batch_r, fcW, fcb_r)
    return out[:, :1]

# --- scband reference (transcript-rebuilt; emitter-appended) ---
"""Pipeline reference for scband-gcnmodel-63196148793943 (READ-ONLY COPY).

The authoritative reference and input builder live on the scoring server;
editing this copy changes nothing except your own understanding.
"""

import jax, jax.numpy as jnp
import numpy as np

N = 10000
E = 320000
D = 128
G = 8
EPS = 1e-5

def _glorot(key, shape):
    fan = shape[0]
    return jax.random.uniform(key, shape, dtype=jnp.float32, minval=-1.0, maxval=1.0) / np.sqrt(fan)

def setup_inputs(seed: int = 0):
    key = jax.random.key(seed)
    ks = jax.random.split(key, 12)
    inp = {}
    inp["x"] = jax.random.normal(ks[0], (N, D), dtype=jnp.float32)
    inp["edge_index"] = jax.random.randint(ks[1], (2, E), 0, N, dtype=jnp.int32)
    inp["batch"] = jnp.sort(jax.random.randint(ks[2], (N,), 0, G, dtype=jnp.int32))
    inp["W1"] = _glorot(ks[3], (D, D)); inp["b1"] = jnp.zeros((D,), jnp.float32)
    inp["g1"] = jnp.ones((D,), jnp.float32); inp["bt1"] = jnp.zeros((D,), jnp.float32)
    inp["W2"] = _glorot(ks[4], (D, D)); inp["b2"] = jnp.zeros((D,), jnp.float32)
    inp["g2"] = jnp.ones((D,), jnp.float32); inp["bt2"] = jnp.zeros((D,), jnp.float32)
    inp["W3"] = _glorot(ks[5], (D, D)); inp["b3"] = jnp.zeros((D,), jnp.float32)
    inp["fcW"] = _glorot(ks[6], (D, 1)); inp["fcb"] = jnp.zeros((1,), jnp.float32)
    return inp

def _gcn_conv(x, W, b, src, dst, dis):
    # GCNConv(improved=True): A_hat = A + 2I, symmetric normalization D^-1/2 A_hat D^-1/2
    h = x @ W
    norm = (dis[src] * dis[dst])[:, None]
    agg = jax.ops.segment_sum(h[src] * norm, dst, num_segments=N)
    agg = agg + h * (2.0 * dis * dis)[:, None]  # self-loop contribution with weight 2
    return agg + b

def _bn(x, g, bta):
    # BatchNorm1d, training-mode statistics (biased variance), eps=1e-5
    mu = jnp.mean(x, axis=0)
    var = jnp.var(x, axis=0)
    return g * (x - mu) / jnp.sqrt(var + EPS) + bta

def reference(x, edge_index, batch, W1, b1, g1, bt1, W2, b2, g2, bt2, W3, b3, fcW, fcb):
    src = edge_index[0]
    dst = edge_index[1]
    deg = jax.ops.segment_sum(jnp.ones((E,), jnp.float32), dst, num_segments=N) + 2.0
    dis = jax.lax.rsqrt(deg)
    h = x
    # layer 1 (residual block); dropout is identity in eval mode
    h1 = _gcn_conv(h, W1, b1, src, dst, dis)
    h = jax.nn.relu(_bn(h1, g1, bt1)) + h
    # layer 2 (residual block)
    h2 = _gcn_conv(h, W2, b2, src, dst, dis)
    h = jax.nn.relu(_bn(h2, g2, bt2)) + h
    # final conv
    h = _gcn_conv(h, W3, b3, src, dst, dis)
    # global_add_pool over batch ids
    pooled = jax.ops.segment_sum(h, batch, num_segments=G)
    return pooled @ fcW + fcb

if __name__ == "__main__":
    import jax
    _d = setup_inputs()
    print(jax.jit(kernel)(*tuple(_d.values())))

</pallas_src>

<mosaic_0001>
#map = affine_map<(d0, d1) -> (0, 0)>
#map1 = affine_map<(d0, d1) -> (0, 0, 0)>
module attributes {stable_mosaic.version = 14 : i64} {
  func.func @_scatter_kernel(%arg0: i32, %arg1: i32, %arg2: memref<10000x128xf32, #tpu.memory_space<hbm>>, %arg3: memref<32x80x125xi32, #tpu.memory_space<hbm>>, %arg4: memref<32x80x125xi32, #tpu.memory_space<hbm>>, %arg5: memref<2x10240x128xf32, #tpu.memory_space<hbm>>, %arg6: memref<10240x128xf32, #tpu.memory_space<vmem_shared>>, %arg7: memref<40x125xi32, #tpu.memory_space<vmem>>, %arg8: memref<40x125xi32, #tpu.memory_space<vmem>>, %arg9: memref<125x128xf32, #tpu.memory_space<vmem>>, %arg10: memref<125x128xf32, #tpu.memory_space<vmem>>, %arg11: memref<!tpu.dma_semaphore, #tpu.memory_space<semaphore_mem>>, %arg12: memref<!tpu.dma_semaphore, #tpu.memory_space<semaphore_mem>>) attributes {dimension_semantics = [#tpu.dimension_semantics<core_parallel>, #tpu.dimension_semantics<subcore_parallel>], iteration_bounds = array<i64: 2, 16>, scalar_prefetch = 0 : i64, scratch_operands = 7 : i64, tpu.core_type = #tpu.core_type<sc_vector_subcore>, window_params = [{transform_indices = #map}, {transform_indices = #map1}, {transform_indices = #map1}, {transform_indices = #map1}]} {
    %mul3A = arith.constant 2 : i32
    %mul3A_0 = arith.muli %arg1, %mul3A : i32
    %add3A = arith.addi %mul3A_0, %arg0 : i32
    %broadcast_in_dim3A = arith.constant 0.000000e+00 : f32
    %broadcast_in_dim3A_1 = vector.broadcast %broadcast_in_dim3A : f32 to vector<16xf32>
    %scan3A = arith.constant 0 : i32
    %scan3A_2 = arith.constant 0 : i32
    %scan3A_3 = arith.constant 512 : i32
    %scan3A_4 = arith.addi %scan3A_2, %scan3A_3 : i32
    %scan3A_5 = arith.constant 8 : i32
    scf.for %scan3A_43 = %scan3A_2 to %scan3A_4 step %scan3A_5  : i32 {
      %jit3A = arith.constant 8 : i32
      %div3A = arith.divsi %scan3A_43, %jit3A : i32
      %sign3A = arith.constant 0 : i32
      %sign3A_44 = arith.cmpi sgt, %scan3A_43, %sign3A : i32
      %sign3A_45 = arith.extui %sign3A_44 : i1 to i32
      %sign3A_46 = arith.constant 0 : i32
      %sign3A_47 = arith.cmpi slt, %scan3A_43, %sign3A_46 : i32
      %sign3A_48 = arith.extui %sign3A_47 : i1 to i32
      %sign3A_49 = arith.subi %sign3A_45, %sign3A_48 : i32
      %sign3A_50 = arith.constant 0 : i32
      %sign3A_51 = arith.cmpi sgt, %jit3A, %sign3A_50 : i32
      %sign3A_52 = arith.extui %sign3A_51 : i1 to i32
      %sign3A_53 = arith.constant 0 : i32
      %sign3A_54 = arith.cmpi slt, %jit3A, %sign3A_53 : i32
      %sign3A_55 = arith.extui %sign3A_54 : i1 to i32
      %sign3A_56 = arith.subi %sign3A_52, %sign3A_55 : i32
      %ne3A = arith.cmpi ne, %sign3A_49, %sign3A_56 : i32
      %rem3A = arith.remsi %scan3A_43, %jit3A : i32
      %ne3A_57 = arith.constant 0 : i32
      %ne3A_58 = arith.cmpi ne, %rem3A, %ne3A_57 : i32
      %and3A = arith.andi %ne3A, %ne3A_58 : i1
      %sub3A = arith.constant 1 : i32
      %sub3A_59 = arith.subi %div3A, %sub3A : i32
      %select_n3A = arith.select %and3A, %sub3A_59, %div3A : i32
      %jit3A_60 = arith.constant 8 : i32
      %eq3A = arith.constant 0 : i32
      %eq3A_61 = arith.cmpi eq, %jit3A_60, %eq3A : i32
      %jit3A_62 = arith.constant 1 : i32
      %select_n3A_63 = arith.select %eq3A_61, %jit3A_62, %jit3A_60 : i32
      %rem3A_64 = arith.remsi %scan3A_43, %select_n3A_63 : i32
      %ne3A_65 = arith.constant 0 : i32
      %ne3A_66 = arith.cmpi ne, %rem3A_64, %ne3A_65 : i32
      %lt3A = arith.constant 0 : i32
      %lt3A_67 = arith.cmpi slt, %rem3A_64, %lt3A : i32
      %lt3A_68 = arith.constant 0 : i32
      %lt3A_69 = arith.cmpi slt, %select_n3A_63, %lt3A_68 : i32
      %ne3A_70 = arith.xori %lt3A_67, %lt3A_69 : i1
      %and3A_71 = arith.andi %ne3A_70, %ne3A_66 : i1
      %add3A_72 = arith.addi %rem3A_64, %select_n3A_63 : i32
      %select_n3A_73 = arith.select %and3A_71, %add3A_72, %rem3A_64 : i32
      %mul3A_74 = arith.constant 16 : i32
      %mul3A_75 = arith.muli %select_n3A_73, %mul3A_74 : i32
      %swap3A = arith.index_cast %select_n3A : i32 to index
      %swap3A_76 = arith.index_cast %mul3A_75 : i32 to index
      %swap3A_77 = tpu.vector_load %arg9[%swap3A, %swap3A_76] {strides = array<i32>} : memref<125x128xf32, #tpu.memory_space<vmem>>, vector<1x16xf32>,
      %swap3A_78 = vector.shape_cast %swap3A_77 : vector<1x16xf32> to vector<16xf32>
      %swap3A_79 = vector.shape_cast %broadcast_in_dim3A_1 : vector<16xf32> to vector<1x16xf32>
      tpu.vector_store %arg9[%swap3A, %swap3A_76], %swap3A_79 {strides = array<i32>} : memref<125x128xf32, #tpu.memory_space<vmem>>, vector<1x16xf32>,
      %scan3A_80 = arith.constant 1 : i32
      %scan3A_81 = arith.addi %scan3A_43, %scan3A_80 : i32
      %jit3A_82 = arith.constant 8 : i32
      %div3A_83 = arith.divsi %scan3A_81, %jit3A_82 : i32
      %sign3A_84 = arith.constant 0 : i32
      %sign3A_85 = arith.cmpi sgt, %scan3A_81, %sign3A_84 : i32
      %sign3A_86 = arith.extui %sign3A_85 : i1 to i32
      %sign3A_87 = arith.constant 0 : i32
      %sign3A_88 = arith.cmpi slt, %scan3A_81, %sign3A_87 : i32
      %sign3A_89 = arith.extui %sign3A_88 : i1 to i32
      %sign3A_90 = arith.subi %sign3A_86, %sign3A_89 : i32
      %sign3A_91 = arith.constant 0 : i32
      %sign3A_92 = arith.cmpi sgt, %jit3A_82, %sign3A_91 : i32
      %sign3A_93 = arith.extui %sign3A_92 : i1 to i32
      %sign3A_94 = arith.constant 0 : i32
      %sign3A_95 = arith.cmpi slt, %jit3A_82, %sign3A_94 : i32
      %sign3A_96 = arith.extui %sign3A_95 : i1 to i32
      %sign3A_97 = arith.subi %sign3A_93, %sign3A_96 : i32
      %ne3A_98 = arith.cmpi ne, %sign3A_90, %sign3A_97 : i32
      %rem3A_99 = arith.remsi %scan3A_81, %jit3A_82 : i32
      %ne3A_100 = arith.constant 0 : i32
      %ne3A_101 = arith.cmpi ne, %rem3A_99, %ne3A_100 : i32
      %and3A_102 = arith.andi %ne3A_98, %ne3A_101 : i1
      %sub3A_103 = arith.constant 1 : i32
      %sub3A_104 = arith.subi %div3A_83, %sub3A_103 : i32
      %select_n3A_105 = arith.select %and3A_102, %sub3A_104, %div3A_83 : i32
      %jit3A_106 = arith.constant 8 : i32
      %eq3A_107 = arith.constant 0 : i32
      %eq3A_108 = arith.cmpi eq, %jit3A_106, %eq3A_107 : i32
      %jit3A_109 = arith.constant 1 : i32
      %select_n3A_110 = arith.select %eq3A_108, %jit3A_109, %jit3A_106 : i32
      %rem3A_111 = arith.remsi %scan3A_81, %select_n3A_110 : i32
      %ne3A_112 = arith.constant 0 : i32
      %ne3A_113 = arith.cmpi ne, %rem3A_111, %ne3A_112 : i32
      %lt3A_114 = arith.constant 0 : i32
      %lt3A_115 = arith.cmpi slt, %rem3A_111, %lt3A_114 : i32
      %lt3A_116 = arith.constant 0 : i32
      %lt3A_117 = arith.cmpi slt, %select_n3A_110, %lt3A_116 : i32
      %ne3A_118 = arith.xori %lt3A_115, %lt3A_117 : i1
      %and3A_119 = arith.andi %ne3A_118, %ne3A_113 : i1
      %add3A_120 = arith.addi %rem3A_111, %select_n3A_110 : i32
      %select_n3A_121 = arith.select %and3A_119, %add3A_120, %rem3A_111 : i32
      %mul3A_122 = arith.constant 16 : i32
      %mul3A_123 = arith.muli %select_n3A_121, %mul3A_122 : i32
      %swap3A_124 = arith.index_cast %select_n3A_105 : i32 to index
      %swap3A_125 = arith.index_cast %mul3A_123 : i32 to index
      %swap3A_126 = tpu.vector_load %arg9[%swap3A_124, %swap3A_125] {strides = array<i32>} : memref<125x128xf32, #tpu.memory_space<vmem>>, vector<1x16xf32>,
      %swap3A_127 = vector.shape_cast %swap3A_126 : vector<1x16xf32> to vector<16xf32>
      %swap3A_128 = vector.shape_cast %broadcast_in_dim3A_1 : vector<16xf32> to vector<1x16xf32>
      tpu.vector_store %arg9[%swap3A_124, %swap3A_125], %swap3A_128 {strides = array<i32>} : memref<125x128xf32, #tpu.memory_space<vmem>>, vector<1x16xf32>,
      %scan3A_129 = arith.constant 2 : i32
      %scan3A_130 = arith.addi %scan3A_43, %scan3A_129 : i32
      %jit3A_131 = arith.constant 8 : i32
      %div3A_132 = arith.divsi %scan3A_130, %jit3A_131 : i32
      %sign3A_133 = arith.constant 0 : i32
      %sign3A_134 = arith.cmpi sgt, %scan3A_130, %sign3A_133 : i32
      %sign3A_135 = arith.extui %sign3A_134 : i1 to i32
      %sign3A_136 = arith.constant 0 : i32
      %sign3A_137 = arith.cmpi slt, %scan3A_130, %sign3A_136 : i32
      %sign3A_138 = arith.extui %sign3A_137 : i1 to i32
      %sign3A_139 = arith.subi %sign3A_135, %sign3A_138 : i32
      %sign3A_140 = arith.constant 0 : i32
      %sign3A_141 = arith.cmpi sgt, %jit3A_131, %sign3A_140 : i32
      %sign3A_142 = arith.extui %sign3A_141 : i1 to i32
      %sign3A_143 = arith.constant 0 : i32
      %sign3A_144 = arith.cmpi slt, %jit3A_131, %sign3A_143 : i32
      %sign3A_145 = arith.extui %sign3A_144 : i1 to i32
      %sign3A_146 = arith.subi %sign3A_142, %sign3A_145 : i32
      %ne3A_147 = arith.cmpi ne, %sign3A_139, %sign3A_146 : i32
      %rem3A_148 = arith.remsi %scan3A_130, %jit3A_131 : i32
      %ne3A_149 = arith.constant 0 : i32
      %ne3A_150 = arith.cmpi ne, %rem3A_148, %ne3A_149 : i32
      %and3A_151 = arith.andi %ne3A_147, %ne3A_150 : i1
      %sub3A_152 = arith.constant 1 : i32
      %sub3A_153 = arith.subi %div3A_132, %sub3A_152 : i32
      %select_n3A_154 = arith.select %and3A_151, %sub3A_153, %div3A_132 : i32
      %jit3A_155 = arith.constant 8 : i32
      %eq3A_156 = arith.constant 0 : i32
      %eq3A_157 = arith.cmpi eq, %jit3A_155, %eq3A_156 : i32
      %jit3A_158 = arith.constant 1 : i32
      %select_n3A_159 = arith.select %eq3A_157, %jit3A_158, %jit3A_155 : i32
      %rem3A_160 = arith.remsi %scan3A_130, %select_n3A_159 : i32
      %ne3A_161 = arith.constant 0 : i32
      %ne3A_162 = arith.cmpi ne, %rem3A_160, %ne3A_161 : i32
      %lt3A_163 = arith.constant 0 : i32
      %lt3A_164 = arith.cmpi slt, %rem3A_160, %lt3A_163 : i32
      %lt3A_165 = arith.constant 0 : i32
      %lt3A_166 = arith.cmpi slt, %select_n3A_159, %lt3A_165 : i32
      %ne3A_167 = arith.xori %lt3A_164, %lt3A_166 : i1
      %and3A_168 = arith.andi %ne3A_167, %ne3A_162 : i1
      %add3A_169 = arith.addi %rem3A_160, %select_n3A_159 : i32
      %select_n3A_170 = arith.select %and3A_168, %add3A_169, %rem3A_160 : i32
      %mul3A_171 = arith.constant 16 : i32
      %mul3A_172 = arith.muli %select_n3A_170, %mul3A_171 : i32
      %swap3A_173 = arith.index_cast %select_n3A_154 : i32 to index
      %swap3A_174 = arith.index_cast %mul3A_172 : i32 to index
      %swap3A_175 = tpu.vector_load %arg9[%swap3A_173, %swap3A_174] {strides = array<i32>} : memref<125x128xf32, #tpu.memory_space<vmem>>, vector<1x16xf32>,
      %swap3A_176 = vector.shape_cast %swap3A_175 : vector<1x16xf32> to vector<16xf32>
      %swap3A_177 = vector.shape_cast %broadcast_in_dim3A_1 : vector<16xf32> to vector<1x16xf32>
      tpu.vector_store %arg9[%swap3A_173, %swap3A_174], %swap3A_177 {strides = array<i32>} : memref<125x128xf32, #tpu.memory_space<vmem>>, vector<1x16xf32>,
      %scan3A_178 = arith.constant 3 : i32
      %scan3A_179 = arith.addi %scan3A_43, %scan3A_178 : i32
      %jit3A_180 = arith.constant 8 : i32
      %div3A_181 = arith.divsi %scan3A_179, %jit3A_180 : i32
      %sign3A_182 = arith.constant 0 : i32
      %sign3A_183 = arith.cmpi sgt, %scan3A_179, %sign3A_182 : i32
      %sign3A_184 = arith.extui %sign3A_183 : i1 to i32
      %sign3A_185 = arith.constant 0 : i32
      %sign3A_186 = arith.cmpi slt, %scan3A_179, %sign3A_185 : i32
      %sign3A_187 = arith.extui %sign3A_186 : i1 to i32
      %sign3A_188 = arith.subi %sign3A_184, %sign3A_187 : i32
      %sign3A_189 = arith.constant 0 : i32
      %sign3A_190 = arith.cmpi sgt, %jit3A_180, %sign3A_189 : i32
      %sign3A_191 = arith.extui %sign3A_190 : i1 to i32
      %sign3A_192 = arith.constant 0 : i32
      %sign3A_193 = arith.cmpi slt, %jit3A_180, %sign3A_192 : i32
      %sign3A_194 = arith.extui %sign3A_193 : i1 to i32
      %sign3A_195 = arith.subi %sign3A_191, %sign3A_194 : i32
      %ne3A_196 = arith.cmpi ne, %sign3A_188, %sign3A_195 : i32
      %rem3A_197 = arith.remsi %scan3A_179, %jit3A_180 : i32
      %ne3A_198 = arith.constant 0 : i32
      %ne3A_199 = arith.cmpi ne, %rem3A_197, %ne3A_198 : i32
      %and3A_200 = arith.andi %ne3A_196, %ne3A_199 : i1
      %sub3A_201 = arith.constant 1 : i32
      %sub3A_202 = arith.subi %div3A_181, %sub3A_201 : i32
      %select_n3A_203 = arith.select %and3A_200, %sub3A_202, %div3A_181 : i32
      %jit3A_204 = arith.constant 8 : i32
      %eq3A_205 = arith.constant 0 : i32
      %eq3A_206 = arith.cmpi eq, %jit3A_204, %eq3A_205 : i32
      %jit3A_207 = arith.constant 1 : i32
      %select_n3A_208 = arith.select %eq3A_206, %jit3A_207, %jit3A_204 : i32
      %rem3A_209 = arith.remsi %scan3A_179, %select_n3A_208 : i32
      %ne3A_210 = arith.constant 0 : i32
      %ne3A_211 = arith.cmpi ne, %rem3A_209, %ne3A_210 : i32
      %lt3A_212 = arith.constant 0 : i32
      %lt3A_213 = arith.cmpi slt, %rem3A_209, %lt3A_212 : i32
      %lt3A_214 = arith.constant 0 : i32
      %lt3A_215 = arith.cmpi slt, %select_n3A_208, %lt3A_214 : i32
      %ne3A_216 = arith.xori %lt3A_213, %lt3A_215 : i1
      %and3A_217 = arith.andi %ne3A_216, %ne3A_211 : i1
      %add3A_218 = arith.addi %rem3A_209, %select_n3A_208 : i32
      %select_n3A_219 = arith.select %and3A_217, %add3A_218, %rem3A_209 : i32
      %mul3A_220 = arith.constant 16 : i32
      %mul3A_221 = arith.muli %select_n3A_219, %mul3A_220 : i32
      %swap3A_222 = arith.index_cast %select_n3A_203 : i32 to index
      %swap3A_223 = arith.index_cast %mul3A_221 : i32 to index
      %swap3A_224 = tpu.vector_load %arg9[%swap3A_222, %swap3A_223] {strides = array<i32>} : memref<125x128xf32, #tpu.memory_space<vmem>>, vector<1x16xf32>,
      %swap3A_225 = vector.shape_cast %swap3A_224 : vector<1x16xf32> to vector<16xf32>
      %swap3A_226 = vector.shape_cast %broadcast_in_dim3A_1 : vector<16xf32> to vector<1x16xf32>
      tpu.vector_store %arg9[%swap3A_222, %swap3A_223], %swap3A_226 {strides = array<i32>} : memref<125x128xf32, #tpu.memory_space<vmem>>, vector<1x16xf32>,
      %scan3A_227 = arith.constant 4 : i32
      %scan3A_228 = arith.addi %scan3A_43, %scan3A_227 : i32
      %jit3A_229 = arith.constant 8 : i32
      %div3A_230 = arith.divsi %scan3A_228, %jit3A_229 : i32
      %sign3A_231 = arith.constant 0 : i32
      %sign3A_232 = arith.cmpi sgt, %scan3A_228, %sign3A_231 : i32
      %sign3A_233 = arith.extui %sign3A_232 : i1 to i32
      %sign3A_234 = arith.constant 0 : i32
      %sign3A_235 = arith.cmpi slt, %scan3A_228, %sign3A_234 : i32
      %sign3A_236 = arith.extui %sign3A_235 : i1 to i32
      %sign3A_237 = arith.subi %sign3A_233, %sign3A_236 : i32
      %sign3A_238 = arith.constant 0 : i32
      %sign3A_239 = arith.cmpi sgt, %jit3A_229, %sign3A_238 : i32
      %sign3A_240 = arith.extui %sign3A_239 : i1 to i32
      %sign3A_241 = arith.constant 0 : i32
      %sign3A_242 = arith.cmpi slt, %jit3A_229, %sign3A_241 : i32
      %sign3A_243 = arith.extui %sign3A_242 : i1 to i32
      %sign3A_244 = arith.subi %sign3A_240, %sign3A_243 : i32
      %ne3A_245 = arith.cmpi ne, %sign3A_237, %sign3A_244 : i32
      %rem3A_246 = arith.remsi %scan3A_228, %jit3A_229 : i32
      %ne3A_247 = arith.constant 0 : i32
      %ne3A_248 = arith.cmpi ne, %rem3A_246, %ne3A_247 : i32
      %and3A_249 = arith.andi %ne3A_245, %ne3A_248 : i1
      %sub3A_250 = arith.constant 1 : i32
      %sub3A_251 = arith.subi %div3A_230, %sub3A_250 : i32
      %select_n3A_252 = arith.select %and3A_249, %sub3A_251, %div3A_230 : i32
      %jit3A_253 = arith.constant 8 : i32
      %eq3A_254 = arith.constant 0 : i32
      %eq3A_255 = arith.cmpi eq, %jit3A_253, %eq3A_254 : i32
      %jit3A_256 = arith.constant 1 : i32
      %select_n3A_257 = arith.select %eq3A_255, %jit3A_256, %jit3A_253 : i32
      %rem3A_258 = arith.remsi %scan3A_228, %select_n3A_257 : i32
      %ne3A_259 = arith.constant 0 : i32
      %ne3A_260 = arith.cmpi ne, %rem3A_258, %ne3A_259 : i32
      %lt3A_261 = arith.constant 0 : i32
      %lt3A_262 = arith.cmpi slt, %rem3A_258, %lt3A_261 : i32
      %lt3A_263 = arith.constant 0 : i32
      %lt3A_264 = arith.cmpi slt, %select_n3A_257, %lt3A_263 : i32
      %ne3A_265 = arith.xori %lt3A_262, %lt3A_264 : i1
      %and3A_266 = arith.andi %ne3A_265, %ne3A_260 : i1
      %add3A_267 = arith.addi %rem3A_258, %select_n3A_257 : i32
      %select_n3A_268 = arith.select %and3A_266, %add3A_267, %rem3A_258 : i32
      %mul3A_269 = arith.constant 16 : i32
      %mul3A_270 = arith.muli %select_n3A_268, %mul3A_269 : i32
      %swap3A_271 = arith.index_cast %select_n3A_252 : i32 to index
      %swap3A_272 = arith.index_cast %mul3A_270 : i32 to index
      %swap3A_273 = tpu.vector_load %arg9[%swap3A_271, %swap3A_272] {strides = array<i32>} : memref<125x128xf32, #tpu.memory_space<vmem>>, vector<1x16xf32>,
      %swap3A_274 = vector.shape_cast %swap3A_273 : vector<1x16xf32> to vector<16xf32>
      %swap3A_275 = vector.shape_cast %broadcast_in_dim3A_1 : vector<16xf32> to vector<1x16xf32>
      tpu.vector_store %arg9[%swap3A_271, %swap3A_272], %swap3A_275 {strides = array<i32>} : memref<125x128xf32, #tpu.memory_space<vmem>>, vector<1x16xf32>,
      %scan3A_276 = arith.constant 5 : i32
      %scan3A_277 = arith.addi %scan3A_43, %scan3A_276 : i32
      %jit3A_278 = arith.constant 8 : i32
      %div3A_279 = arith.divsi %scan3A_277, %jit3A_278 : i32
      %sign3A_280 = arith.constant 0 : i32
      %sign3A_281 = arith.cmpi sgt, %scan3A_277, %sign3A_280 : i32
      %sign3A_282 = arith.extui %sign3A_281 : i1 to i32
      %sign3A_283 = arith.constant 0 : i32
      %sign3A_284 = arith.cmpi slt, %scan3A_277, %sign3A_283 : i32
      %sign3A_285 = arith.extui %sign3A_284 : i1 to i32
      %sign3A_286 = arith.subi %sign3A_282, %sign3A_285 : i32
      %sign3A_287 = arith.constant 0 : i32
      %sign3A_288 = arith.cmpi sgt, %jit3A_278, %sign3A_287 : i32
      %sign3A_289 = arith.extui %sign3A_288 : i1 to i32
      %sign3A_290 = arith.constant 0 : i32
      %sign3A_291 = arith.cmpi slt, %jit3A_278, %sign3A_290 : i32
      %sign3A_292 = arith.extui %sign3A_291 : i1 to i32
      %sign3A_293 = arith.subi %sign3A_289, %sign3A_292 : i32
      %ne3A_294 = arith.cmpi ne, %sign3A_286, %sign3A_293 : i32
      %rem3A_295 = arith.remsi %scan3A_277, %jit3A_278 : i32
      %ne3A_296 = arith.constant 0 : i32
      %ne3A_297 = arith.cmpi ne, %rem3A_295, %ne3A_296 : i32
      %and3A_298 = arith.andi %ne3A_294, %ne3A_297 : i1
      %sub3A_299 = arith.constant 1 : i32
      %sub3A_300 = arith.subi %div3A_279, %sub3A_299 : i32
      %select_n3A_301 = arith.select %and3A_298, %sub3A_300, %div3A_279 : i32
      %jit3A_302 = arith.constant 8 : i32
      %eq3A_303 = arith.constant 0 : i32
      %eq3A_304 = arith.cmpi eq, %jit3A_302, %eq3A_303 : i32
      %jit3A_305 = arith.constant 1 : i32
      %select_n3A_306 = arith.select %eq3A_304, %jit3A_305, %jit3A_302 : i32
      %rem3A_307 = arith.remsi %scan3A_277, %select_n3A_306 : i32
      %ne3A_308 = arith.constant 0 : i32
      %ne3A_309 = arith.cmpi ne, %rem3A_307, %ne3A_308 : i32
      %lt3A_310 = arith.constant 0 : i32
      %lt3A_311 = arith.cmpi slt, %rem3A_307, %lt3A_310 : i32
      %lt3A_312 = arith.constant 0 : i32
      %lt3A_313 = arith.cmpi slt, %select_n3A_306, %lt3A_312 : i32
      %ne3A_314 = arith.xori %lt3A_311, %lt3A_313 : i1
      %and3A_315 = arith.andi %ne3A_314, %ne3A_309 : i1
      %add3A_316 = arith.addi %rem3A_307, %select_n3A_306 : i32
      %select_n3A_317 = arith.select %and3A_315, %add3A_316, %rem3A_307 : i32
      %mul3A_318 = arith.constant 16 : i32
      %mul3A_319 = arith.muli %select_n3A_317, %mul3A_318 : i32
      %swap3A_320 = arith.index_cast %select_n3A_301 : i32 to index
      %swap3A_321 = arith.index_cast %mul3A_319 : i32 to index
      %swap3A_322 = tpu.vector_load %arg9[%swap3A_320, %swap3A_321] {strides = array<i32>} : memref<125x128xf32, #tpu.memory_space<vmem>>, vector<1x16xf32>,
      %swap3A_323 = vector.shape_cast %swap3A_322 : vector<1x16xf32> to vector<16xf32>
      %swap3A_324 = vector.shape_cast %broadcast_in_dim3A_1 : vector<16xf32> to vector<1x16xf32>
      tpu.vector_store %arg9[%swap3A_320, %swap3A_321], %swap3A_324 {strides = array<i32>} : memref<125x128xf32, #tpu.memory_space<vmem>>, vector<1x16xf32>,
      %scan3A_325 = arith.constant 6 : i32
      %scan3A_326 = arith.addi %scan3A_43, %scan3A_325 : i32
      %jit3A_327 = arith.constant 8 : i32
      %div3A_328 = arith.divsi %scan3A_326, %jit3A_327 : i32
      %sign3A_329 = arith.constant 0 : i32
      %sign3A_330 = arith.cmpi sgt, %scan3A_326, %sign3A_329 : i32
      %sign3A_331 = arith.extui %sign3A_330 : i1 to i32
      %sign3A_332 = arith.constant 0 : i32
      %sign3A_333 = arith.cmpi slt, %scan3A_326, %sign3A_332 : i32
      %sign3A_334 = arith.extui %sign3A_333 : i1 to i32
      %sign3A_335 = arith.subi %sign3A_331, %sign3A_334 : i32
      %sign3A_336 = arith.constant 0 : i32
      %sign3A_337 = arith.cmpi sgt, %jit3A_327, %sign3A_336 : i32
      %sign3A_338 = arith.extui %sign3A_337 : i1 to i32
      %sign3A_339 = arith.constant 0 : i32
      %sign3A_340 = arith.cmpi slt, %jit3A_327, %sign3A_339 : i32
      %sign3A_341 = arith.extui %sign3A_340 : i1 to i32
      %sign3A_342 = arith.subi %sign3A_338, %sign3A_341 : i32
      %ne3A_343 = arith.cmpi ne, %sign3A_335, %sign3A_342 : i32
      %rem3A_344 = arith.remsi %scan3A_326, %jit3A_327 : i32
      %ne3A_345 = arith.constant 0 : i32
      %ne3A_346 = arith.cmpi ne, %rem3A_344, %ne3A_345 : i32
      %and3A_347 = arith.andi %ne3A_343, %ne3A_346 : i1
      %sub3A_348 = arith.constant 1 : i32
      %sub3A_349 = arith.subi %div3A_328, %sub3A_348 : i32
      %select_n3A_350 = arith.select %and3A_347, %sub3A_349, %div3A_328 : i32
      %jit3A_351 = arith.constant 8 : i32
      %eq3A_352 = arith.constant 0 : i32
      %eq3A_353 = arith.cmpi eq, %jit3A_351, %eq3A_352 : i32
      %jit3A_354 = arith.constant 1 : i32
      %select_n3A_355 = arith.select %eq3A_353, %jit3A_354, %jit3A_351 : i32
      %rem3A_356 = arith.remsi %scan3A_326, %select_n3A_355 : i32
      %ne3A_357 = arith.constant 0 : i32
      %ne3A_358 = arith.cmpi ne, %rem3A_356, %ne3A_357 : i32
      %lt3A_359 = arith.constant 0 : i32
      %lt3A_360 = arith.cmpi slt, %rem3A_356, %lt3A_359 : i32
      %lt3A_361 = arith.constant 0 : i32
      %lt3A_362 = arith.cmpi slt, %select_n3A_355, %lt3A_361 : i32
      %ne3A_363 = arith.xori %lt3A_360, %lt3A_362 : i1
      %and3A_364 = arith.andi %ne3A_363, %ne3A_358 : i1
      %add3A_365 = arith.addi %rem3A_356, %select_n3A_355 : i32
      %select_n3A_366 = arith.select %and3A_364, %add3A_365, %rem3A_356 : i32
      %mul3A_367 = arith.constant 16 : i32
      %mul3A_368 = arith.muli %select_n3A_366, %mul3A_367 : i32
      %swap3A_369 = arith.index_cast %select_n3A_350 : i32 to index
      %swap3A_370 = arith.index_cast %mul3A_368 : i32 to index
      %swap3A_371 = tpu.vector_load %arg9[%swap3A_369, %swap3A_370] {strides = array<i32>} : memref<125x128xf32, #tpu.memory_space<vmem>>, vector<1x16xf32>,
      %swap3A_372 = vector.shape_cast %swap3A_371 : vector<1x16xf32> to vector<16xf32>
      %swap3A_373 = vector.shape_cast %broadcast_in_dim3A_1 : vector<16xf32> to vector<1x16xf32>
      tpu.vector_store %arg9[%swap3A_369, %swap3A_370], %swap3A_373 {strides = array<i32>} : memref<125x128xf32, #tpu.memory_space<vmem>>, vector<1x16xf32>,
      %scan3A_374 = arith.constant 7 : i32
      %scan3A_375 = arith.addi %scan3A_43, %scan3A_374 : i32
      %jit3A_376 = arith.constant 8 : i32
      %div3A_377 = arith.divsi %scan3A_375, %jit3A_376 : i32
      %sign3A_378 = arith.constant 0 : i32
      %sign3A_379 = arith.cmpi sgt, %scan3A_375, %sign3A_378 : i32
      %sign3A_380 = arith.extui %sign3A_379 : i1 to i32
      %sign3A_381 = arith.constant 0 : i32
      %sign3A_382 = arith.cmpi slt, %scan3A_375, %sign3A_381 : i32
      %sign3A_383 = arith.extui %sign3A_382 : i1 to i32
      %sign3A_384 = arith.subi %sign3A_380, %sign3A_383 : i32
      %sign3A_385 = arith.constant 0 : i32
      %sign3A_386 = arith.cmpi sgt, %jit3A_376, %sign3A_385 : i32
      %sign3A_387 = arith.extui %sign3A_386 : i1 to i32
      %sign3A_388 = arith.constant 0 : i32
      %sign3A_389 = arith.cmpi slt, %jit3A_376, %sign3A_388 : i32
      %sign3A_390 = arith.extui %sign3A_389 : i1 to i32
      %sign3A_391 = arith.subi %sign3A_387, %sign3A_390 : i32
      %ne3A_392 = arith.cmpi ne, %sign3A_384, %sign3A_391 : i32
      %rem3A_393 = arith.remsi %scan3A_375, %jit3A_376 : i32
      %ne3A_394 = arith.constant 0 : i32
      %ne3A_395 = arith.cmpi ne, %rem3A_393, %ne3A_394 : i32
      %and3A_396 = arith.andi %ne3A_392, %ne3A_395 : i1
      %sub3A_397 = arith.constant 1 : i32
      %sub3A_398 = arith.subi %div3A_377, %sub3A_397 : i32
      %select_n3A_399 = arith.select %and3A_396, %sub3A_398, %div3A_377 : i32
      %jit3A_400 = arith.constant 8 : i32
      %eq3A_401 = arith.constant 0 : i32
      %eq3A_402 = arith.cmpi eq, %jit3A_400, %eq3A_401 : i32
      %jit3A_403 = arith.constant 1 : i32
      %select_n3A_404 = arith.select %eq3A_402, %jit3A_403, %jit3A_400 : i32
      %rem3A_405 = arith.remsi %scan3A_375, %select_n3A_404 : i32
      %ne3A_406 = arith.constant 0 : i32
      %ne3A_407 = arith.cmpi ne, %rem3A_405, %ne3A_406 : i32
      %lt3A_408 = arith.constant 0 : i32
      %lt3A_409 = arith.cmpi slt, %rem3A_405, %lt3A_408 : i32
      %lt3A_410 = arith.constant 0 : i32
      %lt3A_411 = arith.cmpi slt, %select_n3A_404, %lt3A_410 : i32
      %ne3A_412 = arith.xori %lt3A_409, %lt3A_411 : i1
      %and3A_413 = arith.andi %ne3A_412, %ne3A_407 : i1
      %add3A_414 = arith.addi %rem3A_405, %select_n3A_404 : i32
      %select_n3A_415 = arith.select %and3A_413, %add3A_414, %rem3A_405 : i32
      %mul3A_416 = arith.constant 16 : i32
      %mul3A_417 = arith.muli %select_n3A_415, %mul3A_416 : i32
      %swap3A_418 = arith.index_cast %select_n3A_399 : i32 to index
      %swap3A_419 = arith.index_cast %mul3A_417 : i32 to index
      %swap3A_420 = tpu.vector_load %arg9[%swap3A_418, %swap3A_419] {strides = array<i32>} : memref<125x128xf32, #tpu.memory_space<vmem>>, vector<1x16xf32>,
      %swap3A_421 = vector.shape_cast %swap3A_420 : vector<1x16xf32> to vector<16xf32>
      %swap3A_422 = vector.shape_cast %broadcast_in_dim3A_1 : vector<16xf32> to vector<1x16xf32>
      tpu.vector_store %arg9[%swap3A_418, %swap3A_419], %swap3A_422 {strides = array<i32>} : memref<125x128xf32, #tpu.memory_space<vmem>>, vector<1x16xf32>,
    }
    %scan3A_6 = arith.constant 512 : i32
    %scan3A_7 = arith.constant 0 : i32
    %scan3A_8 = arith.constant 0 : i32
    %scan3A_9 = arith.constant 10 : i32
    %scan3A_10 = arith.addi %scan3A_8, %scan3A_9 : i32
    %scan3A_11 = arith.constant 1 : i32
    scf.for %scan3A_43 = %scan3A_8 to %scan3A_10 step %scan3A_11  : i32 {
      %mul3A_44 = arith.constant 640 : i32
      %mul3A_45 = arith.muli %arg1, %mul3A_44 : i32
      %mul3A_46 = arith.constant 64 : i32
      %mul3A_47 = arith.muli %scan3A_43, %mul3A_46 : i32
      %add3A_48 = arith.addi %mul3A_45, %mul3A_47 : i32
      "tpu.region"() ({
        %run_scoped3A = tpu.sem_alloc : memref<!tpu.dma_semaphore, #tpu.memory_space<semaphore_mem>>
        %dma_start3A_49 = arith.constant 0 : i32
        %dma_start3A_50 = arith.constant 0 : i32
        %dma_start3A_51 = tpu.memref_slice %arg9[%dma_start3A_49, %dma_start3A_50] : memref<125x128xf32, #tpu.memory_space<vmem>> -> memref<64x128xf32, #tpu.memory_space<vmem>>
        %dma_start3A_52 = arith.constant 0 : i32
        %dma_start3A_53 = tpu.memref_slice %arg6[%add3A_48, %dma_start3A_52] : memref<10240x128xf32, #tpu.memory_space<vmem_shared>> -> memref<64x128xf32, #tpu.memory_space<vmem_shared>>
        %dma_start3A_54 = arith.constant 0 : i32
        %dma_start3A_55 = tpu.memref_slice %arg6[%add3A_48, %dma_start3A_54] : memref<10240x128xf32, #tpu.memory_space<vmem_shared>> -> memref<64x128xf32, #tpu.memory_space<vmem_shared>>
        %dma_start3A_56 = arith.constant 0 : i32
        %dma_start3A_57 = arith.constant 0 : i32
        %dma_start3A_58 = tpu.memref_slice %arg9[%dma_start3A_56, %dma_start3A_57] : memref<125x128xf32, #tpu.memory_space<vmem>> -> memref<64x128xf32, #tpu.memory_space<vmem>>
        tpu.enqueue_dma source(%dma_start3A_58 : memref<64x128xf32, #tpu.memory_space<vmem>>) target(%dma_start3A_55 : memref<64x128xf32, #tpu.memory_space<vmem_shared>>) target_semaphore(%run_scoped3A : memref<!tpu.dma_semaphore, #tpu.memory_space<semaphore_mem>>)
        %dma_wait3A = arith.constant 0 : i32
        %dma_wait3A_59 = arith.constant 0 : i32
        %dma_wait3A_60 = tpu.memref_slice %arg9[%dma_wait3A, %dma_wait3A_59] : memref<125x128xf32, #tpu.memory_space<vmem>> -> memref<64x128xf32, #tpu.memory_space<vmem>>
        %dma_wait3A_61 = arith.constant 0 : i32
        %dma_wait3A_62 = tpu.memref_slice %arg6[%add3A_48, %dma_wait3A_61] : memref<10240x128xf32, #tpu.memory_space<vmem_shared>> -> memref<64x128xf32, #tpu.memory_space<vmem_shared>>
        %dma_wait3A_63 = arith.constant 0 : i32
        %dma_wait3A_64 = tpu.memref_slice %arg6[%add3A_48, %dma_wait3A_63] : memref<10240x128xf32, #tpu.memory_space<vmem_shared>> -> memref<64x128xf32, #tpu.memory_space<vmem_shared>>
        %dma_wait3A_65 = arith.constant 0 : i32
        %dma_wait3A_66 = arith.constant 0 : i32
        %dma_wait3A_67 = tpu.memref_slice %arg9[%dma_wait3A_65, %dma_wait3A_66] : memref<125x128xf32, #tpu.memory_space<vmem>> -> memref<64x128xf32, #tpu.memory_space<vmem>>
        tpu.wait_dma2 semaphore(%run_scoped3A : memref<!tpu.dma_semaphore, #tpu.memory_space<semaphore_mem>>) src(%dma_wait3A_67 : memref<64x128xf32, #tpu.memory_space<vmem>>) dst(%dma_wait3A_64 : memref<64x128xf32, #tpu.memory_space<vmem_shared>>)
        tpu.yield
      }) : () -> ()
    }
    %scan3A_12 = arith.constant 10 : i32
    %barrier3A = arith.constant 0 : index
    tpu.barrier barrier_id(%barrier3A)
    "tpu.region"() ({
      %run_scoped3A = tpu.sem_alloc : memref<!tpu.dma_semaphore, #tpu.memory_space<semaphore_mem>>
      %dma_start3A_43 = arith.constant 0 : i32
      %dma_start3A_44 = arith.constant 0 : i32
      %dma_start3A_45 = tpu.memref_slice %arg3[%add3A, %dma_start3A_43, %dma_start3A_44] : memref<32x80x125xi32, #tpu.memory_space<hbm>> -> memref<1x40x125xi32, #tpu.memory_space<hbm>>
      %dma_start3A_46 = tpu.memref_squeeze %dma_start3A_45 : memref<1x40x125xi32, #tpu.memory_space<hbm>> -> memref<40x125xi32, #tpu.memory_space<hbm>>
      %dma_start3A_47 = arith.constant 0 : i32
      %dma_start3A_48 = arith.constant 0 : i32
      %dma_start3A_49 = tpu.memref_slice %arg3[%add3A, %dma_start3A_47, %dma_start3A_48] : memref<32x80x125xi32, #tpu.memory_space<hbm>> -> memref<1x40x125xi32, #tpu.memory_space<hbm>>
      %dma_start3A_50 = tpu.memref_squeeze %dma_start3A_49 : memref<1x40x125xi32, #tpu.memory_space<hbm>> -> memref<40x125xi32, #tpu.memory_space<hbm>>
      tpu.enqueue_dma source(%dma_start3A_50 : memref<40x125xi32, #tpu.memory_space<hbm>>) target(%arg7 : memref<40x125xi32, #tpu.memory_space<vmem>>) target_semaphore(%run_scoped3A : memref<!tpu.dma_semaphore, #tpu.memory_space<semaphore_mem>>)
      %dma_wait3A = arith.constant 0 : i32
      %dma_wait3A_51 = arith.constant 0 : i32
      %dma_wait3A_52 = tpu.memref_slice %arg3[%add3A, %dma_wait3A, %dma_wait3A_51] : memref<32x80x125xi32, #tpu.memory_space<hbm>> -> memref<1x40x125xi32, #tpu.memory_space<hbm>>
      %dma_wait3A_53 = tpu.memref_squeeze %dma_wait3A_52 : memref<1x40x125xi32, #tpu.memory_space<hbm>> -> memref<40x125xi32, #tpu.memory_space<hbm>>
      %dma_wait3A_54 = arith.constant 0 : i32
      %dma_wait3A_55 = arith.constant 0 : i32
      %dma_wait3A_56 = tpu.memref_slice %arg3[%add3A, %dma_wait3A_54, %dma_wait3A_55] : memref<32x80x125xi32, #tpu.memory_space<hbm>> -> memref<1x40x125xi32, #tpu.memory_space<hbm>>
      %dma_wait3A_57 = tpu.memref_squeeze %dma_wait3A_56 : memref<1x40x125xi32, #tpu.memory_space<hbm>> -> memref<40x125xi32, #tpu.memory_space<hbm>>
      tpu.wait_dma2 semaphore(%run_scoped3A : memref<!tpu.dma_semaphore, #tpu.memory_space<semaphore_mem>>) src(%dma_wait3A_57 : memref<40x125xi32, #tpu.memory_space<hbm>>) dst(%arg7 : memref<40x125xi32, #tpu.memory_space<vmem>>)
      tpu.yield
    }) : () -> ()
    "tpu.region"() ({
      %run_scoped3A = tpu.sem_alloc : memref<!tpu.dma_semaphore, #tpu.memory_space<semaphore_mem>>
      %dma_start3A_43 = arith.constant 0 : i32
      %dma_start3A_44 = arith.constant 0 : i32
      %dma_start3A_45 = tpu.memref_slice %arg4[%add3A, %dma_start3A_43, %dma_start3A_44] : memref<32x80x125xi32, #tpu.memory_space<hbm>> -> memref<1x40x125xi32, #tpu.memory_space<hbm>>
      %dma_start3A_46 = tpu.memref_squeeze %dma_start3A_45 : memref<1x40x125xi32, #tpu.memory_space<hbm>> -> memref<40x125xi32, #tpu.memory_space<hbm>>
      %dma_start3A_47 = arith.constant 0 : i32
      %dma_start3A_48 = arith.constant 0 : i32
      %dma_start3A_49 = tpu.memref_slice %arg4[%add3A, %dma_start3A_47, %dma_start3A_48] : memref<32x80x125xi32, #tpu.memory_space<hbm>> -> memref<1x40x125xi32, #tpu.memory_space<hbm>>
      %dma_start3A_50 = tpu.memref_squeeze %dma_start3A_49 : memref<1x40x125xi32, #tpu.memory_space<hbm>> -> memref<40x125xi32, #tpu.memory_space<hbm>>
      tpu.enqueue_dma source(%dma_start3A_50 : memref<40x125xi32, #tpu.memory_space<hbm>>) target(%arg8 : memref<40x125xi32, #tpu.memory_space<vmem>>) target_semaphore(%run_scoped3A : memref<!tpu.dma_semaphore, #tpu.memory_space<semaphore_mem>>)
      %dma_wait3A = arith.constant 0 : i32
      %dma_wait3A_51 = arith.constant 0 : i32
      %dma_wait3A_52 = tpu.memref_slice %arg4[%add3A, %dma_wait3A, %dma_wait3A_51] : memref<32x80x125xi32, #tpu.memory_space<hbm>> -> memref<1x40x125xi32, #tpu.memory_space<hbm>>
      %dma_wait3A_53 = tpu.memref_squeeze %dma_wait3A_52 : memref<1x40x125xi32, #tpu.memory_space<hbm>> -> memref<40x125xi32, #tpu.memory_space<hbm>>
      %dma_wait3A_54 = arith.constant 0 : i32
      %dma_wait3A_55 = arith.constant 0 : i32
      %dma_wait3A_56 = tpu.memref_slice %arg4[%add3A, %dma_wait3A_54, %dma_wait3A_55] : memref<32x80x125xi32, #tpu.memory_space<hbm>> -> memref<1x40x125xi32, #tpu.memory_space<hbm>>
      %dma_wait3A_57 = tpu.memref_squeeze %dma_wait3A_56 : memref<1x40x125xi32, #tpu.memory_space<hbm>> -> memref<40x125xi32, #tpu.memory_space<hbm>>
      tpu.wait_dma2 semaphore(%run_scoped3A : memref<!tpu.dma_semaphore, #tpu.memory_space<semaphore_mem>>) src(%dma_wait3A_57 : memref<40x125xi32, #tpu.memory_space<hbm>>) dst(%arg8 : memref<40x125xi32, #tpu.memory_space<vmem>>)
      tpu.yield
    }) : () -> ()
    %dma_start3A = arith.constant 0 : i32
    %dma_start3A_13 = arith.constant 0 : i32
    %dma_start3A_14 = tpu.memref_slice %arg7[%dma_start3A, %dma_start3A_13] : memref<40x125xi32, #tpu.memory_space<vmem>> -> memref<1x125xi32, #tpu.memory_space<vmem>>
    %dma_start3A_15 = tpu.memref_squeeze %dma_start3A_14 : memref<1x125xi32, #tpu.memory_space<vmem>> -> memref<125xi32, #tpu.memory_space<vmem>>
    %dma_start3A_16 = arith.constant 0 : i32
    %dma_start3A_17 = arith.constant 0 : i32
    %dma_start3A_18 = tpu.memref_slice %arg2[%dma_start3A_16, %dma_start3A_17] : memref<10000x128xf32, #tpu.memory_space<hbm>> -> memref<10000x128xf32, #tpu.memory_space<hbm>>
    tpu.enqueue_indirect_dma source(%dma_start3A_18 : memref<10000x128xf32, #tpu.memory_space<hbm>>) target(%arg9 : memref<125x128xf32, #tpu.memory_space<vmem>>) offsets(%dma_start3A_15 : memref<125xi32, #tpu.memory_space<vmem>>) semaphore(%arg11 : memref<!tpu.dma_semaphore, #tpu.memory_space<semaphore_mem>>)
    %scan3A_19 = arith.constant 0 : i32
    %scan3A_20 = arith.constant 0 : i32
    %scan3A_21 = arith.constant 20 : i32
    %scan3A_22 = arith.addi %scan3A_20, %scan3A_21 : i32
    %scan3A_23 = arith.constant 1 : i32
    scf.for %scan3A_43 = %scan3A_20 to %scan3A_22 step %scan3A_23  : i32 {
      %mul3A_44 = arith.constant 2 : i32
      %mul3A_45 = arith.muli %scan3A_43, %mul3A_44 : i32
      %add3A_46 = arith.constant 0 : i32
      %add3A_47 = arith.addi %mul3A_45, %add3A_46 : i32
      %add3A_48 = arith.constant 1 : i32
      %add3A_49 = arith.addi %add3A_47, %add3A_48 : i32
      %lt3A = arith.constant 40 : i32
      %lt3A_50 = arith.cmpi slt, %add3A_49, %lt3A : i32
      %convert_element_type3A = arith.extui %lt3A_50 : i1 to i32
      %cond3A = arith.constant 0 : i32
      %cond3A_51 = arith.cmpi ne, %convert_element_type3A, %cond3A : i32
      scf.if %cond3A_51 {
        %add3A_74 = arith.constant 1 : i32
        %add3A_75 = arith.addi %add3A_47, %add3A_74 : i32
        %dma_start3A_76 = arith.constant 0 : i32
        %dma_start3A_77 = tpu.memref_slice %arg7[%add3A_75, %dma_start3A_76] : memref<40x125xi32, #tpu.memory_space<vmem>> -> memref<1x125xi32, #tpu.memory_space<vmem>>
        %dma_start3A_78 = tpu.memref_squeeze %dma_start3A_77 : memref<1x125xi32, #tpu.memory_space<vmem>> -> memref<125xi32, #tpu.memory_space<vmem>>
        %dma_start3A_79 = arith.constant 0 : i32
        %dma_start3A_80 = arith.constant 0 : i32
        %dma_start3A_81 = tpu.memref_slice %arg2[%dma_start3A_79, %dma_start3A_80] : memref<10000x128xf32, #tpu.memory_space<hbm>> -> memref<10000x128xf32, #tpu.memory_space<hbm>>
        tpu.enqueue_indirect_dma source(%dma_start3A_81 : memref<10000x128xf32, #tpu.memory_space<hbm>>) target(%arg10 : memref<125x128xf32, #tpu.memory_space<vmem>>) offsets(%dma_start3A_78 : memref<125xi32, #tpu.memory_space<vmem>>) semaphore(%arg12 : memref<!tpu.dma_semaphore, #tpu.memory_space<semaphore_mem>>)
      } else {
      }
      %dma_wait3A = arith.constant 0 : i32
      %dma_wait3A_52 = tpu.memref_slice %arg7[%add3A_47, %dma_wait3A] : memref<40x125xi32, #tpu.memory_space<vmem>> -> memref<1x125xi32, #tpu.memory_space<vmem>>
      %dma_wait3A_53 = tpu.memref_squeeze %dma_wait3A_52 : memref<1x125xi32, #tpu.memory_space<vmem>> -> memref<125xi32, #tpu.memory_space<vmem>>
      %dma_wait3A_54 = arith.constant 0 : i32
      %dma_wait3A_55 = arith.constant 0 : i32
      %dma_wait3A_56 = tpu.memref_slice %arg2[%dma_wait3A_54, %dma_wait3A_55] : memref<10000x128xf32, #tpu.memory_space<hbm>> -> memref<10000x128xf32, #tpu.memory_space<hbm>>
      tpu.wait_indirect_dma semaphore(%arg11 : memref<!tpu.dma_semaphore, #tpu.memory_space<semaphore_mem>>) src(%dma_wait3A_56 : memref<10000x128xf32, #tpu.memory_space<hbm>>) dst(%arg9 : memref<125x128xf32, #tpu.memory_space<vmem>>)
      "tpu.region"() ({
        %run_scoped3A = tpu.sem_alloc : memref<!tpu.dma_semaphore, #tpu.memory_space<semaphore_mem>>
        %dma_start3A_74 = arith.constant 0 : i32
        %dma_start3A_75 = tpu.memref_slice %arg8[%add3A_47, %dma_start3A_74] : memref<40x125xi32, #tpu.memory_space<vmem>> -> memref<1x125xi32, #tpu.memory_space<vmem>>
        %dma_start3A_76 = tpu.memref_squeeze %dma_start3A_75 : memref<1x125xi32, #tpu.memory_space<vmem>> -> memref<125xi32, #tpu.memory_space<vmem>>
        %dma_start3A_77 = arith.constant 0 : i32
        %dma_start3A_78 = arith.constant 0 : i32
        %dma_start3A_79 = tpu.memref_slice %arg6[%dma_start3A_77, %dma_start3A_78] : memref<10240x128xf32, #tpu.memory_space<vmem_shared>> -> memref<10240x128xf32, #tpu.memory_space<vmem_shared>>
        tpu.enqueue_indirect_dma source(%arg9 : memref<125x128xf32, #tpu.memory_space<vmem>>) target(%dma_start3A_79 : memref<10240x128xf32, #tpu.memory_space<vmem_shared>>) offsets(%dma_start3A_76 : memref<125xi32, #tpu.memory_space<vmem>>) semaphore(%run_scoped3A : memref<!tpu.dma_semaphore, #tpu.memory_space<semaphore_mem>>) {add = true}
        %dma_wait3A_80 = arith.constant 0 : i32
        %dma_wait3A_81 = tpu.memref_slice %arg8[%add3A_47, %dma_wait3A_80] : memref<40x125xi32, #tpu.memory_space<vmem>> -> memref<1x125xi32, #tpu.memory_space<vmem>>
        %dma_wait3A_82 = tpu.memref_squeeze %dma_wait3A_81 : memref<1x125xi32, #tpu.memory_space<vmem>> -> memref<125xi32, #tpu.memory_space<vmem>>
        %dma_wait3A_83 = arith.constant 0 : i32
        %dma_wait3A_84 = arith.constant 0 : i32
        %dma_wait3A_85 = tpu.memref_slice %arg6[%dma_wait3A_83, %dma_wait3A_84] : memref<10240x128xf32, #tpu.memory_space<vmem_shared>> -> memref<10240x128xf32, #tpu.memory_space<vmem_shared>>
        tpu.wait_indirect_dma semaphore(%run_scoped3A : memref<!tpu.dma_semaphore, #tpu.memory_space<semaphore_mem>>) src(%arg9 : memref<125x128xf32, #tpu.memory_space<vmem>>) dst(%dma_wait3A_85 : memref<10240x128xf32, #tpu.memory_space<vmem_shared>>)
        tpu.yield
      }) : () -> ()
      %mul3A_57 = arith.constant 2 : i32
      %mul3A_58 = arith.muli %scan3A_43, %mul3A_57 : i32
      %add3A_59 = arith.constant 1 : i32
      %add3A_60 = arith.addi %mul3A_58, %add3A_59 : i32
      %add3A_61 = arith.constant 1 : i32
      %add3A_62 = arith.addi %add3A_60, %add3A_61 : i32
      %lt3A_63 = arith.constant 40 : i32
      %lt3A_64 = arith.cmpi slt, %add3A_62, %lt3A_63 : i32
      %convert_element_type3A_65 = arith.extui %lt3A_64 : i1 to i32
      %cond3A_66 = arith.constant 0 : i32
      %cond3A_67 = arith.cmpi ne, %convert_element_type3A_65, %cond3A_66 : i32
      scf.if %cond3A_67 {
        %add3A_74 = arith.constant 1 : i32
        %add3A_75 = arith.addi %add3A_60, %add3A_74 : i32
        %dma_start3A_76 = arith.constant 0 : i32
        %dma_start3A_77 = tpu.memref_slice %arg7[%add3A_75, %dma_start3A_76] : memref<40x125xi32, #tpu.memory_space<vmem>> -> memref<1x125xi32, #tpu.memory_space<vmem>>
        %dma_start3A_78 = tpu.memref_squeeze %dma_start3A_77 : memref<1x125xi32, #tpu.memory_space<vmem>> -> memref<125xi32, #tpu.memory_space<vmem>>
        %dma_start3A_79 = arith.constant 0 : i32
        %dma_start3A_80 = arith.constant 0 : i32
        %dma_start3A_81 = tpu.memref_slice %arg2[%dma_start3A_79, %dma_start3A_80] : memref<10000x128xf32, #tpu.memory_space<hbm>> -> memref<10000x128xf32, #tpu.memory_space<hbm>>
        tpu.enqueue_indirect_dma source(%dma_start3A_81 : memref<10000x128xf32, #tpu.memory_space<hbm>>) target(%arg9 : memref<125x128xf32, #tpu.memory_space<vmem>>) offsets(%dma_start3A_78 : memref<125xi32, #tpu.memory_space<vmem>>) semaphore(%arg11 : memref<!tpu.dma_semaphore, #tpu.memory_space<semaphore_mem>>)
      } else {
      }
      %dma_wait3A_68 = arith.constant 0 : i32
      %dma_wait3A_69 = tpu.memref_slice %arg7[%add3A_60, %dma_wait3A_68] : memref<40x125xi32, #tpu.memory_space<vmem>> -> memref<1x125xi32, #tpu.memory_space<vmem>>
      %dma_wait3A_70 = tpu.memref_squeeze %dma_wait3A_69 : memref<1x125xi32, #tpu.memory_space<vmem>> -> memref<125xi32, #tpu.memory_space<vmem>>
      %dma_wait3A_71 = arith.constant 0 : i32
      %dma_wait3A_72 = arith.constant 0 : i32
      %dma_wait3A_73 = tpu.memref_slice %arg2[%dma_wait3A_71, %dma_wait3A_72] : memref<10000x128xf32, #tpu.memory_space<hbm>> -> memref<10000x128xf32, #tpu.memory_space<hbm>>
      tpu.wait_indirect_dma semaphore(%arg12 : memref<!tpu.dma_semaphore, #tpu.memory_space<semaphore_mem>>) src(%dma_wait3A_73 : memref<10000x128xf32, #tpu.memory_space<hbm>>) dst(%arg10 : memref<125x128xf32, #tpu.memory_space<vmem>>)
      "tpu.region"() ({
        %run_scoped3A = tpu.sem_alloc : memref<!tpu.dma_semaphore, #tpu.memory_space<semaphore_mem>>
        %dma_start3A_74 = arith.constant 0 : i32
        %dma_start3A_75 = tpu.memref_slice %arg8[%add3A_60, %dma_start3A_74] : memref<40x125xi32, #tpu.memory_space<vmem>> -> memref<1x125xi32, #tpu.memory_space<vmem>>
        %dma_start3A_76 = tpu.memref_squeeze %dma_start3A_75 : memref<1x125xi32, #tpu.memory_space<vmem>> -> memref<125xi32, #tpu.memory_space<vmem>>
        %dma_start3A_77 = arith.constant 0 : i32
        %dma_start3A_78 = arith.constant 0 : i32
        %dma_start3A_79 = tpu.memref_slice %arg6[%dma_start3A_77, %dma_start3A_78] : memref<10240x128xf32, #tpu.memory_space<vmem_shared>> -> memref<10240x128xf32, #tpu.memory_space<vmem_shared>>
        tpu.enqueue_indirect_dma source(%arg10 : memref<125x128xf32, #tpu.memory_space<vmem>>) target(%dma_start3A_79 : memref<10240x128xf32, #tpu.memory_space<vmem_shared>>) offsets(%dma_start3A_76 : memref<125xi32, #tpu.memory_space<vmem>>) semaphore(%run_scoped3A : memref<!tpu.dma_semaphore, #tpu.memory_space<semaphore_mem>>) {add = true}
        %dma_wait3A_80 = arith.constant 0 : i32
        %dma_wait3A_81 = tpu.memref_slice %arg8[%add3A_60, %dma_wait3A_80] : memref<40x125xi32, #tpu.memory_space<vmem>> -> memref<1x125xi32, #tpu.memory_space<vmem>>
        %dma_wait3A_82 = tpu.memref_squeeze %dma_wait3A_81 : memref<1x125xi32, #tpu.memory_space<vmem>> -> memref<125xi32, #tpu.memory_space<vmem>>
        %dma_wait3A_83 = arith.constant 0 : i32
        %dma_wait3A_84 = arith.constant 0 : i32
        %dma_wait3A_85 = tpu.memref_slice %arg6[%dma_wait3A_83, %dma_wait3A_84] : memref<10240x128xf32, #tpu.memory_space<vmem_shared>> -> memref<10240x128xf32, #tpu.memory_space<vmem_shared>>
        tpu.wait_indirect_dma semaphore(%run_scoped3A : memref<!tpu.dma_semaphore, #tpu.memory_space<semaphore_mem>>) src(%arg10 : memref<125x128xf32, #tpu.memory_space<vmem>>) dst(%dma_wait3A_85 : memref<10240x128xf32, #tpu.memory_space<vmem_shared>>)
        tpu.yield
      }) : () -> ()
    }
    %scan3A_24 = arith.constant 20 : i32
    "tpu.region"() ({
      %run_scoped3A = tpu.sem_alloc : memref<!tpu.dma_semaphore, #tpu.memory_space<semaphore_mem>>
      %dma_start3A_43 = arith.constant 40 : i32
      %dma_start3A_44 = arith.constant 0 : i32
      %dma_start3A_45 = tpu.memref_slice %arg3[%add3A, %dma_start3A_43, %dma_start3A_44] : memref<32x80x125xi32, #tpu.memory_space<hbm>> -> memref<1x40x125xi32, #tpu.memory_space<hbm>>
      %dma_start3A_46 = tpu.memref_squeeze %dma_start3A_45 : memref<1x40x125xi32, #tpu.memory_space<hbm>> -> memref<40x125xi32, #tpu.memory_space<hbm>>
      %dma_start3A_47 = arith.constant 40 : i32
      %dma_start3A_48 = arith.constant 0 : i32
      %dma_start3A_49 = tpu.memref_slice %arg3[%add3A, %dma_start3A_47, %dma_start3A_48] : memref<32x80x125xi32, #tpu.memory_space<hbm>> -> memref<1x40x125xi32, #tpu.memory_space<hbm>>
      %dma_start3A_50 = tpu.memref_squeeze %dma_start3A_49 : memref<1x40x125xi32, #tpu.memory_space<hbm>> -> memref<40x125xi32, #tpu.memory_space<hbm>>
      tpu.enqueue_dma source(%dma_start3A_50 : memref<40x125xi32, #tpu.memory_space<hbm>>) target(%arg7 : memref<40x125xi32, #tpu.memory_space<vmem>>) target_semaphore(%run_scoped3A : memref<!tpu.dma_semaphore, #tpu.memory_space<semaphore_mem>>)
      %dma_wait3A = arith.constant 40 : i32
      %dma_wait3A_51 = arith.constant 0 : i32
      %dma_wait3A_52 = tpu.memref_slice %arg3[%add3A, %dma_wait3A, %dma_wait3A_51] : memref<32x80x125xi32, #tpu.memory_space<hbm>> -> memref<1x40x125xi32, #tpu.memory_space<hbm>>
      %dma_wait3A_53 = tpu.memref_squeeze %dma_wait3A_52 : memref<1x40x125xi32, #tpu.memory_space<hbm>> -> memref<40x125xi32, #tpu.memory_space<hbm>>
      %dma_wait3A_54 = arith.constant 40 : i32
      %dma_wait3A_55 = arith.constant 0 : i32
      %dma_wait3A_56 = tpu.memref_slice %arg3[%add3A, %dma_wait3A_54, %dma_wait3A_55] : memref<32x80x125xi32, #tpu.memory_space<hbm>> -> memref<1x40x125xi32, #tpu.memory_space<hbm>>
      %dma_wait3A_57 = tpu.memref_squeeze %dma_wait3A_56 : memref<1x40x125xi32, #tpu.memory_space<hbm>> -> memref<40x125xi32, #tpu.memory_space<hbm>>
      tpu.wait_dma2 semaphore(%run_scoped3A : memref<!tpu.dma_semaphore, #tpu.memory_space<semaphore_mem>>) src(%dma_wait3A_57 : memref<40x125xi32, #tpu.memory_space<hbm>>) dst(%arg7 : memref<40x125xi32, #tpu.memory_space<vmem>>)
      tpu.yield
    }) : () -> ()
    "tpu.region"() ({
      %run_scoped3A = tpu.sem_alloc : memref<!tpu.dma_semaphore, #tpu.memory_space<semaphore_mem>>
      %dma_start3A_43 = arith.constant 40 : i32
      %dma_start3A_44 = arith.constant 0 : i32
      %dma_start3A_45 = tpu.memref_slice %arg4[%add3A, %dma_start3A_43, %dma_start3A_44] : memref<32x80x125xi32, #tpu.memory_space<hbm>> -> memref<1x40x125xi32, #tpu.memory_space<hbm>>
      %dma_start3A_46 = tpu.memref_squeeze %dma_start3A_45 : memref<1x40x125xi32, #tpu.memory_space<hbm>> -> memref<40x125xi32, #tpu.memory_space<hbm>>
      %dma_start3A_47 = arith.constant 40 : i32
      %dma_start3A_48 = arith.constant 0 : i32
      %dma_start3A_49 = tpu.memref_slice %arg4[%add3A, %dma_start3A_47, %dma_start3A_48] : memref<32x80x125xi32, #tpu.memory_space<hbm>> -> memref<1x40x125xi32, #tpu.memory_space<hbm>>
      %dma_start3A_50 = tpu.memref_squeeze %dma_start3A_49 : memref<1x40x125xi32, #tpu.memory_space<hbm>> -> memref<40x125xi32, #tpu.memory_space<hbm>>
      tpu.enqueue_dma source(%dma_start3A_50 : memref<40x125xi32, #tpu.memory_space<hbm>>) target(%arg8 : memref<40x125xi32, #tpu.memory_space<vmem>>) target_semaphore(%run_scoped3A : memref<!tpu.dma_semaphore, #tpu.memory_space<semaphore_mem>>)
      %dma_wait3A = arith.constant 40 : i32
      %dma_wait3A_51 = arith.constant 0 : i32
      %dma_wait3A_52 = tpu.memref_slice %arg4[%add3A, %dma_wait3A, %dma_wait3A_51] : memref<32x80x125xi32, #tpu.memory_space<hbm>> -> memref<1x40x125xi32, #tpu.memory_space<hbm>>
      %dma_wait3A_53 = tpu.memref_squeeze %dma_wait3A_52 : memref<1x40x125xi32, #tpu.memory_space<hbm>> -> memref<40x125xi32, #tpu.memory_space<hbm>>
      %dma_wait3A_54 = arith.constant 40 : i32
      %dma_wait3A_55 = arith.constant 0 : i32
      %dma_wait3A_56 = tpu.memref_slice %arg4[%add3A, %dma_wait3A_54, %dma_wait3A_55] : memref<32x80x125xi32, #tpu.memory_space<hbm>> -> memref<1x40x125xi32, #tpu.memory_space<hbm>>
      %dma_wait3A_57 = tpu.memref_squeeze %dma_wait3A_56 : memref<1x40x125xi32, #tpu.memory_space<hbm>> -> memref<40x125xi32, #tpu.memory_space<hbm>>
      tpu.wait_dma2 semaphore(%run_scoped3A : memref<!tpu.dma_semaphore, #tpu.memory_space<semaphore_mem>>) src(%dma_wait3A_57 : memref<40x125xi32, #tpu.memory_space<hbm>>) dst(%arg8 : memref<40x125xi32, #tpu.memory_space<vmem>>)
      tpu.yield
    }) : () -> ()
    %dma_start3A_25 = arith.constant 0 : i32
    %dma_start3A_26 = arith.constant 0 : i32
    %dma_start3A_27 = tpu.memref_slice %arg7[%dma_start3A_25, %dma_start3A_26] : memref<40x125xi32, #tpu.memory_space<vmem>> -> memref<1x125xi32, #tpu.memory_space<vmem>>
    %dma_start3A_28 = tpu.memref_squeeze %dma_start3A_27 : memref<1x125xi32, #tpu.memory_space<vmem>> -> memref<125xi32, #tpu.memory_space<vmem>>
    %dma_start3A_29 = arith.constant 0 : i32
    %dma_start3A_30 = arith.constant 0 : i32
    %dma_start3A_31 = tpu.memref_slice %arg2[%dma_start3A_29, %dma_start3A_30] : memref<10000x128xf32, #tpu.memory_space<hbm>> -> memref<10000x128xf32, #tpu.memory_space<hbm>>
    tpu.enqueue_indirect_dma source(%dma_start3A_31 : memref<10000x128xf32, #tpu.memory_space<hbm>>) target(%arg9 : memref<125x128xf32, #tpu.memory_space<vmem>>) offsets(%dma_start3A_28 : memref<125xi32, #tpu.memory_space<vmem>>) semaphore(%arg11 : memref<!tpu.dma_semaphore, #tpu.memory_space<semaphore_mem>>)
    %scan3A_32 = arith.constant 0 : i32
    %scan3A_33 = arith.constant 0 : i32
    %scan3A_34 = arith.constant 20 : i32
    %scan3A_35 = arith.addi %scan3A_33, %scan3A_34 : i32
    %scan3A_36 = arith.constant 1 : i32
    scf.for %scan3A_43 = %scan3A_33 to %scan3A_35 step %scan3A_36  : i32 {
      %mul3A_44 = arith.constant 2 : i32
      %mul3A_45 = arith.muli %scan3A_43, %mul3A_44 : i32
      %add3A_46 = arith.constant 0 : i32
      %add3A_47 = arith.addi %mul3A_45, %add3A_46 : i32
      %add3A_48 = arith.constant 1 : i32
      %add3A_49 = arith.addi %add3A_47, %add3A_48 : i32
      %lt3A = arith.constant 40 : i32
      %lt3A_50 = arith.cmpi slt, %add3A_49, %lt3A : i32
      %convert_element_type3A = arith.extui %lt3A_50 : i1 to i32
      %cond3A = arith.constant 0 : i32
      %cond3A_51 = arith.cmpi ne, %convert_element_type3A, %cond3A : i32
      scf.if %cond3A_51 {
        %add3A_74 = arith.constant 1 : i32
        %add3A_75 = arith.addi %add3A_47, %add3A_74 : i32
        %dma_start3A_76 = arith.constant 0 : i32
        %dma_start3A_77 = tpu.memref_slice %arg7[%add3A_75, %dma_start3A_76] : memref<40x125xi32, #tpu.memory_space<vmem>> -> memref<1x125xi32, #tpu.memory_space<vmem>>
        %dma_start3A_78 = tpu.memref_squeeze %dma_start3A_77 : memref<1x125xi32, #tpu.memory_space<vmem>> -> memref<125xi32, #tpu.memory_space<vmem>>
        %dma_start3A_79 = arith.constant 0 : i32
        %dma_start3A_80 = arith.constant 0 : i32
        %dma_start3A_81 = tpu.memref_slice %arg2[%dma_start3A_79, %dma_start3A_80] : memref<10000x128xf32, #tpu.memory_space<hbm>> -> memref<10000x128xf32, #tpu.memory_space<hbm>>
        tpu.enqueue_indirect_dma source(%dma_start3A_81 : memref<10000x128xf32, #tpu.memory_space<hbm>>) target(%arg10 : memref<125x128xf32, #tpu.memory_space<vmem>>) offsets(%dma_start3A_78 : memref<125xi32, #tpu.memory_space<vmem>>) semaphore(%arg12 : memref<!tpu.dma_semaphore, #tpu.memory_space<semaphore_mem>>)
      } else {
      }
      %dma_wait3A = arith.constant 0 : i32
      %dma_wait3A_52 = tpu.memref_slice %arg7[%add3A_47, %dma_wait3A] : memref<40x125xi32, #tpu.memory_space<vmem>> -> memref<1x125xi32, #tpu.memory_space<vmem>>
      %dma_wait3A_53 = tpu.memref_squeeze %dma_wait3A_52 : memref<1x125xi32, #tpu.memory_space<vmem>> -> memref<125xi32, #tpu.memory_space<vmem>>
      %dma_wait3A_54 = arith.constant 0 : i32
      %dma_wait3A_55 = arith.constant 0 : i32
      %dma_wait3A_56 = tpu.memref_slice %arg2[%dma_wait3A_54, %dma_wait3A_55] : memref<10000x128xf32, #tpu.memory_space<hbm>> -> memref<10000x128xf32, #tpu.memory_space<hbm>>
      tpu.wait_indirect_dma semaphore(%arg11 : memref<!tpu.dma_semaphore, #tpu.memory_space<semaphore_mem>>) src(%dma_wait3A_56 : memref<10000x128xf32, #tpu.memory_space<hbm>>) dst(%arg9 : memref<125x128xf32, #tpu.memory_space<vmem>>)
      "tpu.region"() ({
        %run_scoped3A = tpu.sem_alloc : memref<!tpu.dma_semaphore, #tpu.memory_space<semaphore_mem>>
        %dma_start3A_74 = arith.constant 0 : i32
        %dma_start3A_75 = tpu.memref_slice %arg8[%add3A_47, %dma_start3A_74] : memref<40x125xi32, #tpu.memory_space<vmem>> -> memref<1x125xi32, #tpu.memory_space<vmem>>
        %dma_start3A_76 = tpu.memref_squeeze %dma_start3A_75 : memref<1x125xi32, #tpu.memory_space<vmem>> -> memref<125xi32, #tpu.memory_space<vmem>>
        %dma_start3A_77 = arith.constant 0 : i32
        %dma_start3A_78 = arith.constant 0 : i32
        %dma_start3A_79 = tpu.memref_slice %arg6[%dma_start3A_77, %dma_start3A_78] : memref<10240x128xf32, #tpu.memory_space<vmem_shared>> -> memref<10240x128xf32, #tpu.memory_space<vmem_shared>>
        tpu.enqueue_indirect_dma source(%arg9 : memref<125x128xf32, #tpu.memory_space<vmem>>) target(%dma_start3A_79 : memref<10240x128xf32, #tpu.memory_space<vmem_shared>>) offsets(%dma_start3A_76 : memref<125xi32, #tpu.memory_space<vmem>>) semaphore(%run_scoped3A : memref<!tpu.dma_semaphore, #tpu.memory_space<semaphore_mem>>) {add = true}
        %dma_wait3A_80 = arith.constant 0 : i32
        %dma_wait3A_81 = tpu.memref_slice %arg8[%add3A_47, %dma_wait3A_80] : memref<40x125xi32, #tpu.memory_space<vmem>> -> memref<1x125xi32, #tpu.memory_space<vmem>>
        %dma_wait3A_82 = tpu.memref_squeeze %dma_wait3A_81 : memref<1x125xi32, #tpu.memory_space<vmem>> -> memref<125xi32, #tpu.memory_space<vmem>>
        %dma_wait3A_83 = arith.constant 0 : i32
        %dma_wait3A_84 = arith.constant 0 : i32
        %dma_wait3A_85 = tpu.memref_slice %arg6[%dma_wait3A_83, %dma_wait3A_84] : memref<10240x128xf32, #tpu.memory_space<vmem_shared>> -> memref<10240x128xf32, #tpu.memory_space<vmem_shared>>
        tpu.wait_indirect_dma semaphore(%run_scoped3A : memref<!tpu.dma_semaphore, #tpu.memory_space<semaphore_mem>>) src(%arg9 : memref<125x128xf32, #tpu.memory_space<vmem>>) dst(%dma_wait3A_85 : memref<10240x128xf32, #tpu.memory_space<vmem_shared>>)
        tpu.yield
      }) : () -> ()
      %mul3A_57 = arith.constant 2 : i32
      %mul3A_58 = arith.muli %scan3A_43, %mul3A_57 : i32
      %add3A_59 = arith.constant 1 : i32
      %add3A_60 = arith.addi %mul3A_58, %add3A_59 : i32
      %add3A_61 = arith.constant 1 : i32
      %add3A_62 = arith.addi %add3A_60, %add3A_61 : i32
      %lt3A_63 = arith.constant 40 : i32
      %lt3A_64 = arith.cmpi slt, %add3A_62, %lt3A_63 : i32
      %convert_element_type3A_65 = arith.extui %lt3A_64 : i1 to i32
      %cond3A_66 = arith.constant 0 : i32
      %cond3A_67 = arith.cmpi ne, %convert_element_type3A_65, %cond3A_66 : i32
      scf.if %cond3A_67 {
        %add3A_74 = arith.constant 1 : i32
        %add3A_75 = arith.addi %add3A_60, %add3A_74 : i32
        %dma_start3A_76 = arith.constant 0 : i32
        %dma_start3A_77 = tpu.memref_slice %arg7[%add3A_75, %dma_start3A_76] : memref<40x125xi32, #tpu.memory_space<vmem>> -> memref<1x125xi32, #tpu.memory_space<vmem>>
        %dma_start3A_78 = tpu.memref_squeeze %dma_start3A_77 : memref<1x125xi32, #tpu.memory_space<vmem>> -> memref<125xi32, #tpu.memory_space<vmem>>
        %dma_start3A_79 = arith.constant 0 : i32
        %dma_start3A_80 = arith.constant 0 : i32
        %dma_start3A_81 = tpu.memref_slice %arg2[%dma_start3A_79, %dma_start3A_80] : memref<10000x128xf32, #tpu.memory_space<hbm>> -> memref<10000x128xf32, #tpu.memory_space<hbm>>
        tpu.enqueue_indirect_dma source(%dma_start3A_81 : memref<10000x128xf32, #tpu.memory_space<hbm>>) target(%arg9 : memref<125x128xf32, #tpu.memory_space<vmem>>) offsets(%dma_start3A_78 : memref<125xi32, #tpu.memory_space<vmem>>) semaphore(%arg11 : memref<!tpu.dma_semaphore, #tpu.memory_space<semaphore_mem>>)
      } else {
      }
      %dma_wait3A_68 = arith.constant 0 : i32
      %dma_wait3A_69 = tpu.memref_slice %arg7[%add3A_60, %dma_wait3A_68] : memref<40x125xi32, #tpu.memory_space<vmem>> -> memref<1x125xi32, #tpu.memory_space<vmem>>
      %dma_wait3A_70 = tpu.memref_squeeze %dma_wait3A_69 : memref<1x125xi32, #tpu.memory_space<vmem>> -> memref<125xi32, #tpu.memory_space<vmem>>
      %dma_wait3A_71 = arith.constant 0 : i32
      %dma_wait3A_72 = arith.constant 0 : i32
      %dma_wait3A_73 = tpu.memref_slice %arg2[%dma_wait3A_71, %dma_wait3A_72] : memref<10000x128xf32, #tpu.memory_space<hbm>> -> memref<10000x128xf32, #tpu.memory_space<hbm>>
      tpu.wait_indirect_dma semaphore(%arg12 : memref<!tpu.dma_semaphore, #tpu.memory_space<semaphore_mem>>) src(%dma_wait3A_73 : memref<10000x128xf32, #tpu.memory_space<hbm>>) dst(%arg10 : memref<125x128xf32, #tpu.memory_space<vmem>>)
      "tpu.region"() ({
        %run_scoped3A = tpu.sem_alloc : memref<!tpu.dma_semaphore, #tpu.memory_space<semaphore_mem>>
        %dma_start3A_74 = arith.constant 0 : i32
        %dma_start3A_75 = tpu.memref_slice %arg8[%add3A_60, %dma_start3A_74] : memref<40x125xi32, #tpu.memory_space<vmem>> -> memref<1x125xi32, #tpu.memory_space<vmem>>
        %dma_start3A_76 = tpu.memref_squeeze %dma_start3A_75 : memref<1x125xi32, #tpu.memory_space<vmem>> -> memref<125xi32, #tpu.memory_space<vmem>>
        %dma_start3A_77 = arith.constant 0 : i32
        %dma_start3A_78 = arith.constant 0 : i32
        %dma_start3A_79 = tpu.memref_slice %arg6[%dma_start3A_77, %dma_start3A_78] : memref<10240x128xf32, #tpu.memory_space<vmem_shared>> -> memref<10240x128xf32, #tpu.memory_space<vmem_shared>>
        tpu.enqueue_indirect_dma source(%arg10 : memref<125x128xf32, #tpu.memory_space<vmem>>) target(%dma_start3A_79 : memref<10240x128xf32, #tpu.memory_space<vmem_shared>>) offsets(%dma_start3A_76 : memref<125xi32, #tpu.memory_space<vmem>>) semaphore(%run_scoped3A : memref<!tpu.dma_semaphore, #tpu.memory_space<semaphore_mem>>) {add = true}
        %dma_wait3A_80 = arith.constant 0 : i32
        %dma_wait3A_81 = tpu.memref_slice %arg8[%add3A_60, %dma_wait3A_80] : memref<40x125xi32, #tpu.memory_space<vmem>> -> memref<1x125xi32, #tpu.memory_space<vmem>>
        %dma_wait3A_82 = tpu.memref_squeeze %dma_wait3A_81 : memref<1x125xi32, #tpu.memory_space<vmem>> -> memref<125xi32, #tpu.memory_space<vmem>>
        %dma_wait3A_83 = arith.constant 0 : i32
        %dma_wait3A_84 = arith.constant 0 : i32
        %dma_wait3A_85 = tpu.memref_slice %arg6[%dma_wait3A_83, %dma_wait3A_84] : memref<10240x128xf32, #tpu.memory_space<vmem_shared>> -> memref<10240x128xf32, #tpu.memory_space<vmem_shared>>
        tpu.wait_indirect_dma semaphore(%run_scoped3A : memref<!tpu.dma_semaphore, #tpu.memory_space<semaphore_mem>>) src(%arg10 : memref<125x128xf32, #tpu.memory_space<vmem>>) dst(%dma_wait3A_85 : memref<10240x128xf32, #tpu.memory_space<vmem_shared>>)
        tpu.yield
      }) : () -> ()
    }
    %scan3A_37 = arith.constant 20 : i32
    %barrier3A_38 = arith.constant 0 : index
    tpu.barrier barrier_id(%barrier3A_38)
    %mul3A_39 = arith.constant 640 : i32
    %mul3A_40 = arith.muli %arg1, %mul3A_39 : i32
    %mul3A_41 = arith.constant 640 : i32
    %mul3A_42 = arith.muli %arg1, %mul3A_41 : i32
    "tpu.region"() ({
      %run_scoped3A = tpu.sem_alloc : memref<!tpu.dma_semaphore, #tpu.memory_space<semaphore_mem>>
      %dma_start3A_43 = arith.constant 0 : i32
      %dma_start3A_44 = tpu.memref_slice %arg5[%arg0, %mul3A_42, %dma_start3A_43] : memref<2x10240x128xf32, #tpu.memory_space<hbm>> -> memref<1x640x128xf32, #tpu.memory_space<hbm>>
      %dma_start3A_45 = tpu.memref_squeeze %dma_start3A_44 : memref<1x640x128xf32, #tpu.memory_space<hbm>> -> memref<640x128xf32, #tpu.memory_space<hbm>>
      %dma_start3A_46 = arith.constant 0 : i32
      %dma_start3A_47 = tpu.memref_slice %arg6[%mul3A_40, %dma_start3A_46] : memref<10240x128xf32, #tpu.memory_space<vmem_shared>> -> memref<640x128xf32, #tpu.memory_space<vmem_shared>>
      tpu.enqueue_dma source(%dma_start3A_47 : memref<640x128xf32, #tpu.memory_space<vmem_shared>>) target(%dma_start3A_45 : memref<640x128xf32, #tpu.memory_space<hbm>>) target_semaphore(%run_scoped3A : memref<!tpu.dma_semaphore, #tpu.memory_space<semaphore_mem>>)
      %dma_wait3A = arith.constant 0 : i32
      %dma_wait3A_48 = tpu.memref_slice %arg5[%arg0, %mul3A_42, %dma_wait3A] : memref<2x10240x128xf32, #tpu.memory_space<hbm>> -> memref<1x640x128xf32, #tpu.memory_space<hbm>>
      %dma_wait3A_49 = tpu.memref_squeeze %dma_wait3A_48 : memref<1x640x128xf32, #tpu.memory_space<hbm>> -> memref<640x128xf32, #tpu.memory_space<hbm>>
      %dma_wait3A_50 = arith.constant 0 : i32
      %dma_wait3A_51 = tpu.memref_slice %arg6[%mul3A_40, %dma_wait3A_50] : memref<10240x128xf32, #tpu.memory_space<vmem_shared>> -> memref<640x128xf32, #tpu.memory_space<vmem_shared>>
      tpu.wait_dma2 semaphore(%run_scoped3A : memref<!tpu.dma_semaphore, #tpu.memory_space<semaphore_mem>>) src(%dma_wait3A_51 : memref<640x128xf32, #tpu.memory_space<vmem_shared>>) dst(%dma_wait3A_49 : memref<640x128xf32, #tpu.memory_space<hbm>>)
      tpu.yield
    }) : () -> ()
    return
  }
}

#map = affine_map<(d0, d1) -> (0, 0)>
module attributes {stable_mosaic.version = 14 : i64} {
  func.func @_deg_kernel(%arg0: i32, %arg1: i32, %arg2: memref<32x10000xi32, #tpu.memory_space<hbm>>, %arg3: memref<32x10000xf32, #tpu.memory_space<hbm>>, %arg4: memref<10000xi32, #tpu.memory_space<vmem>>, %arg5: memref<10000xf32, #tpu.memory_space<vmem>>) attributes {dimension_semantics = [#tpu.dimension_semantics<core_parallel>, #tpu.dimension_semantics<subcore_parallel>], iteration_bounds = array<i64: 2, 16>, scalar_prefetch = 0 : i64, scratch_operands = 2 : i64, tpu.core_type = #tpu.core_type<sc_vector_subcore>, window_params = [{transform_indices = #map}, {transform_indices = #map}]} {
    %mul3A = arith.constant 2 : i32
    %mul3A_0 = arith.muli %arg1, %mul3A : i32
    %add3A = arith.addi %mul3A_0, %arg0 : i32
    %broadcast_in_dim3A = arith.constant 0.000000e+00 : f32
    %broadcast_in_dim3A_1 = vector.broadcast %broadcast_in_dim3A : f32 to vector<16xf32>
    %scan3A = arith.constant 0 : i32
    %scan3A_2 = arith.constant 0 : i32
    %scan3A_3 = arith.constant 624 : i32
    %scan3A_4 = arith.addi %scan3A_2, %scan3A_3 : i32
    %scan3A_5 = arith.constant 4 : i32
    scf.for %scan3A_25 = %scan3A_2 to %scan3A_4 step %scan3A_5  : i32 {
      %mul3A_26 = arith.constant 16 : i32
      %mul3A_27 = arith.muli %scan3A_25, %mul3A_26 : i32
      %swap3A_28 = arith.index_cast %mul3A_27 : i32 to index
      %swap3A_29 = tpu.vector_load %arg5[%swap3A_28] {strides = array<i32>} : memref<10000xf32, #tpu.memory_space<vmem>>, vector<16xf32>,
      tpu.vector_store %arg5[%swap3A_28], %broadcast_in_dim3A_1 {strides = array<i32>} : memref<10000xf32, #tpu.memory_space<vmem>>, vector<16xf32>,
      %scan3A_30 = arith.constant 1 : i32
      %scan3A_31 = arith.addi %scan3A_25, %scan3A_30 : i32
      %mul3A_32 = arith.constant 16 : i32
      %mul3A_33 = arith.muli %scan3A_31, %mul3A_32 : i32
      %swap3A_34 = arith.index_cast %mul3A_33 : i32 to index
      %swap3A_35 = tpu.vector_load %arg5[%swap3A_34] {strides = array<i32>} : memref<10000xf32, #tpu.memory_space<vmem>>, vector<16xf32>,
      tpu.vector_store %arg5[%swap3A_34], %broadcast_in_dim3A_1 {strides = array<i32>} : memref<10000xf32, #tpu.memory_space<vmem>>, vector<16xf32>,
      %scan3A_36 = arith.constant 2 : i32
      %scan3A_37 = arith.addi %scan3A_25, %scan3A_36 : i32
      %mul3A_38 = arith.constant 16 : i32
      %mul3A_39 = arith.muli %scan3A_37, %mul3A_38 : i32
      %swap3A_40 = arith.index_cast %mul3A_39 : i32 to index
      %swap3A_41 = tpu.vector_load %arg5[%swap3A_40] {strides = array<i32>} : memref<10000xf32, #tpu.memory_space<vmem>>, vector<16xf32>,
      tpu.vector_store %arg5[%swap3A_40], %broadcast_in_dim3A_1 {strides = array<i32>} : memref<10000xf32, #tpu.memory_space<vmem>>, vector<16xf32>,
      %scan3A_42 = arith.constant 3 : i32
      %scan3A_43 = arith.addi %scan3A_25, %scan3A_42 : i32
      %mul3A_44 = arith.constant 16 : i32
      %mul3A_45 = arith.muli %scan3A_43, %mul3A_44 : i32
      %swap3A_46 = arith.index_cast %mul3A_45 : i32 to index
      %swap3A_47 = tpu.vector_load %arg5[%swap3A_46] {strides = array<i32>} : memref<10000xf32, #tpu.memory_space<vmem>>, vector<16xf32>,
      tpu.vector_store %arg5[%swap3A_46], %broadcast_in_dim3A_1 {strides = array<i32>} : memref<10000xf32, #tpu.memory_space<vmem>>, vector<16xf32>,
    }
    %scan3A_6 = arith.constant 624 : i32
    %scan3A_7 = arith.addi %scan3A_2, %scan3A_6 : i32
    %mul3A_8 = arith.constant 16 : i32
    %mul3A_9 = arith.muli %scan3A_7, %mul3A_8 : i32
    %swap3A = arith.index_cast %mul3A_9 : i32 to index
    %swap3A_10 = tpu.vector_load %arg5[%swap3A] {strides = array<i32>} : memref<10000xf32, #tpu.memory_space<vmem>>, vector<16xf32>,
    tpu.vector_store %arg5[%swap3A], %broadcast_in_dim3A_1 {strides = array<i32>} : memref<10000xf32, #tpu.memory_space<vmem>>, vector<16xf32>,
    %scan3A_11 = arith.constant 625 : i32
    "tpu.region"() ({
      %run_scoped3A = tpu.sem_alloc : memref<!tpu.dma_semaphore, #tpu.memory_space<semaphore_mem>>
      %dma_start3A = arith.constant 0 : i32
      %dma_start3A_25 = tpu.memref_slice %arg2[%add3A, %dma_start3A] : memref<32x10000xi32, #tpu.memory_space<hbm>> -> memref<1x10000xi32, #tpu.memory_space<hbm>>
      %dma_start3A_26 = tpu.memref_squeeze %dma_start3A_25 : memref<1x10000xi32, #tpu.memory_space<hbm>> -> memref<10000xi32, #tpu.memory_space<hbm>>
      %dma_start3A_27 = arith.constant 0 : i32
      %dma_start3A_28 = tpu.memref_slice %arg2[%add3A, %dma_start3A_27] : memref<32x10000xi32, #tpu.memory_space<hbm>> -> memref<1x10000xi32, #tpu.memory_space<hbm>>
      %dma_start3A_29 = tpu.memref_squeeze %dma_start3A_28 : memref<1x10000xi32, #tpu.memory_space<hbm>> -> memref<10000xi32, #tpu.memory_space<hbm>>
      tpu.enqueue_dma source(%dma_start3A_29 : memref<10000xi32, #tpu.memory_space<hbm>>) target(%arg4 : memref<10000xi32, #tpu.memory_space<vmem>>) target_semaphore(%run_scoped3A : memref<!tpu.dma_semaphore, #tpu.memory_space<semaphore_mem>>)
      %dma_wait3A = arith.constant 0 : i32
      %dma_wait3A_30 = tpu.memref_slice %arg2[%add3A, %dma_wait3A] : memref<32x10000xi32, #tpu.memory_space<hbm>> -> memref<1x10000xi32, #tpu.memory_space<hbm>>
      %dma_wait3A_31 = tpu.memref_squeeze %dma_wait3A_30 : memref<1x10000xi32, #tpu.memory_space<hbm>> -> memref<10000xi32, #tpu.memory_space<hbm>>
      %dma_wait3A_32 = arith.constant 0 : i32
      %dma_wait3A_33 = tpu.memref_slice %arg2[%add3A, %dma_wait3A_32] : memref<32x10000xi32, #tpu.memory_space<hbm>> -> memref<1x10000xi32, #tpu.memory_space<hbm>>
      %dma_wait3A_34 = tpu.memref_squeeze %dma_wait3A_33 : memref<1x10000xi32, #tpu.memory_space<hbm>> -> memref<10000xi32, #tpu.memory_space<hbm>>
      tpu.wait_dma2 semaphore(%run_scoped3A : memref<!tpu.dma_semaphore, #tpu.memory_space<semaphore_mem>>) src(%dma_wait3A_34 : memref<10000xi32, #tpu.memory_space<hbm>>) dst(%arg4 : memref<10000xi32, #tpu.memory_space<vmem>>)
      tpu.yield
    }) : () -> ()
    %broadcast_in_dim3A_12 = arith.constant 1.000000e+00 : f32
    %broadcast_in_dim3A_13 = vector.broadcast %broadcast_in_dim3A_12 : f32 to vector<16xf32>
    %scan3A_14 = arith.constant 0 : i32
    %scan3A_15 = arith.constant 0 : i32
    %scan3A_16 = arith.constant 624 : i32
    %scan3A_17 = arith.addi %scan3A_15, %scan3A_16 : i32
    %scan3A_18 = arith.constant 4 : i32
    scf.for %scan3A_25 = %scan3A_15 to %scan3A_17 step %scan3A_18  : i32 {
      %mul3A_26 = arith.constant 16 : i32
      %mul3A_27 = arith.muli %scan3A_25, %mul3A_26 : i32
      %get3A_28 = arith.index_cast %mul3A_27 : i32 to index
      %get3A_29 = tpu.vector_load %arg4[%get3A_28] {strides = array<i32>} : memref<10000xi32, #tpu.memory_space<vmem>>, vector<16xi32>,
      tpu.vector_store_idx %arg5[%get3A_29], %broadcast_in_dim3A_13 {add = true} : memref<10000xf32, #tpu.memory_space<vmem>>[vector<16xi32>], vector<16xf32>,
      %scan3A_30 = arith.constant 1 : i32
      %scan3A_31 = arith.addi %scan3A_25, %scan3A_30 : i32
      %mul3A_32 = arith.constant 16 : i32
      %mul3A_33 = arith.muli %scan3A_31, %mul3A_32 : i32
      %get3A_34 = arith.index_cast %mul3A_33 : i32 to index
      %get3A_35 = tpu.vector_load %arg4[%get3A_34] {strides = array<i32>} : memref<10000xi32, #tpu.memory_space<vmem>>, vector<16xi32>,
      tpu.vector_store_idx %arg5[%get3A_35], %broadcast_in_dim3A_13 {add = true} : memref<10000xf32, #tpu.memory_space<vmem>>[vector<16xi32>], vector<16xf32>,
      %scan3A_36 = arith.constant 2 : i32
      %scan3A_37 = arith.addi %scan3A_25, %scan3A_36 : i32
      %mul3A_38 = arith.constant 16 : i32
      %mul3A_39 = arith.muli %scan3A_37, %mul3A_38 : i32
      %get3A_40 = arith.index_cast %mul3A_39 : i32 to index
      %get3A_41 = tpu.vector_load %arg4[%get3A_40] {strides = array<i32>} : memref<10000xi32, #tpu.memory_space<vmem>>, vector<16xi32>,
      tpu.vector_store_idx %arg5[%get3A_41], %broadcast_in_dim3A_13 {add = true} : memref<10000xf32, #tpu.memory_space<vmem>>[vector<16xi32>], vector<16xf32>,
      %scan3A_42 = arith.constant 3 : i32
      %scan3A_43 = arith.addi %scan3A_25, %scan3A_42 : i32
      %mul3A_44 = arith.constant 16 : i32
      %mul3A_45 = arith.muli %scan3A_43, %mul3A_44 : i32
      %get3A_46 = arith.index_cast %mul3A_45 : i32 to index
      %get3A_47 = tpu.vector_load %arg4[%get3A_46] {strides = array<i32>} : memref<10000xi32, #tpu.memory_space<vmem>>, vector<16xi32>,
      tpu.vector_store_idx %arg5[%get3A_47], %broadcast_in_dim3A_13 {add = true} : memref<10000xf32, #tpu.memory_space<vmem>>[vector<16xi32>], vector<16xf32>,
    }
    %scan3A_19 = arith.constant 624 : i32
    %scan3A_20 = arith.addi %scan3A_15, %scan3A_19 : i32
    %mul3A_21 = arith.constant 16 : i32
    %mul3A_22 = arith.muli %scan3A_20, %mul3A_21 : i32
    %get3A = arith.index_cast %mul3A_22 : i32 to index
    %get3A_23 = tpu.vector_load %arg4[%get3A] {strides = array<i32>} : memref<10000xi32, #tpu.memory_space<vmem>>, vector<16xi32>,
    tpu.vector_store_idx %arg5[%get3A_23], %broadcast_in_dim3A_13 {add = true} : memref<10000xf32, #tpu.memory_space<vmem>>[vector<16xi32>], vector<16xf32>,
    %scan3A_24 = arith.constant 625 : i32
    "tpu.region"() ({
      %run_scoped3A = tpu.sem_alloc : memref<!tpu.dma_semaphore, #tpu.memory_space<semaphore_mem>>
      %dma_start3A = arith.constant 0 : i32
      %dma_start3A_25 = tpu.memref_slice %arg3[%add3A, %dma_start3A] : memref<32x10000xf32, #tpu.memory_space<hbm>> -> memref<1x10000xf32, #tpu.memory_space<hbm>>
      %dma_start3A_26 = tpu.memref_squeeze %dma_start3A_25 : memref<1x10000xf32, #tpu.memory_space<hbm>> -> memref<10000xf32, #tpu.memory_space<hbm>>
      %dma_start3A_27 = arith.constant 0 : i32
      %dma_start3A_28 = tpu.memref_slice %arg3[%add3A, %dma_start3A_27] : memref<32x10000xf32, #tpu.memory_space<hbm>> -> memref<1x10000xf32, #tpu.memory_space<hbm>>
      %dma_start3A_29 = tpu.memref_squeeze %dma_start3A_28 : memref<1x10000xf32, #tpu.memory_space<hbm>> -> memref<10000xf32, #tpu.memory_space<hbm>>
      tpu.enqueue_dma source(%arg5 : memref<10000xf32, #tpu.memory_space<vmem>>) target(%dma_start3A_29 : memref<10000xf32, #tpu.memory_space<hbm>>) target_semaphore(%run_scoped3A : memref<!tpu.dma_semaphore, #tpu.memory_space<semaphore_mem>>)
      %dma_wait3A = arith.constant 0 : i32
      %dma_wait3A_30 = tpu.memref_slice %arg3[%add3A, %dma_wait3A] : memref<32x10000xf32, #tpu.memory_space<hbm>> -> memref<1x10000xf32, #tpu.memory_space<hbm>>
      %dma_wait3A_31 = tpu.memref_squeeze %dma_wait3A_30 : memref<1x10000xf32, #tpu.memory_space<hbm>> -> memref<10000xf32, #tpu.memory_space<hbm>>
      %dma_wait3A_32 = arith.constant 0 : i32
      %dma_wait3A_33 = tpu.memref_slice %arg3[%add3A, %dma_wait3A_32] : memref<32x10000xf32, #tpu.memory_space<hbm>> -> memref<1x10000xf32, #tpu.memory_space<hbm>>
      %dma_wait3A_34 = tpu.memref_squeeze %dma_wait3A_33 : memref<1x10000xf32, #tpu.memory_space<hbm>> -> memref<10000xf32, #tpu.memory_space<hbm>>
      tpu.wait_dma2 semaphore(%run_scoped3A : memref<!tpu.dma_semaphore, #tpu.memory_space<semaphore_mem>>) src(%arg5 : memref<10000xf32, #tpu.memory_space<vmem>>) dst(%dma_wait3A_34 : memref<10000xf32, #tpu.memory_space<hbm>>)
      tpu.yield
    }) : () -> ()
    return
  }
}

#map = affine_map<(d0, d1) -> (0, 0)>
#map1 = affine_map<(d0, d1) -> (0, 0, 0)>
module attributes {stable_mosaic.version = 14 : i64} {
  func.func @_scatter_kernel(%arg0: i32, %arg1: i32, %arg2: memref<10000x128xf32, #tpu.memory_space<hbm>>, %arg3: memref<32x80x125xi32, #tpu.memory_space<hbm>>, %arg4: memref<32x80x125xi32, #tpu.memory_space<hbm>>, %arg5: memref<2x10240x128xf32, #tpu.memory_space<hbm>>, %arg6: memref<10240x128xf32, #tpu.memory_space<vmem_shared>>, %arg7: memref<40x125xi32, #tpu.memory_space<vmem>>, %arg8: memref<40x125xi32, #tpu.memory_space<vmem>>, %arg9: memref<125x128xf32, #tpu.memory_space<vmem>>, %arg10: memref<125x128xf32, #tpu.memory_space<vmem>>, %arg11: memref<!tpu.dma_semaphore, #tpu.memory_space<semaphore_mem>>, %arg12: memref<!tpu.dma_semaphore, #tpu.memory_space<semaphore_mem>>) attributes {dimension_semantics = [#tpu.dimension_semantics<core_parallel>, #tpu.dimension_semantics<subcore_parallel>], iteration_bounds = array<i64: 2, 16>, scalar_prefetch = 0 : i64, scratch_operands = 7 : i64, tpu.core_type = #tpu.core_type<sc_vector_subcore>, window_params = [{transform_indices = #map}, {transform_indices = #map1}, {transform_indices = #map1}, {transform_indices = #map1}]} {
    %mul3A = arith.constant 2 : i32
    %mul3A_0 = arith.muli %arg1, %mul3A : i32
    %add3A = arith.addi %mul3A_0, %arg0 : i32
    %broadcast_in_dim3A = arith.constant 0.000000e+00 : f32
    %broadcast_in_dim3A_1 = vector.broadcast %broadcast_in_dim3A : f32 to vector<16xf32>
    %scan3A = arith.constant 0 : i32
    %scan3A_2 = arith.constant 0 : i32
    %scan3A_3 = arith.constant 512 : i32
    %scan3A_4 = arith.addi %scan3A_2, %scan3A_3 : i32
    %scan3A_5 = arith.constant 8 : i32
    scf.for %scan3A_43 = %scan3A_2 to %scan3A_4 step %scan3A_5  : i32 {
      %jit3A = arith.constant 8 : i32
      %div3A = arith.divsi %scan3A_43, %jit3A : i32
      %sign3A = arith.constant 0 : i32
      %sign3A_44 = arith.cmpi sgt, %scan3A_43, %sign3A : i32
      %sign3A_45 = arith.extui %sign3A_44 : i1 to i32
      %sign3A_46 = arith.constant 0 : i32
      %sign3A_47 = arith.cmpi slt, %scan3A_43, %sign3A_46 : i32
      %sign3A_48 = arith.extui %sign3A_47 : i1 to i32
      %sign3A_49 = arith.subi %sign3A_45, %sign3A_48 : i32
      %sign3A_50 = arith.constant 0 : i32
      %sign3A_51 = arith.cmpi sgt, %jit3A, %sign3A_50 : i32
      %sign3A_52 = arith.extui %sign3A_51 : i1 to i32
      %sign3A_53 = arith.constant 0 : i32
      %sign3A_54 = arith.cmpi slt, %jit3A, %sign3A_53 : i32
      %sign3A_55 = arith.extui %sign3A_54 : i1 to i32
      %sign3A_56 = arith.subi %sign3A_52, %sign3A_55 : i32
      %ne3A = arith.cmpi ne, %sign3A_49, %sign3A_56 : i32
      %rem3A = arith.remsi %scan3A_43, %jit3A : i32
      %ne3A_57 = arith.constant 0 : i32
      %ne3A_58 = arith.cmpi ne, %rem3A, %ne3A_57 : i32
      %and3A = arith.andi %ne3A, %ne3A_58 : i1
      %sub3A = arith.constant 1 : i32
      %sub3A_59 = arith.subi %div3A, %sub3A : i32
      %select_n3A = arith.select %and3A, %sub3A_59, %div3A : i32
      %jit3A_60 = arith.constant 8 : i32
      %eq3A = arith.constant 0 : i32
      %eq3A_61 = arith.cmpi eq, %jit3A_60, %eq3A : i32
      %jit3A_62 = arith.constant 1 : i32
      %select_n3A_63 = arith.select %eq3A_61, %jit3A_62, %jit3A_60 : i32
      %rem3A_64 = arith.remsi %scan3A_43, %select_n3A_63 : i32
      %ne3A_65 = arith.constant 0 : i32
      %ne3A_66 = arith.cmpi ne, %rem3A_64, %ne3A_65 : i32
      %lt3A = arith.constant 0 : i32
      %lt3A_67 = arith.cmpi slt, %rem3A_64, %lt3A : i32
      %lt3A_68 = arith.constant 0 : i32
      %lt3A_69 = arith.cmpi slt, %select_n3A_63, %lt3A_68 : i32
      %ne3A_70 = arith.xori %lt3A_67, %lt3A_69 : i1
      %and3A_71 = arith.andi %ne3A_70, %ne3A_66 : i1
      %add3A_72 = arith.addi %rem3A_64, %select_n3A_63 : i32
      %select_n3A_73 = arith.select %and3A_71, %add3A_72, %rem3A_64 : i32
      %mul3A_74 = arith.constant 16 : i32
      %mul3A_75 = arith.muli %select_n3A_73, %mul3A_74 : i32
      %swap3A = arith.index_cast %select_n3A : i32 to index
      %swap3A_76 = arith.index_cast %mul3A_75 : i32 to index
      %swap3A_77 = tpu.vector_load %arg9[%swap3A, %swap3A_76] {strides = array<i32>} : memref<125x128xf32, #tpu.memory_space<vmem>>, vector<1x16xf32>,
      %swap3A_78 = vector.shape_cast %swap3A_77 : vector<1x16xf32> to vector<16xf32>
      %swap3A_79 = vector.shape_cast %broadcast_in_dim3A_1 : vector<16xf32> to vector<1x16xf32>
      tpu.vector_store %arg9[%swap3A, %swap3A_76], %swap3A_79 {strides = array<i32>} : memref<125x128xf32, #tpu.memory_space<vmem>>, vector<1x16xf32>,
      %scan3A_80 = arith.constant 1 : i32
      %scan3A_81 = arith.addi %scan3A_43, %scan3A_80 : i32
      %jit3A_82 = arith.constant 8 : i32
      %div3A_83 = arith.divsi %scan3A_81, %jit3A_82 : i32
      %sign3A_84 = arith.constant 0 : i32
      %sign3A_85 = arith.cmpi sgt, %scan3A_81, %sign3A_84 : i32
      %sign3A_86 = arith.extui %sign3A_85 : i1 to i32
      %sign3A_87 = arith.constant 0 : i32
      %sign3A_88 = arith.cmpi slt, %scan3A_81, %sign3A_87 : i32
      %sign3A_89 = arith.extui %sign3A_88 : i1 to i32
      %sign3A_90 = arith.subi %sign3A_86, %sign3A_89 : i32
      %sign3A_91 = arith.constant 0 : i32
      %sign3A_92 = arith.cmpi sgt, %jit3A_82, %sign3A_91 : i32
      %sign3A_93 = arith.extui %sign3A_92 : i1 to i32
      %sign3A_94 = arith.constant 0 : i32
      %sign3A_95 = arith.cmpi slt, %jit3A_82, %sign3A_94 : i32
      %sign3A_96 = arith.extui %sign3A_95 : i1 to i32
      %sign3A_97 = arith.subi %sign3A_93, %sign3A_96 : i32
      %ne3A_98 = arith.cmpi ne, %sign3A_90, %sign3A_97 : i32
      %rem3A_99 = arith.remsi %scan3A_81, %jit3A_82 : i32
      %ne3A_100 = arith.constant 0 : i32
      %ne3A_101 = arith.cmpi ne, %rem3A_99, %ne3A_100 : i32
      %and3A_102 = arith.andi %ne3A_98, %ne3A_101 : i1
      %sub3A_103 = arith.constant 1 : i32
      %sub3A_104 = arith.subi %div3A_83, %sub3A_103 : i32
      %select_n3A_105 = arith.select %and3A_102, %sub3A_104, %div3A_83 : i32
      %jit3A_106 = arith.constant 8 : i32
      %eq3A_107 = arith.constant 0 : i32
      %eq3A_108 = arith.cmpi eq, %jit3A_106, %eq3A_107 : i32
      %jit3A_109 = arith.constant 1 : i32
      %select_n3A_110 = arith.select %eq3A_108, %jit3A_109, %jit3A_106 : i32
      %rem3A_111 = arith.remsi %scan3A_81, %select_n3A_110 : i32
      %ne3A_112 = arith.constant 0 : i32
      %ne3A_113 = arith.cmpi ne, %rem3A_111, %ne3A_112 : i32
      %lt3A_114 = arith.constant 0 : i32
      %lt3A_115 = arith.cmpi slt, %rem3A_111, %lt3A_114 : i32
      %lt3A_116 = arith.constant 0 : i32
      %lt3A_117 = arith.cmpi slt, %select_n3A_110, %lt3A_116 : i32
      %ne3A_118 = arith.xori %lt3A_115, %lt3A_117 : i1
      %and3A_119 = arith.andi %ne3A_118, %ne3A_113 : i1
      %add3A_120 = arith.addi %rem3A_111, %select_n3A_110 : i32
      %select_n3A_121 = arith.select %and3A_119, %add3A_120, %rem3A_111 : i32
      %mul3A_122 = arith.constant 16 : i32
      %mul3A_123 = arith.muli %select_n3A_121, %mul3A_122 : i32
      %swap3A_124 = arith.index_cast %select_n3A_105 : i32 to index
      %swap3A_125 = arith.index_cast %mul3A_123 : i32 to index
      %swap3A_126 = tpu.vector_load %arg9[%swap3A_124, %swap3A_125] {strides = array<i32>} : memref<125x128xf32, #tpu.memory_space<vmem>>, vector<1x16xf32>,
      %swap3A_127 = vector.shape_cast %swap3A_126 : vector<1x16xf32> to vector<16xf32>
      %swap3A_128 = vector.shape_cast %broadcast_in_dim3A_1 : vector<16xf32> to vector<1x16xf32>
      tpu.vector_store %arg9[%swap3A_124, %swap3A_125], %swap3A_128 {strides = array<i32>} : memref<125x128xf32, #tpu.memory_space<vmem>>, vector<1x16xf32>,
      %scan3A_129 = arith.constant 2 : i32
      %scan3A_130 = arith.addi %scan3A_43, %scan3A_129 : i32
      %jit3A_131 = arith.constant 8 : i32
      %div3A_132 = arith.divsi %scan3A_130, %jit3A_131 : i32
      %sign3A_133 = arith.constant 0 : i32
      %sign3A_134 = arith.cmpi sgt, %scan3A_130, %sign3A_133 : i32
      %sign3A_135 = arith.extui %sign3A_134 : i1 to i32
      %sign3A_136 = arith.constant 0 : i32
      %sign3A_137 = arith.cmpi slt, %scan3A_130, %sign3A_136 : i32
      %sign3A_138 = arith.extui %sign3A_137 : i1 to i32
      %sign3A_139 = arith.subi %sign3A_135, %sign3A_138 : i32
      %sign3A_140 = arith.constant 0 : i32
      %sign3A_141 = arith.cmpi sgt, %jit3A_131, %sign3A_140 : i32
      %sign3A_142 = arith.extui %sign3A_141 : i1 to i32
      %sign3A_143 = arith.constant 0 : i32
      %sign3A_144 = arith.cmpi slt, %jit3A_131, %sign3A_143 : i32
      %sign3A_145 = arith.extui %sign3A_144 : i1 to i32
      %sign3A_146 = arith.subi %sign3A_142, %sign3A_145 : i32
      %ne3A_147 = arith.cmpi ne, %sign3A_139, %sign3A_146 : i32
      %rem3A_148 = arith.remsi %scan3A_130, %jit3A_131 : i32
      %ne3A_149 = arith.constant 0 : i32
      %ne3A_150 = arith.cmpi ne, %rem3A_148, %ne3A_149 : i32
      %and3A_151 = arith.andi %ne3A_147, %ne3A_150 : i1
      %sub3A_152 = arith.constant 1 : i32
      %sub3A_153 = arith.subi %div3A_132, %sub3A_152 : i32
      %select_n3A_154 = arith.select %and3A_151, %sub3A_153, %div3A_132 : i32
      %jit3A_155 = arith.constant 8 : i32
      %eq3A_156 = arith.constant 0 : i32
      %eq3A_157 = arith.cmpi eq, %jit3A_155, %eq3A_156 : i32
      %jit3A_158 = arith.constant 1 : i32
      %select_n3A_159 = arith.select %eq3A_157, %jit3A_158, %jit3A_155 : i32
      %rem3A_160 = arith.remsi %scan3A_130, %select_n3A_159 : i32
      %ne3A_161 = arith.constant 0 : i32
      %ne3A_162 = arith.cmpi ne, %rem3A_160, %ne3A_161 : i32
      %lt3A_163 = arith.constant 0 : i32
      %lt3A_164 = arith.cmpi slt, %rem3A_160, %lt3A_163 : i32
      %lt3A_165 = arith.constant 0 : i32
      %lt3A_166 = arith.cmpi slt, %select_n3A_159, %lt3A_165 : i32
      %ne3A_167 = arith.xori %lt3A_164, %lt3A_166 : i1
      %and3A_168 = arith.andi %ne3A_167, %ne3A_162 : i1
      %add3A_169 = arith.addi %rem3A_160, %select_n3A_159 : i32
      %select_n3A_170 = arith.select %and3A_168, %add3A_169, %rem3A_160 : i32
      %mul3A_171 = arith.constant 16 : i32
      %mul3A_172 = arith.muli %select_n3A_170, %mul3A_171 : i32
      %swap3A_173 = arith.index_cast %select_n3A_154 : i32 to index
      %swap3A_174 = arith.index_cast %mul3A_172 : i32 to index
      %swap3A_175 = tpu.vector_load %arg9[%swap3A_173, %swap3A_174] {strides = array<i32>} : memref<125x128xf32, #tpu.memory_space<vmem>>, vector<1x16xf32>,
      %swap3A_176 = vector.shape_cast %swap3A_175 : vector<1x16xf32> to vector<16xf32>
      %swap3A_177 = vector.shape_cast %broadcast_in_dim3A_1 : vector<16xf32> to vector<1x16xf32>
      tpu.vector_store %arg9[%swap3A_173, %swap3A_174], %swap3A_177 {strides = array<i32>} : memref<125x128xf32, #tpu.memory_space<vmem>>, vector<1x16xf32>,
      %scan3A_178 = arith.constant 3 : i32
      %scan3A_179 = arith.addi %scan3A_43, %scan3A_178 : i32
      %jit3A_180 = arith.constant 8 : i32
      %div3A_181 = arith.divsi %scan3A_179, %jit3A_180 : i32
      %sign3A_182 = arith.constant 0 : i32
      %sign3A_183 = arith.cmpi sgt, %scan3A_179, %sign3A_182 : i32
      %sign3A_184 = arith.extui %sign3A_183 : i1 to i32
      %sign3A_185 = arith.constant 0 : i32
      %sign3A_186 = arith.cmpi slt, %scan3A_179, %sign3A_185 : i32
      %sign3A_187 = arith.extui %sign3A_186 : i1 to i32
      %sign3A_188 = arith.subi %sign3A_184, %sign3A_187 : i32
      %sign3A_189 = arith.constant 0 : i32
      %sign3A_190 = arith.cmpi sgt, %jit3A_180, %sign3A_189 : i32
      %sign3A_191 = arith.extui %sign3A_190 : i1 to i32
      %sign3A_192 = arith.constant 0 : i32
      %sign3A_193 = arith.cmpi slt, %jit3A_180, %sign3A_192 : i32
      %sign3A_194 = arith.extui %sign3A_193 : i1 to i32
      %sign3A_195 = arith.subi %sign3A_191, %sign3A_194 : i32
      %ne3A_196 = arith.cmpi ne, %sign3A_188, %sign3A_195 : i32
      %rem3A_197 = arith.remsi %scan3A_179, %jit3A_180 : i32
      %ne3A_198 = arith.constant 0 : i32
      %ne3A_199 = arith.cmpi ne, %rem3A_197, %ne3A_198 : i32
      %and3A_200 = arith.andi %ne3A_196, %ne3A_199 : i1
      %sub3A_201 = arith.constant 1 : i32
      %sub3A_202 = arith.subi %div3A_181, %sub3A_201 : i32
      %select_n3A_203 = arith.select %and3A_200, %sub3A_202, %div3A_181 : i32
      %jit3A_204 = arith.constant 8 : i32
      %eq3A_205 = arith.constant 0 : i32
      %eq3A_206 = arith.cmpi eq, %jit3A_204, %eq3A_205 : i32
      %jit3A_207 = arith.constant 1 : i32
      %select_n3A_208 = arith.select %eq3A_206, %jit3A_207, %jit3A_204 : i32
      %rem3A_209 = arith.remsi %scan3A_179, %select_n3A_208 : i32
      %ne3A_210 = arith.constant 0 : i32
      %ne3A_211 = arith.cmpi ne, %rem3A_209, %ne3A_210 : i32
      %lt3A_212 = arith.constant 0 : i32
      %lt3A_213 = arith.cmpi slt, %rem3A_209, %lt3A_212 : i32
      %lt3A_214 = arith.constant 0 : i32
      %lt3A_215 = arith.cmpi slt, %select_n3A_208, %lt3A_214 : i32
      %ne3A_216 = arith.xori %lt3A_213, %lt3A_215 : i1
      %and3A_217 = arith.andi %ne3A_216, %ne3A_211 : i1
      %add3A_218 = arith.addi %rem3A_209, %select_n3A_208 : i32
      %select_n3A_219 = arith.select %and3A_217, %add3A_218, %rem3A_209 : i32
      %mul3A_220 = arith.constant 16 : i32
      %mul3A_221 = arith.muli %select_n3A_219, %mul3A_220 : i32
      %swap3A_222 = arith.index_cast %select_n3A_203 : i32 to index
      %swap3A_223 = arith.index_cast %mul3A_221 : i32 to index
      %swap3A_224 = tpu.vector_load %arg9[%swap3A_222, %swap3A_223] {strides = array<i32>} : memref<125x128xf32, #tpu.memory_space<vmem>>, vector<1x16xf32>,
      %swap3A_225 = vector.shape_cast %swap3A_224 : vector<1x16xf32> to vector<16xf32>
      %swap3A_226 = vector.shape_cast %broadcast_in_dim3A_1 : vector<16xf32> to vector<1x16xf32>
      tpu.vector_store %arg9[%swap3A_222, %swap3A_223], %swap3A_226 {strides = array<i32>} : memref<125x128xf32, #tpu.memory_space<vmem>>, vector<1x16xf32>,
      %scan3A_227 = arith.constant 4 : i32
      %scan3A_228 = arith.addi %scan3A_43, %scan3A_227 : i32
      %jit3A_229 = arith.constant 8 : i32
      %div3A_230 = arith.divsi %scan3A_228, %jit3A_229 : i32
      %sign3A_231 = arith.constant 0 : i32
      %sign3A_232 = arith.cmpi sgt, %scan3A_228, %sign3A_231 : i32
      %sign3A_233 = arith.extui %sign3A_232 : i1 to i32
      %sign3A_234 = arith.constant 0 : i32
      %sign3A_235 = arith.cmpi slt, %scan3A_228, %sign3A_234 : i32
      %sign3A_236 = arith.extui %sign3A_235 : i1 to i32
      %sign3A_237 = arith.subi %sign3A_233, %sign3A_236 : i32
      %sign3A_238 = arith.constant 0 : i32
      %sign3A_239 = arith.cmpi sgt, %jit3A_229, %sign3A_238 : i32
      %sign3A_240 = arith.extui %sign3A_239 : i1 to i32
      %sign3A_241 = arith.constant 0 : i32
      %sign3A_242 = arith.cmpi slt, %jit3A_229, %sign3A_241 : i32
      %sign3A_243 = arith.extui %sign3A_242 : i1 to i32
      %sign3A_244 = arith.subi %sign3A_240, %sign3A_243 : i32
      %ne3A_245 = arith.cmpi ne, %sign3A_237, %sign3A_244 : i32
      %rem3A_246 = arith.remsi %scan3A_228, %jit3A_229 : i32
      %ne3A_247 = arith.constant 0 : i32
      %ne3A_248 = arith.cmpi ne, %rem3A_246, %ne3A_247 : i32
      %and3A_249 = arith.andi %ne3A_245, %ne3A_248 : i1
      %sub3A_250 = arith.constant 1 : i32
      %sub3A_251 = arith.subi %div3A_230, %sub3A_250 : i32
      %select_n3A_252 = arith.select %and3A_249, %sub3A_251, %div3A_230 : i32
      %jit3A_253 = arith.constant 8 : i32
      %eq3A_254 = arith.constant 0 : i32
      %eq3A_255 = arith.cmpi eq, %jit3A_253, %eq3A_254 : i32
      %jit3A_256 = arith.constant 1 : i32
      %select_n3A_257 = arith.select %eq3A_255, %jit3A_256, %jit3A_253 : i32
      %rem3A_258 = arith.remsi %scan3A_228, %select_n3A_257 : i32
      %ne3A_259 = arith.constant 0 : i32
      %ne3A_260 = arith.cmpi ne, %rem3A_258, %ne3A_259 : i32
      %lt3A_261 = arith.constant 0 : i32
      %lt3A_262 = arith.cmpi slt, %rem3A_258, %lt3A_261 : i32
      %lt3A_263 = arith.constant 0 : i32
      %lt3A_264 = arith.cmpi slt, %select_n3A_257, %lt3A_263 : i32
      %ne3A_265 = arith.xori %lt3A_262, %lt3A_264 : i1
      %and3A_266 = arith.andi %ne3A_265, %ne3A_260 : i1
      %add3A_267 = arith.addi %rem3A_258, %select_n3A_257 : i32
      %select_n3A_268 = arith.select %and3A_266, %add3A_267, %rem3A_258 : i32
      %mul3A_269 = arith.constant 16 : i32
      %mul3A_270 = arith.muli %select_n3A_268, %mul3A_269 : i32
      %swap3A_271 = arith.index_cast %select_n3A_252 : i32 to index
      %swap3A_272 = arith.index_cast %mul3A_270 : i32 to index
      %swap3A_273 = tpu.vector_load %arg9[%swap3A_271, %swap3A_272] {strides = array<i32>} : memref<125x128xf32, #tpu.memory_space<vmem>>, vector<1x16xf32>,
      %swap3A_274 = vector.shape_cast %swap3A_273 : vector<1x16xf32> to vector<16xf32>
      %swap3A_275 = vector.shape_cast %broadcast_in_dim3A_1 : vector<16xf32> to vector<1x16xf32>
      tpu.vector_store %arg9[%swap3A_271, %swap3A_272], %swap3A_275 {strides = array<i32>} : memref<125x128xf32, #tpu.memory_space<vmem>>, vector<1x16xf32>,
      %scan3A_276 = arith.constant 5 : i32
      %scan3A_277 = arith.addi %scan3A_43, %scan3A_276 : i32
      %jit3A_278 = arith.constant 8 : i32
      %div3A_279 = arith.divsi %scan3A_277, %jit3A_278 : i32
      %sign3A_280 = arith.constant 0 : i32
      %sign3A_281 = arith.cmpi sgt, %scan3A_277, %sign3A_280 : i32
      %sign3A_282 = arith.extui %sign3A_281 : i1 to i32
      %sign3A_283 = arith.constant 0 : i32
      %sign3A_284 = arith.cmpi slt, %scan3A_277, %sign3A_283 : i32
      %sign3A_285 = arith.extui %sign3A_284 : i1 to i32
      %sign3A_286 = arith.subi %sign3A_282, %sign3A_285 : i32
      %sign3A_287 = arith.constant 0 : i32
      %sign3A_288 = arith.cmpi sgt, %jit3A_278, %sign3A_287 : i32
      %sign3A_289 = arith.extui %sign3A_288 : i1 to i32
      %sign3A_290 = arith.constant 0 : i32
      %sign3A_291 = arith.cmpi slt, %jit3A_278, %sign3A_290 : i32
      %sign3A_292 = arith.extui %sign3A_291 : i1 to i32
      %sign3A_293 = arith.subi %sign3A_289, %sign3A_292 : i32
      %ne3A_294 = arith.cmpi ne, %sign3A_286, %sign3A_293 : i32
      %rem3A_295 = arith.remsi %scan3A_277, %jit3A_278 : i32
      %ne3A_296 = arith.constant 0 : i32
      %ne3A_297 = arith.cmpi ne, %rem3A_295, %ne3A_296 : i32
      %and3A_298 = arith.andi %ne3A_294, %ne3A_297 : i1
      %sub3A_299 = arith.constant 1 : i32
      %sub3A_300 = arith.subi %div3A_279, %sub3A_299 : i32
      %select_n3A_301 = arith.select %and3A_298, %sub3A_300, %div3A_279 : i32
      %jit3A_302 = arith.constant 8 : i32
      %eq3A_303 = arith.constant 0 : i32
      %eq3A_304 = arith.cmpi eq, %jit3A_302, %eq3A_303 : i32
      %jit3A_305 = arith.constant 1 : i32
      %select_n3A_306 = arith.select %eq3A_304, %jit3A_305, %jit3A_302 : i32
      %rem3A_307 = arith.remsi %scan3A_277, %select_n3A_306 : i32
      %ne3A_308 = arith.constant 0 : i32
      %ne3A_309 = arith.cmpi ne, %rem3A_307, %ne3A_308 : i32
      %lt3A_310 = arith.constant 0 : i32
      %lt3A_311 = arith.cmpi slt, %rem3A_307, %lt3A_310 : i32
      %lt3A_312 = arith.constant 0 : i32
      %lt3A_313 = arith.cmpi slt, %select_n3A_306, %lt3A_312 : i32
      %ne3A_314 = arith.xori %lt3A_311, %lt3A_313 : i1
      %and3A_315 = arith.andi %ne3A_314, %ne3A_309 : i1
      %add3A_316 = arith.addi %rem3A_307, %select_n3A_306 : i32
      %select_n3A_317 = arith.select %and3A_315, %add3A_316, %rem3A_307 : i32
      %mul3A_318 = arith.constant 16 : i32
      %mul3A_319 = arith.muli %select_n3A_317, %mul3A_318 : i32
      %swap3A_320 = arith.index_cast %select_n3A_301 : i32 to index
      %swap3A_321 = arith.index_cast %mul3A_319 : i32 to index
      %swap3A_322 = tpu.vector_load %arg9[%swap3A_320, %swap3A_321] {strides = array<i32>} : memref<125x128xf32, #tpu.memory_space<vmem>>, vector<1x16xf32>,
      %swap3A_323 = vector.shape_cast %swap3A_322 : vector<1x16xf32> to vector<16xf32>
      %swap3A_324 = vector.shape_cast %broadcast_in_dim3A_1 : vector<16xf32> to vector<1x16xf32>
      tpu.vector_store %arg9[%swap3A_320, %swap3A_321], %swap3A_324 {strides = array<i32>} : memref<125x128xf32, #tpu.memory_space<vmem>>, vector<1x16xf32>,
      %scan3A_325 = arith.constant 6 : i32
      %scan3A_326 = arith.addi %scan3A_43, %scan3A_325 : i32
      %jit3A_327 = arith.constant 8 : i32
      %div3A_328 = arith.divsi %scan3A_326, %jit3A_327 : i32
      %sign3A_329 = arith.constant 0 : i32
      %sign3A_330 = arith.cmpi sgt, %scan3A_326, %sign3A_329 : i32
      %sign3A_331 = arith.extui %sign3A_330 : i1 to i32
      %sign3A_332 = arith.constant 0 : i32
      %sign3A_333 = arith.cmpi slt, %scan3A_326, %sign3A_332 : i32
      %sign3A_334 = arith.extui %sign3A_333 : i1 to i32
      %sign3A_335 = arith.subi %sign3A_331, %sign3A_334 : i32
      %sign3A_336 = arith.constant 0 : i32
      %sign3A_337 = arith.cmpi sgt, %jit3A_327, %sign3A_336 : i32
      %sign3A_338 = arith.extui %sign3A_337 : i1 to i32
      %sign3A_339 = arith.constant 0 : i32
      %sign3A_340 = arith.cmpi slt, %jit3A_327, %sign3A_339 : i32
      %sign3A_341 = arith.extui %sign3A_340 : i1 to i32
      %sign3A_342 = arith.subi %sign3A_338, %sign3A_341 : i32
      %ne3A_343 = arith.cmpi ne, %sign3A_335, %sign3A_342 : i32
      %rem3A_344 = arith.remsi %scan3A_326, %jit3A_327 : i32
      %ne3A_345 = arith.constant 0 : i32
      %ne3A_346 = arith.cmpi ne, %rem3A_344, %ne3A_345 : i32
      %and3A_347 = arith.andi %ne3A_343, %ne3A_346 : i1
      %sub3A_348 = arith.constant 1 : i32
      %sub3A_349 = arith.subi %div3A_328, %sub3A_348 : i32
      %select_n3A_350 = arith.select %and3A_347, %sub3A_349, %div3A_328 : i32
      %jit3A_351 = arith.constant 8 : i32
      %eq3A_352 = arith.constant 0 : i32
      %eq3A_353 = arith.cmpi eq, %jit3A_351, %eq3A_352 : i32
      %jit3A_354 = arith.constant 1 : i32
      %select_n3A_355 = arith.select %eq3A_353, %jit3A_354, %jit3A_351 : i32
      %rem3A_356 = arith.remsi %scan3A_326, %select_n3A_355 : i32
      %ne3A_357 = arith.constant 0 : i32
      %ne3A_358 = arith.cmpi ne, %rem3A_356, %ne3A_357 : i32
      %lt3A_359 = arith.constant 0 : i32
      %lt3A_360 = arith.cmpi slt, %rem3A_356, %lt3A_359 : i32
      %lt3A_361 = arith.constant 0 : i32
      %lt3A_362 = arith.cmpi slt, %select_n3A_355, %lt3A_361 : i32
      %ne3A_363 = arith.xori %lt3A_360, %lt3A_362 : i1
      %and3A_364 = arith.andi %ne3A_363, %ne3A_358 : i1
      %add3A_365 = arith.addi %rem3A_356, %select_n3A_355 : i32
      %select_n3A_366 = arith.select %and3A_364, %add3A_365, %rem3A_356 : i32
      %mul3A_367 = arith.constant 16 : i32
      %mul3A_368 = arith.muli %select_n3A_366, %mul3A_367 : i32
      %swap3A_369 = arith.index_cast %select_n3A_350 : i32 to index
      %swap3A_370 = arith.index_cast %mul3A_368 : i32 to index
      %swap3A_371 = tpu.vector_load %arg9[%swap3A_369, %swap3A_370] {strides = array<i32>} : memref<125x128xf32, #tpu.memory_space<vmem>>, vector<1x16xf32>,
      %swap3A_372 = vector.shape_cast %swap3A_371 : vector<1x16xf32> to vector<16xf32>
      %swap3A_373 = vector.shape_cast %broadcast_in_dim3A_1 : vector<16xf32> to vector<1x16xf32>
      tpu.vector_store %arg9[%swap3A_369, %swap3A_370], %swap3A_373 {strides = array<i32>} : memref<125x128xf32, #tpu.memory_space<vmem>>, vector<1x16xf32>,
      %scan3A_374 = arith.constant 7 : i32
      %scan3A_375 = arith.addi %scan3A_43, %scan3A_374 : i32
      %jit3A_376 = arith.constant 8 : i32
      %div3A_377 = arith.divsi %scan3A_375, %jit3A_376 : i32
      %sign3A_378 = arith.constant 0 : i32
      %sign3A_379 = arith.cmpi sgt, %scan3A_375, %sign3A_378 : i32
      %sign3A_380 = arith.extui %sign3A_379 : i1 to i32
      %sign3A_381 = arith.constant 0 : i32
      %sign3A_382 = arith.cmpi slt, %scan3A_375, %sign3A_381 : i32
      %sign3A_383 = arith.extui %sign3A_382 : i1 to i32
      %sign3A_384 = arith.subi %sign3A_380, %sign3A_383 : i32
      %sign3A_385 = arith.constant 0 : i32
      %sign3A_386 = arith.cmpi sgt, %jit3A_376, %sign3A_385 : i32
      %sign3A_387 = arith.extui %sign3A_386 : i1 to i32
      %sign3A_388 = arith.constant 0 : i32
      %sign3A_389 = arith.cmpi slt, %jit3A_376, %sign3A_388 : i32
      %sign3A_390 = arith.extui %sign3A_389 : i1 to i32
      %sign3A_391 = arith.subi %sign3A_387, %sign3A_390 : i32
      %ne3A_392 = arith.cmpi ne, %sign3A_384, %sign3A_391 : i32
      %rem3A_393 = arith.remsi %scan3A_375, %jit3A_376 : i32
      %ne3A_394 = arith.constant 0 : i32
      %ne3A_395 = arith.cmpi ne, %rem3A_393, %ne3A_394 : i32
      %and3A_396 = arith.andi %ne3A_392, %ne3A_395 : i1
      %sub3A_397 = arith.constant 1 : i32
      %sub3A_398 = arith.subi %div3A_377, %sub3A_397 : i32
      %select_n3A_399 = arith.select %and3A_396, %sub3A_398, %div3A_377 : i32
      %jit3A_400 = arith.constant 8 : i32
      %eq3A_401 = arith.constant 0 : i32
      %eq3A_402 = arith.cmpi eq, %jit3A_400, %eq3A_401 : i32
      %jit3A_403 = arith.constant 1 : i32
      %select_n3A_404 = arith.select %eq3A_402, %jit3A_403, %jit3A_400 : i32
      %rem3A_405 = arith.remsi %scan3A_375, %select_n3A_404 : i32
      %ne3A_406 = arith.constant 0 : i32
      %ne3A_407 = arith.cmpi ne, %rem3A_405, %ne3A_406 : i32
      %lt3A_408 = arith.constant 0 : i32
      %lt3A_409 = arith.cmpi slt, %rem3A_405, %lt3A_408 : i32
      %lt3A_410 = arith.constant 0 : i32
      %lt3A_411 = arith.cmpi slt, %select_n3A_404, %lt3A_410 : i32
      %ne3A_412 = arith.xori %lt3A_409, %lt3A_411 : i1
      %and3A_413 = arith.andi %ne3A_412, %ne3A_407 : i1
      %add3A_414 = arith.addi %rem3A_405, %select_n3A_404 : i32
      %select_n3A_415 = arith.select %and3A_413, %add3A_414, %rem3A_405 : i32
      %mul3A_416 = arith.constant 16 : i32
      %mul3A_417 = arith.muli %select_n3A_415, %mul3A_416 : i32
      %swap3A_418 = arith.index_cast %select_n3A_399 : i32 to index
      %swap3A_419 = arith.index_cast %mul3A_417 : i32 to index
      %swap3A_420 = tpu.vector_load %arg9[%swap3A_418, %swap3A_419] {strides = array<i32>} : memref<125x128xf32, #tpu.memory_space<vmem>>, vector<1x16xf32>,
      %swap3A_421 = vector.shape_cast %swap3A_420 : vector<1x16xf32> to vector<16xf32>
      %swap3A_422 = vector.shape_cast %broadcast_in_dim3A_1 : vector<16xf32> to vector<1x16xf32>
      tpu.vector_store %arg9[%swap3A_418, %swap3A_419], %swap3A_422 {strides = array<i32>} : memref<125x128xf32, #tpu.memory_space<vmem>>, vector<1x16xf32>,
    }
    %scan3A_6 = arith.constant 512 : i32
    %scan3A_7 = arith.constant 0 : i32
    %scan3A_8 = arith.constant 0 : i32
    %scan3A_9 = arith.constant 10 : i32
    %scan3A_10 = arith.addi %scan3A_8, %scan3A_9 : i32
    %scan3A_11 = arith.constant 1 : i32
    scf.for %scan3A_43 = %scan3A_8 to %scan3A_10 step %scan3A_11  : i32 {
      %mul3A_44 = arith.constant 640 : i32
      %mul3A_45 = arith.muli %arg1, %mul3A_44 : i32
      %mul3A_46 = arith.constant 64 : i32
      %mul3A_47 = arith.muli %scan3A_43, %mul3A_46 : i32
      %add3A_48 = arith.addi %mul3A_45, %mul3A_47 : i32
      "tpu.region"() ({
        %run_scoped3A = tpu.sem_alloc : memref<!tpu.dma_semaphore, #tpu.memory_space<semaphore_mem>>
        %dma_start3A_49 = arith.constant 0 : i32
        %dma_start3A_50 = arith.constant 0 : i32
        %dma_start3A_51 = tpu.memref_slice %arg9[%dma_start3A_49, %dma_start3A_50] : memref<125x128xf32, #tpu.memory_space<vmem>> -> memref<64x128xf32, #tpu.memory_space<vmem>>
        %dma_start3A_52 = arith.constant 0 : i32
        %dma_start3A_53 = tpu.memref_slice %arg6[%add3A_48, %dma_start3A_52] : memref<10240x128xf32, #tpu.memory_space<vmem_shared>> -> memref<64x128xf32, #tpu.memory_space<vmem_shared>>
        %dma_start3A_54 = arith.constant 0 : i32
        %dma_start3A_55 = tpu.memref_slice %arg6[%add3A_48, %dma_start3A_54] : memref<10240x128xf32, #tpu.memory_space<vmem_shared>> -> memref<64x128xf32, #tpu.memory_space<vmem_shared>>
        %dma_start3A_56 = arith.constant 0 : i32
        %dma_start3A_57 = arith.constant 0 : i32
        %dma_start3A_58 = tpu.memref_slice %arg9[%dma_start3A_56, %dma_start3A_57] : memref<125x128xf32, #tpu.memory_space<vmem>> -> memref<64x128xf32, #tpu.memory_space<vmem>>
        tpu.enqueue_dma source(%dma_start3A_58 : memref<64x128xf32, #tpu.memory_space<vmem>>) target(%dma_start3A_55 : memref<64x128xf32, #tpu.memory_space<vmem_shared>>) target_semaphore(%run_scoped3A : memref<!tpu.dma_semaphore, #tpu.memory_space<semaphore_mem>>)
        %dma_wait3A = arith.constant 0 : i32
        %dma_wait3A_59 = arith.constant 0 : i32
        %dma_wait3A_60 = tpu.memref_slice %arg9[%dma_wait3A, %dma_wait3A_59] : memref<125x128xf32, #tpu.memory_space<vmem>> -> memref<64x128xf32, #tpu.memory_space<vmem>>
        %dma_wait3A_61 = arith.constant 0 : i32
        %dma_wait3A_62 = tpu.memref_slice %arg6[%add3A_48, %dma_wait3A_61] : memref<10240x128xf32, #tpu.memory_space<vmem_shared>> -> memref<64x128xf32, #tpu.memory_space<vmem_shared>>
        %dma_wait3A_63 = arith.constant 0 : i32
        %dma_wait3A_64 = tpu.memref_slice %arg6[%add3A_48, %dma_wait3A_63] : memref<10240x128xf32, #tpu.memory_space<vmem_shared>> -> memref<64x128xf32, #tpu.memory_space<vmem_shared>>
        %dma_wait3A_65 = arith.constant 0 : i32
        %dma_wait3A_66 = arith.constant 0 : i32
        %dma_wait3A_67 = tpu.memref_slice %arg9[%dma_wait3A_65, %dma_wait3A_66] : memref<125x128xf32, #tpu.memory_space<vmem>> -> memref<64x128xf32, #tpu.memory_space<vmem>>
        tpu.wait_dma2 semaphore(%run_scoped3A : memref<!tpu.dma_semaphore, #tpu.memory_space<semaphore_mem>>) src(%dma_wait3A_67 : memref<64x128xf32, #tpu.memory_space<vmem>>) dst(%dma_wait3A_64 : memref<64x128xf32, #tpu.memory_space<vmem_shared>>)
        tpu.yield
      }) : () -> ()
    }
    %scan3A_12 = arith.constant 10 : i32
    %barrier3A = arith.constant 0 : index
    tpu.barrier barrier_id(%barrier3A)
    "tpu.region"() ({
      %run_scoped3A = tpu.sem_alloc : memref<!tpu.dma_semaphore, #tpu.memory_space<semaphore_mem>>
      %dma_start3A_43 = arith.constant 0 : i32
      %dma_start3A_44 = arith.constant 0 : i32
      %dma_start3A_45 = tpu.memref_slice %arg3[%add3A, %dma_start3A_43, %dma_start3A_44] : memref<32x80x125xi32, #tpu.memory_space<hbm>> -> memref<1x40x125xi32, #tpu.memory_space<hbm>>
      %dma_start3A_46 = tpu.memref_squeeze %dma_start3A_45 : memref<1x40x125xi32, #tpu.memory_space<hbm>> -> memref<40x125xi32, #tpu.memory_space<hbm>>
      %dma_start3A_47 = arith.constant 0 : i32
      %dma_start3A_48 = arith.constant 0 : i32
      %dma_start3A_49 = tpu.memref_slice %arg3[%add3A, %dma_start3A_47, %dma_start3A_48] : memref<32x80x125xi32, #tpu.memory_space<hbm>> -> memref<1x40x125xi32, #tpu.memory_space<hbm>>
      %dma_start3A_50 = tpu.memref_squeeze %dma_start3A_49 : memref<1x40x125xi32, #tpu.memory_space<hbm>> -> memref<40x125xi32, #tpu.memory_space<hbm>>
      tpu.enqueue_dma source(%dma_start3A_50 : memref<40x125xi32, #tpu.memory_space<hbm>>) target(%arg7 : memref<40x125xi32, #tpu.memory_space<vmem>>) target_semaphore(%run_scoped3A : memref<!tpu.dma_semaphore, #tpu.memory_space<semaphore_mem>>)
      %dma_wait3A = arith.constant 0 : i32
      %dma_wait3A_51 = arith.constant 0 : i32
      %dma_wait3A_52 = tpu.memref_slice %arg3[%add3A, %dma_wait3A, %dma_wait3A_51] : memref<32x80x125xi32, #tpu.memory_space<hbm>> -> memref<1x40x125xi32, #tpu.memory_space<hbm>>
      %dma_wait3A_53 = tpu.memref_squeeze %dma_wait3A_52 : memref<1x40x125xi32, #tpu.memory_space<hbm>> -> memref<40x125xi32, #tpu.memory_space<hbm>>
      %dma_wait3A_54 = arith.constant 0 : i32
      %dma_wait3A_55 = arith.constant 0 : i32
      %dma_wait3A_56 = tpu.memref_slice %arg3[%add3A, %dma_wait3A_54, %dma_wait3A_55] : memref<32x80x125xi32, #tpu.memory_space<hbm>> -> memref<1x40x125xi32, #tpu.memory_space<hbm>>
      %dma_wait3A_57 = tpu.memref_squeeze %dma_wait3A_56 : memref<1x40x125xi32, #tpu.memory_space<hbm>> -> memref<40x125xi32, #tpu.memory_space<hbm>>
      tpu.wait_dma2 semaphore(%run_scoped3A : memref<!tpu.dma_semaphore, #tpu.memory_space<semaphore_mem>>) src(%dma_wait3A_57 : memref<40x125xi32, #tpu.memory_space<hbm>>) dst(%arg7 : memref<40x125xi32, #tpu.memory_space<vmem>>)
      tpu.yield
    }) : () -> ()
    "tpu.region"() ({
      %run_scoped3A = tpu.sem_alloc : memref<!tpu.dma_semaphore, #tpu.memory_space<semaphore_mem>>
      %dma_start3A_43 = arith.constant 0 : i32
      %dma_start3A_44 = arith.constant 0 : i32
      %dma_start3A_45 = tpu.memref_slice %arg4[%add3A, %dma_start3A_43, %dma_start3A_44] : memref<32x80x125xi32, #tpu.memory_space<hbm>> -> memref<1x40x125xi32, #tpu.memory_space<hbm>>
      %dma_start3A_46 = tpu.memref_squeeze %dma_start3A_45 : memref<1x40x125xi32, #tpu.memory_space<hbm>> -> memref<40x125xi32, #tpu.memory_space<hbm>>
      %dma_start3A_47 = arith.constant 0 : i32
      %dma_start3A_48 = arith.constant 0 : i32
      %dma_start3A_49 = tpu.memref_slice %arg4[%add3A, %dma_start3A_47, %dma_start3A_48] : memref<32x80x125xi32, #tpu.memory_space<hbm>> -> memref<1x40x125xi32, #tpu.memory_space<hbm>>
      %dma_start3A_50 = tpu.memref_squeeze %dma_start3A_49 : memref<1x40x125xi32, #tpu.memory_space<hbm>> -> memref<40x125xi32, #tpu.memory_space<hbm>>
      tpu.enqueue_dma source(%dma_start3A_50 : memref<40x125xi32, #tpu.memory_space<hbm>>) target(%arg8 : memref<40x125xi32, #tpu.memory_space<vmem>>) target_semaphore(%run_scoped3A : memref<!tpu.dma_semaphore, #tpu.memory_space<semaphore_mem>>)
      %dma_wait3A = arith.constant 0 : i32
      %dma_wait3A_51 = arith.constant 0 : i32
      %dma_wait3A_52 = tpu.memref_slice %arg4[%add3A, %dma_wait3A, %dma_wait3A_51] : memref<32x80x125xi32, #tpu.memory_space<hbm>> -> memref<1x40x125xi32, #tpu.memory_space<hbm>>
      %dma_wait3A_53 = tpu.memref_squeeze %dma_wait3A_52 : memref<1x40x125xi32, #tpu.memory_space<hbm>> -> memref<40x125xi32, #tpu.memory_space<hbm>>
      %dma_wait3A_54 = arith.constant 0 : i32
      %dma_wait3A_55 = arith.constant 0 : i32
      %dma_wait3A_56 = tpu.memref_slice %arg4[%add3A, %dma_wait3A_54, %dma_wait3A_55] : memref<32x80x125xi32, #tpu.memory_space<hbm>> -> memref<1x40x125xi32, #tpu.memory_space<hbm>>
      %dma_wait3A_57 = tpu.memref_squeeze %dma_wait3A_56 : memref<1x40x125xi32, #tpu.memory_space<hbm>> -> memref<40x125xi32, #tpu.memory_space<hbm>>
      tpu.wait_dma2 semaphore(%run_scoped3A : memref<!tpu.dma_semaphore, #tpu.memory_space<semaphore_mem>>) src(%dma_wait3A_57 : memref<40x125xi32, #tpu.memory_space<hbm>>) dst(%arg8 : memref<40x125xi32, #tpu.memory_space<vmem>>)
      tpu.yield
    }) : () -> ()
    %dma_start3A = arith.constant 0 : i32
    %dma_start3A_13 = arith.constant 0 : i32
    %dma_start3A_14 = tpu.memref_slice %arg7[%dma_start3A, %dma_start3A_13] : memref<40x125xi32, #tpu.memory_space<vmem>> -> memref<1x125xi32, #tpu.memory_space<vmem>>
    %dma_start3A_15 = tpu.memref_squeeze %dma_start3A_14 : memref<1x125xi32, #tpu.memory_space<vmem>> -> memref<125xi32, #tpu.memory_space<vmem>>
    %dma_start3A_16 = arith.constant 0 : i32
    %dma_start3A_17 = arith.constant 0 : i32
    %dma_start3A_18 = tpu.memref_slice %arg2[%dma_start3A_16, %dma_start3A_17] : memref<10000x128xf32, #tpu.memory_space<hbm>> -> memref<10000x128xf32, #tpu.memory_space<hbm>>
    tpu.enqueue_indirect_dma source(%dma_start3A_18 : memref<10000x128xf32, #tpu.memory_space<hbm>>) target(%arg9 : memref<125x128xf32, #tpu.memory_space<vmem>>) offsets(%dma_start3A_15 : memref<125xi32, #tpu.memory_space<vmem>>) semaphore(%arg11 : memref<!tpu.dma_semaphore, #tpu.memory_space<semaphore_mem>>)
    %scan3A_19 = arith.constant 0 : i32
    %scan3A_20 = arith.constant 0 : i32
    %scan3A_21 = arith.constant 20 : i32
    %scan3A_22 = arith.addi %scan3A_20, %scan3A_21 : i32
    %scan3A_23 = arith.constant 1 : i32
    scf.for %scan3A_43 = %scan3A_20 to %scan3A_22 step %scan3A_23  : i32 {
      %mul3A_44 = arith.constant 2 : i32
      %mul3A_45 = arith.muli %scan3A_43, %mul3A_44 : i32
      %add3A_46 = arith.constant 0 : i32
      %add3A_47 = arith.addi %mul3A_45, %add3A_46 : i32
      %add3A_48 = arith.constant 1 : i32
      %add3A_49 = arith.addi %add3A_47, %add3A_48 : i32
      %lt3A = arith.constant 40 : i32
      %lt3A_50 = arith.cmpi slt, %add3A_49, %lt3A : i32
      %convert_element_type3A = arith.extui %lt3A_50 : i1 to i32
      %cond3A = arith.constant 0 : i32
      %cond3A_51 = arith.cmpi ne, %convert_element_type3A, %cond3A : i32
      scf.if %cond3A_51 {
        %add3A_74 = arith.constant 1 : i32
        %add3A_75 = arith.addi %add3A_47, %add3A_74 : i32
        %dma_start3A_76 = arith.constant 0 : i32
        %dma_start3A_77 = tpu.memref_slice %arg7[%add3A_75, %dma_start3A_76] : memref<40x125xi32, #tpu.memory_space<vmem>> -> memref<1x125xi32, #tpu.memory_space<vmem>>
        %dma_start3A_78 = tpu.memref_squeeze %dma_start3A_77 : memref<1x125xi32, #tpu.memory_space<vmem>> -> memref<125xi32, #tpu.memory_space<vmem>>
        %dma_start3A_79 = arith.constant 0 : i32
        %dma_start3A_80 = arith.constant 0 : i32
        %dma_start3A_81 = tpu.memref_slice %arg2[%dma_start3A_79, %dma_start3A_80] : memref<10000x128xf32, #tpu.memory_space<hbm>> -> memref<10000x128xf32, #tpu.memory_space<hbm>>
        tpu.enqueue_indirect_dma source(%dma_start3A_81 : memref<10000x128xf32, #tpu.memory_space<hbm>>) target(%arg10 : memref<125x128xf32, #tpu.memory_space<vmem>>) offsets(%dma_start3A_78 : memref<125xi32, #tpu.memory_space<vmem>>) semaphore(%arg12 : memref<!tpu.dma_semaphore, #tpu.memory_space<semaphore_mem>>)
      } else {
      }
      %dma_wait3A = arith.constant 0 : i32
      %dma_wait3A_52 = tpu.memref_slice %arg7[%add3A_47, %dma_wait3A] : memref<40x125xi32, #tpu.memory_space<vmem>> -> memref<1x125xi32, #tpu.memory_space<vmem>>
      %dma_wait3A_53 = tpu.memref_squeeze %dma_wait3A_52 : memref<1x125xi32, #tpu.memory_space<vmem>> -> memref<125xi32, #tpu.memory_space<vmem>>
      %dma_wait3A_54 = arith.constant 0 : i32
      %dma_wait3A_55 = arith.constant 0 : i32
      %dma_wait3A_56 = tpu.memref_slice %arg2[%dma_wait3A_54, %dma_wait3A_55] : memref<10000x128xf32, #tpu.memory_space<hbm>> -> memref<10000x128xf32, #tpu.memory_space<hbm>>
      tpu.wait_indirect_dma semaphore(%arg11 : memref<!tpu.dma_semaphore, #tpu.memory_space<semaphore_mem>>) src(%dma_wait3A_56 : memref<10000x128xf32, #tpu.memory_space<hbm>>) dst(%arg9 : memref<125x128xf32, #tpu.memory_space<vmem>>)
      "tpu.region"() ({
        %run_scoped3A = tpu.sem_alloc : memref<!tpu.dma_semaphore, #tpu.memory_space<semaphore_mem>>
        %dma_start3A_74 = arith.constant 0 : i32
        %dma_start3A_75 = tpu.memref_slice %arg8[%add3A_47, %dma_start3A_74] : memref<40x125xi32, #tpu.memory_space<vmem>> -> memref<1x125xi32, #tpu.memory_space<vmem>>
        %dma_start3A_76 = tpu.memref_squeeze %dma_start3A_75 : memref<1x125xi32, #tpu.memory_space<vmem>> -> memref<125xi32, #tpu.memory_space<vmem>>
        %dma_start3A_77 = arith.constant 0 : i32
        %dma_start3A_78 = arith.constant 0 : i32
        %dma_start3A_79 = tpu.memref_slice %arg6[%dma_start3A_77, %dma_start3A_78] : memref<10240x128xf32, #tpu.memory_space<vmem_shared>> -> memref<10240x128xf32, #tpu.memory_space<vmem_shared>>
        tpu.enqueue_indirect_dma source(%arg9 : memref<125x128xf32, #tpu.memory_space<vmem>>) target(%dma_start3A_79 : memref<10240x128xf32, #tpu.memory_space<vmem_shared>>) offsets(%dma_start3A_76 : memref<125xi32, #tpu.memory_space<vmem>>) semaphore(%run_scoped3A : memref<!tpu.dma_semaphore, #tpu.memory_space<semaphore_mem>>) {add = true}
        %dma_wait3A_80 = arith.constant 0 : i32
        %dma_wait3A_81 = tpu.memref_slice %arg8[%add3A_47, %dma_wait3A_80] : memref<40x125xi32, #tpu.memory_space<vmem>> -> memref<1x125xi32, #tpu.memory_space<vmem>>
        %dma_wait3A_82 = tpu.memref_squeeze %dma_wait3A_81 : memref<1x125xi32, #tpu.memory_space<vmem>> -> memref<125xi32, #tpu.memory_space<vmem>>
        %dma_wait3A_83 = arith.constant 0 : i32
        %dma_wait3A_84 = arith.constant 0 : i32
        %dma_wait3A_85 = tpu.memref_slice %arg6[%dma_wait3A_83, %dma_wait3A_84] : memref<10240x128xf32, #tpu.memory_space<vmem_shared>> -> memref<10240x128xf32, #tpu.memory_space<vmem_shared>>
        tpu.wait_indirect_dma semaphore(%run_scoped3A : memref<!tpu.dma_semaphore, #tpu.memory_space<semaphore_mem>>) src(%arg9 : memref<125x128xf32, #tpu.memory_space<vmem>>) dst(%dma_wait3A_85 : memref<10240x128xf32, #tpu.memory_space<vmem_shared>>)
        tpu.yield
      }) : () -> ()
      %mul3A_57 = arith.constant 2 : i32
      %mul3A_58 = arith.muli %scan3A_43, %mul3A_57 : i32
      %add3A_59 = arith.constant 1 : i32
      %add3A_60 = arith.addi %mul3A_58, %add3A_59 : i32
      %add3A_61 = arith.constant 1 : i32
      %add3A_62 = arith.addi %add3A_60, %add3A_61 : i32
      %lt3A_63 = arith.constant 40 : i32
      %lt3A_64 = arith.cmpi slt, %add3A_62, %lt3A_63 : i32
      %convert_element_type3A_65 = arith.extui %lt3A_64 : i1 to i32
      %cond3A_66 = arith.constant 0 : i32
      %cond3A_67 = arith.cmpi ne, %convert_element_type3A_65, %cond3A_66 : i32
      scf.if %cond3A_67 {
        %add3A_74 = arith.constant 1 : i32
        %add3A_75 = arith.addi %add3A_60, %add3A_74 : i32
        %dma_start3A_76 = arith.constant 0 : i32
        %dma_start3A_77 = tpu.memref_slice %arg7[%add3A_75, %dma_start3A_76] : memref<40x125xi32, #tpu.memory_space<vmem>> -> memref<1x125xi32, #tpu.memory_space<vmem>>
        %dma_start3A_78 = tpu.memref_squeeze %dma_start3A_77 : memref<1x125xi32, #tpu.memory_space<vmem>> -> memref<125xi32, #tpu.memory_space<vmem>>
        %dma_start3A_79 = arith.constant 0 : i32
        %dma_start3A_80 = arith.constant 0 : i32
        %dma_start3A_81 = tpu.memref_slice %arg2[%dma_start3A_79, %dma_start3A_80] : memref<10000x128xf32, #tpu.memory_space<hbm>> -> memref<10000x128xf32, #tpu.memory_space<hbm>>
        tpu.enqueue_indirect_dma source(%dma_start3A_81 : memref<10000x128xf32, #tpu.memory_space<hbm>>) target(%arg9 : memref<125x128xf32, #tpu.memory_space<vmem>>) offsets(%dma_start3A_78 : memref<125xi32, #tpu.memory_space<vmem>>) semaphore(%arg11 : memref<!tpu.dma_semaphore, #tpu.memory_space<semaphore_mem>>)
      } else {
      }
      %dma_wait3A_68 = arith.constant 0 : i32
      %dma_wait3A_69 = tpu.memref_slice %arg7[%add3A_60, %dma_wait3A_68] : memref<40x125xi32, #tpu.memory_space<vmem>> -> memref<1x125xi32, #tpu.memory_space<vmem>>
      %dma_wait3A_70 = tpu.memref_squeeze %dma_wait3A_69 : memref<1x125xi32, #tpu.memory_space<vmem>> -> memref<125xi32, #tpu.memory_space<vmem>>
      %dma_wait3A_71 = arith.constant 0 : i32
      %dma_wait3A_72 = arith.constant 0 : i32
      %dma_wait3A_73 = tpu.memref_slice %arg2[%dma_wait3A_71, %dma_wait3A_72] : memref<10000x128xf32, #tpu.memory_space<hbm>> -> memref<10000x128xf32, #tpu.memory_space<hbm>>
      tpu.wait_indirect_dma semaphore(%arg12 : memref<!tpu.dma_semaphore, #tpu.memory_space<semaphore_mem>>) src(%dma_wait3A_73 : memref<10000x128xf32, #tpu.memory_space<hbm>>) dst(%arg10 : memref<125x128xf32, #tpu.memory_space<vmem>>)
      "tpu.region"() ({
        %run_scoped3A = tpu.sem_alloc : memref<!tpu.dma_semaphore, #tpu.memory_space<semaphore_mem>>
        %dma_start3A_74 = arith.constant 0 : i32
        %dma_start3A_75 = tpu.memref_slice %arg8[%add3A_60, %dma_start3A_74] : memref<40x125xi32, #tpu.memory_space<vmem>> -> memref<1x125xi32, #tpu.memory_space<vmem>>
        %dma_start3A_76 = tpu.memref_squeeze %dma_start3A_75 : memref<1x125xi32, #tpu.memory_space<vmem>> -> memref<125xi32, #tpu.memory_space<vmem>>
        %dma_start3A_77 = arith.constant 0 : i32
        %dma_start3A_78 = arith.constant 0 : i32
        %dma_start3A_79 = tpu.memref_slice %arg6[%dma_start3A_77, %dma_start3A_78] : memref<10240x128xf32, #tpu.memory_space<vmem_shared>> -> memref<10240x128xf32, #tpu.memory_space<vmem_shared>>
        tpu.enqueue_indirect_dma source(%arg10 : memref<125x128xf32, #tpu.memory_space<vmem>>) target(%dma_start3A_79 : memref<10240x128xf32, #tpu.memory_space<vmem_shared>>) offsets(%dma_start3A_76 : memref<125xi32, #tpu.memory_space<vmem>>) semaphore(%run_scoped3A : memref<!tpu.dma_semaphore, #tpu.memory_space<semaphore_mem>>) {add = true}
        %dma_wait3A_80 = arith.constant 0 : i32
        %dma_wait3A_81 = tpu.memref_slice %arg8[%add3A_60, %dma_wait3A_80] : memref<40x125xi32, #tpu.memory_space<vmem>> -> memref<1x125xi32, #tpu.memory_space<vmem>>
        %dma_wait3A_82 = tpu.memref_squeeze %dma_wait3A_81 : memref<1x125xi32, #tpu.memory_space<vmem>> -> memref<125xi32, #tpu.memory_space<vmem>>
        %dma_wait3A_83 = arith.constant 0 : i32
        %dma_wait3A_84 = arith.constant 0 : i32
        %dma_wait3A_85 = tpu.memref_slice %arg6[%dma_wait3A_83, %dma_wait3A_84] : memref<10240x128xf32, #tpu.memory_space<vmem_shared>> -> memref<10240x128xf32, #tpu.memory_space<vmem_shared>>
        tpu.wait_indirect_dma semaphore(%run_scoped3A : memref<!tpu.dma_semaphore, #tpu.memory_space<semaphore_mem>>) src(%arg10 : memref<125x128xf32, #tpu.memory_space<vmem>>) dst(%dma_wait3A_85 : memref<10240x128xf32, #tpu.memory_space<vmem_shared>>)
        tpu.yield
      }) : () -> ()
    }
    %scan3A_24 = arith.constant 20 : i32
    "tpu.region"() ({
      %run_scoped3A = tpu.sem_alloc : memref<!tpu.dma_semaphore, #tpu.memory_space<semaphore_mem>>
      %dma_start3A_43 = arith.constant 40 : i32
      %dma_start3A_44 = arith.constant 0 : i32
      %dma_start3A_45 = tpu.memref_slice %arg3[%add3A, %dma_start3A_43, %dma_start3A_44] : memref<32x80x125xi32, #tpu.memory_space<hbm>> -> memref<1x40x125xi32, #tpu.memory_space<hbm>>
      %dma_start3A_46 = tpu.memref_squeeze %dma_start3A_45 : memref<1x40x125xi32, #tpu.memory_space<hbm>> -> memref<40x125xi32, #tpu.memory_space<hbm>>
      %dma_start3A_47 = arith.constant 40 : i32
      %dma_start3A_48 = arith.constant 0 : i32
      %dma_start3A_49 = tpu.memref_slice %arg3[%add3A, %dma_start3A_47, %dma_start3A_48] : memref<32x80x125xi32, #tpu.memory_space<hbm>> -> memref<1x40x125xi32, #tpu.memory_space<hbm>>
      %dma_start3A_50 = tpu.memref_squeeze %dma_start3A_49 : memref<1x40x125xi32, #tpu.memory_space<hbm>> -> memref<40x125xi32, #tpu.memory_space<hbm>>
      tpu.enqueue_dma source(%dma_start3A_50 : memref<40x125xi32, #tpu.memory_space<hbm>>) target(%arg7 : memref<40x125xi32, #tpu.memory_space<vmem>>) target_semaphore(%run_scoped3A : memref<!tpu.dma_semaphore, #tpu.memory_space<semaphore_mem>>)
      %dma_wait3A = arith.constant 40 : i32
      %dma_wait3A_51 = arith.constant 0 : i32
      %dma_wait3A_52 = tpu.memref_slice %arg3[%add3A, %dma_wait3A, %dma_wait3A_51] : memref<32x80x125xi32, #tpu.memory_space<hbm>> -> memref<1x40x125xi32, #tpu.memory_space<hbm>>
      %dma_wait3A_53 = tpu.memref_squeeze %dma_wait3A_52 : memref<1x40x125xi32, #tpu.memory_space<hbm>> -> memref<40x125xi32, #tpu.memory_space<hbm>>
      %dma_wait3A_54 = arith.constant 40 : i32
      %dma_wait3A_55 = arith.constant 0 : i32
      %dma_wait3A_56 = tpu.memref_slice %arg3[%add3A, %dma_wait3A_54, %dma_wait3A_55] : memref<32x80x125xi32, #tpu.memory_space<hbm>> -> memref<1x40x125xi32, #tpu.memory_space<hbm>>
      %dma_wait3A_57 = tpu.memref_squeeze %dma_wait3A_56 : memref<1x40x125xi32, #tpu.memory_space<hbm>> -> memref<40x125xi32, #tpu.memory_space<hbm>>
      tpu.wait_dma2 semaphore(%run_scoped3A : memref<!tpu.dma_semaphore, #tpu.memory_space<semaphore_mem>>) src(%dma_wait3A_57 : memref<40x125xi32, #tpu.memory_space<hbm>>) dst(%arg7 : memref<40x125xi32, #tpu.memory_space<vmem>>)
      tpu.yield
    }) : () -> ()
    "tpu.region"() ({
      %run_scoped3A = tpu.sem_alloc : memref<!tpu.dma_semaphore, #tpu.memory_space<semaphore_mem>>
      %dma_start3A_43 = arith.constant 40 : i32
      %dma_start3A_44 = arith.constant 0 : i32
      %dma_start3A_45 = tpu.memref_slice %arg4[%add3A, %dma_start3A_43, %dma_start3A_44] : memref<32x80x125xi32, #tpu.memory_space<hbm>> -> memref<1x40x125xi32, #tpu.memory_space<hbm>>
      %dma_start3A_46 = tpu.memref_squeeze %dma_start3A_45 : memref<1x40x125xi32, #tpu.memory_space<hbm>> -> memref<40x125xi32, #tpu.memory_space<hbm>>
      %dma_start3A_47 = arith.constant 40 : i32
      %dma_start3A_48 = arith.constant 0 : i32
      %dma_start3A_49 = tpu.memref_slice %arg4[%add3A, %dma_start3A_47, %dma_start3A_48] : memref<32x80x125xi32, #tpu.memory_space<hbm>> -> memref<1x40x125xi32, #tpu.memory_space<hbm>>
      %dma_start3A_50 = tpu.memref_squeeze %dma_start3A_49 : memref<1x40x125xi32, #tpu.memory_space<hbm>> -> memref<40x125xi32, #tpu.memory_space<hbm>>
      tpu.enqueue_dma source(%dma_start3A_50 : memref<40x125xi32, #tpu.memory_space<hbm>>) target(%arg8 : memref<40x125xi32, #tpu.memory_space<vmem>>) target_semaphore(%run_scoped3A : memref<!tpu.dma_semaphore, #tpu.memory_space<semaphore_mem>>)
      %dma_wait3A = arith.constant 40 : i32
      %dma_wait3A_51 = arith.constant 0 : i32
      %dma_wait3A_52 = tpu.memref_slice %arg4[%add3A, %dma_wait3A, %dma_wait3A_51] : memref<32x80x125xi32, #tpu.memory_space<hbm>> -> memref<1x40x125xi32, #tpu.memory_space<hbm>>
      %dma_wait3A_53 = tpu.memref_squeeze %dma_wait3A_52 : memref<1x40x125xi32, #tpu.memory_space<hbm>> -> memref<40x125xi32, #tpu.memory_space<hbm>>
      %dma_wait3A_54 = arith.constant 40 : i32
      %dma_wait3A_55 = arith.constant 0 : i32
      %dma_wait3A_56 = tpu.memref_slice %arg4[%add3A, %dma_wait3A_54, %dma_wait3A_55] : memref<32x80x125xi32, #tpu.memory_space<hbm>> -> memref<1x40x125xi32, #tpu.memory_space<hbm>>
      %dma_wait3A_57 = tpu.memref_squeeze %dma_wait3A_56 : memref<1x40x125xi32, #tpu.memory_space<hbm>> -> memref<40x125xi32, #tpu.memory_space<hbm>>
      tpu.wait_dma2 semaphore(%run_scoped3A : memref<!tpu.dma_semaphore, #tpu.memory_space<semaphore_mem>>) src(%dma_wait3A_57 : memref<40x125xi32, #tpu.memory_space<hbm>>) dst(%arg8 : memref<40x125xi32, #tpu.memory_space<vmem>>)
      tpu.yield
    }) : () -> ()
    %dma_start3A_25 = arith.constant 0 : i32
    %dma_start3A_26 = arith.constant 0 : i32
    %dma_start3A_27 = tpu.memref_slice %arg7[%dma_start3A_25, %dma_start3A_26] : memref<40x125xi32, #tpu.memory_space<vmem>> -> memref<1x125xi32, #tpu.memory_space<vmem>>
    %dma_start3A_28 = tpu.memref_squeeze %dma_start3A_27 : memref<1x125xi32, #tpu.memory_space<vmem>> -> memref<125xi32, #tpu.memory_space<vmem>>
    %dma_start3A_29 = arith.constant 0 : i32
    %dma_start3A_30 = arith.constant 0 : i32
    %dma_start3A_31 = tpu.memref_slice %arg2[%dma_start3A_29, %dma_start3A_30] : memref<10000x128xf32, #tpu.memory_space<hbm>> -> memref<10000x128xf32, #tpu.memory_space<hbm>>
    tpu.enqueue_indirect_dma source(%dma_start3A_31 : memref<10000x128xf32, #tpu.memory_space<hbm>>) target(%arg9 : memref<125x128xf32, #tpu.memory_space<vmem>>) offsets(%dma_start3A_28 : memref<125xi32, #tpu.memory_space<vmem>>) semaphore(%arg11 : memref<!tpu.dma_semaphore, #tpu.memory_space<semaphore_mem>>)
    %scan3A_32 = arith.constant 0 : i32
    %scan3A_33 = arith.constant 0 : i32
    %scan3A_34 = arith.constant 20 : i32
    %scan3A_35 = arith.addi %scan3A_33, %scan3A_34 : i32
    %scan3A_36 = arith.constant 1 : i32
    scf.for %scan3A_43 = %scan3A_33 to %scan3A_35 step %scan3A_36  : i32 {
      %mul3A_44 = arith.constant 2 : i32
      %mul3A_45 = arith.muli %scan3A_43, %mul3A_44 : i32
      %add3A_46 = arith.constant 0 : i32
      %add3A_47 = arith.addi %mul3A_45, %add3A_46 : i32
      %add3A_48 = arith.constant 1 : i32
      %add3A_49 = arith.addi %add3A_47, %add3A_48 : i32
      %lt3A = arith.constant 40 : i32
      %lt3A_50 = arith.cmpi slt, %add3A_49, %lt3A : i32
      %convert_element_type3A = arith.extui %lt3A_50 : i1 to i32
      %cond3A = arith.constant 0 : i32
      %cond3A_51 = arith.cmpi ne, %convert_element_type3A, %cond3A : i32
      scf.if %cond3A_51 {
        %add3A_74 = arith.constant 1 : i32
        %add3A_75 = arith.addi %add3A_47, %add3A_74 : i32
        %dma_start3A_76 = arith.constant 0 : i32
        %dma_start3A_77 = tpu.memref_slice %arg7[%add3A_75, %dma_start3A_76] : memref<40x125xi32, #tpu.memory_space<vmem>> -> memref<1x125xi32, #tpu.memory_space<vmem>>
        %dma_start3A_78 = tpu.memref_squeeze %dma_start3A_77 : memref<1x125xi32, #tpu.memory_space<vmem>> -> memref<125xi32, #tpu.memory_space<vmem>>
        %dma_start3A_79 = arith.constant 0 : i32
        %dma_start3A_80 = arith.constant 0 : i32
        %dma_start3A_81 = tpu.memref_slice %arg2[%dma_start3A_79, %dma_start3A_80] : memref<10000x128xf32, #tpu.memory_space<hbm>> -> memref<10000x128xf32, #tpu.memory_space<hbm>>
        tpu.enqueue_indirect_dma source(%dma_start3A_81 : memref<10000x128xf32, #tpu.memory_space<hbm>>) target(%arg10 : memref<125x128xf32, #tpu.memory_space<vmem>>) offsets(%dma_start3A_78 : memref<125xi32, #tpu.memory_space<vmem>>) semaphore(%arg12 : memref<!tpu.dma_semaphore, #tpu.memory_space<semaphore_mem>>)
      } else {
      }
      %dma_wait3A = arith.constant 0 : i32
      %dma_wait3A_52 = tpu.memref_slice %arg7[%add3A_47, %dma_wait3A] : memref<40x125xi32, #tpu.memory_space<vmem>> -> memref<1x125xi32, #tpu.memory_space<vmem>>
      %dma_wait3A_53 = tpu.memref_squeeze %dma_wait3A_52 : memref<1x125xi32, #tpu.memory_space<vmem>> -> memref<125xi32, #tpu.memory_space<vmem>>
      %dma_wait3A_54 = arith.constant 0 : i32
      %dma_wait3A_55 = arith.constant 0 : i32
      %dma_wait3A_56 = tpu.memref_slice %arg2[%dma_wait3A_54, %dma_wait3A_55] : memref<10000x128xf32, #tpu.memory_space<hbm>> -> memref<10000x128xf32, #tpu.memory_space<hbm>>
      tpu.wait_indirect_dma semaphore(%arg11 : memref<!tpu.dma_semaphore, #tpu.memory_space<semaphore_mem>>) src(%dma_wait3A_56 : memref<10000x128xf32, #tpu.memory_space<hbm>>) dst(%arg9 : memref<125x128xf32, #tpu.memory_space<vmem>>)
      "tpu.region"() ({
        %run_scoped3A = tpu.sem_alloc : memref<!tpu.dma_semaphore, #tpu.memory_space<semaphore_mem>>
        %dma_start3A_74 = arith.constant 0 : i32
        %dma_start3A_75 = tpu.memref_slice %arg8[%add3A_47, %dma_start3A_74] : memref<40x125xi32, #tpu.memory_space<vmem>> -> memref<1x125xi32, #tpu.memory_space<vmem>>
        %dma_start3A_76 = tpu.memref_squeeze %dma_start3A_75 : memref<1x125xi32, #tpu.memory_space<vmem>> -> memref<125xi32, #tpu.memory_space<vmem>>
        %dma_start3A_77 = arith.constant 0 : i32
        %dma_start3A_78 = arith.constant 0 : i32
        %dma_start3A_79 = tpu.memref_slice %arg6[%dma_start3A_77, %dma_start3A_78] : memref<10240x128xf32, #tpu.memory_space<vmem_shared>> -> memref<10240x128xf32, #tpu.memory_space<vmem_shared>>
        tpu.enqueue_indirect_dma source(%arg9 : memref<125x128xf32, #tpu.memory_space<vmem>>) target(%dma_start3A_79 : memref<10240x128xf32, #tpu.memory_space<vmem_shared>>) offsets(%dma_start3A_76 : memref<125xi32, #tpu.memory_space<vmem>>) semaphore(%run_scoped3A : memref<!tpu.dma_semaphore, #tpu.memory_space<semaphore_mem>>) {add = true}
        %dma_wait3A_80 = arith.constant 0 : i32
        %dma_wait3A_81 = tpu.memref_slice %arg8[%add3A_47, %dma_wait3A_80] : memref<40x125xi32, #tpu.memory_space<vmem>> -> memref<1x125xi32, #tpu.memory_space<vmem>>
        %dma_wait3A_82 = tpu.memref_squeeze %dma_wait3A_81 : memref<1x125xi32, #tpu.memory_space<vmem>> -> memref<125xi32, #tpu.memory_space<vmem>>
        %dma_wait3A_83 = arith.constant 0 : i32
        %dma_wait3A_84 = arith.constant 0 : i32
        %dma_wait3A_85 = tpu.memref_slice %arg6[%dma_wait3A_83, %dma_wait3A_84] : memref<10240x128xf32, #tpu.memory_space<vmem_shared>> -> memref<10240x128xf32, #tpu.memory_space<vmem_shared>>
        tpu.wait_indirect_dma semaphore(%run_scoped3A : memref<!tpu.dma_semaphore, #tpu.memory_space<semaphore_mem>>) src(%arg9 : memref<125x128xf32, #tpu.memory_space<vmem>>) dst(%dma_wait3A_85 : memref<10240x128xf32, #tpu.memory_space<vmem_shared>>)
        tpu.yield
      }) : () -> ()
      %mul3A_57 = arith.constant 2 : i32
      %mul3A_58 = arith.muli %scan3A_43, %mul3A_57 : i32
      %add3A_59 = arith.constant 1 : i32
      %add3A_60 = arith.addi %mul3A_58, %add3A_59 : i32
      %add3A_61 = arith.constant 1 : i32
      %add3A_62 = arith.addi %add3A_60, %add3A_61 : i32
      %lt3A_63 = arith.constant 40 : i32
      %lt3A_64 = arith.cmpi slt, %add3A_62, %lt3A_63 : i32
      %convert_element_type3A_65 = arith.extui %lt3A_64 : i1 to i32
      %cond3A_66 = arith.constant 0 : i32
      %cond3A_67 = arith.cmpi ne, %convert_element_type3A_65, %cond3A_66 : i32
      scf.if %cond3A_67 {
        %add3A_74 = arith.constant 1 : i32
        %add3A_75 = arith.addi %add3A_60, %add3A_74 : i32
        %dma_start3A_76 = arith.constant 0 : i32
        %dma_start3A_77 = tpu.memref_slice %arg7[%add3A_75, %dma_start3A_76] : memref<40x125xi32, #tpu.memory_space<vmem>> -> memref<1x125xi32, #tpu.memory_space<vmem>>
        %dma_start3A_78 = tpu.memref_squeeze %dma_start3A_77 : memref<1x125xi32, #tpu.memory_space<vmem>> -> memref<125xi32, #tpu.memory_space<vmem>>
        %dma_start3A_79 = arith.constant 0 : i32
        %dma_start3A_80 = arith.constant 0 : i32
        %dma_start3A_81 = tpu.memref_slice %arg2[%dma_start3A_79, %dma_start3A_80] : memref<10000x128xf32, #tpu.memory_space<hbm>> -> memref<10000x128xf32, #tpu.memory_space<hbm>>
        tpu.enqueue_indirect_dma source(%dma_start3A_81 : memref<10000x128xf32, #tpu.memory_space<hbm>>) target(%arg9 : memref<125x128xf32, #tpu.memory_space<vmem>>) offsets(%dma_start3A_78 : memref<125xi32, #tpu.memory_space<vmem>>) semaphore(%arg11 : memref<!tpu.dma_semaphore, #tpu.memory_space<semaphore_mem>>)
      } else {
      }
      %dma_wait3A_68 = arith.constant 0 : i32
      %dma_wait3A_69 = tpu.memref_slice %arg7[%add3A_60, %dma_wait3A_68] : memref<40x125xi32, #tpu.memory_space<vmem>> -> memref<1x125xi32, #tpu.memory_space<vmem>>
      %dma_wait3A_70 = tpu.memref_squeeze %dma_wait3A_69 : memref<1x125xi32, #tpu.memory_space<vmem>> -> memref<125xi32, #tpu.memory_space<vmem>>
      %dma_wait3A_71 = arith.constant 0 : i32
      %dma_wait3A_72 = arith.constant 0 : i32
      %dma_wait3A_73 = tpu.memref_slice %arg2[%dma_wait3A_71, %dma_wait3A_72] : memref<10000x128xf32, #tpu.memory_space<hbm>> -> memref<10000x128xf32, #tpu.memory_space<hbm>>
      tpu.wait_indirect_dma semaphore(%arg12 : memref<!tpu.dma_semaphore, #tpu.memory_space<semaphore_mem>>) src(%dma_wait3A_73 : memref<10000x128xf32, #tpu.memory_space<hbm>>) dst(%arg10 : memref<125x128xf32, #tpu.memory_space<vmem>>)
      "tpu.region"() ({
        %run_scoped3A = tpu.sem_alloc : memref<!tpu.dma_semaphore, #tpu.memory_space<semaphore_mem>>
        %dma_start3A_74 = arith.constant 0 : i32
        %dma_start3A_75 = tpu.memref_slice %arg8[%add3A_60, %dma_start3A_74] : memref<40x125xi32, #tpu.memory_space<vmem>> -> memref<1x125xi32, #tpu.memory_space<vmem>>
        %dma_start3A_76 = tpu.memref_squeeze %dma_start3A_75 : memref<1x125xi32, #tpu.memory_space<vmem>> -> memref<125xi32, #tpu.memory_space<vmem>>
        %dma_start3A_77 = arith.constant 0 : i32
        %dma_start3A_78 = arith.constant 0 : i32
        %dma_start3A_79 = tpu.memref_slice %arg6[%dma_start3A_77, %dma_start3A_78] : memref<10240x128xf32, #tpu.memory_space<vmem_shared>> -> memref<10240x128xf32, #tpu.memory_space<vmem_shared>>
        tpu.enqueue_indirect_dma source(%arg10 : memref<125x128xf32, #tpu.memory_space<vmem>>) target(%dma_start3A_79 : memref<10240x128xf32, #tpu.memory_space<vmem_shared>>) offsets(%dma_start3A_76 : memref<125xi32, #tpu.memory_space<vmem>>) semaphore(%run_scoped3A : memref<!tpu.dma_semaphore, #tpu.memory_space<semaphore_mem>>) {add = true}
        %dma_wait3A_80 = arith.constant 0 : i32
        %dma_wait3A_81 = tpu.memref_slice %arg8[%add3A_60, %dma_wait3A_80] : memref<40x125xi32, #tpu.memory_space<vmem>> -> memref<1x125xi32, #tpu.memory_space<vmem>>
        %dma_wait3A_82 = tpu.memref_squeeze %dma_wait3A_81 : memref<1x125xi32, #tpu.memory_space<vmem>> -> memref<125xi32, #tpu.memory_space<vmem>>
        %dma_wait3A_83 = arith.constant 0 : i32
        %dma_wait3A_84 = arith.constant 0 : i32
        %dma_wait3A_85 = tpu.memref_slice %arg6[%dma_wait3A_83, %dma_wait3A_84] : memref<10240x128xf32, #tpu.memory_space<vmem_shared>> -> memref<10240x128xf32, #tpu.memory_space<vmem_shared>>
        tpu.wait_indirect_dma semaphore(%run_scoped3A : memref<!tpu.dma_semaphore, #tpu.memory_space<semaphore_mem>>) src(%arg10 : memref<125x128xf32, #tpu.memory_space<vmem>>) dst(%dma_wait3A_85 : memref<10240x128xf32, #tpu.memory_space<vmem_shared>>)
        tpu.yield
      }) : () -> ()
    }
    %scan3A_37 = arith.constant 20 : i32
    %barrier3A_38 = arith.constant 0 : index
    tpu.barrier barrier_id(%barrier3A_38)
    %mul3A_39 = arith.constant 640 : i32
    %mul3A_40 = arith.muli %arg1, %mul3A_39 : i32
    %mul3A_41 = arith.constant 640 : i32
    %mul3A_42 = arith.muli %arg1, %mul3A_41 : i32
    "tpu.region"() ({
      %run_scoped3A = tpu.sem_alloc : memref<!tpu.dma_semaphore, #tpu.memory_space<semaphore_mem>>
      %dma_start3A_43 = arith.constant 0 : i32
      %dma_start3A_44 = tpu.memref_slice %arg5[%arg0, %mul3A_42, %dma_start3A_43] : memref<2x10240x128xf32, #tpu.memory_space<hbm>> -> memref<1x640x128xf32, #tpu.memory_space<hbm>>
      %dma_start3A_45 = tpu.memref_squeeze %dma_start3A_44 : memref<1x640x128xf32, #tpu.memory_space<hbm>> -> memref<640x128xf32, #tpu.memory_space<hbm>>
      %dma_start3A_46 = arith.constant 0 : i32
      %dma_start3A_47 = tpu.memref_slice %arg6[%mul3A_40, %dma_start3A_46] : memref<10240x128xf32, #tpu.memory_space<vmem_shared>> -> memref<640x128xf32, #tpu.memory_space<vmem_shared>>
      tpu.enqueue_dma source(%dma_start3A_47 : memref<640x128xf32, #tpu.memory_space<vmem_shared>>) target(%dma_start3A_45 : memref<640x128xf32, #tpu.memory_space<hbm>>) target_semaphore(%run_scoped3A : memref<!tpu.dma_semaphore, #tpu.memory_space<semaphore_mem>>)
      %dma_wait3A = arith.constant 0 : i32
      %dma_wait3A_48 = tpu.memref_slice %arg5[%arg0, %mul3A_42, %dma_wait3A] : memref<2x10240x128xf32, #tpu.memory_space<hbm>> -> memref<1x640x128xf32, #tpu.memory_space<hbm>>
      %dma_wait3A_49 = tpu.memref_squeeze %dma_wait3A_48 : memref<1x640x128xf32, #tpu.memory_space<hbm>> -> memref<640x128xf32, #tpu.memory_space<hbm>>
      %dma_wait3A_50 = arith.constant 0 : i32
      %dma_wait3A_51 = tpu.memref_slice %arg6[%mul3A_40, %dma_wait3A_50] : memref<10240x128xf32, #tpu.memory_space<vmem_shared>> -> memref<640x128xf32, #tpu.memory_space<vmem_shared>>
      tpu.wait_dma2 semaphore(%run_scoped3A : memref<!tpu.dma_semaphore, #tpu.memory_space<semaphore_mem>>) src(%dma_wait3A_51 : memref<640x128xf32, #tpu.memory_space<vmem_shared>>) dst(%dma_wait3A_49 : memref<640x128xf32, #tpu.memory_space<hbm>>)
      tpu.yield
    }) : () -> ()
    return
  }
}

#map = affine_map<(d0, d1) -> (0, 0)>
#map1 = affine_map<(d0, d1) -> (0, 0, 0)>
module attributes {stable_mosaic.version = 14 : i64} {
  func.func @_scatter_kernel(%arg0: i32, %arg1: i32, %arg2: memref<10000x128xf32, #tpu.memory_space<hbm>>, %arg3: memref<32x80x125xi32, #tpu.memory_space<hbm>>, %arg4: memref<32x80x125xi32, #tpu.memory_space<hbm>>, %arg5: memref<2x10240x128xf32, #tpu.memory_space<hbm>>, %arg6: memref<10240x128xf32, #tpu.memory_space<vmem_shared>>, %arg7: memref<40x125xi32, #tpu.memory_space<vmem>>, %arg8: memref<40x125xi32, #tpu.memory_space<vmem>>, %arg9: memref<125x128xf32, #tpu.memory_space<vmem>>, %arg10: memref<125x128xf32, #tpu.memory_space<vmem>>, %arg11: memref<!tpu.dma_semaphore, #tpu.memory_space<semaphore_mem>>, %arg12: memref<!tpu.dma_semaphore, #tpu.memory_space<semaphore_mem>>) attributes {dimension_semantics = [#tpu.dimension_semantics<core_parallel>, #tpu.dimension_semantics<subcore_parallel>], iteration_bounds = array<i64: 2, 16>, scalar_prefetch = 0 : i64, scratch_operands = 7 : i64, tpu.core_type = #tpu.core_type<sc_vector_subcore>, window_params = [{transform_indices = #map}, {transform_indices = #map1}, {transform_indices = #map1}, {transform_indices = #map1}]} {
    %mul3A = arith.constant 2 : i32
    %mul3A_0 = arith.muli %arg1, %mul3A : i32
    %add3A = arith.addi %mul3A_0, %arg0 : i32
    %broadcast_in_dim3A = arith.constant 0.000000e+00 : f32
    %broadcast_in_dim3A_1 = vector.broadcast %broadcast_in_dim3A : f32 to vector<16xf32>
    %scan3A = arith.constant 0 : i32
    %scan3A_2 = arith.constant 0 : i32
    %scan3A_3 = arith.constant 512 : i32
    %scan3A_4 = arith.addi %scan3A_2, %scan3A_3 : i32
    %scan3A_5 = arith.constant 8 : i32
    scf.for %scan3A_43 = %scan3A_2 to %scan3A_4 step %scan3A_5  : i32 {
      %jit3A = arith.constant 8 : i32
      %div3A = arith.divsi %scan3A_43, %jit3A : i32
      %sign3A = arith.constant 0 : i32
      %sign3A_44 = arith.cmpi sgt, %scan3A_43, %sign3A : i32
      %sign3A_45 = arith.extui %sign3A_44 : i1 to i32
      %sign3A_46 = arith.constant 0 : i32
      %sign3A_47 = arith.cmpi slt, %scan3A_43, %sign3A_46 : i32
      %sign3A_48 = arith.extui %sign3A_47 : i1 to i32
      %sign3A_49 = arith.subi %sign3A_45, %sign3A_48 : i32
      %sign3A_50 = arith.constant 0 : i32
      %sign3A_51 = arith.cmpi sgt, %jit3A, %sign3A_50 : i32
      %sign3A_52 = arith.extui %sign3A_51 : i1 to i32
      %sign3A_53 = arith.constant 0 : i32
      %sign3A_54 = arith.cmpi slt, %jit3A, %sign3A_53 : i32
      %sign3A_55 = arith.extui %sign3A_54 : i1 to i32
      %sign3A_56 = arith.subi %sign3A_52, %sign3A_55 : i32
      %ne3A = arith.cmpi ne, %sign3A_49, %sign3A_56 : i32
      %rem3A = arith.remsi %scan3A_43, %jit3A : i32
      %ne3A_57 = arith.constant 0 : i32
      %ne3A_58 = arith.cmpi ne, %rem3A, %ne3A_57 : i32
      %and3A = arith.andi %ne3A, %ne3A_58 : i1
      %sub3A = arith.constant 1 : i32
      %sub3A_59 = arith.subi %div3A, %sub3A : i32
      %select_n3A = arith.select %and3A, %sub3A_59, %div3A : i32
      %jit3A_60 = arith.constant 8 : i32
      %eq3A = arith.constant 0 : i32
      %eq3A_61 = arith.cmpi eq, %jit3A_60, %eq3A : i32
      %jit3A_62 = arith.constant 1 : i32
      %select_n3A_63 = arith.select %eq3A_61, %jit3A_62, %jit3A_60 : i32
      %rem3A_64 = arith.remsi %scan3A_43, %select_n3A_63 : i32
      %ne3A_65 = arith.constant 0 : i32
      %ne3A_66 = arith.cmpi ne, %rem3A_64, %ne3A_65 : i32
      %lt3A = arith.constant 0 : i32
      %lt3A_67 = arith.cmpi slt, %rem3A_64, %lt3A : i32
      %lt3A_68 = arith.constant 0 : i32
      %lt3A_69 = arith.cmpi slt, %select_n3A_63, %lt3A_68 : i32
      %ne3A_70 = arith.xori %lt3A_67, %lt3A_69 : i1
      %and3A_71 = arith.andi %ne3A_70, %ne3A_66 : i1
      %add3A_72 = arith.addi %rem3A_64, %select_n3A_63 : i32
      %select_n3A_73 = arith.select %and3A_71, %add3A_72, %rem3A_64 : i32
      %mul3A_74 = arith.constant 16 : i32
      %mul3A_75 = arith.muli %select_n3A_73, %mul3A_74 : i32
      %swap3A = arith.index_cast %select_n3A : i32 to index
      %swap3A_76 = arith.index_cast %mul3A_75 : i32 to index
      %swap3A_77 = tpu.vector_load %arg9[%swap3A, %swap3A_76] {strides = array<i32>} : memref<125x128xf32, #tpu.memory_space<vmem>>, vector<1x16xf32>,
      %swap3A_78 = vector.shape_cast %swap3A_77 : vector<1x16xf32> to vector<16xf32>
      %swap3A_79 = vector.shape_cast %broadcast_in_dim3A_1 : vector<16xf32> to vector<1x16xf32>
      tpu.vector_store %arg9[%swap3A, %swap3A_76], %swap3A_79 {strides = array<i32>} : memref<125x128xf32, #tpu.memory_space<vmem>>, vector<1x16xf32>,
      %scan3A_80 = arith.constant 1 : i32
      %scan3A_81 = arith.addi %scan3A_43, %scan3A_80 : i32
      %jit3A_82 = arith.constant 8 : i32
      %div3A_83 = arith.divsi %scan3A_81, %jit3A_82 : i32
      %sign3A_84 = arith.constant 0 : i32
      %sign3A_85 = arith.cmpi sgt, %scan3A_81, %sign3A_84 : i32
      %sign3A_86 = arith.extui %sign3A_85 : i1 to i32
      %sign3A_87 = arith.constant 0 : i32
      %sign3A_88 = arith.cmpi slt, %scan3A_81, %sign3A_87 : i32
      %sign3A_89 = arith.extui %sign3A_88 : i1 to i32
      %sign3A_90 = arith.subi %sign3A_86, %sign3A_89 : i32
      %sign3A_91 = arith.constant 0 : i32
      %sign3A_92 = arith.cmpi sgt, %jit3A_82, %sign3A_91 : i32
      %sign3A_93 = arith.extui %sign3A_92 : i1 to i32
      %sign3A_94 = arith.constant 0 : i32
      %sign3A_95 = arith.cmpi slt, %jit3A_82, %sign3A_94 : i32
      %sign3A_96 = arith.extui %sign3A_95 : i1 to i32
      %sign3A_97 = arith.subi %sign3A_93, %sign3A_96 : i32
      %ne3A_98 = arith.cmpi ne, %sign3A_90, %sign3A_97 : i32
      %rem3A_99 = arith.remsi %scan3A_81, %jit3A_82 : i32
      %ne3A_100 = arith.constant 0 : i32
      %ne3A_101 = arith.cmpi ne, %rem3A_99, %ne3A_100 : i32
      %and3A_102 = arith.andi %ne3A_98, %ne3A_101 : i1
      %sub3A_103 = arith.constant 1 : i32
      %sub3A_104 = arith.subi %div3A_83, %sub3A_103 : i32
      %select_n3A_105 = arith.select %and3A_102, %sub3A_104, %div3A_83 : i32
      %jit3A_106 = arith.constant 8 : i32
      %eq3A_107 = arith.constant 0 : i32
      %eq3A_108 = arith.cmpi eq, %jit3A_106, %eq3A_107 : i32
      %jit3A_109 = arith.constant 1 : i32
      %select_n3A_110 = arith.select %eq3A_108, %jit3A_109, %jit3A_106 : i32
      %rem3A_111 = arith.remsi %scan3A_81, %select_n3A_110 : i32
      %ne3A_112 = arith.constant 0 : i32
      %ne3A_113 = arith.cmpi ne, %rem3A_111, %ne3A_112 : i32
      %lt3A_114 = arith.constant 0 : i32
      %lt3A_115 = arith.cmpi slt, %rem3A_111, %lt3A_114 : i32
      %lt3A_116 = arith.constant 0 : i32
      %lt3A_117 = arith.cmpi slt, %select_n3A_110, %lt3A_116 : i32
      %ne3A_118 = arith.xori %lt3A_115, %lt3A_117 : i1
      %and3A_119 = arith.andi %ne3A_118, %ne3A_113 : i1
      %add3A_120 = arith.addi %rem3A_111, %select_n3A_110 : i32
      %select_n3A_121 = arith.select %and3A_119, %add3A_120, %rem3A_111 : i32
      %mul3A_122 = arith.constant 16 : i32
      %mul3A_123 = arith.muli %select_n3A_121, %mul3A_122 : i32
      %swap3A_124 = arith.index_cast %select_n3A_105 : i32 to index
      %swap3A_125 = arith.index_cast %mul3A_123 : i32 to index
      %swap3A_126 = tpu.vector_load %arg9[%swap3A_124, %swap3A_125] {strides = array<i32>} : memref<125x128xf32, #tpu.memory_space<vmem>>, vector<1x16xf32>,
      %swap3A_127 = vector.shape_cast %swap3A_126 : vector<1x16xf32> to vector<16xf32>
      %swap3A_128 = vector.shape_cast %broadcast_in_dim3A_1 : vector<16xf32> to vector<1x16xf32>
      tpu.vector_store %arg9[%swap3A_124, %swap3A_125], %swap3A_128 {strides = array<i32>} : memref<125x128xf32, #tpu.memory_space<vmem>>, vector<1x16xf32>,
      %scan3A_129 = arith.constant 2 : i32
      %scan3A_130 = arith.addi %scan3A_43, %scan3A_129 : i32
      %jit3A_131 = arith.constant 8 : i32
      %div3A_132 = arith.divsi %scan3A_130, %jit3A_131 : i32
      %sign3A_133 = arith.constant 0 : i32
      %sign3A_134 = arith.cmpi sgt, %scan3A_130, %sign3A_133 : i32
      %sign3A_135 = arith.extui %sign3A_134 : i1 to i32
      %sign3A_136 = arith.constant 0 : i32
      %sign3A_137 = arith.cmpi slt, %scan3A_130, %sign3A_136 : i32
      %sign3A_138 = arith.extui %sign3A_137 : i1 to i32
      %sign3A_139 = arith.subi %sign3A_135, %sign3A_138 : i32
      %sign3A_140 = arith.constant 0 : i32
      %sign3A_141 = arith.cmpi sgt, %jit3A_131, %sign3A_140 : i32
      %sign3A_142 = arith.extui %sign3A_141 : i1 to i32
      %sign3A_143 = arith.constant 0 : i32
      %sign3A_144 = arith.cmpi slt, %jit3A_131, %sign3A_143 : i32
      %sign3A_145 = arith.extui %sign3A_144 : i1 to i32
      %sign3A_146 = arith.subi %sign3A_142, %sign3A_145 : i32
      %ne3A_147 = arith.cmpi ne, %sign3A_139, %sign3A_146 : i32
      %rem3A_148 = arith.remsi %scan3A_130, %jit3A_131 : i32
      %ne3A_149 = arith.constant 0 : i32
      %ne3A_150 = arith.cmpi ne, %rem3A_148, %ne3A_149 : i32
      %and3A_151 = arith.andi %ne3A_147, %ne3A_150 : i1
      %sub3A_152 = arith.constant 1 : i32
      %sub3A_153 = arith.subi %div3A_132, %sub3A_152 : i32
      %select_n3A_154 = arith.select %and3A_151, %sub3A_153, %div3A_132 : i32
      %jit3A_155 = arith.constant 8 : i32
      %eq3A_156 = arith.constant 0 : i32
      %eq3A_157 = arith.cmpi eq, %jit3A_155, %eq3A_156 : i32
      %jit3A_158 = arith.constant 1 : i32
      %select_n3A_159 = arith.select %eq3A_157, %jit3A_158, %jit3A_155 : i32
      %rem3A_160 = arith.remsi %scan3A_130, %select_n3A_159 : i32
      %ne3A_161 = arith.constant 0 : i32
      %ne3A_162 = arith.cmpi ne, %rem3A_160, %ne3A_161 : i32
      %lt3A_163 = arith.constant 0 : i32
      %lt3A_164 = arith.cmpi slt, %rem3A_160, %lt3A_163 : i32
      %lt3A_165 = arith.constant 0 : i32
      %lt3A_166 = arith.cmpi slt, %select_n3A_159, %lt3A_165 : i32
      %ne3A_167 = arith.xori %lt3A_164, %lt3A_166 : i1
      %and3A_168 = arith.andi %ne3A_167, %ne3A_162 : i1
      %add3A_169 = arith.addi %rem3A_160, %select_n3A_159 : i32
      %select_n3A_170 = arith.select %and3A_168, %add3A_169, %rem3A_160 : i32
      %mul3A_171 = arith.constant 16 : i32
      %mul3A_172 = arith.muli %select_n3A_170, %mul3A_171 : i32
      %swap3A_173 = arith.index_cast %select_n3A_154 : i32 to index
      %swap3A_174 = arith.index_cast %mul3A_172 : i32 to index
      %swap3A_175 = tpu.vector_load %arg9[%swap3A_173, %swap3A_174] {strides = array<i32>} : memref<125x128xf32, #tpu.memory_space<vmem>>, vector<1x16xf32>,
      %swap3A_176 = vector.shape_cast %swap3A_175 : vector<1x16xf32> to vector<16xf32>
      %swap3A_177 = vector.shape_cast %broadcast_in_dim3A_1 : vector<16xf32> to vector<1x16xf32>
      tpu.vector_store %arg9[%swap3A_173, %swap3A_174], %swap3A_177 {strides = array<i32>} : memref<125x128xf32, #tpu.memory_space<vmem>>, vector<1x16xf32>,
      %scan3A_178 = arith.constant 3 : i32
      %scan3A_179 = arith.addi %scan3A_43, %scan3A_178 : i32
      %jit3A_180 = arith.constant 8 : i32
      %div3A_181 = arith.divsi %scan3A_179, %jit3A_180 : i32
      %sign3A_182 = arith.constant 0 : i32
      %sign3A_183 = arith.cmpi sgt, %scan3A_179, %sign3A_182 : i32
      %sign3A_184 = arith.extui %sign3A_183 : i1 to i32
      %sign3A_185 = arith.constant 0 : i32
      %sign3A_186 = arith.cmpi slt, %scan3A_179, %sign3A_185 : i32
      %sign3A_187 = arith.extui %sign3A_186 : i1 to i32
      %sign3A_188 = arith.subi %sign3A_184, %sign3A_187 : i32
      %sign3A_189 = arith.constant 0 : i32
      %sign3A_190 = arith.cmpi sgt, %jit3A_180, %sign3A_189 : i32
      %sign3A_191 = arith.extui %sign3A_190 : i1 to i32
      %sign3A_192 = arith.constant 0 : i32
      %sign3A_193 = arith.cmpi slt, %jit3A_180, %sign3A_192 : i32
      %sign3A_194 = arith.extui %sign3A_193 : i1 to i32
      %sign3A_195 = arith.subi %sign3A_191, %sign3A_194 : i32
      %ne3A_196 = arith.cmpi ne, %sign3A_188, %sign3A_195 : i32
      %rem3A_197 = arith.remsi %scan3A_179, %jit3A_180 : i32
      %ne3A_198 = arith.constant 0 : i32
      %ne3A_199 = arith.cmpi ne, %rem3A_197, %ne3A_198 : i32
      %and3A_200 = arith.andi %ne3A_196, %ne3A_199 : i1
      %sub3A_201 = arith.constant 1 : i32
      %sub3A_202 = arith.subi %div3A_181, %sub3A_201 : i32
      %select_n3A_203 = arith.select %and3A_200, %sub3A_202, %div3A_181 : i32
      %jit3A_204 = arith.constant 8 : i32
      %eq3A_205 = arith.constant 0 : i32
      %eq3A_206 = arith.cmpi eq, %jit3A_204, %eq3A_205 : i32
      %jit3A_207 = arith.constant 1 : i32
      %select_n3A_208 = arith.select %eq3A_206, %jit3A_207, %jit3A_204 : i32
      %rem3A_209 = arith.remsi %scan3A_179, %select_n3A_208 : i32
      %ne3A_210 = arith.constant 0 : i32
      %ne3A_211 = arith.cmpi ne, %rem3A_209, %ne3A_210 : i32
      %lt3A_212 = arith.constant 0 : i32
      %lt3A_213 = arith.cmpi slt, %rem3A_209, %lt3A_212 : i32
      %lt3A_214 = arith.constant 0 : i32
      %lt3A_215 = arith.cmpi slt, %select_n3A_208, %lt3A_214 : i32
      %ne3A_216 = arith.xori %lt3A_213, %lt3A_215 : i1
      %and3A_217 = arith.andi %ne3A_216, %ne3A_211 : i1
      %add3A_218 = arith.addi %rem3A_209, %select_n3A_208 : i32
      %select_n3A_219 = arith.select %and3A_217, %add3A_218, %rem3A_209 : i32
      %mul3A_220 = arith.constant 16 : i32
      %mul3A_221 = arith.muli %select_n3A_219, %mul3A_220 : i32
      %swap3A_222 = arith.index_cast %select_n3A_203 : i32 to index
      %swap3A_223 = arith.index_cast %mul3A_221 : i32 to index
      %swap3A_224 = tpu.vector_load %arg9[%swap3A_222, %swap3A_223] {strides = array<i32>} : memref<125x128xf32, #tpu.memory_space<vmem>>, vector<1x16xf32>,
      %swap3A_225 = vector.shape_cast %swap3A_224 : vector<1x16xf32> to vector<16xf32>
      %swap3A_226 = vector.shape_cast %broadcast_in_dim3A_1 : vector<16xf32> to vector<1x16xf32>
      tpu.vector_store %arg9[%swap3A_222, %swap3A_223], %swap3A_226 {strides = array<i32>} : memref<125x128xf32, #tpu.memory_space<vmem>>, vector<1x16xf32>,
      %scan3A_227 = arith.constant 4 : i32
      %scan3A_228 = arith.addi %scan3A_43, %scan3A_227 : i32
      %jit3A_229 = arith.constant 8 : i32
      %div3A_230 = arith.divsi %scan3A_228, %jit3A_229 : i32
      %sign3A_231 = arith.constant 0 : i32
      %sign3A_232 = arith.cmpi sgt, %scan3A_228, %sign3A_231 : i32
      %sign3A_233 = arith.extui %sign3A_232 : i1 to i32
      %sign3A_234 = arith.constant 0 : i32
      %sign3A_235 = arith.cmpi slt, %scan3A_228, %sign3A_234 : i32
      %sign3A_236 = arith.extui %sign3A_235 : i1 to i32
      %sign3A_237 = arith.subi %sign3A_233, %sign3A_236 : i32
      %sign3A_238 = arith.constant 0 : i32
      %sign3A_239 = arith.cmpi sgt, %jit3A_229, %sign3A_238 : i32
      %sign3A_240 = arith.extui %sign3A_239 : i1 to i32
      %sign3A_241 = arith.constant 0 : i32
      %sign3A_242 = arith.cmpi slt, %jit3A_229, %sign3A_241 : i32
      %sign3A_243 = arith.extui %sign3A_242 : i1 to i32
      %sign3A_244 = arith.subi %sign3A_240, %sign3A_243 : i32
      %ne3A_245 = arith.cmpi ne, %sign3A_237, %sign3A_244 : i32
      %rem3A_246 = arith.remsi %scan3A_228, %jit3A_229 : i32
      %ne3A_247 = arith.constant 0 : i32
      %ne3A_248 = arith.cmpi ne, %rem3A_246, %ne3A_247 : i32
      %and3A_249 = arith.andi %ne3A_245, %ne3A_248 : i1
      %sub3A_250 = arith.constant 1 : i32
      %sub3A_251 = arith.subi %div3A_230, %sub3A_250 : i32
      %select_n3A_252 = arith.select %and3A_249, %sub3A_251, %div3A_230 : i32
      %jit3A_253 = arith.constant 8 : i32
      %eq3A_254 = arith.constant 0 : i32
      %eq3A_255 = arith.cmpi eq, %jit3A_253, %eq3A_254 : i32
      %jit3A_256 = arith.constant 1 : i32
      %select_n3A_257 = arith.select %eq3A_255, %jit3A_256, %jit3A_253 : i32
      %rem3A_258 = arith.remsi %scan3A_228, %select_n3A_257 : i32
      %ne3A_259 = arith.constant 0 : i32
      %ne3A_260 = arith.cmpi ne, %rem3A_258, %ne3A_259 : i32
      %lt3A_261 = arith.constant 0 : i32
      %lt3A_262 = arith.cmpi slt, %rem3A_258, %lt3A_261 : i32
      %lt3A_263 = arith.constant 0 : i32
      %lt3A_264 = arith.cmpi slt, %select_n3A_257, %lt3A_263 : i32
      %ne3A_265 = arith.xori %lt3A_262, %lt3A_264 : i1
      %and3A_266 = arith.andi %ne3A_265, %ne3A_260 : i1
      %add3A_267 = arith.addi %rem3A_258, %select_n3A_257 : i32
      %select_n3A_268 = arith.select %and3A_266, %add3A_267, %rem3A_258 : i32
      %mul3A_269 = arith.constant 16 : i32
      %mul3A_270 = arith.muli %select_n3A_268, %mul3A_269 : i32
      %swap3A_271 = arith.index_cast %select_n3A_252 : i32 to index
      %swap3A_272 = arith.index_cast %mul3A_270 : i32 to index
      %swap3A_273 = tpu.vector_load %arg9[%swap3A_271, %swap3A_272] {strides = array<i32>} : memref<125x128xf32, #tpu.memory_space<vmem>>, vector<1x16xf32>,
      %swap3A_274 = vector.shape_cast %swap3A_273 : vector<1x16xf32> to vector<16xf32>
      %swap3A_275 = vector.shape_cast %broadcast_in_dim3A_1 : vector<16xf32> to vector<1x16xf32>
      tpu.vector_store %arg9[%swap3A_271, %swap3A_272], %swap3A_275 {strides = array<i32>} : memref<125x128xf32, #tpu.memory_space<vmem>>, vector<1x16xf32>,
      %scan3A_276 = arith.constant 5 : i32
      %scan3A_277 = arith.addi %scan3A_43, %scan3A_276 : i32
      %jit3A_278 = arith.constant 8 : i32
      %div3A_279 = arith.divsi %scan3A_277, %jit3A_278 : i32
      %sign3A_280 = arith.constant 0 : i32
      %sign3A_281 = arith.cmpi sgt, %scan3A_277, %sign3A_280 : i32
      %sign3A_282 = arith.extui %sign3A_281 : i1 to i32
      %sign3A_283 = arith.constant 0 : i32
      %sign3A_284 = arith.cmpi slt, %scan3A_277, %sign3A_283 : i32
      %sign3A_285 = arith.extui %sign3A_284 : i1 to i32
      %sign3A_286 = arith.subi %sign3A_282, %sign3A_285 : i32
      %sign3A_287 = arith.constant 0 : i32
      %sign3A_288 = arith.cmpi sgt, %jit3A_278, %sign3A_287 : i32
      %sign3A_289 = arith.extui %sign3A_288 : i1 to i32
      %sign3A_290 = arith.constant 0 : i32
      %sign3A_291 = arith.cmpi slt, %jit3A_278, %sign3A_290 : i32
      %sign3A_292 = arith.extui %sign3A_291 : i1 to i32
      %sign3A_293 = arith.subi %sign3A_289, %sign3A_292 : i32
      %ne3A_294 = arith.cmpi ne, %sign3A_286, %sign3A_293 : i32
      %rem3A_295 = arith.remsi %scan3A_277, %jit3A_278 : i32
      %ne3A_296 = arith.constant 0 : i32
      %ne3A_297 = arith.cmpi ne, %rem3A_295, %ne3A_296 : i32
      %and3A_298 = arith.andi %ne3A_294, %ne3A_297 : i1
      %sub3A_299 = arith.constant 1 : i32
      %sub3A_300 = arith.subi %div3A_279, %sub3A_299 : i32
      %select_n3A_301 = arith.select %and3A_298, %sub3A_300, %div3A_279 : i32
      %jit3A_302 = arith.constant 8 : i32
      %eq3A_303 = arith.constant 0 : i32
      %eq3A_304 = arith.cmpi eq, %jit3A_302, %eq3A_303 : i32
      %jit3A_305 = arith.constant 1 : i32
      %select_n3A_306 = arith.select %eq3A_304, %jit3A_305, %jit3A_302 : i32
      %rem3A_307 = arith.remsi %scan3A_277, %select_n3A_306 : i32
      %ne3A_308 = arith.constant 0 : i32
      %ne3A_309 = arith.cmpi ne, %rem3A_307, %ne3A_308 : i32
      %lt3A_310 = arith.constant 0 : i32
      %lt3A_311 = arith.cmpi slt, %rem3A_307, %lt3A_310 : i32
      %lt3A_312 = arith.constant 0 : i32
      %lt3A_313 = arith.cmpi slt, %select_n3A_306, %lt3A_312 : i32
      %ne3A_314 = arith.xori %lt3A_311, %lt3A_313 : i1
      %and3A_315 = arith.andi %ne3A_314, %ne3A_309 : i1
      %add3A_316 = arith.addi %rem3A_307, %select_n3A_306 : i32
      %select_n3A_317 = arith.select %and3A_315, %add3A_316, %rem3A_307 : i32
      %mul3A_318 = arith.constant 16 : i32
      %mul3A_319 = arith.muli %select_n3A_317, %mul3A_318 : i32
      %swap3A_320 = arith.index_cast %select_n3A_301 : i32 to index
      %swap3A_321 = arith.index_cast %mul3A_319 : i32 to index
      %swap3A_322 = tpu.vector_load %arg9[%swap3A_320, %swap3A_321] {strides = array<i32>} : memref<125x128xf32, #tpu.memory_space<vmem>>, vector<1x16xf32>,
      %swap3A_323 = vector.shape_cast %swap3A_322 : vector<1x16xf32> to vector<16xf32>
      %swap3A_324 = vector.shape_cast %broadcast_in_dim3A_1 : vector<16xf32> to vector<1x16xf32>
      tpu.vector_store %arg9[%swap3A_320, %swap3A_321], %swap3A_324 {strides = array<i32>} : memref<125x128xf32, #tpu.memory_space<vmem>>, vector<1x16xf32>,
      %scan3A_325 = arith.constant 6 : i32
      %scan3A_326 = arith.addi %scan3A_43, %scan3A_325 : i32
      %jit3A_327 = arith.constant 8 : i32
      %div3A_328 = arith.divsi %scan3A_326, %jit3A_327 : i32
      %sign3A_329 = arith.constant 0 : i32
      %sign3A_330 = arith.cmpi sgt, %scan3A_326, %sign3A_329 : i32
      %sign3A_331 = arith.extui %sign3A_330 : i1 to i32
      %sign3A_332 = arith.constant 0 : i32
      %sign3A_333 = arith.cmpi slt, %scan3A_326, %sign3A_332 : i32
      %sign3A_334 = arith.extui %sign3A_333 : i1 to i32
      %sign3A_335 = arith.subi %sign3A_331, %sign3A_334 : i32
      %sign3A_336 = arith.constant 0 : i32
      %sign3A_337 = arith.cmpi sgt, %jit3A_327, %sign3A_336 : i32
      %sign3A_338 = arith.extui %sign3A_337 : i1 to i32
      %sign3A_339 = arith.constant 0 : i32
      %sign3A_340 = arith.cmpi slt, %jit3A_327, %sign3A_339 : i32
      %sign3A_341 = arith.extui %sign3A_340 : i1 to i32
      %sign3A_342 = arith.subi %sign3A_338, %sign3A_341 : i32
      %ne3A_343 = arith.cmpi ne, %sign3A_335, %sign3A_342 : i32
      %rem3A_344 = arith.remsi %scan3A_326, %jit3A_327 : i32
      %ne3A_345 = arith.constant 0 : i32
      %ne3A_346 = arith.cmpi ne, %rem3A_344, %ne3A_345 : i32
      %and3A_347 = arith.andi %ne3A_343, %ne3A_346 : i1
      %sub3A_348 = arith.constant 1 : i32
      %sub3A_349 = arith.subi %div3A_328, %sub3A_348 : i32
      %select_n3A_350 = arith.select %and3A_347, %sub3A_349, %div3A_328 : i32
      %jit3A_351 = arith.constant 8 : i32
      %eq3A_352 = arith.constant 0 : i32
      %eq3A_353 = arith.cmpi eq, %jit3A_351, %eq3A_352 : i32
      %jit3A_354 = arith.constant 1 : i32
      %select_n3A_355 = arith.select %eq3A_353, %jit3A_354, %jit3A_351 : i32
      %rem3A_356 = arith.remsi %scan3A_326, %select_n3A_355 : i32
      %ne3A_357 = arith.constant 0 : i32
      %ne3A_358 = arith.cmpi ne, %rem3A_356, %ne3A_357 : i32
      %lt3A_359 = arith.constant 0 : i32
      %lt3A_360 = arith.cmpi slt, %rem3A_356, %lt3A_359 : i32
      %lt3A_361 = arith.constant 0 : i32
      %lt3A_362 = arith.cmpi slt, %select_n3A_355, %lt3A_361 : i32
      %ne3A_363 = arith.xori %lt3A_360, %lt3A_362 : i1
      %and3A_364 = arith.andi %ne3A_363, %ne3A_358 : i1
      %add3A_365 = arith.addi %rem3A_356, %select_n3A_355 : i32
      %select_n3A_366 = arith.select %and3A_364, %add3A_365, %rem3A_356 : i32
      %mul3A_367 = arith.constant 16 : i32
      %mul3A_368 = arith.muli %select_n3A_366, %mul3A_367 : i32
      %swap3A_369 = arith.index_cast %select_n3A_350 : i32 to index
      %swap3A_370 = arith.index_cast %mul3A_368 : i32 to index
      %swap3A_371 = tpu.vector_load %arg9[%swap3A_369, %swap3A_370] {strides = array<i32>} : memref<125x128xf32, #tpu.memory_space<vmem>>, vector<1x16xf32>,
      %swap3A_372 = vector.shape_cast %swap3A_371 : vector<1x16xf32> to vector<16xf32>
      %swap3A_373 = vector.shape_cast %broadcast_in_dim3A_1 : vector<16xf32> to vector<1x16xf32>
      tpu.vector_store %arg9[%swap3A_369, %swap3A_370], %swap3A_373 {strides = array<i32>} : memref<125x128xf32, #tpu.memory_space<vmem>>, vector<1x16xf32>,
      %scan3A_374 = arith.constant 7 : i32
      %scan3A_375 = arith.addi %scan3A_43, %scan3A_374 : i32
      %jit3A_376 = arith.constant 8 : i32
      %div3A_377 = arith.divsi %scan3A_375, %jit3A_376 : i32
      %sign3A_378 = arith.constant 0 : i32
      %sign3A_379 = arith.cmpi sgt, %scan3A_375, %sign3A_378 : i32
      %sign3A_380 = arith.extui %sign3A_379 : i1 to i32
      %sign3A_381 = arith.constant 0 : i32
      %sign3A_382 = arith.cmpi slt, %scan3A_375, %sign3A_381 : i32
      %sign3A_383 = arith.extui %sign3A_382 : i1 to i32
      %sign3A_384 = arith.subi %sign3A_380, %sign3A_383 : i32
      %sign3A_385 = arith.constant 0 : i32
      %sign3A_386 = arith.cmpi sgt, %jit3A_376, %sign3A_385 : i32
      %sign3A_387 = arith.extui %sign3A_386 : i1 to i32
      %sign3A_388 = arith.constant 0 : i32
      %sign3A_389 = arith.cmpi slt, %jit3A_376, %sign3A_388 : i32
      %sign3A_390 = arith.extui %sign3A_389 : i1 to i32
      %sign3A_391 = arith.subi %sign3A_387, %sign3A_390 : i32
      %ne3A_392 = arith.cmpi ne, %sign3A_384, %sign3A_391 : i32
      %rem3A_393 = arith.remsi %scan3A_375, %jit3A_376 : i32
      %ne3A_394 = arith.constant 0 : i32
      %ne3A_395 = arith.cmpi ne, %rem3A_393, %ne3A_394 : i32
      %and3A_396 = arith.andi %ne3A_392, %ne3A_395 : i1
      %sub3A_397 = arith.constant 1 : i32
      %sub3A_398 = arith.subi %div3A_377, %sub3A_397 : i32
      %select_n3A_399 = arith.select %and3A_396, %sub3A_398, %div3A_377 : i32
      %jit3A_400 = arith.constant 8 : i32
      %eq3A_401 = arith.constant 0 : i32
      %eq3A_402 = arith.cmpi eq, %jit3A_400, %eq3A_401 : i32
      %jit3A_403 = arith.constant 1 : i32
      %select_n3A_404 = arith.select %eq3A_402, %jit3A_403, %jit3A_400 : i32
      %rem3A_405 = arith.remsi %scan3A_375, %select_n3A_404 : i32
      %ne3A_406 = arith.constant 0 : i32
      %ne3A_407 = arith.cmpi ne, %rem3A_405, %ne3A_406 : i32
      %lt3A_408 = arith.constant 0 : i32
      %lt3A_409 = arith.cmpi slt, %rem3A_405, %lt3A_408 : i32
      %lt3A_410 = arith.constant 0 : i32
      %lt3A_411 = arith.cmpi slt, %select_n3A_404, %lt3A_410 : i32
      %ne3A_412 = arith.xori %lt3A_409, %lt3A_411 : i1
      %and3A_413 = arith.andi %ne3A_412, %ne3A_407 : i1
      %add3A_414 = arith.addi %rem3A_405, %select_n3A_404 : i32
      %select_n3A_415 = arith.select %and3A_413, %add3A_414, %rem3A_405 : i32
      %mul3A_416 = arith.constant 16 : i32
      %mul3A_417 = arith.muli %select_n3A_415, %mul3A_416 : i32
      %swap3A_418 = arith.index_cast %select_n3A_399 : i32 to index
      %swap3A_419 = arith.index_cast %mul3A_417 : i32 to index
      %swap3A_420 = tpu.vector_load %arg9[%swap3A_418, %swap3A_419] {strides = array<i32>} : memref<125x128xf32, #tpu.memory_space<vmem>>, vector<1x16xf32>,
      %swap3A_421 = vector.shape_cast %swap3A_420 : vector<1x16xf32> to vector<16xf32>
      %swap3A_422 = vector.shape_cast %broadcast_in_dim3A_1 : vector<16xf32> to vector<1x16xf32>
      tpu.vector_store %arg9[%swap3A_418, %swap3A_419], %swap3A_422 {strides = array<i32>} : memref<125x128xf32, #tpu.memory_space<vmem>>, vector<1x16xf32>,
    }
    %scan3A_6 = arith.constant 512 : i32
    %scan3A_7 = arith.constant 0 : i32
    %scan3A_8 = arith.constant 0 : i32
    %scan3A_9 = arith.constant 10 : i32
    %scan3A_10 = arith.addi %scan3A_8, %scan3A_9 : i32
    %scan3A_11 = arith.constant 1 : i32
    scf.for %scan3A_43 = %scan3A_8 to %scan3A_10 step %scan3A_11  : i32 {
      %mul3A_44 = arith.constant 640 : i32
      %mul3A_45 = arith.muli %arg1, %mul3A_44 : i32
      %mul3A_46 = arith.constant 64 : i32
      %mul3A_47 = arith.muli %scan3A_43, %mul3A_46 : i32
      %add3A_48 = arith.addi %mul3A_45, %mul3A_47 : i32
      "tpu.region"() ({
        %run_scoped3A = tpu.sem_alloc : memref<!tpu.dma_semaphore, #tpu.memory_space<semaphore_mem>>
        %dma_start3A_49 = arith.constant 0 : i32
        %dma_start3A_50 = arith.constant 0 : i32
        %dma_start3A_51 = tpu.memref_slice %arg9[%dma_start3A_49, %dma_start3A_50] : memref<125x128xf32, #tpu.memory_space<vmem>> -> memref<64x128xf32, #tpu.memory_space<vmem>>
        %dma_start3A_52 = arith.constant 0 : i32
        %dma_start3A_53 = tpu.memref_slice %arg6[%add3A_48, %dma_start3A_52] : memref<10240x128xf32, #tpu.memory_space<vmem_shared>> -> memref<64x128xf32, #tpu.memory_space<vmem_shared>>
        %dma_start3A_54 = arith.constant 0 : i32
        %dma_start3A_55 = tpu.memref_slice %arg6[%add3A_48, %dma_start3A_54] : memref<10240x128xf32, #tpu.memory_space<vmem_shared>> -> memref<64x128xf32, #tpu.memory_space<vmem_shared>>
        %dma_start3A_56 = arith.constant 0 : i32
        %dma_start3A_57 = arith.constant 0 : i32
        %dma_start3A_58 = tpu.memref_slice %arg9[%dma_start3A_56, %dma_start3A_57] : memref<125x128xf32, #tpu.memory_space<vmem>> -> memref<64x128xf32, #tpu.memory_space<vmem>>
        tpu.enqueue_dma source(%dma_start3A_58 : memref<64x128xf32, #tpu.memory_space<vmem>>) target(%dma_start3A_55 : memref<64x128xf32, #tpu.memory_space<vmem_shared>>) target_semaphore(%run_scoped3A : memref<!tpu.dma_semaphore, #tpu.memory_space<semaphore_mem>>)
        %dma_wait3A = arith.constant 0 : i32
        %dma_wait3A_59 = arith.constant 0 : i32
        %dma_wait3A_60 = tpu.memref_slice %arg9[%dma_wait3A, %dma_wait3A_59] : memref<125x128xf32, #tpu.memory_space<vmem>> -> memref<64x128xf32, #tpu.memory_space<vmem>>
        %dma_wait3A_61 = arith.constant 0 : i32
        %dma_wait3A_62 = tpu.memref_slice %arg6[%add3A_48, %dma_wait3A_61] : memref<10240x128xf32, #tpu.memory_space<vmem_shared>> -> memref<64x128xf32, #tpu.memory_space<vmem_shared>>
        %dma_wait3A_63 = arith.constant 0 : i32
        %dma_wait3A_64 = tpu.memref_slice %arg6[%add3A_48, %dma_wait3A_63] : memref<10240x128xf32, #tpu.memory_space<vmem_shared>> -> memref<64x128xf32, #tpu.memory_space<vmem_shared>>
        %dma_wait3A_65 = arith.constant 0 : i32
        %dma_wait3A_66 = arith.constant 0 : i32
        %dma_wait3A_67 = tpu.memref_slice %arg9[%dma_wait3A_65, %dma_wait3A_66] : memref<125x128xf32, #tpu.memory_space<vmem>> -> memref<64x128xf32, #tpu.memory_space<vmem>>
        tpu.wait_dma2 semaphore(%run_scoped3A : memref<!tpu.dma_semaphore, #tpu.memory_space<semaphore_mem>>) src(%dma_wait3A_67 : memref<64x128xf32, #tpu.memory_space<vmem>>) dst(%dma_wait3A_64 : memref<64x128xf32, #tpu.memory_space<vmem_shared>>)
        tpu.yield
      }) : () -> ()
    }
    %scan3A_12 = arith.constant 10 : i32
    %barrier3A = arith.constant 0 : index
    tpu.barrier barrier_id(%barrier3A)
    "tpu.region"() ({
      %run_scoped3A = tpu.sem_alloc : memref<!tpu.dma_semaphore, #tpu.memory_space<semaphore_mem>>
      %dma_start3A_43 = arith.constant 0 : i32
      %dma_start3A_44 = arith.constant 0 : i32
      %dma_start3A_45 = tpu.memref_slice %arg3[%add3A, %dma_start3A_43, %dma_start3A_44] : memref<32x80x125xi32, #tpu.memory_space<hbm>> -> memref<1x40x125xi32, #tpu.memory_space<hbm>>
      %dma_start3A_46 = tpu.memref_squeeze %dma_start3A_45 : memref<1x40x125xi32, #tpu.memory_space<hbm>> -> memref<40x125xi32, #tpu.memory_space<hbm>>
      %dma_start3A_47 = arith.constant 0 : i32
      %dma_start3A_48 = arith.constant 0 : i32
      %dma_start3A_49 = tpu.memref_slice %arg3[%add3A, %dma_start3A_47, %dma_start3A_48] : memref<32x80x125xi32, #tpu.memory_space<hbm>> -> memref<1x40x125xi32, #tpu.memory_space<hbm>>
      %dma_start3A_50 = tpu.memref_squeeze %dma_start3A_49 : memref<1x40x125xi32, #tpu.memory_space<hbm>> -> memref<40x125xi32, #tpu.memory_space<hbm>>
      tpu.enqueue_dma source(%dma_start3A_50 : memref<40x125xi32, #tpu.memory_space<hbm>>) target(%arg7 : memref<40x125xi32, #tpu.memory_space<vmem>>) target_semaphore(%run_scoped3A : memref<!tpu.dma_semaphore, #tpu.memory_space<semaphore_mem>>)
      %dma_wait3A = arith.constant 0 : i32
      %dma_wait3A_51 = arith.constant 0 : i32
      %dma_wait3A_52 = tpu.memref_slice %arg3[%add3A, %dma_wait3A, %dma_wait3A_51] : memref<32x80x125xi32, #tpu.memory_space<hbm>> -> memref<1x40x125xi32, #tpu.memory_space<hbm>>
      %dma_wait3A_53 = tpu.memref_squeeze %dma_wait3A_52 : memref<1x40x125xi32, #tpu.memory_space<hbm>> -> memref<40x125xi32, #tpu.memory_space<hbm>>
      %dma_wait3A_54 = arith.constant 0 : i32
      %dma_wait3A_55 = arith.constant 0 : i32
      %dma_wait3A_56 = tpu.memref_slice %arg3[%add3A, %dma_wait3A_54, %dma_wait3A_55] : memref<32x80x125xi32, #tpu.memory_space<hbm>> -> memref<1x40x125xi32, #tpu.memory_space<hbm>>
      %dma_wait3A_57 = tpu.memref_squeeze %dma_wait3A_56 : memref<1x40x125xi32, #tpu.memory_space<hbm>> -> memref<40x125xi32, #tpu.memory_space<hbm>>
      tpu.wait_dma2 semaphore(%run_scoped3A : memref<!tpu.dma_semaphore, #tpu.memory_space<semaphore_mem>>) src(%dma_wait3A_57 : memref<40x125xi32, #tpu.memory_space<hbm>>) dst(%arg7 : memref<40x125xi32, #tpu.memory_space<vmem>>)
      tpu.yield
    }) : () -> ()
    "tpu.region"() ({
      %run_scoped3A = tpu.sem_alloc : memref<!tpu.dma_semaphore, #tpu.memory_space<semaphore_mem>>
      %dma_start3A_43 = arith.constant 0 : i32
      %dma_start3A_44 = arith.constant 0 : i32
      %dma_start3A_45 = tpu.memref_slice %arg4[%add3A, %dma_start3A_43, %dma_start3A_44] : memref<32x80x125xi32, #tpu.memory_space<hbm>> -> memref<1x40x125xi32, #tpu.memory_space<hbm>>
      %dma_start3A_46 = tpu.memref_squeeze %dma_start3A_45 : memref<1x40x125xi32, #tpu.memory_space<hbm>> -> memref<40x125xi32, #tpu.memory_space<hbm>>
      %dma_start3A_47 = arith.constant 0 : i32
      %dma_start3A_48 = arith.constant 0 : i32
      %dma_start3A_49 = tpu.memref_slice %arg4[%add3A, %dma_start3A_47, %dma_start3A_48] : memref<32x80x125xi32, #tpu.memory_space<hbm>> -> memref<1x40x125xi32, #tpu.memory_space<hbm>>
      %dma_start3A_50 = tpu.memref_squeeze %dma_start3A_49 : memref<1x40x125xi32, #tpu.memory_space<hbm>> -> memref<40x125xi32, #tpu.memory_space<hbm>>
      tpu.enqueue_dma source(%dma_start3A_50 : memref<40x125xi32, #tpu.memory_space<hbm>>) target(%arg8 : memref<40x125xi32, #tpu.memory_space<vmem>>) target_semaphore(%run_scoped3A : memref<!tpu.dma_semaphore, #tpu.memory_space<semaphore_mem>>)
      %dma_wait3A = arith.constant 0 : i32
      %dma_wait3A_51 = arith.constant 0 : i32
      %dma_wait3A_52 = tpu.memref_slice %arg4[%add3A, %dma_wait3A, %dma_wait3A_51] : memref<32x80x125xi32, #tpu.memory_space<hbm>> -> memref<1x40x125xi32, #tpu.memory_space<hbm>>
      %dma_wait3A_53 = tpu.memref_squeeze %dma_wait3A_52 : memref<1x40x125xi32, #tpu.memory_space<hbm>> -> memref<40x125xi32, #tpu.memory_space<hbm>>
      %dma_wait3A_54 = arith.constant 0 : i32
      %dma_wait3A_55 = arith.constant 0 : i32
      %dma_wait3A_56 = tpu.memref_slice %arg4[%add3A, %dma_wait3A_54, %dma_wait3A_55] : memref<32x80x125xi32, #tpu.memory_space<hbm>> -> memref<1x40x125xi32, #tpu.memory_space<hbm>>
      %dma_wait3A_57 = tpu.memref_squeeze %dma_wait3A_56 : memref<1x40x125xi32, #tpu.memory_space<hbm>> -> memref<40x125xi32, #tpu.memory_space<hbm>>
      tpu.wait_dma2 semaphore(%run_scoped3A : memref<!tpu.dma_semaphore, #tpu.memory_space<semaphore_mem>>) src(%dma_wait3A_57 : memref<40x125xi32, #tpu.memory_space<hbm>>) dst(%arg8 : memref<40x125xi32, #tpu.memory_space<vmem>>)
      tpu.yield
    }) : () -> ()
    %dma_start3A = arith.constant 0 : i32
    %dma_start3A_13 = arith.constant 0 : i32
    %dma_start3A_14 = tpu.memref_slice %arg7[%dma_start3A, %dma_start3A_13] : memref<40x125xi32, #tpu.memory_space<vmem>> -> memref<1x125xi32, #tpu.memory_space<vmem>>
    %dma_start3A_15 = tpu.memref_squeeze %dma_start3A_14 : memref<1x125xi32, #tpu.memory_space<vmem>> -> memref<125xi32, #tpu.memory_space<vmem>>
    %dma_start3A_16 = arith.constant 0 : i32
    %dma_start3A_17 = arith.constant 0 : i32
    %dma_start3A_18 = tpu.memref_slice %arg2[%dma_start3A_16, %dma_start3A_17] : memref<10000x128xf32, #tpu.memory_space<hbm>> -> memref<10000x128xf32, #tpu.memory_space<hbm>>
    tpu.enqueue_indirect_dma source(%dma_start3A_18 : memref<10000x128xf32, #tpu.memory_space<hbm>>) target(%arg9 : memref<125x128xf32, #tpu.memory_space<vmem>>) offsets(%dma_start3A_15 : memref<125xi32, #tpu.memory_space<vmem>>) semaphore(%arg11 : memref<!tpu.dma_semaphore, #tpu.memory_space<semaphore_mem>>)
    %scan3A_19 = arith.constant 0 : i32
    %scan3A_20 = arith.constant 0 : i32
    %scan3A_21 = arith.constant 20 : i32
    %scan3A_22 = arith.addi %scan3A_20, %scan3A_21 : i32
    %scan3A_23 = arith.constant 1 : i32
    scf.for %scan3A_43 = %scan3A_20 to %scan3A_22 step %scan3A_23  : i32 {
      %mul3A_44 = arith.constant 2 : i32
      %mul3A_45 = arith.muli %scan3A_43, %mul3A_44 : i32
      %add3A_46 = arith.constant 0 : i32
      %add3A_47 = arith.addi %mul3A_45, %add3A_46 : i32
      %add3A_48 = arith.constant 1 : i32
      %add3A_49 = arith.addi %add3A_47, %add3A_48 : i32
      %lt3A = arith.constant 40 : i32
      %lt3A_50 = arith.cmpi slt, %add3A_49, %lt3A : i32
      %convert_element_type3A = arith.extui %lt3A_50 : i1 to i32
      %cond3A = arith.constant 0 : i32
      %cond3A_51 = arith.cmpi ne, %convert_element_type3A, %cond3A : i32
      scf.if %cond3A_51 {
        %add3A_74 = arith.constant 1 : i32
        %add3A_75 = arith.addi %add3A_47, %add3A_74 : i32
        %dma_start3A_76 = arith.constant 0 : i32
        %dma_start3A_77 = tpu.memref_slice %arg7[%add3A_75, %dma_start3A_76] : memref<40x125xi32, #tpu.memory_space<vmem>> -> memref<1x125xi32, #tpu.memory_space<vmem>>
        %dma_start3A_78 = tpu.memref_squeeze %dma_start3A_77 : memref<1x125xi32, #tpu.memory_space<vmem>> -> memref<125xi32, #tpu.memory_space<vmem>>
        %dma_start3A_79 = arith.constant 0 : i32
        %dma_start3A_80 = arith.constant 0 : i32
        %dma_start3A_81 = tpu.memref_slice %arg2[%dma_start3A_79, %dma_start3A_80] : memref<10000x128xf32, #tpu.memory_space<hbm>> -> memref<10000x128xf32, #tpu.memory_space<hbm>>
        tpu.enqueue_indirect_dma source(%dma_start3A_81 : memref<10000x128xf32, #tpu.memory_space<hbm>>) target(%arg10 : memref<125x128xf32, #tpu.memory_space<vmem>>) offsets(%dma_start3A_78 : memref<125xi32, #tpu.memory_space<vmem>>) semaphore(%arg12 : memref<!tpu.dma_semaphore, #tpu.memory_space<semaphore_mem>>)
      } else {
      }
      %dma_wait3A = arith.constant 0 : i32
      %dma_wait3A_52 = tpu.memref_slice %arg7[%add3A_47, %dma_wait3A] : memref<40x125xi32, #tpu.memory_space<vmem>> -> memref<1x125xi32, #tpu.memory_space<vmem>>
      %dma_wait3A_53 = tpu.memref_squeeze %dma_wait3A_52 : memref<1x125xi32, #tpu.memory_space<vmem>> -> memref<125xi32, #tpu.memory_space<vmem>>
      %dma_wait3A_54 = arith.constant 0 : i32
      %dma_wait3A_55 = arith.constant 0 : i32
      %dma_wait3A_56 = tpu.memref_slice %arg2[%dma_wait3A_54, %dma_wait3A_55] : memref<10000x128xf32, #tpu.memory_space<hbm>> -> memref<10000x128xf32, #tpu.memory_space<hbm>>
      tpu.wait_indirect_dma semaphore(%arg11 : memref<!tpu.dma_semaphore, #tpu.memory_space<semaphore_mem>>) src(%dma_wait3A_56 : memref<10000x128xf32, #tpu.memory_space<hbm>>) dst(%arg9 : memref<125x128xf32, #tpu.memory_space<vmem>>)
      "tpu.region"() ({
        %run_scoped3A = tpu.sem_alloc : memref<!tpu.dma_semaphore, #tpu.memory_space<semaphore_mem>>
        %dma_start3A_74 = arith.constant 0 : i32
        %dma_start3A_75 = tpu.memref_slice %arg8[%add3A_47, %dma_start3A_74] : memref<40x125xi32, #tpu.memory_space<vmem>> -> memref<1x125xi32, #tpu.memory_space<vmem>>
        %dma_start3A_76 = tpu.memref_squeeze %dma_start3A_75 : memref<1x125xi32, #tpu.memory_space<vmem>> -> memref<125xi32, #tpu.memory_space<vmem>>
        %dma_start3A_77 = arith.constant 0 : i32
        %dma_start3A_78 = arith.constant 0 : i32
        %dma_start3A_79 = tpu.memref_slice %arg6[%dma_start3A_77, %dma_start3A_78] : memref<10240x128xf32, #tpu.memory_space<vmem_shared>> -> memref<10240x128xf32, #tpu.memory_space<vmem_shared>>
        tpu.enqueue_indirect_dma source(%arg9 : memref<125x128xf32, #tpu.memory_space<vmem>>) target(%dma_start3A_79 : memref<10240x128xf32, #tpu.memory_space<vmem_shared>>) offsets(%dma_start3A_76 : memref<125xi32, #tpu.memory_space<vmem>>) semaphore(%run_scoped3A : memref<!tpu.dma_semaphore, #tpu.memory_space<semaphore_mem>>) {add = true}
        %dma_wait3A_80 = arith.constant 0 : i32
        %dma_wait3A_81 = tpu.memref_slice %arg8[%add3A_47, %dma_wait3A_80] : memref<40x125xi32, #tpu.memory_space<vmem>> -> memref<1x125xi32, #tpu.memory_space<vmem>>
        %dma_wait3A_82 = tpu.memref_squeeze %dma_wait3A_81 : memref<1x125xi32, #tpu.memory_space<vmem>> -> memref<125xi32, #tpu.memory_space<vmem>>
        %dma_wait3A_83 = arith.constant 0 : i32
        %dma_wait3A_84 = arith.constant 0 : i32
        %dma_wait3A_85 = tpu.memref_slice %arg6[%dma_wait3A_83, %dma_wait3A_84] : memref<10240x128xf32, #tpu.memory_space<vmem_shared>> -> memref<10240x128xf32, #tpu.memory_space<vmem_shared>>
        tpu.wait_indirect_dma semaphore(%run_scoped3A : memref<!tpu.dma_semaphore, #tpu.memory_space<semaphore_mem>>) src(%arg9 : memref<125x128xf32, #tpu.memory_space<vmem>>) dst(%dma_wait3A_85 : memref<10240x128xf32, #tpu.memory_space<vmem_shared>>)
        tpu.yield
      }) : () -> ()
      %mul3A_57 = arith.constant 2 : i32
      %mul3A_58 = arith.muli %scan3A_43, %mul3A_57 : i32
      %add3A_59 = arith.constant 1 : i32
      %add3A_60 = arith.addi %mul3A_58, %add3A_59 : i32
      %add3A_61 = arith.constant 1 : i32
      %add3A_62 = arith.addi %add3A_60, %add3A_61 : i32
      %lt3A_63 = arith.constant 40 : i32
      %lt3A_64 = arith.cmpi slt, %add3A_62, %lt3A_63 : i32
      %convert_element_type3A_65 = arith.extui %lt3A_64 : i1 to i32
      %cond3A_66 = arith.constant 0 : i32
      %cond3A_67 = arith.cmpi ne, %convert_element_type3A_65, %cond3A_66 : i32
      scf.if %cond3A_67 {
        %add3A_74 = arith.constant 1 : i32
        %add3A_75 = arith.addi %add3A_60, %add3A_74 : i32
        %dma_start3A_76 = arith.constant 0 : i32
        %dma_start3A_77 = tpu.memref_slice %arg7[%add3A_75, %dma_start3A_76] : memref<40x125xi32, #tpu.memory_space<vmem>> -> memref<1x125xi32, #tpu.memory_space<vmem>>
        %dma_start3A_78 = tpu.memref_squeeze %dma_start3A_77 : memref<1x125xi32, #tpu.memory_space<vmem>> -> memref<125xi32, #tpu.memory_space<vmem>>
        %dma_start3A_79 = arith.constant 0 : i32
        %dma_start3A_80 = arith.constant 0 : i32
        %dma_start3A_81 = tpu.memref_slice %arg2[%dma_start3A_79, %dma_start3A_80] : memref<10000x128xf32, #tpu.memory_space<hbm>> -> memref<10000x128xf32, #tpu.memory_space<hbm>>
        tpu.enqueue_indirect_dma source(%dma_start3A_81 : memref<10000x128xf32, #tpu.memory_space<hbm>>) target(%arg9 : memref<125x128xf32, #tpu.memory_space<vmem>>) offsets(%dma_start3A_78 : memref<125xi32, #tpu.memory_space<vmem>>) semaphore(%arg11 : memref<!tpu.dma_semaphore, #tpu.memory_space<semaphore_mem>>)
      } else {
      }
      %dma_wait3A_68 = arith.constant 0 : i32
      %dma_wait3A_69 = tpu.memref_slice %arg7[%add3A_60, %dma_wait3A_68] : memref<40x125xi32, #tpu.memory_space<vmem>> -> memref<1x125xi32, #tpu.memory_space<vmem>>
      %dma_wait3A_70 = tpu.memref_squeeze %dma_wait3A_69 : memref<1x125xi32, #tpu.memory_space<vmem>> -> memref<125xi32, #tpu.memory_space<vmem>>
      %dma_wait3A_71 = arith.constant 0 : i32
      %dma_wait3A_72 = arith.constant 0 : i32
      %dma_wait3A_73 = tpu.memref_slice %arg2[%dma_wait3A_71, %dma_wait3A_72] : memref<10000x128xf32, #tpu.memory_space<hbm>> -> memref<10000x128xf32, #tpu.memory_space<hbm>>
      tpu.wait_indirect_dma semaphore(%arg12 : memref<!tpu.dma_semaphore, #tpu.memory_space<semaphore_mem>>) src(%dma_wait3A_73 : memref<10000x128xf32, #tpu.memory_space<hbm>>) dst(%arg10 : memref<125x128xf32, #tpu.memory_space<vmem>>)
      "tpu.region"() ({
        %run_scoped3A = tpu.sem_alloc : memref<!tpu.dma_semaphore, #tpu.memory_space<semaphore_mem>>
        %dma_start3A_74 = arith.constant 0 : i32
        %dma_start3A_75 = tpu.memref_slice %arg8[%add3A_60, %dma_start3A_74] : memref<40x125xi32, #tpu.memory_space<vmem>> -> memref<1x125xi32, #tpu.memory_space<vmem>>
        %dma_start3A_76 = tpu.memref_squeeze %dma_start3A_75 : memref<1x125xi32, #tpu.memory_space<vmem>> -> memref<125xi32, #tpu.memory_space<vmem>>
        %dma_start3A_77 = arith.constant 0 : i32
        %dma_start3A_78 = arith.constant 0 : i32
        %dma_start3A_79 = tpu.memref_slice %arg6[%dma_start3A_77, %dma_start3A_78] : memref<10240x128xf32, #tpu.memory_space<vmem_shared>> -> memref<10240x128xf32, #tpu.memory_space<vmem_shared>>
        tpu.enqueue_indirect_dma source(%arg10 : memref<125x128xf32, #tpu.memory_space<vmem>>) target(%dma_start3A_79 : memref<10240x128xf32, #tpu.memory_space<vmem_shared>>) offsets(%dma_start3A_76 : memref<125xi32, #tpu.memory_space<vmem>>) semaphore(%run_scoped3A : memref<!tpu.dma_semaphore, #tpu.memory_space<semaphore_mem>>) {add = true}
        %dma_wait3A_80 = arith.constant 0 : i32
        %dma_wait3A_81 = tpu.memref_slice %arg8[%add3A_60, %dma_wait3A_80] : memref<40x125xi32, #tpu.memory_space<vmem>> -> memref<1x125xi32, #tpu.memory_space<vmem>>
        %dma_wait3A_82 = tpu.memref_squeeze %dma_wait3A_81 : memref<1x125xi32, #tpu.memory_space<vmem>> -> memref<125xi32, #tpu.memory_space<vmem>>
        %dma_wait3A_83 = arith.constant 0 : i32
        %dma_wait3A_84 = arith.constant 0 : i32
        %dma_wait3A_85 = tpu.memref_slice %arg6[%dma_wait3A_83, %dma_wait3A_84] : memref<10240x128xf32, #tpu.memory_space<vmem_shared>> -> memref<10240x128xf32, #tpu.memory_space<vmem_shared>>
        tpu.wait_indirect_dma semaphore(%run_scoped3A : memref<!tpu.dma_semaphore, #tpu.memory_space<semaphore_mem>>) src(%arg10 : memref<125x128xf32, #tpu.memory_space<vmem>>) dst(%dma_wait3A_85 : memref<10240x128xf32, #tpu.memory_space<vmem_shared>>)
        tpu.yield
      }) : () -> ()
    }
    %scan3A_24 = arith.constant 20 : i32
    "tpu.region"() ({
      %run_scoped3A = tpu.sem_alloc : memref<!tpu.dma_semaphore, #tpu.memory_space<semaphore_mem>>
      %dma_start3A_43 = arith.constant 40 : i32
      %dma_start3A_44 = arith.constant 0 : i32
      %dma_start3A_45 = tpu.memref_slice %arg3[%add3A, %dma_start3A_43, %dma_start3A_44] : memref<32x80x125xi32, #tpu.memory_space<hbm>> -> memref<1x40x125xi32, #tpu.memory_space<hbm>>
      %dma_start3A_46 = tpu.memref_squeeze %dma_start3A_45 : memref<1x40x125xi32, #tpu.memory_space<hbm>> -> memref<40x125xi32, #tpu.memory_space<hbm>>
      %dma_start3A_47 = arith.constant 40 : i32
      %dma_start3A_48 = arith.constant 0 : i32
      %dma_start3A_49 = tpu.memref_slice %arg3[%add3A, %dma_start3A_47, %dma_start3A_48] : memref<32x80x125xi32, #tpu.memory_space<hbm>> -> memref<1x40x125xi32, #tpu.memory_space<hbm>>
      %dma_start3A_50 = tpu.memref_squeeze %dma_start3A_49 : memref<1x40x125xi32, #tpu.memory_space<hbm>> -> memref<40x125xi32, #tpu.memory_space<hbm>>
      tpu.enqueue_dma source(%dma_start3A_50 : memref<40x125xi32, #tpu.memory_space<hbm>>) target(%arg7 : memref<40x125xi32, #tpu.memory_space<vmem>>) target_semaphore(%run_scoped3A : memref<!tpu.dma_semaphore, #tpu.memory_space<semaphore_mem>>)
      %dma_wait3A = arith.constant 40 : i32
      %dma_wait3A_51 = arith.constant 0 : i32
      %dma_wait3A_52 = tpu.memref_slice %arg3[%add3A, %dma_wait3A, %dma_wait3A_51] : memref<32x80x125xi32, #tpu.memory_space<hbm>> -> memref<1x40x125xi32, #tpu.memory_space<hbm>>
      %dma_wait3A_53 = tpu.memref_squeeze %dma_wait3A_52 : memref<1x40x125xi32, #tpu.memory_space<hbm>> -> memref<40x125xi32, #tpu.memory_space<hbm>>
      %dma_wait3A_54 = arith.constant 40 : i32
      %dma_wait3A_55 = arith.constant 0 : i32
      %dma_wait3A_56 = tpu.memref_slice %arg3[%add3A, %dma_wait3A_54, %dma_wait3A_55] : memref<32x80x125xi32, #tpu.memory_space<hbm>> -> memref<1x40x125xi32, #tpu.memory_space<hbm>>
      %dma_wait3A_57 = tpu.memref_squeeze %dma_wait3A_56 : memref<1x40x125xi32, #tpu.memory_space<hbm>> -> memref<40x125xi32, #tpu.memory_space<hbm>>
      tpu.wait_dma2 semaphore(%run_scoped3A : memref<!tpu.dma_semaphore, #tpu.memory_space<semaphore_mem>>) src(%dma_wait3A_57 : memref<40x125xi32, #tpu.memory_space<hbm>>) dst(%arg7 : memref<40x125xi32, #tpu.memory_space<vmem>>)
      tpu.yield
    }) : () -> ()
    "tpu.region"() ({
      %run_scoped3A = tpu.sem_alloc : memref<!tpu.dma_semaphore, #tpu.memory_space<semaphore_mem>>
      %dma_start3A_43 = arith.constant 40 : i32
      %dma_start3A_44 = arith.constant 0 : i32
      %dma_start3A_45 = tpu.memref_slice %arg4[%add3A, %dma_start3A_43, %dma_start3A_44] : memref<32x80x125xi32, #tpu.memory_space<hbm>> -> memref<1x40x125xi32, #tpu.memory_space<hbm>>
      %dma_start3A_46 = tpu.memref_squeeze %dma_start3A_45 : memref<1x40x125xi32, #tpu.memory_space<hbm>> -> memref<40x125xi32, #tpu.memory_space<hbm>>
      %dma_start3A_47 = arith.constant 40 : i32
      %dma_start3A_48 = arith.constant 0 : i32
      %dma_start3A_49 = tpu.memref_slice %arg4[%add3A, %dma_start3A_47, %dma_start3A_48] : memref<32x80x125xi32, #tpu.memory_space<hbm>> -> memref<1x40x125xi32, #tpu.memory_space<hbm>>
      %dma_start3A_50 = tpu.memref_squeeze %dma_start3A_49 : memref<1x40x125xi32, #tpu.memory_space<hbm>> -> memref<40x125xi32, #tpu.memory_space<hbm>>
      tpu.enqueue_dma source(%dma_start3A_50 : memref<40x125xi32, #tpu.memory_space<hbm>>) target(%arg8 : memref<40x125xi32, #tpu.memory_space<vmem>>) target_semaphore(%run_scoped3A : memref<!tpu.dma_semaphore, #tpu.memory_space<semaphore_mem>>)
      %dma_wait3A = arith.constant 40 : i32
      %dma_wait3A_51 = arith.constant 0 : i32
      %dma_wait3A_52 = tpu.memref_slice %arg4[%add3A, %dma_wait3A, %dma_wait3A_51] : memref<32x80x125xi32, #tpu.memory_space<hbm>> -> memref<1x40x125xi32, #tpu.memory_space<hbm>>
      %dma_wait3A_53 = tpu.memref_squeeze %dma_wait3A_52 : memref<1x40x125xi32, #tpu.memory_space<hbm>> -> memref<40x125xi32, #tpu.memory_space<hbm>>
      %dma_wait3A_54 = arith.constant 40 : i32
      %dma_wait3A_55 = arith.constant 0 : i32
      %dma_wait3A_56 = tpu.memref_slice %arg4[%add3A, %dma_wait3A_54, %dma_wait3A_55] : memref<32x80x125xi32, #tpu.memory_space<hbm>> -> memref<1x40x125xi32, #tpu.memory_space<hbm>>
      %dma_wait3A_57 = tpu.memref_squeeze %dma_wait3A_56 : memref<1x40x125xi32, #tpu.memory_space<hbm>> -> memref<40x125xi32, #tpu.memory_space<hbm>>
      tpu.wait_dma2 semaphore(%run_scoped3A : memref<!tpu.dma_semaphore, #tpu.memory_space<semaphore_mem>>) src(%dma_wait3A_57 : memref<40x125xi32, #tpu.memory_space<hbm>>) dst(%arg8 : memref<40x125xi32, #tpu.memory_space<vmem>>)
      tpu.yield
    }) : () -> ()
    %dma_start3A_25 = arith.constant 0 : i32
    %dma_start3A_26 = arith.constant 0 : i32
    %dma_start3A_27 = tpu.memref_slice %arg7[%dma_start3A_25, %dma_start3A_26] : memref<40x125xi32, #tpu.memory_space<vmem>> -> memref<1x125xi32, #tpu.memory_space<vmem>>
    %dma_start3A_28 = tpu.memref_squeeze %dma_start3A_27 : memref<1x125xi32, #tpu.memory_space<vmem>> -> memref<125xi32, #tpu.memory_space<vmem>>
    %dma_start3A_29 = arith.constant 0 : i32
    %dma_start3A_30 = arith.constant 0 : i32
    %dma_start3A_31 = tpu.memref_slice %arg2[%dma_start3A_29, %dma_start3A_30] : memref<10000x128xf32, #tpu.memory_space<hbm>> -> memref<10000x128xf32, #tpu.memory_space<hbm>>
    tpu.enqueue_indirect_dma source(%dma_start3A_31 : memref<10000x128xf32, #tpu.memory_space<hbm>>) target(%arg9 : memref<125x128xf32, #tpu.memory_space<vmem>>) offsets(%dma_start3A_28 : memref<125xi32, #tpu.memory_space<vmem>>) semaphore(%arg11 : memref<!tpu.dma_semaphore, #tpu.memory_space<semaphore_mem>>)
    %scan3A_32 = arith.constant 0 : i32
    %scan3A_33 = arith.constant 0 : i32
    %scan3A_34 = arith.constant 20 : i32
    %scan3A_35 = arith.addi %scan3A_33, %scan3A_34 : i32
    %scan3A_36 = arith.constant 1 : i32
    scf.for %scan3A_43 = %scan3A_33 to %scan3A_35 step %scan3A_36  : i32 {
      %mul3A_44 = arith.constant 2 : i32
      %mul3A_45 = arith.muli %scan3A_43, %mul3A_44 : i32
      %add3A_46 = arith.constant 0 : i32
      %add3A_47 = arith.addi %mul3A_45, %add3A_46 : i32
      %add3A_48 = arith.constant 1 : i32
      %add3A_49 = arith.addi %add3A_47, %add3A_48 : i32
      %lt3A = arith.constant 40 : i32
      %lt3A_50 = arith.cmpi slt, %add3A_49, %lt3A : i32
      %convert_element_type3A = arith.extui %lt3A_50 : i1 to i32
      %cond3A = arith.constant 0 : i32
      %cond3A_51 = arith.cmpi ne, %convert_element_type3A, %cond3A : i32
      scf.if %cond3A_51 {
        %add3A_74 = arith.constant 1 : i32
        %add3A_75 = arith.addi %add3A_47, %add3A_74 : i32
        %dma_start3A_76 = arith.constant 0 : i32
        %dma_start3A_77 = tpu.memref_slice %arg7[%add3A_75, %dma_start3A_76] : memref<40x125xi32, #tpu.memory_space<vmem>> -> memref<1x125xi32, #tpu.memory_space<vmem>>
        %dma_start3A_78 = tpu.memref_squeeze %dma_start3A_77 : memref<1x125xi32, #tpu.memory_space<vmem>> -> memref<125xi32, #tpu.memory_space<vmem>>
        %dma_start3A_79 = arith.constant 0 : i32
        %dma_start3A_80 = arith.constant 0 : i32
        %dma_start3A_81 = tpu.memref_slice %arg2[%dma_start3A_79, %dma_start3A_80] : memref<10000x128xf32, #tpu.memory_space<hbm>> -> memref<10000x128xf32, #tpu.memory_space<hbm>>
        tpu.enqueue_indirect_dma source(%dma_start3A_81 : memref<10000x128xf32, #tpu.memory_space<hbm>>) target(%arg10 : memref<125x128xf32, #tpu.memory_space<vmem>>) offsets(%dma_start3A_78 : memref<125xi32, #tpu.memory_space<vmem>>) semaphore(%arg12 : memref<!tpu.dma_semaphore, #tpu.memory_space<semaphore_mem>>)
      } else {
      }
      %dma_wait3A = arith.constant 0 : i32
      %dma_wait3A_52 = tpu.memref_slice %arg7[%add3A_47, %dma_wait3A] : memref<40x125xi32, #tpu.memory_space<vmem>> -> memref<1x125xi32, #tpu.memory_space<vmem>>
      %dma_wait3A_53 = tpu.memref_squeeze %dma_wait3A_52 : memref<1x125xi32, #tpu.memory_space<vmem>> -> memref<125xi32, #tpu.memory_space<vmem>>
      %dma_wait3A_54 = arith.constant 0 : i32
      %dma_wait3A_55 = arith.constant 0 : i32
      %dma_wait3A_56 = tpu.memref_slice %arg2[%dma_wait3A_54, %dma_wait3A_55] : memref<10000x128xf32, #tpu.memory_space<hbm>> -> memref<10000x128xf32, #tpu.memory_space<hbm>>
      tpu.wait_indirect_dma semaphore(%arg11 : memref<!tpu.dma_semaphore, #tpu.memory_space<semaphore_mem>>) src(%dma_wait3A_56 : memref<10000x128xf32, #tpu.memory_space<hbm>>) dst(%arg9 : memref<125x128xf32, #tpu.memory_space<vmem>>)
      "tpu.region"() ({
        %run_scoped3A = tpu.sem_alloc : memref<!tpu.dma_semaphore, #tpu.memory_space<semaphore_mem>>
        %dma_start3A_74 = arith.constant 0 : i32
        %dma_start3A_75 = tpu.memref_slice %arg8[%add3A_47, %dma_start3A_74] : memref<40x125xi32, #tpu.memory_space<vmem>> -> memref<1x125xi32, #tpu.memory_space<vmem>>
        %dma_start3A_76 = tpu.memref_squeeze %dma_start3A_75 : memref<1x125xi32, #tpu.memory_space<vmem>> -> memref<125xi32, #tpu.memory_space<vmem>>
        %dma_start3A_77 = arith.constant 0 : i32
        %dma_start3A_78 = arith.constant 0 : i32
        %dma_start3A_79 = tpu.memref_slice %arg6[%dma_start3A_77, %dma_start3A_78] : memref<10240x128xf32, #tpu.memory_space<vmem_shared>> -> memref<10240x128xf32, #tpu.memory_space<vmem_shared>>
        tpu.enqueue_indirect_dma source(%arg9 : memref<125x128xf32, #tpu.memory_space<vmem>>) target(%dma_start3A_79 : memref<10240x128xf32, #tpu.memory_space<vmem_shared>>) offsets(%dma_start3A_76 : memref<125xi32, #tpu.memory_space<vmem>>) semaphore(%run_scoped3A : memref<!tpu.dma_semaphore, #tpu.memory_space<semaphore_mem>>) {add = true}
        %dma_wait3A_80 = arith.constant 0 : i32
        %dma_wait3A_81 = tpu.memref_slice %arg8[%add3A_47, %dma_wait3A_80] : memref<40x125xi32, #tpu.memory_space<vmem>> -> memref<1x125xi32, #tpu.memory_space<vmem>>
        %dma_wait3A_82 = tpu.memref_squeeze %dma_wait3A_81 : memref<1x125xi32, #tpu.memory_space<vmem>> -> memref<125xi32, #tpu.memory_space<vmem>>
        %dma_wait3A_83 = arith.constant 0 : i32
        %dma_wait3A_84 = arith.constant 0 : i32
        %dma_wait3A_85 = tpu.memref_slice %arg6[%dma_wait3A_83, %dma_wait3A_84] : memref<10240x128xf32, #tpu.memory_space<vmem_shared>> -> memref<10240x128xf32, #tpu.memory_space<vmem_shared>>
        tpu.wait_indirect_dma semaphore(%run_scoped3A : memref<!tpu.dma_semaphore, #tpu.memory_space<semaphore_mem>>) src(%arg9 : memref<125x128xf32, #tpu.memory_space<vmem>>) dst(%dma_wait3A_85 : memref<10240x128xf32, #tpu.memory_space<vmem_shared>>)
        tpu.yield
      }) : () -> ()
      %mul3A_57 = arith.constant 2 : i32
      %mul3A_58 = arith.muli %scan3A_43, %mul3A_57 : i32
      %add3A_59 = arith.constant 1 : i32
      %add3A_60 = arith.addi %mul3A_58, %add3A_59 : i32
      %add3A_61 = arith.constant 1 : i32
      %add3A_62 = arith.addi %add3A_60, %add3A_61 : i32
      %lt3A_63 = arith.constant 40 : i32
      %lt3A_64 = arith.cmpi slt, %add3A_62, %lt3A_63 : i32
      %convert_element_type3A_65 = arith.extui %lt3A_64 : i1 to i32
      %cond3A_66 = arith.constant 0 : i32
      %cond3A_67 = arith.cmpi ne, %convert_element_type3A_65, %cond3A_66 : i32
      scf.if %cond3A_67 {
        %add3A_74 = arith.constant 1 : i32
        %add3A_75 = arith.addi %add3A_60, %add3A_74 : i32
        %dma_start3A_76 = arith.constant 0 : i32
        %dma_start3A_77 = tpu.memref_slice %arg7[%add3A_75, %dma_start3A_76] : memref<40x125xi32, #tpu.memory_space<vmem>> -> memref<1x125xi32, #tpu.memory_space<vmem>>
        %dma_start3A_78 = tpu.memref_squeeze %dma_start3A_77 : memref<1x125xi32, #tpu.memory_space<vmem>> -> memref<125xi32, #tpu.memory_space<vmem>>
        %dma_start3A_79 = arith.constant 0 : i32
        %dma_start3A_80 = arith.constant 0 : i32
        %dma_start3A_81 = tpu.memref_slice %arg2[%dma_start3A_79, %dma_start3A_80] : memref<10000x128xf32, #tpu.memory_space<hbm>> -> memref<10000x128xf32, #tpu.memory_space<hbm>>
        tpu.enqueue_indirect_dma source(%dma_start3A_81 : memref<10000x128xf32, #tpu.memory_space<hbm>>) target(%arg9 : memref<125x128xf32, #tpu.memory_space<vmem>>) offsets(%dma_start3A_78 : memref<125xi32, #tpu.memory_space<vmem>>) semaphore(%arg11 : memref<!tpu.dma_semaphore, #tpu.memory_space<semaphore_mem>>)
      } else {
      }
      %dma_wait3A_68 = arith.constant 0 : i32
      %dma_wait3A_69 = tpu.memref_slice %arg7[%add3A_60, %dma_wait3A_68] : memref<40x125xi32, #tpu.memory_space<vmem>> -> memref<1x125xi32, #tpu.memory_space<vmem>>
      %dma_wait3A_70 = tpu.memref_squeeze %dma_wait3A_69 : memref<1x125xi32, #tpu.memory_space<vmem>> -> memref<125xi32, #tpu.memory_space<vmem>>
      %dma_wait3A_71 = arith.constant 0 : i32
      %dma_wait3A_72 = arith.constant 0 : i32
      %dma_wait3A_73 = tpu.memref_slice %arg2[%dma_wait3A_71, %dma_wait3A_72] : memref<10000x128xf32, #tpu.memory_space<hbm>> -> memref<10000x128xf32, #tpu.memory_space<hbm>>
      tpu.wait_indirect_dma semaphore(%arg12 : memref<!tpu.dma_semaphore, #tpu.memory_space<semaphore_mem>>) src(%dma_wait3A_73 : memref<10000x128xf32, #tpu.memory_space<hbm>>) dst(%arg10 : memref<125x128xf32, #tpu.memory_space<vmem>>)
      "tpu.region"() ({
        %run_scoped3A = tpu.sem_alloc : memref<!tpu.dma_semaphore, #tpu.memory_space<semaphore_mem>>
        %dma_start3A_74 = arith.constant 0 : i32
        %dma_start3A_75 = tpu.memref_slice %arg8[%add3A_60, %dma_start3A_74] : memref<40x125xi32, #tpu.memory_space<vmem>> -> memref<1x125xi32, #tpu.memory_space<vmem>>
        %dma_start3A_76 = tpu.memref_squeeze %dma_start3A_75 : memref<1x125xi32, #tpu.memory_space<vmem>> -> memref<125xi32, #tpu.memory_space<vmem>>
        %dma_start3A_77 = arith.constant 0 : i32
        %dma_start3A_78 = arith.constant 0 : i32
        %dma_start3A_79 = tpu.memref_slice %arg6[%dma_start3A_77, %dma_start3A_78] : memref<10240x128xf32, #tpu.memory_space<vmem_shared>> -> memref<10240x128xf32, #tpu.memory_space<vmem_shared>>
        tpu.enqueue_indirect_dma source(%arg10 : memref<125x128xf32, #tpu.memory_space<vmem>>) target(%dma_start3A_79 : memref<10240x128xf32, #tpu.memory_space<vmem_shared>>) offsets(%dma_start3A_76 : memref<125xi32, #tpu.memory_space<vmem>>) semaphore(%run_scoped3A : memref<!tpu.dma_semaphore, #tpu.memory_space<semaphore_mem>>) {add = true}
        %dma_wait3A_80 = arith.constant 0 : i32
        %dma_wait3A_81 = tpu.memref_slice %arg8[%add3A_60, %dma_wait3A_80] : memref<40x125xi32, #tpu.memory_space<vmem>> -> memref<1x125xi32, #tpu.memory_space<vmem>>
        %dma_wait3A_82 = tpu.memref_squeeze %dma_wait3A_81 : memref<1x125xi32, #tpu.memory_space<vmem>> -> memref<125xi32, #tpu.memory_space<vmem>>
        %dma_wait3A_83 = arith.constant 0 : i32
        %dma_wait3A_84 = arith.constant 0 : i32
        %dma_wait3A_85 = tpu.memref_slice %arg6[%dma_wait3A_83, %dma_wait3A_84] : memref<10240x128xf32, #tpu.memory_space<vmem_shared>> -> memref<10240x128xf32, #tpu.memory_space<vmem_shared>>
        tpu.wait_indirect_dma semaphore(%run_scoped3A : memref<!tpu.dma_semaphore, #tpu.memory_space<semaphore_mem>>) src(%arg10 : memref<125x128xf32, #tpu.memory_space<vmem>>) dst(%dma_wait3A_85 : memref<10240x128xf32, #tpu.memory_space<vmem_shared>>)
        tpu.yield
      }) : () -> ()
    }
    %scan3A_37 = arith.constant 20 : i32
    %barrier3A_38 = arith.constant 0 : index
    tpu.barrier barrier_id(%barrier3A_38)
    %mul3A_39 = arith.constant 640 : i32
    %mul3A_40 = arith.muli %arg1, %mul3A_39 : i32
    %mul3A_41 = arith.constant 640 : i32
    %mul3A_42 = arith.muli %arg1, %mul3A_41 : i32
    "tpu.region"() ({
      %run_scoped3A = tpu.sem_alloc : memref<!tpu.dma_semaphore, #tpu.memory_space<semaphore_mem>>
      %dma_start3A_43 = arith.constant 0 : i32
      %dma_start3A_44 = tpu.memref_slice %arg5[%arg0, %mul3A_42, %dma_start3A_43] : memref<2x10240x128xf32, #tpu.memory_space<hbm>> -> memref<1x640x128xf32, #tpu.memory_space<hbm>>
      %dma_start3A_45 = tpu.memref_squeeze %dma_start3A_44 : memref<1x640x128xf32, #tpu.memory_space<hbm>> -> memref<640x128xf32, #tpu.memory_space<hbm>>
      %dma_start3A_46 = arith.constant 0 : i32
      %dma_start3A_47 = tpu.memref_slice %arg6[%mul3A_40, %dma_start3A_46] : memref<10240x128xf32, #tpu.memory_space<vmem_shared>> -> memref<640x128xf32, #tpu.memory_space<vmem_shared>>
      tpu.enqueue_dma source(%dma_start3A_47 : memref<640x128xf32, #tpu.memory_space<vmem_shared>>) target(%dma_start3A_45 : memref<640x128xf32, #tpu.memory_space<hbm>>) target_semaphore(%run_scoped3A : memref<!tpu.dma_semaphore, #tpu.memory_space<semaphore_mem>>)
      %dma_wait3A = arith.constant 0 : i32
      %dma_wait3A_48 = tpu.memref_slice %arg5[%arg0, %mul3A_42, %dma_wait3A] : memref<2x10240x128xf32, #tpu.memory_space<hbm>> -> memref<1x640x128xf32, #tpu.memory_space<hbm>>
      %dma_wait3A_49 = tpu.memref_squeeze %dma_wait3A_48 : memref<1x640x128xf32, #tpu.memory_space<hbm>> -> memref<640x128xf32, #tpu.memory_space<hbm>>
      %dma_wait3A_50 = arith.constant 0 : i32
      %dma_wait3A_51 = tpu.memref_slice %arg6[%mul3A_40, %dma_wait3A_50] : memref<10240x128xf32, #tpu.memory_space<vmem_shared>> -> memref<640x128xf32, #tpu.memory_space<vmem_shared>>
      tpu.wait_dma2 semaphore(%run_scoped3A : memref<!tpu.dma_semaphore, #tpu.memory_space<semaphore_mem>>) src(%dma_wait3A_51 : memref<640x128xf32, #tpu.memory_space<vmem_shared>>) dst(%dma_wait3A_49 : memref<640x128xf32, #tpu.memory_space<hbm>>)
      tpu.yield
    }) : () -> ()
    return
  }
}

module attributes {stable_mosaic.version = 14 : i64} {
  func.func @_pre_body(%arg0: memref<10000x128xf32, #tpu.memory_space<vmem>>, %arg1: memref<128x128xf32, #tpu.memory_space<vmem>>, %arg2: memref<10000x32xf32, #tpu.memory_space<vmem>>, %arg3: memref<10000x128xf32, #tpu.memory_space<vmem>>) attributes {dimension_semantics = [], scalar_prefetch = 0 : i64, scratch_operands = 0 : i64, tpu.core_type = #tpu.core_type<tc>} {
    %get3A = arith.constant 0 : index
    %get3A_0 = arith.constant 0 : index
    %get3A_1 = vector.load %arg2[%get3A, %get3A_0] : memref<10000x32xf32, #tpu.memory_space<vmem>>, vector<10000x32xf32>
    %reduce_sum3A = arith.constant dense<0.000000e+00> : vector<10000xf32>
    %reduce_sum3A_2 = vector.multi_reduction <add>, %get3A_1, %reduce_sum3A [1] : vector<10000x32xf32> to vector<10000xf32>
    %broadcast_in_dim3A = vector.shape_cast %reduce_sum3A_2 : vector<10000xf32> to vector<10000x1xf32>
    %add3A = arith.constant 2.000000e+00 : f32
    %add3A_3 = vector.broadcast %add3A : f32 to vector<10000x1xf32>
    %add3A_4 = arith.addf %broadcast_in_dim3A, %add3A_3 : vector<10000x1xf32>
    %rsqrt3A = math.rsqrt %add3A_4 : vector<10000x1xf32>
    %get3A_5 = arith.constant 0 : index
    %get3A_6 = arith.constant 0 : index
    %get3A_7 = vector.load %arg0[%get3A_5, %get3A_6] : memref<10000x128xf32, #tpu.memory_space<vmem>>, vector<10000x128xf32>
    %get3A_8 = arith.constant 0 : index
    %get3A_9 = arith.constant 0 : index
    %get3A_10 = vector.load %arg1[%get3A_8, %get3A_9] : memref<128x128xf32, #tpu.memory_space<vmem>>, vector<128x128xf32>
    %dot_general3A = arith.constant dense<0.000000e+00> : vector<10000x128xf32>
    %dot_general3A_11 = tpu.matmul %get3A_7, %get3A_10, %dot_general3A {dimension_numbers = #tpu.dot_dimension_numbers<[1], [0], [0], [1], [0, 0, 1, 1], [], []>, transpose_lhs_hint = false} : vector<10000x128xf32>, vector<128x128xf32>, vector<10000x128xf32> -> vector<10000x128xf32>
    %mul3A = vector.broadcast %rsqrt3A : vector<10000x1xf32> to vector<10000x128xf32>
    %mul3A_12 = arith.mulf %mul3A, %dot_general3A_11 : vector<10000x128xf32>
    %swap3A = arith.constant 0 : index
    %swap3A_13 = arith.constant 0 : index
    %swap3A_14 = vector.load %arg3[%swap3A, %swap3A_13] : memref<10000x128xf32, #tpu.memory_space<vmem>>, vector<10000x128xf32>
    tpu.vector_store %arg3[%swap3A, %swap3A_13], %mul3A_12 {strides = array<i32>} : memref<10000x128xf32, #tpu.memory_space<vmem>>, vector<10000x128xf32>,
    return
  }
}

module attributes {stable_mosaic.version = 14 : i64} {
  func.func @_mid_body(%arg0: memref<2x10240x128xf32, #tpu.memory_space<vmem>>, %arg1: memref<10000x128xf32, #tpu.memory_space<vmem>>, %arg2: memref<10000x32xf32, #tpu.memory_space<vmem>>, %arg3: memref<1x128xf32, #tpu.memory_space<vmem>>, %arg4: memref<1x128xf32, #tpu.memory_space<vmem>>, %arg5: memref<1x128xf32, #tpu.memory_space<vmem>>, %arg6: memref<10000x128xf32, #tpu.memory_space<vmem>>, %arg7: memref<128x128xf32, #tpu.memory_space<vmem>>, %arg8: memref<10000x128xf32, #tpu.memory_space<vmem>>, %arg9: memref<10000x128xf32, #tpu.memory_space<vmem>>) attributes {dimension_semantics = [], scalar_prefetch = 0 : i64, scratch_operands = 0 : i64, tpu.core_type = #tpu.core_type<tc>} {
    %get3A = arith.constant 0 : index
    %get3A_0 = arith.constant 0 : index
    %get3A_1 = vector.load %arg2[%get3A, %get3A_0] : memref<10000x32xf32, #tpu.memory_space<vmem>>, vector<10000x32xf32>
    %reduce_sum3A = arith.constant dense<0.000000e+00> : vector<10000xf32>
    %reduce_sum3A_2 = vector.multi_reduction <add>, %get3A_1, %reduce_sum3A [1] : vector<10000x32xf32> to vector<10000xf32>
    %broadcast_in_dim3A = vector.shape_cast %reduce_sum3A_2 : vector<10000xf32> to vector<10000x1xf32>
    %add3A = arith.constant 2.000000e+00 : f32
    %add3A_3 = vector.broadcast %add3A : f32 to vector<10000x1xf32>
    %add3A_4 = arith.addf %broadcast_in_dim3A, %add3A_3 : vector<10000x1xf32>
    %rsqrt3A = math.rsqrt %add3A_4 : vector<10000x1xf32>
    %get3A_5 = arith.constant 0 : index
    %get3A_6 = arith.constant 0 : index
    %get3A_7 = arith.constant 0 : index
    %get3A_8 = vector.load %arg0[%get3A_5, %get3A_6, %get3A_7] : memref<2x10240x128xf32, #tpu.memory_space<vmem>>, vector<1x10000x128xf32>
    %get3A_9 = vector.shape_cast %get3A_8 : vector<1x10000x128xf32> to vector<10000x128xf32>
    %get3A_10 = arith.constant 1 : index
    %get3A_11 = arith.constant 0 : index
    %get3A_12 = arith.constant 0 : index
    %get3A_13 = vector.load %arg0[%get3A_10, %get3A_11, %get3A_12] : memref<2x10240x128xf32, #tpu.memory_space<vmem>>, vector<1x10000x128xf32>
    %get3A_14 = vector.shape_cast %get3A_13 : vector<1x10000x128xf32> to vector<10000x128xf32>
    %add3A_15 = arith.addf %get3A_9, %get3A_14 : vector<10000x128xf32>
    %get3A_16 = arith.constant 0 : index
    %get3A_17 = arith.constant 0 : index
    %get3A_18 = vector.load %arg1[%get3A_16, %get3A_17] : memref<10000x128xf32, #tpu.memory_space<vmem>>, vector<10000x128xf32>
    %mul3A = arith.constant 2.000000e+00 : f32
    %mul3A_19 = vector.broadcast %mul3A : f32 to vector<10000x128xf32>
    %mul3A_20 = arith.mulf %mul3A_19, %get3A_18 : vector<10000x128xf32>
    %add3A_21 = arith.addf %add3A_15, %mul3A_20 : vector<10000x128xf32>
    %mul3A_22 = vector.broadcast %rsqrt3A : vector<10000x1xf32> to vector<10000x128xf32>
    %mul3A_23 = arith.mulf %mul3A_22, %add3A_21 : vector<10000x128xf32>
    %get3A_24 = arith.constant 0 : index
    %get3A_25 = arith.constant 0 : index
    %get3A_26 = vector.load %arg3[%get3A_24, %get3A_25] : memref<1x128xf32, #tpu.memory_space<vmem>>, vector<1x128xf32>
    %add3A_27 = vector.broadcast %get3A_26 : vector<1x128xf32> to vector<10000x128xf32>
    %add3A_28 = arith.addf %mul3A_23, %add3A_27 : vector<10000x128xf32>
    %reduce_sum3A_29 = arith.constant dense<0.000000e+00> : vector<128xf32>
    %reduce_sum3A_30 = vector.multi_reduction <add>, %add3A_28, %reduce_sum3A_29 [0] : vector<10000x128xf32> to vector<128xf32>
    %broadcast_in_dim3A_31 = vector.shape_cast %reduce_sum3A_30 : vector<128xf32> to vector<1x128xf32>
    %div3A = arith.constant 1.000000e+04 : f32
    %div3A_32 = vector.broadcast %div3A : f32 to vector<1x128xf32>
    %div3A_33 = arith.divf %broadcast_in_dim3A_31, %div3A_32 : vector<1x128xf32>
    %sub3A = vector.broadcast %div3A_33 : vector<1x128xf32> to vector<10000x128xf32>
    %sub3A_34 = arith.subf %add3A_28, %sub3A : vector<10000x128xf32>
    %integer_pow3A = arith.mulf %sub3A_34, %sub3A_34 : vector<10000x128xf32>
    %reduce_sum3A_35 = arith.constant dense<0.000000e+00> : vector<128xf32>
    %reduce_sum3A_36 = vector.multi_reduction <add>, %integer_pow3A, %reduce_sum3A_35 [0] : vector<10000x128xf32> to vector<128xf32>
    %broadcast_in_dim3A_37 = vector.shape_cast %reduce_sum3A_36 : vector<128xf32> to vector<1x128xf32>
    %div3A_38 = arith.constant 1.000000e+04 : f32
    %div3A_39 = vector.broadcast %div3A_38 : f32 to vector<1x128xf32>
    %div3A_40 = arith.divf %broadcast_in_dim3A_37, %div3A_39 : vector<1x128xf32>
    %get3A_41 = arith.constant 0 : index
    %get3A_42 = arith.constant 0 : index
    %get3A_43 = vector.load %arg4[%get3A_41, %get3A_42] : memref<1x128xf32, #tpu.memory_space<vmem>>, vector<1x128xf32>
    %sub3A_44 = vector.broadcast %div3A_33 : vector<1x128xf32> to vector<10000x128xf32>
    %sub3A_45 = arith.subf %add3A_28, %sub3A_44 : vector<10000x128xf32>
    %mul3A_46 = vector.broadcast %get3A_43 : vector<1x128xf32> to vector<10000x128xf32>
    %mul3A_47 = arith.mulf %mul3A_46, %sub3A_45 : vector<10000x128xf32>
    %add3A_48 = arith.constant 9.99999974E-6 : f32
    %add3A_49 = vector.broadcast %add3A_48 : f32 to vector<1x128xf32>
    %add3A_50 = arith.addf %div3A_40, %add3A_49 : vector<1x128xf32>
    %rsqrt3A_51 = math.rsqrt %add3A_50 : vector<1x128xf32>
    %mul3A_52 = vector.broadcast %rsqrt3A_51 : vector<1x128xf32> to vector<10000x128xf32>
    %mul3A_53 = arith.mulf %mul3A_47, %mul3A_52 : vector<10000x128xf32>
    %get3A_54 = arith.constant 0 : index
    %get3A_55 = arith.constant 0 : index
    %get3A_56 = vector.load %arg5[%get3A_54, %get3A_55] : memref<1x128xf32, #tpu.memory_space<vmem>>, vector<1x128xf32>
    %add3A_57 = vector.broadcast %get3A_56 : vector<1x128xf32> to vector<10000x128xf32>
    %add3A_58 = arith.addf %mul3A_53, %add3A_57 : vector<10000x128xf32>
    %max3A = arith.constant 0.000000e+00 : f32
    %max3A_59 = vector.broadcast %max3A : f32 to vector<10000x128xf32>
    %max3A_60 = arith.maximumf %add3A_58, %max3A_59 : vector<10000x128xf32>
    %get3A_61 = arith.constant 0 : index
    %get3A_62 = arith.constant 0 : index
    %get3A_63 = vector.load %arg6[%get3A_61, %get3A_62] : memref<10000x128xf32, #tpu.memory_space<vmem>>, vector<10000x128xf32>
    %add3A_64 = arith.addf %max3A_60, %get3A_63 : vector<10000x128xf32>
    %swap3A = arith.constant 0 : index
    %swap3A_65 = arith.constant 0 : index
    %swap3A_66 = vector.load %arg8[%swap3A, %swap3A_65] : memref<10000x128xf32, #tpu.memory_space<vmem>>, vector<10000x128xf32>
    tpu.vector_store %arg8[%swap3A, %swap3A_65], %add3A_64 {strides = array<i32>} : memref<10000x128xf32, #tpu.memory_space<vmem>>, vector<10000x128xf32>,
    %get3A_67 = arith.constant 0 : index
    %get3A_68 = arith.constant 0 : index
    %get3A_69 = vector.load %arg7[%get3A_67, %get3A_68] : memref<128x128xf32, #tpu.memory_space<vmem>>, vector<128x128xf32>
    %dot_general3A = arith.constant dense<0.000000e+00> : vector<10000x128xf32>
    %dot_general3A_70 = tpu.matmul %add3A_64, %get3A_69, %dot_general3A {dimension_numbers = #tpu.dot_dimension_numbers<[1], [0], [0], [1], [0, 0, 1, 1], [], []>, transpose_lhs_hint = false} : vector<10000x128xf32>, vector<128x128xf32>, vector<10000x128xf32> -> vector<10000x128xf32>
    %mul3A_71 = vector.broadcast %rsqrt3A : vector<10000x1xf32> to vector<10000x128xf32>
    %mul3A_72 = arith.mulf %mul3A_71, %dot_general3A_70 : vector<10000x128xf32>
    %swap3A_73 = arith.constant 0 : index
    %swap3A_74 = arith.constant 0 : index
    %swap3A_75 = vector.load %arg9[%swap3A_73, %swap3A_74] : memref<10000x128xf32, #tpu.memory_space<vmem>>, vector<10000x128xf32>
    tpu.vector_store %arg9[%swap3A_73, %swap3A_74], %mul3A_72 {strides = array<i32>} : memref<10000x128xf32, #tpu.memory_space<vmem>>, vector<10000x128xf32>,
    return
  }
}

module attributes {stable_mosaic.version = 14 : i64} {
  func.func @_mid_body(%arg0: memref<2x10240x128xf32, #tpu.memory_space<vmem>>, %arg1: memref<10000x128xf32, #tpu.memory_space<vmem>>, %arg2: memref<10000x32xf32, #tpu.memory_space<vmem>>, %arg3: memref<1x128xf32, #tpu.memory_space<vmem>>, %arg4: memref<1x128xf32, #tpu.memory_space<vmem>>, %arg5: memref<1x128xf32, #tpu.memory_space<vmem>>, %arg6: memref<10000x128xf32, #tpu.memory_space<vmem>>, %arg7: memref<128x128xf32, #tpu.memory_space<vmem>>, %arg8: memref<10000x128xf32, #tpu.memory_space<vmem>>, %arg9: memref<10000x128xf32, #tpu.memory_space<vmem>>) attributes {dimension_semantics = [], scalar_prefetch = 0 : i64, scratch_operands = 0 : i64, tpu.core_type = #tpu.core_type<tc>} {
    %get3A = arith.constant 0 : index
    %get3A_0 = arith.constant 0 : index
    %get3A_1 = vector.load %arg2[%get3A, %get3A_0] : memref<10000x32xf32, #tpu.memory_space<vmem>>, vector<10000x32xf32>
    %reduce_sum3A = arith.constant dense<0.000000e+00> : vector<10000xf32>
    %reduce_sum3A_2 = vector.multi_reduction <add>, %get3A_1, %reduce_sum3A [1] : vector<10000x32xf32> to vector<10000xf32>
    %broadcast_in_dim3A = vector.shape_cast %reduce_sum3A_2 : vector<10000xf32> to vector<10000x1xf32>
    %add3A = arith.constant 2.000000e+00 : f32
    %add3A_3 = vector.broadcast %add3A : f32 to vector<10000x1xf32>
    %add3A_4 = arith.addf %broadcast_in_dim3A, %add3A_3 : vector<10000x1xf32>
    %rsqrt3A = math.rsqrt %add3A_4 : vector<10000x1xf32>
    %get3A_5 = arith.constant 0 : index
    %get3A_6 = arith.constant 0 : index
    %get3A_7 = arith.constant 0 : index
    %get3A_8 = vector.load %arg0[%get3A_5, %get3A_6, %get3A_7] : memref<2x10240x128xf32, #tpu.memory_space<vmem>>, vector<1x10000x128xf32>
    %get3A_9 = vector.shape_cast %get3A_8 : vector<1x10000x128xf32> to vector<10000x128xf32>
    %get3A_10 = arith.constant 1 : index
    %get3A_11 = arith.constant 0 : index
    %get3A_12 = arith.constant 0 : index
    %get3A_13 = vector.load %arg0[%get3A_10, %get3A_11, %get3A_12] : memref<2x10240x128xf32, #tpu.memory_space<vmem>>, vector<1x10000x128xf32>
    %get3A_14 = vector.shape_cast %get3A_13 : vector<1x10000x128xf32> to vector<10000x128xf32>
    %add3A_15 = arith.addf %get3A_9, %get3A_14 : vector<10000x128xf32>
    %get3A_16 = arith.constant 0 : index
    %get3A_17 = arith.constant 0 : index
    %get3A_18 = vector.load %arg1[%get3A_16, %get3A_17] : memref<10000x128xf32, #tpu.memory_space<vmem>>, vector<10000x128xf32>
    %mul3A = arith.constant 2.000000e+00 : f32
    %mul3A_19 = vector.broadcast %mul3A : f32 to vector<10000x128xf32>
    %mul3A_20 = arith.mulf %mul3A_19, %get3A_18 : vector<10000x128xf32>
    %add3A_21 = arith.addf %add3A_15, %mul3A_20 : vector<10000x128xf32>
    %mul3A_22 = vector.broadcast %rsqrt3A : vector<10000x1xf32> to vector<10000x128xf32>
    %mul3A_23 = arith.mulf %mul3A_22, %add3A_21 : vector<10000x128xf32>
    %get3A_24 = arith.constant 0 : index
    %get3A_25 = arith.constant 0 : index
    %get3A_26 = vector.load %arg3[%get3A_24, %get3A_25] : memref<1x128xf32, #tpu.memory_space<vmem>>, vector<1x128xf32>
    %add3A_27 = vector.broadcast %get3A_26 : vector<1x128xf32> to vector<10000x128xf32>
    %add3A_28 = arith.addf %mul3A_23, %add3A_27 : vector<10000x128xf32>
    %reduce_sum3A_29 = arith.constant dense<0.000000e+00> : vector<128xf32>
    %reduce_sum3A_30 = vector.multi_reduction <add>, %add3A_28, %reduce_sum3A_29 [0] : vector<10000x128xf32> to vector<128xf32>
    %broadcast_in_dim3A_31 = vector.shape_cast %reduce_sum3A_30 : vector<128xf32> to vector<1x128xf32>
    %div3A = arith.constant 1.000000e+04 : f32
    %div3A_32 = vector.broadcast %div3A : f32 to vector<1x128xf32>
    %div3A_33 = arith.divf %broadcast_in_dim3A_31, %div3A_32 : vector<1x128xf32>
    %sub3A = vector.broadcast %div3A_33 : vector<1x128xf32> to vector<10000x128xf32>
    %sub3A_34 = arith.subf %add3A_28, %sub3A : vector<10000x128xf32>
    %integer_pow3A = arith.mulf %sub3A_34, %sub3A_34 : vector<10000x128xf32>
    %reduce_sum3A_35 = arith.constant dense<0.000000e+00> : vector<128xf32>
    %reduce_sum3A_36 = vector.multi_reduction <add>, %integer_pow3A, %reduce_sum3A_35 [0] : vector<10000x128xf32> to vector<128xf32>
    %broadcast_in_dim3A_37 = vector.shape_cast %reduce_sum3A_36 : vector<128xf32> to vector<1x128xf32>
    %div3A_38 = arith.constant 1.000000e+04 : f32
    %div3A_39 = vector.broadcast %div3A_38 : f32 to vector<1x128xf32>
    %div3A_40 = arith.divf %broadcast_in_dim3A_37, %div3A_39 : vector<1x128xf32>
    %get3A_41 = arith.constant 0 : index
    %get3A_42 = arith.constant 0 : index
    %get3A_43 = vector.load %arg4[%get3A_41, %get3A_42] : memref<1x128xf32, #tpu.memory_space<vmem>>, vector<1x128xf32>
    %sub3A_44 = vector.broadcast %div3A_33 : vector<1x128xf32> to vector<10000x128xf32>
    %sub3A_45 = arith.subf %add3A_28, %sub3A_44 : vector<10000x128xf32>
    %mul3A_46 = vector.broadcast %get3A_43 : vector<1x128xf32> to vector<10000x128xf32>
    %mul3A_47 = arith.mulf %mul3A_46, %sub3A_45 : vector<10000x128xf32>
    %add3A_48 = arith.constant 9.99999974E-6 : f32
    %add3A_49 = vector.broadcast %add3A_48 : f32 to vector<1x128xf32>
    %add3A_50 = arith.addf %div3A_40, %add3A_49 : vector<1x128xf32>
    %rsqrt3A_51 = math.rsqrt %add3A_50 : vector<1x128xf32>
    %mul3A_52 = vector.broadcast %rsqrt3A_51 : vector<1x128xf32> to vector<10000x128xf32>
    %mul3A_53 = arith.mulf %mul3A_47, %mul3A_52 : vector<10000x128xf32>
    %get3A_54 = arith.constant 0 : index
    %get3A_55 = arith.constant 0 : index
    %get3A_56 = vector.load %arg5[%get3A_54, %get3A_55] : memref<1x128xf32, #tpu.memory_space<vmem>>, vector<1x128xf32>
    %add3A_57 = vector.broadcast %get3A_56 : vector<1x128xf32> to vector<10000x128xf32>
    %add3A_58 = arith.addf %mul3A_53, %add3A_57 : vector<10000x128xf32>
    %max3A = arith.constant 0.000000e+00 : f32
    %max3A_59 = vector.broadcast %max3A : f32 to vector<10000x128xf32>
    %max3A_60 = arith.maximumf %add3A_58, %max3A_59 : vector<10000x128xf32>
    %get3A_61 = arith.constant 0 : index
    %get3A_62 = arith.constant 0 : index
    %get3A_63 = vector.load %arg6[%get3A_61, %get3A_62] : memref<10000x128xf32, #tpu.memory_space<vmem>>, vector<10000x128xf32>
    %add3A_64 = arith.addf %max3A_60, %get3A_63 : vector<10000x128xf32>
    %swap3A = arith.constant 0 : index
    %swap3A_65 = arith.constant 0 : index
    %swap3A_66 = vector.load %arg8[%swap3A, %swap3A_65] : memref<10000x128xf32, #tpu.memory_space<vmem>>, vector<10000x128xf32>
    tpu.vector_store %arg8[%swap3A, %swap3A_65], %add3A_64 {strides = array<i32>} : memref<10000x128xf32, #tpu.memory_space<vmem>>, vector<10000x128xf32>,
    %get3A_67 = arith.constant 0 : index
    %get3A_68 = arith.constant 0 : index
    %get3A_69 = vector.load %arg7[%get3A_67, %get3A_68] : memref<128x128xf32, #tpu.memory_space<vmem>>, vector<128x128xf32>
    %dot_general3A = arith.constant dense<0.000000e+00> : vector<10000x128xf32>
    %dot_general3A_70 = tpu.matmul %add3A_64, %get3A_69, %dot_general3A {dimension_numbers = #tpu.dot_dimension_numbers<[1], [0], [0], [1], [0, 0, 1, 1], [], []>, transpose_lhs_hint = false} : vector<10000x128xf32>, vector<128x128xf32>, vector<10000x128xf32> -> vector<10000x128xf32>
    %mul3A_71 = vector.broadcast %rsqrt3A : vector<10000x1xf32> to vector<10000x128xf32>
    %mul3A_72 = arith.mulf %mul3A_71, %dot_general3A_70 : vector<10000x128xf32>
    %swap3A_73 = arith.constant 0 : index
    %swap3A_74 = arith.constant 0 : index
    %swap3A_75 = vector.load %arg9[%swap3A_73, %swap3A_74] : memref<10000x128xf32, #tpu.memory_space<vmem>>, vector<10000x128xf32>
    tpu.vector_store %arg9[%swap3A_73, %swap3A_74], %mul3A_72 {strides = array<i32>} : memref<10000x128xf32, #tpu.memory_space<vmem>>, vector<10000x128xf32>,
    return
  }
}

module attributes {stable_mosaic.version = 14 : i64} {
  func.func @_final_body(%arg0: memref<2x10240x128xf32, #tpu.memory_space<vmem>>, %arg1: memref<10000x128xf32, #tpu.memory_space<vmem>>, %arg2: memref<10000x32xf32, #tpu.memory_space<vmem>>, %arg3: memref<1x128xf32, #tpu.memory_space<vmem>>, %arg4: memref<1x10000xi32, #tpu.memory_space<vmem>>, %arg5: memref<128x1xf32, #tpu.memory_space<vmem>>, %arg6: memref<1x1xf32, #tpu.memory_space<vmem>>, %arg7: memref<8x128xf32, #tpu.memory_space<vmem>>) attributes {dimension_semantics = [], scalar_prefetch = 0 : i64, scratch_operands = 0 : i64, tpu.core_type = #tpu.core_type<tc>} {
    %get3A = arith.constant 0 : index
    %get3A_0 = arith.constant 0 : index
    %get3A_1 = vector.load %arg2[%get3A, %get3A_0] : memref<10000x32xf32, #tpu.memory_space<vmem>>, vector<10000x32xf32>
    %reduce_sum3A = arith.constant dense<0.000000e+00> : vector<10000xf32>
    %reduce_sum3A_2 = vector.multi_reduction <add>, %get3A_1, %reduce_sum3A [1] : vector<10000x32xf32> to vector<10000xf32>
    %broadcast_in_dim3A = vector.shape_cast %reduce_sum3A_2 : vector<10000xf32> to vector<10000x1xf32>
    %add3A = arith.constant 2.000000e+00 : f32
    %add3A_3 = vector.broadcast %add3A : f32 to vector<10000x1xf32>
    %add3A_4 = arith.addf %broadcast_in_dim3A, %add3A_3 : vector<10000x1xf32>
    %rsqrt3A = math.rsqrt %add3A_4 : vector<10000x1xf32>
    %get3A_5 = arith.constant 0 : index
    %get3A_6 = arith.constant 0 : index
    %get3A_7 = arith.constant 0 : index
    %get3A_8 = vector.load %arg0[%get3A_5, %get3A_6, %get3A_7] : memref<2x10240x128xf32, #tpu.memory_space<vmem>>, vector<1x10000x128xf32>
    %get3A_9 = vector.shape_cast %get3A_8 : vector<1x10000x128xf32> to vector<10000x128xf32>
    %get3A_10 = arith.constant 1 : index
    %get3A_11 = arith.constant 0 : index
    %get3A_12 = arith.constant 0 : index
    %get3A_13 = vector.load %arg0[%get3A_10, %get3A_11, %get3A_12] : memref<2x10240x128xf32, #tpu.memory_space<vmem>>, vector<1x10000x128xf32>
    %get3A_14 = vector.shape_cast %get3A_13 : vector<1x10000x128xf32> to vector<10000x128xf32>
    %add3A_15 = arith.addf %get3A_9, %get3A_14 : vector<10000x128xf32>
    %get3A_16 = arith.constant 0 : index
    %get3A_17 = arith.constant 0 : index
    %get3A_18 = vector.load %arg1[%get3A_16, %get3A_17] : memref<10000x128xf32, #tpu.memory_space<vmem>>, vector<10000x128xf32>
    %mul3A = arith.constant 2.000000e+00 : f32
    %mul3A_19 = vector.broadcast %mul3A : f32 to vector<10000x128xf32>
    %mul3A_20 = arith.mulf %mul3A_19, %get3A_18 : vector<10000x128xf32>
    %add3A_21 = arith.addf %add3A_15, %mul3A_20 : vector<10000x128xf32>
    %mul3A_22 = vector.broadcast %rsqrt3A : vector<10000x1xf32> to vector<10000x128xf32>
    %mul3A_23 = arith.mulf %mul3A_22, %add3A_21 : vector<10000x128xf32>
    %get3A_24 = arith.constant 0 : index
    %get3A_25 = arith.constant 0 : index
    %get3A_26 = vector.load %arg3[%get3A_24, %get3A_25] : memref<1x128xf32, #tpu.memory_space<vmem>>, vector<1x128xf32>
    %add3A_27 = vector.broadcast %get3A_26 : vector<1x128xf32> to vector<10000x128xf32>
    %add3A_28 = arith.addf %mul3A_23, %add3A_27 : vector<10000x128xf32>
    %iota3A = tpu.iota {dimensions = array<i32: 0>} : vector<8x10000xi32>
    %get3A_29 = arith.constant 0 : index
    %get3A_30 = arith.constant 0 : index
    %get3A_31 = vector.load %arg4[%get3A_29, %get3A_30] : memref<1x10000xi32, #tpu.memory_space<vmem>>, vector<1x10000xi32>
    %eq3A = vector.broadcast %get3A_31 : vector<1x10000xi32> to vector<8x10000xi32>
    %eq3A_32 = arith.cmpi eq, %iota3A, %eq3A : vector<8x10000xi32>
    %convert_element_type3A = arith.extui %eq3A_32 : vector<8x10000xi1> to vector<8x10000xi32>
    %convert_element_type3A_33 = arith.sitofp %convert_element_type3A : vector<8x10000xi32> to vector<8x10000xf32>
    %dot_general3A = arith.constant dense<0.000000e+00> : vector<8x128xf32>
    %dot_general3A_34 = tpu.matmul %convert_element_type3A_33, %add3A_28, %dot_general3A {dimension_numbers = #tpu.dot_dimension_numbers<[1], [0], [0], [1], [0, 0, 1, 1], [], []>, transpose_lhs_hint = false} : vector<8x10000xf32>, vector<10000x128xf32>, vector<8x128xf32> -> vector<8x128xf32>
    %get3A_35 = arith.constant 0 : index
    %get3A_36 = arith.constant 0 : index
    %get3A_37 = vector.load %arg5[%get3A_35, %get3A_36] : memref<128x1xf32, #tpu.memory_space<vmem>>, vector<128x1xf32>
    %dot_general3A_38 = arith.constant dense<0.000000e+00> : vector<8x1xf32>
    %dot_general3A_39 = tpu.matmul %dot_general3A_34, %get3A_37, %dot_general3A_38 {dimension_numbers = #tpu.dot_dimension_numbers<[1], [0], [0], [1], [0, 0, 1, 1], [], []>, transpose_lhs_hint = false} : vector<8x128xf32>, vector<128x1xf32>, vector<8x1xf32> -> vector<8x1xf32>
    %get3A_40 = arith.constant 0 : index
    %get3A_41 = arith.constant 0 : index
    %get3A_42 = vector.load %arg6[%get3A_40, %get3A_41] : memref<1x1xf32, #tpu.memory_space<vmem>>, vector<1x1xf32>
    %add3A_43 = vector.broadcast %get3A_42 : vector<1x1xf32> to vector<8x1xf32>
    %add3A_44 = arith.addf %dot_general3A_39, %add3A_43 : vector<8x1xf32>
    %broadcast_in_dim3A_45 = vector.shape_cast %add3A_44 : vector<8x1xf32> to vector<8x1xf32>
    %broadcast_in_dim3A_46 = vector.broadcast %broadcast_in_dim3A_45 : vector<8x1xf32> to vector<8x128xf32>
    %swap3A = arith.constant 0 : index
    %swap3A_47 = arith.constant 0 : index
    %swap3A_48 = vector.load %arg7[%swap3A, %swap3A_47] : memref<8x128xf32, #tpu.memory_space<vmem>>, vector<8x128xf32>
    tpu.vector_store %arg7[%swap3A, %swap3A_47], %broadcast_in_dim3A_46 {strides = array<i32>} : memref<8x128xf32, #tpu.memory_space<vmem>>, vector<8x128xf32>,
    return
  }
}

</mosaic_0001>

<sc_bundles>
// kernel: kernel.10.cloned.1.call-start
scs
__scs_entry_jumppad:
0x0: {  	(pc) =	sbr.rel $0x88, $3  }
0x1: {  	(tag) =	ssettag $0x0;
	lr =	simm.s32 $0x1  }
0x2: {  	[smem:$0x3F92] =	sst lr;
	_ =	strace $0xD0000000  }
0x3: {  	_ = 	snop  }
0x4: {  	_ = 	snop  }
0x5: {  	_ = 	snop  }
0x6: {  	_ = 	snop  }
0x7: {  	_ = 	snop  }
__scs_overlays_trampoline_lowered:
0x8: {  	[smem:$0x3FA1] =	sst s0  }
0x9: {  	[smem:$0x3FA2] =	sst s1  }
0xa: {  	[smem:$0x3FA3] =	sst s2  }
0xb: {  	[smem:$0x3FA4] =	sst s3  }
0xc: {  	[smem:$0x3FA5] =	sst s4  }
0xd: {  	[smem:$0x3FA6] =	sst s5  }
0xe: {  	[smem:$0x3FA7] =	sst s6  }
0xf: {  	[smem:$0x3FA8] =	sst s7  }
0x10: {  	[smem:$0x3FA9] =	sst s8  }
0x11: {  	[smem:$0x3FAA] =	sst s9;
	s0 =	simm.s32 @!p0 $0x0  }
0x12: {  	s1 =	sld [smem:$0x3F90];
	s0 =	simm.s32 @p0 $0x1  }
0x13: {  	[smem:$0x3FAB] =	sst s0;
	s0 =	simm.s32 @!p1 $0x0  }
0x14: {  	s2 =	sld [smem:$0x3F8F];
	s0 =	simm.s32 @p1 $0x1  }
0x15: {  	[smem:$0x3FAC] =	sst s0;
	s0 =	simm.s32 @!p2 $0x0  }
0x16: {  	s3 =	sld [smem:$0x3FDB];
	s0 =	simm.s32 @p2 $0x1  }
0x17: {  	s4 =	simm.s32 $0x1BF5;
	[smem:$0x3FAE] =	sst s0  }
0x18: {  	s0 =	sld [smem:$0x3F91];
	_ =	swait.ge [sflag:s4], $0x0  }
0x19: {  	s7 =	sld [smem:$0x3F92]  }
0x1a: {  	s8 =	sadd.s32 $0xFFFFE003, lr  }
0x1b: {  	s9 =	sadd.s32 $0xFFFFFEF7, lr;
	s5 =	simm.s32 $0xFFFFFFFF;
	p2 =	slt.u32 s8, $0xFFFFF086  }
0x1c: {  	p1 =	slt.u32 s9, $0xF7A;
	s5 =	simm.s32 @!p2 $0x0  }
0x1d: {  	s5 =	simm.s32 @p1 $0x1;
	p0 =	seq.s32 s7, s2  }
0x1e: {  	s7 =	smul.u32 @!p0 $0xF7A, s2;
	p2 =	seq.s32 @!p0 s5, $0x0  }
0x1f: {  	s9 =	smul.u32 $0xF7A, s1;
	s8 =	simm.s32 @!p0 $0x1BF5;
	p2 =	por !p2, p0  }
0x20: {  	[sflag:s8] =	ssyncset.s32 @!p0 $0xFFFFF086;
	s6 =	sadd.s32 @!p0 s3, s7;
	s7 =	simm.s32 @!p0 $0x108  }
0x21: {  	s3 =	sadd.s32 s3, s9;
	s6 =	sadd.s32 @!p0 $0x88, s6;
	s7 =	simm.s32 @p2 $0x1082  }
0x22: {  	[simem:s7], [sflag:s8] =	dma.local @!p0 [hbm:s6], $0xF7A  }
0x23: {  	s9 =	sor.u32 $0xD0000000, s2;
	s6 =	simm.s32 $0x108;
	_ =	swait.ge @!p0 [sflag:s8], $0x0  }
0x24: {  	s3 =	sadd.s32 $0x88, s3;
	s6 =	simm.s32 @!p1 $0x1082;
	[sflag:s4] =	ssyncset.s32 $0xFFFFF086  }
0x25: {  	[simem:s6], [sflag:s4] =	dma.local [hbm:s3], $0xF7A  }
0x26: {  	[smem:$0x3F92] =	sst s1;
	(tag) =	ssettag s2;
	_ =	strace s9  }
0x27: {  	s1 =	sld [smem:$0x3FA2]  }
0x28: {  	s2 =	sld [smem:$0x3FA3]  }
0x29: {  	s4 =	sld [smem:$0x3FA5]  }
0x2a: {  	p0 =	seq.s32 s5, $0x0;
	s5 =	sld [smem:$0x3FA6]  }
0x2b: {  	s6 =	sld [smem:$0x3FA7]  }
0x2c: {  	s7 =	sld [smem:$0x3FA8]  }
0x2d: {  	s3 =	simm.s32 $0x108;
	s8 =	sld [smem:$0x3FA9]  }
0x2e: {  	s3 =	simm.s32 @!p0 $0x1082;
	s9 =	sld [smem:$0x3FAA]  }
0x2f: {  	lr =	sadd.s32 s0, s3;
	s0 =	sld [smem:$0x3FA1]  }
0x30: {  	s3 =	sld [smem:$0x3FA4]  }
0x31: {  	[smem:$0x3FAD] =	sst s10  }
0x32: {  	s10 =	sld [smem:$0x3FAB];
	_ =	sdelay $0x3  }
0x33: {  	p0 =	seq.s32 s10, $0x1;
	s10 =	sld [smem:$0x3FAD];
	_ =	sdelay $0x3  }
0x34: {  	[smem:$0x3FAD] =	sst s10  }
0x35: {  	s10 =	sld [smem:$0x3FAC];
	_ =	sdelay $0x3  }
0x36: {  	p1 =	seq.s32 s10, $0x1;
	s10 =	sld [smem:$0x3FAD];
	_ =	sdelay $0x3  }
0x37: {  	[smem:$0x3FAD] =	sst s10  }
0x38: {  	s10 =	sld [smem:$0x3FAE]  }
0x39: {  	_ = 	snop;
	(pc) =	sbr.ind lr, $3  }
0x3a: {  	_ = 	snop  }
0x3b: {  	_ = 	snop  }
0x3c: {  	p2 =	seq.s32 s10, $0x1;
	s10 =	sld [smem:$0x3FAD]  }
0x3d: {  	_ =	shalt  }
0x3e: {  	_ =	shalt  }
0x3f: {  	_ =	shalt  }
0x40: {  	_ =	shalt  }
0x41: {  	_ =	shalt  }
0x42: {  	_ =	shalt  }
0x43: {  	_ =	shalt  }
0x44: {  	_ =	shalt  }
0x45: {  	_ =	shalt  }
0x46: {  	_ =	shalt  }
0x47: {  	_ =	shalt  }
0x48: {  	_ =	shalt  }
0x49: {  	_ =	shalt  }
0x4a: {  	_ =	shalt  }
0x4b: {  	_ =	shalt  }
0x4c: {  	_ =	shalt  }
0x4d: {  	_ =	shalt  }
0x4e: {  	_ =	shalt  }
0x4f: {  	_ =	shalt  }
0x50: {  	_ =	shalt  }
0x51: {  	_ =	shalt  }
0x52: {  	_ =	shalt  }
0x53: {  	_ =	shalt  }
0x54: {  	_ =	shalt  }
0x55: {  	_ =	shalt  }
0x56: {  	_ =	shalt  }
0x57: {  	_ =	shalt  }
0x58: {  	_ =	shalt  }
0x59: {  	_ =	shalt  }
0x5a: {  	_ =	shalt  }
0x5b: {  	_ =	shalt  }
0x5c: {  	_ =	shalt  }
0x5d: {  	_ =	shalt  }
0x5e: {  	_ =	shalt  }
0x5f: {  	_ =	shalt  }
0x60: {  	_ =	shalt  }
0x61: {  	_ =	shalt  }
0x62: {  	_ =	shalt  }
0x63: {  	_ =	shalt  }
0x64: {  	_ =	shalt  }
0x65: {  	_ =	shalt  }
0x66: {  	_ =	shalt  }
0x67: {  	_ =	shalt  }
0x68: {  	_ =	shalt  }
0x69: {  	_ =	shalt  }
0x6a: {  	_ =	shalt  }
0x6b: {  	_ =	shalt  }
0x6c: {  	_ =	shalt  }
0x6d: {  	_ =	shalt  }
0x6e: {  	_ =	shalt  }
0x6f: {  	_ =	shalt  }
0x70: {  	_ =	shalt  }
0x71: {  	_ =	shalt  }
0x72: {  	_ =	shalt  }
0x73: {  	_ =	shalt  }
0x74: {  	_ =	shalt  }
0x75: {  	_ =	shalt  }
0x76: {  	_ =	shalt  }
0x77: {  	_ =	shalt  }
0x78: {  	_ =	shalt  }
0x79: {  	_ =	shalt  }
0x7a: {  	_ =	shalt  }
0x7b: {  	_ =	shalt  }
0x7c: {  	_ =	shalt  }
0x7d: {  	_ =	shalt  }
0x7e: {  	_ =	shalt  }
0x7f: {  	_ =	shalt  }
0x80: {  	_ =	shalt  }
0x81: {  	_ =	shalt  }
0x82: {  	_ =	shalt  }
0x83: {  	_ =	shalt  }
0x84: {  	_ =	shalt  }
0x85: {  	_ =	shalt  }
0x86: {  	_ =	shalt  }
0x87: {  	_ =	shalt  }
.Lfunc_end0:
.L_simem_size_0:
called_computation_lowered:
.L_overlay_start_0:
0x88: {  	s2 =	sld [smem:$0x3FD9]  }
0x89: {  	s3 =	sld [smem:$0x3FFE];
	_ =	sdelay $0x1  }
0x8a: {  	s1 =	srdreg.scid  }
0x8b: {  	s0 =	sand.u32 $0x1, s1  }
0x8c: {  	s16 =	sshll.u32 s0, $0xA;
	s2 =	sadd.s32 s3, s2  }
0x8d: {  	s2 =	sadd.s32 s2, s16  }
0x8e: {  	[smem:$0x3FB9] =	sst s2  }
0x8f: {  	_ = 	snop  }
0x90: {  	(tm) =	ssettm $0x1  }
0x91: {  	s17 =	sld [smem:$0x3FFB];
	_ =	sdelay $0x3  }
0x92: {  	_ =	strace s17  }
0x93: {  	s2 =	sld [smem:$0x3FFC];
	_ =	sdelay $0x3  }
0x94: {  	_ =	strace s2  }
0x95: {  	s2 =	sld [smem:$0x3FFD];
	_ =	sdelay $0x3  }
0x96: {  	_ =	strace s2  }
0x97: {  	_ =	strace $0x8FFFFFFF  }
0x98: {  	s18 =	sld [smem:$0x3FDB];
	_ =	sdelay $0x1  }
0x99: {  	s19 =	simm.s32 $_scs_section_size  }
0x9a: {  	s4 =	simm.s32 $_size__tile_overlayer_lowered;
	s5 =	simm.s32 $_tile_overlayer_lowered  }
0x9b: {  	s22 =	simm.s32 $0x1BFF;
	s21 =	sshll.u32 s5, $0x1;
	s2 =	sadd.s32 s19, s18  }
0x9c: {  	s6 =	simm.s32 $0x0;
	s20 =	sshll.u32 s4, $0x1;
	s4 =	sadd.s32 s21, s2  }
0x9d: {  	[timem:s6], [sflag:s22] =	dma.local [hbm:s4], s20  }
0x9e: {  	_ =	swait.ge [sflag:s22], s20  }
0x9f: {  	s3 =	ssub.s32 $0x0, s20;
	[sflag:s22] =	ssyncset.done $0x0  }
0xa0: {  	[sflag:s22] =	ssyncadd.s32 s3;
	_ =	sdelay $0x1  }
0xa1: {  	s23 =	simm.s32 $0x1B8B  }
0xa2: {  	_ =	swait.ge [sflag:s23], $0x1  }
0xa3: {  	[sflag:s23] =	ssyncset.done $0x0  }
0xa4: {  	s25 =	simm.s32 $0x1B8E;
	s24 =	sld [smem:$0x3FFE];
	[sflag:s23] =	ssyncadd.s32 $0xFFFFFFFF  }
0xa5: {  	s26 =	simm.s32 $execute0_lowered;
	[smem:$0x3FD2] =	sst s25  }
0xa6: {  	s4 =	sshll.u32 s26, $0x1;
	_ =	strace $0x80000046;
	[dreg:$0x1] =	wrdreg $0xFFFFFFFF  }
0xa7: {  	s28 =	simm.s32 $_size_execute0_lowered;
	s2 =	sadd.s32 s2, s4;
	[dreg:$0x0] =	wrdreg $0x0  }
0xa8: {  	s4 =	sshll.u32 s28, $0x1;
	[dreg:$0x2] =	wrdreg s2  }
0xa9: {  	[dreg:$0x3] =	wrdreg s4  }
0xaa: {  	[dreg:$0x4] =	wrdreg $0xC0  }
0xab: {  	_ =	task [dreg:s6], $0x5FFFF  }
0xac: {  	[dreg:$0x1] =	wrdreg $0xFFFFFFFF  }
0xad: {  	[dreg:$0x0] =	wrdreg $0x60  }
0xae: {  	[dreg:$0x2] =	wrdreg s24  }
0xaf: {  	[dreg:$0x3] =	wrdreg $0x9  }
0xb0: {  	_ =	task.clear_ibuf [dreg:s6], $0x4FFFF;
	_ =	strace $0x90000046  }
0xb1: {  	s29 =	simm.s32 $0x9;
	_ =	strace $0x80000048  }
0xb2: {  	_ =	swait.ge [sflag:s29], $0x1  }
0xb3: {  	[sflag:s29] =	ssyncadd.s32 $0xFFFFFFFF  }
0xb4: {  	_ =	strace $0x90000048  }
0xb5: {  	_ =	sfence  }
0xb6: {  	s30 =	sld [smem:$0x0];
	_ =	sdelay $0x2  }
0xb7: {  	s31 =	sshll.u32 s1, $0xD;
	s1 =	sshrl.u32 s1, $0x2  }
0xb8: {  	s3 =	sand.u32 $0x4000, s31;
	s1 =	sadd.s32 s1, s30  }
0xb9: {  	s0 =	sor.u32 s3, s0;
	s1 =	sshll.u32 s1, $0x11  }
0xba: {  	s0 =	sor.u32 s1, s0  }
0xbb: {  	s0 =	sadd.s32 $0x8F2B, s0  }
0xbc: {  	[sflag:s0] =	ssyncadd.remote.s32 $0x1  }
0xbd: {  	_ =	sfence.sel $0xFFFF  }
0xbe: {  	[dreg:$0x0] =	wrdreg $0xFFFFFFFF;
	(pc) =	sbr.abs _section_cstart, $3  }
0xbf: {  	[dreg:$0x1] =	wrdreg $0xFFFFFFFF  }
0xc0: {  	_ =	task.clear_ibuf [dreg:s6], $0x2FFFF;
	_ =	strace $0x9FFFFFFF  }
0xc1: {  	(tm) =	ssettm $0x7FFFFFFF  }
tec
execute0_lowered:
.L_overlay_start_1:
0x0: {  	(tag) =	ssettag $0x1  }
0x1: {  	s1 =	srdreg.scid  }
0x2: {  	s0 =	stileid.u32;
	s5 =	rddreg [dreg:$0x0];
	s7 =	simm.s32 $0x400  }
0x3: {  	s8 =	simm.s32 $0x1;
	s9 =	simm.s32 $0x2780;
	s10 =	simm.s32 $0x0  }
0x4: {  	s3 =	sand.u32 $0x1, s1;
	s29 =	sshrl.u32 s0, $0x2;
	s2 =	sshll.u32 s0, $0x8  }
0x5: {  	s4 =	smul.u32 $0x13C00, s29;
	s30 =	sshll.u32 s3, $0x7;
	s2 =	sand.u32 $0x300, s2  }
0x6: {  	s1 =	rddreg [dreg:$0x1];
	s3 =	ssub.s32 $0x2, s3;
	s6 =	sor.u32 s30, s2  }
0x7: {  	s2 =	simm.s32 $0x0;
	s31 =	sshrl.u32 s3, $0x1;
	s4 =	sor.u32 s4, s6  }
0x8: {  	[smem:$0x7FF] =	sst s2;
	s6 =	simm.s32 $0x80;
	s4 =	sshrl.u32 s4, $0x3  }
0x9: {  	_ =	strace $0x80000047;
	s4 =	sadd.s32 s4, s5;
	s5 =	ssub.s32 s3, s31  }
0xa: {  	v0 =	vimm.f32 $0.0e+00;
	v1 =	vimm.f32 $1.000000000e+00;
	s3 =	sadd.s32 $0x4800, s4;
	s4 =	sadd.s32 $0xE600, s4;
	s5 =	smax.u32 s5, $0x1  }
.LBB2_1:
0xb: {  	s11 =	simm.s32 $0x27A0  }
0xc: {  	[tilespmem:s11+$0xFFFFFFE0] =	vst v0  }
0xd: {  	[tilespmem:s11+$0x10] =	vst v0  }
0xe: {  	s12 =	simm.s32 $0x0;
	[tilespmem:s11+$0x0] =	vst v0  }
.LBB2_2:
0xf: {  	s12 =	sadd.s32 $0x4, s12  }
0x10: {  	[tilespmem:s11+$0xFFFFFFF0] =	vst v0;
	s11 =	sadd.s32 $0x40, s11;
	p0 =	slt.u32 s12, $0x26C  }
.Ltmp0:
0x11: {  	[tilespmem:s11+$0xFFFFFFE0] =	vst v0;
	(pc) =	sbr.rel @p0 .LBB2_2-.Ltmp0, $3  }
0x12: {  	_ =	sdelay $0x1  }
0x13: {  	[tilespmem:s11+$0x10] =	vst v0  }
0x14: {  	[tilespmem:s11+$0x0] =	vst v0  }
0x15: {  	[tilespmem:s11+$0xFFFFFFF0] =	vst v0  }
0x16: {  	[tilespmem:$0x4E80] =	vst v0  }
0x17: {  	[tilespmem:s2], [sflag:$0x1] =	stream.strided.gather [hbm4b:s3+s6], $0x2780, s7, s6, $0x38;
	[tilespmem:$0x4F00] =	vst v63  }
0x18: {  	_ =	swait.ge [sflag:s8], $0x2780  }
0x19: {  	[sflag:s8] =	ssyncset.done $0x0  }
0x1a: {  	s11 =	simm.s32 $0xFFFFFFFC;
	s12 =	simm.s32 $0x20;
	[sflag:s8] =	ssyncadd.s32 $0xFFFFD880  }
.LBB2_4:
0x1b: {  	v2 =	vld [tilespmem:s12+$0xFFFFFFE0];
	_ =	sdelay $0x7  }
0x1c: {  	[tilespmem:v2+s9+$0x0] =	vst.idx.add.f32.msk $0xffff, v1  }
0x1d: {  	v2 =	vld [tilespmem:s12+$0xFFFFFFF0];
	_ =	sdelay $0x7  }
0x1e: {  	[tilespmem:v2+s9+$0x0] =	vst.idx.add.f32.msk $0xffff, v1  }
0x1f: {  	v2 =	vld [tilespmem:s12+$0x0];
	_ =	sdelay $0x7  }
0x20: {  	[tilespmem:v2+s9+$0x0] =	vst.idx.add.f32.msk $0xffff, v1  }
0x21: {  	v2 =	vld [tilespmem:s12+$0x10];
	_ =	sdelay $0x1  }
0x22: {  	s11 =	sadd.s32 $0x4, s11  }
0x23: {  	p0 =	slt.u32 s11, $0x26C  }
.Ltmp1:
0x24: {  	_ = 	snop;
	(pc) =	sbr.rel @p0 .LBB2_4-.Ltmp1, $2  }
0x25: {  	_ =	sdelay $0x2  }
0x26: {  	s12 =	sadd.s32 $0x40, s12;
	[tilespmem:v2+s9+$0x0] =	vst.idx.add.f32.msk $0xffff, v1  }
0x27: {  	v2 =	vld [tilespmem:$0x2700];
	_ =	sdelay $0x5  }
0x28: {  	s10 =	sadd.s32 $0x1, s10  }
0x29: {  	p0 =	sne.s32 s10, s5  }
.Ltmp2:
0x2a: {  	[tilespmem:v2+s9+$0x0] =	vst.idx.add.f32.msk $0xffff, v1;
	(pc) =	sbr.rel @p0 .LBB2_1-.Ltmp2, $4  }
0x2b: {  	[hbm4b:s4+s6] =	stream.strided.scatter [tilespmem:s9], [sflag:$0x1], $0x2780, s7, s6, $0x38;
	[tilespmem:$0x4F00] =	vst v63  }
0x2c: {  	_ =	swait.ge [sflag:s8], $0x2780  }
0x2d: {  	[sflag:s8] =	ssyncset.done $0x0  }
0x2e: {  	[sflag:s8] =	ssyncadd.s32 $0xFFFFD880  }
0x2f: {  	_ =	sfence.sel $0x180000  }
0x30: {  	[bflag:$0x0] =	sbarrier.arrive $0xFFFF  }
0x31: {  	p0 =	sne.s32 s0, $0x0;
	_ =	strace $0x90000047  }
0x32: {  	s0 =	sadd.s32 @!p0 $0x100000, s1;
	[bflag:$0x2] =	sbarrier.arrive $0xFFFF  }
0x33: {  	[sflag:s0] =	ssyncadd.tile.s32 @!p0 $0x1;
	_ =	shalt  }
.Lfunc_end2:
_tile_overlayer_lowered:
.L_overlay_start_2:
0x34: {  	(tag) =	ssettag $0x2  }
0x35: {  	s0 =	rddreg [dreg:$0x0];
	s2 =	stileid.u32  }
0x36: {  	s1 =	rddreg [dreg:$0x1];
	p0 =	sne.s32 s2, $0x0  }
0x37: {  	s3 =	rddreg [dreg:$0x2];
	[bflag:$0x3] =	sbarrier.arrive $0xFFFF;
	s2 =	simm.s32 @!p0 $0x1C01  }
0x38: {  	[timem:s3], [sflag:s2] =	dma.local @!p0 [hbm:s0], s1  }
0x39: {  	s0 =	simm.s32 @!p0 $0x1  }
0x3a: {  	_ =	swait.ge @!p0 [sflag:s0], s1  }
0x3b: {  	s1 =	ssub.s32 @!p0 $0x0, s1;
	[sflag:s0] =	ssyncset.done @!p0 $0x0  }
0x3c: {  	[sflag:s0] =	ssyncadd.s32 @!p0 s1  }
0x3d: {  	[bflag:$0x3] =	sbarrier.arrive $0xFFFF  }
0x3e: {  	_ =	shalt  }

// kernel: kernel.13.cloned.1.call-start
scs
__scs_entry_jumppad:
0x0: {  	(pc) =	sbr.rel $0x88, $3  }
0x1: {  	(tag) =	ssettag $0x0;
	lr =	simm.s32 $0x1  }
0x2: {  	[smem:$0x3F92] =	sst lr;
	_ =	strace $0xD0000000  }
0x3: {  	_ = 	snop  }
0x4: {  	_ = 	snop  }
0x5: {  	_ = 	snop  }
0x6: {  	_ = 	snop  }
0x7: {  	_ = 	snop  }
__scs_overlays_trampoline_lowered:
0x8: {  	[smem:$0x3FA1] =	sst s0  }
0x9: {  	[smem:$0x3FA2] =	sst s1  }
0xa: {  	[smem:$0x3FA3] =	sst s2  }
0xb: {  	[smem:$0x3FA4] =	sst s3  }
0xc: {  	[smem:$0x3FA5] =	sst s4  }
0xd: {  	[smem:$0x3FA6] =	sst s5  }
0xe: {  	[smem:$0x3FA7] =	sst s6  }
0xf: {  	[smem:$0x3FA8] =	sst s7  }
0x10: {  	[smem:$0x3FA9] =	sst s8  }
0x11: {  	[smem:$0x3FAA] =	sst s9;
	s0 =	simm.s32 @!p0 $0x0  }
0x12: {  	s1 =	sld [smem:$0x3F90];
	s0 =	simm.s32 @p0 $0x1  }
0x13: {  	[smem:$0x3FAB] =	sst s0;
	s0 =	simm.s32 @!p1 $0x0  }
0x14: {  	s2 =	sld [smem:$0x3F8F];
	s0 =	simm.s32 @p1 $0x1  }
0x15: {  	[smem:$0x3FAC] =	sst s0;
	s0 =	simm.s32 @!p2 $0x0  }
0x16: {  	s3 =	sld [smem:$0x3FDB];
	s0 =	simm.s32 @p2 $0x1  }
0x17: {  	s4 =	simm.s32 $0x1BF5;
	[smem:$0x3FAE] =	sst s0  }
0x18: {  	s0 =	sld [smem:$0x3F91];
	_ =	swait.ge [sflag:s4], $0x0  }
0x19: {  	s7 =	sld [smem:$0x3F92]  }
0x1a: {  	s8 =	sadd.s32 $0xFFFFE003, lr  }
0x1b: {  	s9 =	sadd.s32 $0xFFFFFEF7, lr;
	s5 =	simm.s32 $0xFFFFFFFF;
	p2 =	slt.u32 s8, $0xFFFFF086  }
0x1c: {  	p1 =	slt.u32 s9, $0xF7A;
	s5 =	simm.s32 @!p2 $0x0  }
0x1d: {  	s5 =	simm.s32 @p1 $0x1;
	p0 =	seq.s32 s7, s2  }
0x1e: {  	s7 =	smul.u32 @!p0 $0xF7A, s2;
	p2 =	seq.s32 @!p0 s5, $0x0  }
0x1f: {  	s9 =	smul.u32 $0xF7A, s1;
	s8 =	simm.s32 @!p0 $0x1BF5;
	p2 =	por !p2, p0  }
0x20: {  	[sflag:s8] =	ssyncset.s32 @!p0 $0xFFFFF086;
	s6 =	sadd.s32 @!p0 s3, s7;
	s7 =	simm.s32 @!p0 $0x108  }
0x21: {  	s3 =	sadd.s32 s3, s9;
	s6 =	sadd.s32 @!p0 $0x88, s6;
	s7 =	simm.s32 @p2 $0x1082  }
0x22: {  	[simem:s7], [sflag:s8] =	dma.local @!p0 [hbm:s6], $0xF7A  }
0x23: {  	s9 =	sor.u32 $0xD0000000, s2;
	s6 =	simm.s32 $0x108;
	_ =	swait.ge @!p0 [sflag:s8], $0x0  }
0x24: {  	s3 =	sadd.s32 $0x88, s3;
	s6 =	simm.s32 @!p1 $0x1082;
	[sflag:s4] =	ssyncset.s32 $0xFFFFF086  }
0x25: {  	[simem:s6], [sflag:s4] =	dma.local [hbm:s3], $0xF7A  }
0x26: {  	[smem:$0x3F92] =	sst s1;
	(tag) =	ssettag s2;
	_ =	strace s9  }
0x27: {  	s1 =	sld [smem:$0x3FA2]  }
0x28: {  	s2 =	sld [smem:$0x3FA3]  }
0x29: {  	s4 =	sld [smem:$0x3FA5]  }
0x2a: {  	p0 =	seq.s32 s5, $0x0;
	s5 =	sld [smem:$0x3FA6]  }
0x2b: {  	s6 =	sld [smem:$0x3FA7]  }
0x2c: {  	s7 =	sld [smem:$0x3FA8]  }
0x2d: {  	s3 =	simm.s32 $0x108;
	s8 =	sld [smem:$0x3FA9]  }
0x2e: {  	s3 =	simm.s32 @!p0 $0x1082;
	s9 =	sld [smem:$0x3FAA]  }
0x2f: {  	lr =	sadd.s32 s0, s3;
	s0 =	sld [smem:$0x3FA1]  }
0x30: {  	s3 =	sld [smem:$0x3FA4]  }
0x31: {  	[smem:$0x3FAD] =	sst s10  }
0x32: {  	s10 =	sld [smem:$0x3FAB];
	_ =	sdelay $0x3  }
0x33: {  	p0 =	seq.s32 s10, $0x1;
	s10 =	sld [smem:$0x3FAD];
	_ =	sdelay $0x3  }
0x34: {  	[smem:$0x3FAD] =	sst s10  }
0x35: {  	s10 =	sld [smem:$0x3FAC];
	_ =	sdelay $0x3  }
0x36: {  	p1 =	seq.s32 s10, $0x1;
	s10 =	sld [smem:$0x3FAD];
	_ =	sdelay $0x3  }
0x37: {  	[smem:$0x3FAD] =	sst s10  }
0x38: {  	s10 =	sld [smem:$0x3FAE]  }
0x39: {  	_ = 	snop;
	(pc) =	sbr.ind lr, $3  }
0x3a: {  	_ = 	snop  }
0x3b: {  	_ = 	snop  }
0x3c: {  	p2 =	seq.s32 s10, $0x1;
	s10 =	sld [smem:$0x3FAD]  }
0x3d: {  	_ =	shalt  }
0x3e: {  	_ =	shalt  }
0x3f: {  	_ =	shalt  }
0x40: {  	_ =	shalt  }
0x41: {  	_ =	shalt  }
0x42: {  	_ =	shalt  }
0x43: {  	_ =	shalt  }
0x44: {  	_ =	shalt  }
0x45: {  	_ =	shalt  }
0x46: {  	_ =	shalt  }
0x47: {  	_ =	shalt  }
0x48: {  	_ =	shalt  }
0x49: {  	_ =	shalt  }
0x4a: {  	_ =	shalt  }
0x4b: {  	_ =	shalt  }
0x4c: {  	_ =	shalt  }
0x4d: {  	_ =	shalt  }
0x4e: {  	_ =	shalt  }
0x4f: {  	_ =	shalt  }
0x50: {  	_ =	shalt  }
0x51: {  	_ =	shalt  }
0x52: {  	_ =	shalt  }
0x53: {  	_ =	shalt  }
0x54: {  	_ =	shalt  }
0x55: {  	_ =	shalt  }
0x56: {  	_ =	shalt  }
0x57: {  	_ =	shalt  }
0x58: {  	_ =	shalt  }
0x59: {  	_ =	shalt  }
0x5a: {  	_ =	shalt  }
0x5b: {  	_ =	shalt  }
0x5c: {  	_ =	shalt  }
0x5d: {  	_ =	shalt  }
0x5e: {  	_ =	shalt  }
0x5f: {  	_ =	shalt  }
0x60: {  	_ =	shalt  }
0x61: {  	_ =	shalt  }
0x62: {  	_ =	shalt  }
0x63: {  	_ =	shalt  }
0x64: {  	_ =	shalt  }
0x65: {  	_ =	shalt  }
0x66: {  	_ =	shalt  }
0x67: {  	_ =	shalt  }
0x68: {  	_ =	shalt  }
0x69: {  	_ =	shalt  }
0x6a: {  	_ =	shalt  }
0x6b: {  	_ =	shalt  }
0x6c: {  	_ =	shalt  }
0x6d: {  	_ =	shalt  }
0x6e: {  	_ =	shalt  }
0x6f: {  	_ =	shalt  }
0x70: {  	_ =	shalt  }
0x71: {  	_ =	shalt  }
0x72: {  	_ =	shalt  }
0x73: {  	_ =	shalt  }
0x74: {  	_ =	shalt  }
0x75: {  	_ =	shalt  }
0x76: {  	_ =	shalt  }
0x77: {  	_ =	shalt  }
0x78: {  	_ =	shalt  }
0x79: {  	_ =	shalt  }
0x7a: {  	_ =	shalt  }
0x7b: {  	_ =	shalt  }
0x7c: {  	_ =	shalt  }
0x7d: {  	_ =	shalt  }
0x7e: {  	_ =	shalt  }
0x7f: {  	_ =	shalt  }
0x80: {  	_ =	shalt  }
0x81: {  	_ =	shalt  }
0x82: {  	_ =	shalt  }
0x83: {  	_ =	shalt  }
0x84: {  	_ =	shalt  }
0x85: {  	_ =	shalt  }
0x86: {  	_ =	shalt  }
0x87: {  	_ =	shalt  }
.Lfunc_end0:
.L_simem_size_0:
called_computation.1_lowered:
.L_overlay_start_0:
0x88: {  	s2 =	sld [smem:$0x3FD9]  }
0x89: {  	s3 =	sld [smem:$0x3FFE];
	_ =	sdelay $0x1  }
0x8a: {  	s1 =	srdreg.scid  }
0x8b: {  	s0 =	sand.u32 $0x1, s1  }
0x8c: {  	s16 =	sshll.u32 s0, $0xA;
	s2 =	sadd.s32 s3, s2  }
0x8d: {  	s2 =	sadd.s32 s2, s16  }
0x8e: {  	[smem:$0x3FB9] =	sst s2  }
0x8f: {  	_ = 	snop  }
0x90: {  	(tm) =	ssettm $0x1  }
0x91: {  	s17 =	sld [smem:$0x3FFB];
	_ =	sdelay $0x3  }
0x92: {  	_ =	strace s17  }
0x93: {  	s2 =	sld [smem:$0x3FFC];
	_ =	sdelay $0x3  }
0x94: {  	_ =	strace s2  }
0x95: {  	s2 =	sld [smem:$0x3FFD];
	_ =	sdelay $0x3  }
0x96: {  	_ =	strace s2  }
0x97: {  	_ =	strace $0x8FFFFFFF  }
0x98: {  	s18 =	sld [smem:$0x3FDB];
	_ =	sdelay $0x1  }
0x99: {  	s19 =	simm.s32 $_scs_section_size  }
0x9a: {  	s4 =	simm.s32 $_size__tile_overlayer_lowered;
	s5 =	simm.s32 $_tile_overlayer_lowered  }
0x9b: {  	s22 =	simm.s32 $0x1BFF;
	s21 =	sshll.u32 s5, $0x1;
	s2 =	sadd.s32 s19, s18  }
0x9c: {  	s6 =	simm.s32 $0x0;
	s20 =	sshll.u32 s4, $0x1;
	s4 =	sadd.s32 s21, s2  }
0x9d: {  	[timem:s6], [sflag:s22] =	dma.local [hbm:s4], s20  }
0x9e: {  	_ =	swait.ge [sflag:s22], s20  }
0x9f: {  	s3 =	ssub.s32 $0x0, s20;
	[sflag:s22] =	ssyncset.done $0x0  }
0xa0: {  	[sflag:s22] =	ssyncadd.s32 s3;
	_ =	sdelay $0x1  }
0xa1: {  	s23 =	simm.s32 $0x1B8B  }
0xa2: {  	_ =	swait.ge [sflag:s23], $0x1  }
0xa3: {  	[sflag:s23] =	ssyncset.done $0x0  }
0xa4: {  	s25 =	simm.s32 $0x1B8E;
	s24 =	sld [smem:$0x3FFE];
	[sflag:s23] =	ssyncadd.s32 $0xFFFFFFFF  }
0xa5: {  	s26 =	simm.s32 $execute0_lowered;
	[smem:$0x3FD2] =	sst s25  }
0xa6: {  	s4 =	sshll.u32 s26, $0x1;
	_ =	strace $0x80000049;
	[dreg:$0x1] =	wrdreg $0xFFFFFFFF  }
0xa7: {  	s28 =	simm.s32 $_size_execute0_lowered;
	s2 =	sadd.s32 s2, s4;
	[dreg:$0x0] =	wrdreg $0x0  }
0xa8: {  	s4 =	sshll.u32 s28, $0x1;
	[dreg:$0x2] =	wrdreg s2  }
0xa9: {  	[dreg:$0x3] =	wrdreg s4  }
0xaa: {  	[dreg:$0x4] =	wrdreg $0xC0  }
0xab: {  	_ =	task [dreg:s6], $0x5FFFF  }
0xac: {  	[dreg:$0x1] =	wrdreg $0xFFFFFFFF  }
0xad: {  	[dreg:$0x0] =	wrdreg $0x60  }
0xae: {  	[dreg:$0x2] =	wrdreg s24  }
0xaf: {  	[dreg:$0x3] =	wrdreg $0x0  }
0xb0: {  	[dreg:$0x4] =	wrdreg $0x9  }
0xb1: {  	_ =	task.clear_ibuf [dreg:s6], $0x5FFFF;
	_ =	strace $0x90000049  }
0xb2: {  	s29 =	simm.s32 $0x9;
	_ =	strace $0x8000004B  }
0xb3: {  	_ =	swait.ge [sflag:s29], $0x1  }
0xb4: {  	[sflag:s29] =	ssyncadd.s32 $0xFFFFFFFF  }
0xb5: {  	_ =	strace $0x9000004B  }
0xb6: {  	_ =	sfence  }
0xb7: {  	s30 =	sld [smem:$0x0];
	_ =	sdelay $0x2  }
0xb8: {  	s31 =	sshll.u32 s1, $0xD;
	s1 =	sshrl.u32 s1, $0x2  }
0xb9: {  	s3 =	sand.u32 $0x4000, s31;
	s1 =	sadd.s32 s1, s30  }
0xba: {  	s0 =	sor.u32 s3, s0;
	s1 =	sshll.u32 s1, $0x11  }
0xbb: {  	s0 =	sor.u32 s1, s0  }
0xbc: {  	s0 =	sadd.s32 $0x8F2B, s0  }
0xbd: {  	[sflag:s0] =	ssyncadd.remote.s32 $0x1  }
0xbe: {  	_ =	sfence.sel $0xFFFF  }
0xbf: {  	[dreg:$0x0] =	wrdreg $0xFFFFFFFF;
	(pc) =	sbr.abs _section_cstart, $3  }
0xc0: {  	[dreg:$0x1] =	wrdreg $0xFFFFFFFF  }
0xc1: {  	_ =	task.clear_ibuf [dreg:s6], $0x2FFFF;
	_ =	strace $0x9FFFFFFF  }
0xc2: {  	(tm) =	ssettm $0x7FFFFFFF  }
0xc3: {  	_ =	shalt  }
tec
execute0_lowered:
.L_overlay_start_1:
0x0: {  	(tag) =	ssettag $0x1  }
0x1: {  	s0 =	rddreg [dreg:$0x0]  }
0x2: {  	s1 =	rddreg [dreg:$0x1];
	s3 =	simm.s32 $0x0  }
0x3: {  	s2 =	srdreg.scid;
	s10 =	stileid.u32;
	s28 =	simm.s32 $0x1  }
0x4: {  	s29 =	simm.s32 $0x2;
	s30 =	simm.s32 $0x15380;
	s31 =	simm.s32 $0x16700  }
0x5: {  	[smem:$0x7FF] =	sst s3;
	s2 =	sand.u32 $0x1, s2;
	s6 =	smul.u32 $0x14000, s10  }
0x6: {  	s4 =	sadd.s32 $0x2C400, s0;
	s8 =	sadd.s32 $0x22400, s0;
	s22 =	smul.u32 $0x50000, s10  }
0x7: {  	s9 =	sadd.s32 $0x18400, s0;
	s7 =	sshll.u32 s10, $0x1;
	s5 =	smul.u32 $0x140000, s2  }
0x8: {  	_ =	strace $0x8000004A;
	s21 =	sor.u32 s2, s7;
	s2 =	ssub.s32 $0x2, s2  }
0x9: {  	s23 =	sshrl.u32 s2, $0x1;
	s7 =	sshrl.u32 s22, $0x2;
	s22 =	simm.s32 $0x3  }
0xa: {  	s5 =	sadd.s32 s6, s5;
	s6 =	smul.u32 $0x2800, s21;
	s2 =	ssub.s32 s2, s23  }
0xb: {  	s21 =	simm.s32 $0x16800;
	s23 =	simm.s32 $0x14000;
	s5 =	sshrl.u32 s5, $0x3  }
0xc: {  	s11 =	smax.u32 s2, $0x1;
	s0 =	sadd.s32 s5, s0;
	s6 =	sshrl.u32 s6, $0x3  }
0xd: {  	s5 =	sadd.s32 s7, s1;
	s24 =	sadd.s32 s8, s6;
	s25 =	sadd.s32 s9, s6  }
0xe: {  	s6 =	sadd.s32 $0x280, s6;
	s10 =	sadd.s32 $0x53600, s0;
	s12 =	sadd.s32 $0x2000, s5  }
0xf: {  	s13 =	sadd.s32 $0x4000, s5;
	s14 =	sadd.s32 $0x6000, s5;
	s15 =	sadd.s32 $0x8000, s5  }
0x10: {  	s16 =	sadd.s32 $0xA000, s5;
	s17 =	sadd.s32 $0xC000, s5;
	s18 =	sadd.s32 $0xE000, s5  }
0x11: {  	s19 =	sadd.s32 $0x10000, s5;
	s20 =	sadd.s32 $0x12000, s5;
	[dreg:$0x3] =	wrdreg s24  }
0x12: {  	s0 =	simm.s32 $0x16780;
	[dreg:$0x4] =	wrdreg s25;
	s26 =	sadd.s32 s8, s6  }
0x13: {  	s6 =	sadd.s32 s9, s6;
	s24 =	simm.s32 $0x15400;
	[dreg:$0x5] =	wrdreg s26  }
0x14: {  	v0 =	vimm.f32 $0.0e+00;
	s25 =	simm.s32 $0x7D;
	[dreg:$0x6] =	wrdreg s6;
	s26 =	simm.s32 $0x1A800  }
.LBB2_1:
0x15: {  	s2 =	simm.s32 $0x16840  }
0x16: {  	[tilespmem:s2+$0xFFFFFFC0] =	vst v0  }
0x17: {  	[tilespmem:s2+$0x30] =	vst v0  }
0x18: {  	[tilespmem:s2+$0x20] =	vst v0  }
0x19: {  	[tilespmem:s2+$0x10] =	vst v0  }
0x1a: {  	[tilespmem:s2+$0x0] =	vst v0  }
0x1b: {  	[tilespmem:s2+$0xFFFFFFF0] =	vst v0  }
0x1c: {  	s6 =	simm.s32 $0x0;
	[tilespmem:s2+$0xFFFFFFE0] =	vst v0  }
.LBB2_2:
0x1d: {  	s6 =	sadd.s32 $0x8, s6;
	[tilespmem:s2+$0xFFFFFFD0] =	vst v0;
	s2 =	sadd.s32 $0x80, s2  }
0x1e: {  	[tilespmem:s2+$0xFFFFFFC0] =	vst v0;
	p0 =	slt.u32 s6, $0x1F8  }
0x1f: {  	[tilespmem:s2+$0x30] =	vst v0  }
.Ltmp0:
0x20: {  	[tilespmem:s2+$0x20] =	vst v0;
	(pc) =	sbr.rel @p0 .LBB2_2-.Ltmp0, $4  }
0x21: {  	[tilespmem:s2+$0x10] =	vst v0  }
0x22: {  	[tilespmem:s2+$0x0] =	vst v0  }
0x23: {  	[tilespmem:s2+$0xFFFFFFF0] =	vst v0  }
0x24: {  	[tilespmem:s2+$0xFFFFFFE0] =	vst v0  }
0x25: {  	[tilespmem:s2+$0xFFFFFFD0] =	vst v0  }
0x26: {  	[spmem:s5] =	stream.linear.scatter [tilespmem:s21], [sflag:$0x3], $0x2000, $0x38;
	[tilespmem:$0x1E800] =	vst v63  }
0x27: {  	_ =	swait.ge [sflag:s22], $0x2000  }
0x28: {  	[sflag:s22] =	ssyncset.done $0x0  }
0x29: {  	[sflag:s22] =	ssyncadd.s32 $0xFFFFE000  }
0x2a: {  	[spmem:s12] =	stream.linear.scatter [tilespmem:s21], [sflag:$0x3], $0x2000, $0x38;
	[tilespmem:$0x1E800] =	vst v63  }
0x2b: {  	_ =	swait.ge [sflag:s22], $0x2000  }
0x2c: {  	[sflag:s22] =	ssyncset.done $0x0  }
0x2d: {  	[sflag:s22] =	ssyncadd.s32 $0xFFFFE000  }
0x2e: {  	[spmem:s13] =	stream.linear.scatter [tilespmem:s21], [sflag:$0x3], $0x2000, $0x38;
	[tilespmem:$0x1E800] =	vst v63  }
0x2f: {  	_ =	swait.ge [sflag:s22], $0x2000  }
0x30: {  	[sflag:s22] =	ssyncset.done $0x0  }
0x31: {  	[sflag:s22] =	ssyncadd.s32 $0xFFFFE000  }
0x32: {  	[spmem:s14] =	stream.linear.scatter [tilespmem:s21], [sflag:$0x3], $0x2000, $0x38;
	[tilespmem:$0x1E800] =	vst v63  }
0x33: {  	_ =	swait.ge [sflag:s22], $0x2000  }
0x34: {  	[sflag:s22] =	ssyncset.done $0x0  }
0x35: {  	[sflag:s22] =	ssyncadd.s32 $0xFFFFE000  }
0x36: {  	[spmem:s15] =	stream.linear.scatter [tilespmem:s21], [sflag:$0x3], $0x2000, $0x38;
	[tilespmem:$0x1E800] =	vst v63  }
0x37: {  	_ =	swait.ge [sflag:s22], $0x2000  }
0x38: {  	[sflag:s22] =	ssyncset.done $0x0  }
0x39: {  	[sflag:s22] =	ssyncadd.s32 $0xFFFFE000  }
0x3a: {  	[spmem:s16] =	stream.linear.scatter [tilespmem:s21], [sflag:$0x3], $0x2000, $0x38;
	[tilespmem:$0x1E800] =	vst v63  }
0x3b: {  	_ =	swait.ge [sflag:s22], $0x2000  }
0x3c: {  	[sflag:s22] =	ssyncset.done $0x0  }
0x3d: {  	[sflag:s22] =	ssyncadd.s32 $0xFFFFE000  }
0x3e: {  	[spmem:s17] =	stream.linear.scatter [tilespmem:s21], [sflag:$0x3], $0x2000, $0x38;
	[tilespmem:$0x1E800] =	vst v63  }
0x3f: {  	_ =	swait.ge [sflag:s22], $0x2000  }
0x40: {  	[sflag:s22] =	ssyncset.done $0x0  }
0x41: {  	[sflag:s22] =	ssyncadd.s32 $0xFFFFE000  }
0x42: {  	[spmem:s18] =	stream.linear.scatter [tilespmem:s21], [sflag:$0x3], $0x2000, $0x38;
	[tilespmem:$0x1E800] =	vst v63  }
0x43: {  	_ =	swait.ge [sflag:s22], $0x2000  }
0x44: {  	[sflag:s22] =	ssyncset.done $0x0  }
0x45: {  	[sflag:s22] =	ssyncadd.s32 $0xFFFFE000  }
0x46: {  	[spmem:s19] =	stream.linear.scatter [tilespmem:s21], [sflag:$0x3], $0x2000, $0x38;
	[tilespmem:$0x1E800] =	vst v63  }
0x47: {  	_ =	swait.ge [sflag:s22], $0x2000  }
0x48: {  	[sflag:s22] =	ssyncset.done $0x0  }
0x49: {  	[sflag:s22] =	ssyncadd.s32 $0xFFFFE000  }
0x4a: {  	[spmem:s20] =	stream.linear.scatter [tilespmem:s21], [sflag:$0x3], $0x2000, $0x38;
	[tilespmem:$0x1E800] =	vst v63  }
0x4b: {  	_ =	swait.ge [sflag:s22], $0x2000  }
0x4c: {  	[sflag:s22] =	ssyncset.done $0x0  }
0x4d: {  	[sflag:s22] =	ssyncadd.s32 $0xFFFFE000  }
0x4e: {  	[bflag:$0x0] =	sbarrier.arrive $0xFFFF  }
0x4f: {  	s8 =	simm.s32 $0x0;
	s6 =	rddreg [dreg:$0x3]  }
0x50: {  	[tilespmem:s23], [sflag:$0x3] =	stream.linear.gather [hbm4b:s6+s8], $0x1400, $0x38;
	[tilespmem:$0x1E800] =	vst v63  }
0x51: {  	_ =	swait.ge [sflag:s22], $0x1400  }
0x52: {  	[sflag:s22] =	ssyncset.done $0x0  }
0x53: {  	s9 =	rddreg [dreg:$0x4];
	[sflag:s22] =	ssyncadd.s32 $0xFFFFEC00  }
0x54: {  	[tilespmem:s24], [sflag:$0x3] =	stream.linear.gather [hbm4b:s9+s8], $0x1400, $0x38;
	[tilespmem:$0x1E800] =	vst v63  }
0x55: {  	_ =	swait.ge [sflag:s22], $0x1400  }
0x56: {  	[sflag:s22] =	ssyncset.done $0x0  }
0x57: {  	[sflag:s22] =	ssyncadd.s32 $0xFFFFEC00  }
0x58: {  	[tilespmem:s21], [sflag:$0x1] =	stream.indirect.gather [hbm4b:s4+s25], $0x80, s23, s25, $0xb8;
	[tilespmem:$0x1E800] =	vst v63  }
0x59: {  	s6 =	simm.s32 $0x14080  }
0x5a: {  	[tilespmem:s26], [sflag:$0x2] =	stream.indirect.gather [hbm4b:s4+s25], $0x80, s6, s25, $0xb8;
	[tilespmem:$0x1E800] =	vst v63  }
0x5b: {  	_ =	swait.ge [sflag:s28], $0x3E80  }
0x5c: {  	[sflag:s28] =	ssyncset.done $0x0  }
0x5d: {  	s7 =	simm.s32 $0x15400;
	[sflag:s28] =	ssyncadd.s32 $0xFFFFC180  }
0x5e: {  	[spmem:s1] =	stream.indirect.scatter.add.f32 [tilespmem:s21], [sflag:$0x3], $0x80, s7, s25, $0xb8;
	[tilespmem:$0x1E800] =	vst v63  }
0x5f: {  	_ =	swait.ge [sflag:s22], $0x3E80  }
0x60: {  	[sflag:s22] =	ssyncset.done $0x0  }
0x61: {  	s8 =	simm.s32 $0x14100;
	[sflag:s22] =	ssyncadd.s32 $0xFFFFC180  }
0x62: {  	[tilespmem:s21], [sflag:$0x1] =	stream.indirect.gather [hbm4b:s4+s25], $0x80, s8, s25, $0xb8;
	[tilespmem:$0x1E800] =	vst v63  }
0x63: {  	_ =	swait.ge [sflag:s29], $0x3E80  }
0x64: {  	[sflag:s29] =	ssyncset.done $0x0  }
0x65: {  	s9 =	simm.s32 $0x15480;
	[sflag:s29] =	ssyncadd.s32 $0xFFFFC180  }
0x66: {  	[spmem:s1] =	stream.indirect.scatter.add.f32 [tilespmem:s26], [sflag:$0x3], $0x80, s9, s25, $0xb8;
	[tilespmem:$0x1E800] =	vst v63  }
0x67: {  	_ =	swait.ge [sflag:s22], $0x3E80  }
0x68: {  	s2 =	simm.s32 $0x100;
	s6 =	simm.s32 $0x800;
	[sflag:s22] =	ssyncset.done $0x0  }
.LBB2_4:
0x69: {  	s7 =	sadd.s32 $0x14080, s2  }
0x6a: {  	[sflag:s22] =	ssyncadd.s32 $0xFFFFC180;
	s8 =	smov.u32 s6;
	s9 =	sadd.s32 $0x400, s6  }
0x6b: {  	[tilespmem:s26], [sflag:$0x2] =	stream.indirect.gather [hbm4b:s4+s25], $0x80, s7, s25, $0xb8;
	[tilespmem:$0x1E800] =	vst v63  }
0x6c: {  	p0 =	sne.s32 s6, $0x4800;
	_ =	swait.ge [sflag:s28], $0x3E80  }
0x6d: {  	[sflag:s28] =	ssyncset.done $0x0  }
0x6e: {  	s6 =	sadd.s32 $0x15400, s2;
	[sflag:s28] =	ssyncadd.s32 $0xFFFFC180  }
0x6f: {  	[spmem:s1] =	stream.indirect.scatter.add.f32 [tilespmem:s21], [sflag:$0x3], $0x80, s6, s25, $0xb8;
	[tilespmem:$0x1E800] =	vst v63  }
0x70: {  	_ =	swait.ge [sflag:s22], $0x3E80  }
0x71: {  	[sflag:s22] =	ssyncset.done $0x0  }
0x72: {  	s6 =	sadd.s32 $0x14100, s2;
	[sflag:s22] =	ssyncadd.s32 $0xFFFFC180  }
0x73: {  	[tilespmem:s21], [sflag:$0x1] =	stream.indirect.gather [hbm4b:s4+s25], $0x80, s6, s25, $0xb8;
	[tilespmem:$0x1E800] =	vst v63  }
0x74: {  	_ =	swait.ge [sflag:s29], $0x3E80  }
.Ltmp1:
0x75: {  	[sflag:s29] =	ssyncset.done $0x0;
	(pc) =	sbr.rel @p0 .LBB2_4-.Ltmp1, $4  }
0x76: {  	s2 =	sadd.s32 $0x15480, s2;
	[sflag:s29] =	ssyncadd.s32 $0xFFFFC180  }
0x77: {  	[spmem:s1] =	stream.indirect.scatter.add.f32 [tilespmem:s26], [sflag:$0x3], $0x80, s2, s25, $0xb8;
	[tilespmem:$0x1E800] =	vst v63  }
0x78: {  	_ =	swait.ge [sflag:s22], $0x3E80  }
0x79: {  	s6 =	smov.u32 s9;
	s2 =	sshra.s32 s8, $0x2;
	[sflag:s22] =	ssyncset.done $0x0  }
0x7a: {  	s6 =	sadd.s32 $0x14080, s2;
	[sflag:s22] =	ssyncadd.s32 $0xFFFFC180  }
0x7b: {  	[tilespmem:s26], [sflag:$0x2] =	stream.indirect.gather [hbm4b:s4+s25], $0x80, s6, s25, $0xb8;
	[tilespmem:$0x1E800] =	vst v63  }
0x7c: {  	_ =	swait.ge [sflag:s28], $0x3E80  }
0x7d: {  	[sflag:s28] =	ssyncset.done $0x0  }
0x7e: {  	s8 =	sadd.s32 $0x15400, s2;
	[sflag:s28] =	ssyncadd.s32 $0xFFFFC180  }
0x7f: {  	[spmem:s1] =	stream.indirect.scatter.add.f32 [tilespmem:s21], [sflag:$0x3], $0x80, s8, s25, $0xb8;
	[tilespmem:$0x1E800] =	vst v63  }
0x80: {  	_ =	swait.ge [sflag:s22], $0x3E80  }
0x81: {  	[sflag:s22] =	ssyncset.done $0x0  }
0x82: {  	s9 =	sadd.s32 $0x14100, s2;
	[sflag:s22] =	ssyncadd.s32 $0xFFFFC180  }
0x83: {  	[tilespmem:s21], [sflag:$0x1] =	stream.indirect.gather [hbm4b:s4+s25], $0x80, s9, s25, $0xb8;
	[tilespmem:$0x1E800] =	vst v63  }
0x84: {  	_ =	swait.ge [sflag:s29], $0x3E80  }
0x85: {  	[sflag:s29] =	ssyncset.done $0x0  }
0x86: {  	s6 =	sadd.s32 $0x15480, s2;
	[sflag:s29] =	ssyncadd.s32 $0xFFFFC180  }
0x87: {  	[spmem:s1] =	stream.indirect.scatter.add.f32 [tilespmem:s26], [sflag:$0x3], $0x80, s6, s25, $0xb8;
	[tilespmem:$0x1E800] =	vst v63  }
0x88: {  	_ =	swait.ge [sflag:s22], $0x3E80  }
0x89: {  	[sflag:s22] =	ssyncset.done $0x0  }
0x8a: {  	[sflag:s22] =	ssyncadd.s32 $0xFFFFC180  }
0x8b: {  	[tilespmem:s26], [sflag:$0x2] =	stream.indirect.gather [hbm4b:s4+s25], $0x80, s30, s25, $0xb8;
	[tilespmem:$0x1E800] =	vst v63  }
0x8c: {  	_ =	swait.ge [sflag:s28], $0x3E80  }
0x8d: {  	[sflag:s28] =	ssyncset.done $0x0  }
0x8e: {  	[sflag:s28] =	ssyncadd.s32 $0xFFFFC180  }
0x8f: {  	[spmem:s1] =	stream.indirect.scatter.add.f32 [tilespmem:s21], [sflag:$0x3], $0x80, s31, s25, $0xb8;
	[tilespmem:$0x1E800] =	vst v63  }
0x90: {  	_ =	swait.ge [sflag:s22], $0x3E80  }
0x91: {  	[sflag:s22] =	ssyncset.done $0x0  }
0x92: {  	[sflag:s22] =	ssyncadd.s32 $0xFFFFC180  }
0x93: {  	_ =	swait.ge [sflag:s29], $0x3E80  }
0x94: {  	[sflag:s29] =	ssyncset.done $0x0  }
0x95: {  	[sflag:s29] =	ssyncadd.s32 $0xFFFFC180  }
0x96: {  	[spmem:s1] =	stream.indirect.scatter.add.f32 [tilespmem:s26], [sflag:$0x3], $0x80, s0, s25, $0xb8;
	[tilespmem:$0x1E800] =	vst v63  }
0x97: {  	_ =	swait.ge [sflag:s22], $0x3E80  }
0x98: {  	[sflag:s22] =	ssyncset.done $0x0  }
0x99: {  	s7 =	simm.s32 $0x0;
	s8 =	rddreg [dreg:$0x5];
	[sflag:s22] =	ssyncadd.s32 $0xFFFFC180  }
0x9a: {  	[tilespmem:s23], [sflag:$0x3] =	stream.linear.gather [hbm4b:s8+s7], $0x1400, $0x38;
	[tilespmem:$0x1E800] =	vst v63  }
0x9b: {  	_ =	swait.ge [sflag:s22], $0x1400  }
0x9c: {  	[sflag:s22] =	ssyncset.done $0x0  }
0x9d: {  	s9 =	rddreg [dreg:$0x6];
	[sflag:s22] =	ssyncadd.s32 $0xFFFFEC00  }
0x9e: {  	[tilespmem:s24], [sflag:$0x3] =	stream.linear.gather [hbm4b:s9+s7], $0x1400, $0x38;
	[tilespmem:$0x1E800] =	vst v63  }
0x9f: {  	_ =	swait.ge [sflag:s22], $0x1400  }
0xa0: {  	[sflag:s22] =	ssyncset.done $0x0  }
0xa1: {  	[sflag:s22] =	ssyncadd.s32 $0xFFFFEC00  }
0xa2: {  	[tilespmem:s21], [sflag:$0x1] =	stream.indirect.gather [hbm4b:s4+s25], $0x80, s23, s25, $0xb8;
	[tilespmem:$0x1E800] =	vst v63  }
0xa3: {  	s6 =	simm.s32 $0x14080  }
0xa4: {  	[tilespmem:s26], [sflag:$0x2] =	stream.indirect.gather [hbm4b:s4+s25], $0x80, s6, s25, $0xb8;
	[tilespmem:$0x1E800] =	vst v63  }
0xa5: {  	_ =	swait.ge [sflag:s28], $0x3E80  }
0xa6: {  	[sflag:s28] =	ssyncset.done $0x0  }
0xa7: {  	s7 =	simm.s32 $0x15400;
	[sflag:s28] =	ssyncadd.s32 $0xFFFFC180  }
0xa8: {  	[spmem:s1] =	stream.indirect.scatter.add.f32 [tilespmem:s21], [sflag:$0x3], $0x80, s7, s25, $0xb8;
	[tilespmem:$0x1E800] =	vst v63  }
0xa9: {  	_ =	swait.ge [sflag:s22], $0x3E80  }
0xaa: {  	[sflag:s22] =	ssyncset.done $0x0  }
0xab: {  	s8 =	simm.s32 $0x14100;
	[sflag:s22] =	ssyncadd.s32 $0xFFFFC180  }
0xac: {  	[tilespmem:s21], [sflag:$0x1] =	stream.indirect.gather [hbm4b:s4+s25], $0x80, s8, s25, $0xb8;
	[tilespmem:$0x1E800] =	vst v63  }
0xad: {  	_ =	swait.ge [sflag:s29], $0x3E80  }
0xae: {  	[sflag:s29] =	ssyncset.done $0x0  }
0xaf: {  	s9 =	simm.s32 $0x15480;
	[sflag:s29] =	ssyncadd.s32 $0xFFFFC180  }
0xb0: {  	[spmem:s1] =	stream.indirect.scatter.add.f32 [tilespmem:s26], [sflag:$0x3], $0x80, s9, s25, $0xb8;
	[tilespmem:$0x1E800] =	vst v63  }
0xb1: {  	_ =	swait.ge [sflag:s22], $0x3E80  }
0xb2: {  	s2 =	simm.s32 $0x100;
	s6 =	simm.s32 $0x800;
	[sflag:s22] =	ssyncset.done $0x0  }
.LBB2_6:
0xb3: {  	s7 =	sadd.s32 $0x14080, s2  }
0xb4: {  	[sflag:s22] =	ssyncadd.s32 $0xFFFFC180;
	s8 =	smov.u32 s6;
	s9 =	sadd.s32 $0x400, s6  }
0xb5: {  	[tilespmem:s26], [sflag:$0x2] =	stream.indirect.gather [hbm4b:s4+s25], $0x80, s7, s25, $0xb8;
	[tilespmem:$0x1E800] =	vst v63  }
0xb6: {  	p0 =	sne.s32 s6, $0x4800;
	_ =	swait.ge [sflag:s28], $0x3E80  }
0xb7: {  	[sflag:s28] =	ssyncset.done $0x0  }
0xb8: {  	s6 =	sadd.s32 $0x15400, s2;
	[sflag:s28] =	ssyncadd.s32 $0xFFFFC180  }
0xb9: {  	[spmem:s1] =	stream.indirect.scatter.add.f32 [tilespmem:s21], [sflag:$0x3], $0x80, s6, s25, $0xb8;
	[tilespmem:$0x1E800] =	vst v63  }
0xba: {  	_ =	swait.ge [sflag:s22], $0x3E80  }
0xbb: {  	[sflag:s22] =	ssyncset.done $0x0  }
0xbc: {  	s6 =	sadd.s32 $0x14100, s2;
	[sflag:s22] =	ssyncadd.s32 $0xFFFFC180  }
0xbd: {  	[tilespmem:s21], [sflag:$0x1] =	stream.indirect.gather [hbm4b:s4+s25], $0x80, s6, s25, $0xb8;
	[tilespmem:$0x1E800] =	vst v63  }
0xbe: {  	_ =	swait.ge [sflag:s29], $0x3E80  }
.Ltmp2:
0xbf: {  	[sflag:s29] =	ssyncset.done $0x0;
	(pc) =	sbr.rel @p0 .LBB2_6-.Ltmp2, $4  }
0xc0: {  	s2 =	sadd.s32 $0x15480, s2;
	[sflag:s29] =	ssyncadd.s32 $0xFFFFC180  }
0xc1: {  	[spmem:s1] =	stream.indirect.scatter.add.f32 [tilespmem:s26], [sflag:$0x3], $0x80, s2, s25, $0xb8;
	[tilespmem:$0x1E800] =	vst v63  }
0xc2: {  	_ =	swait.ge [sflag:s22], $0x3E80  }
0xc3: {  	s6 =	smov.u32 s9;
	s2 =	sshra.s32 s8, $0x2;
	[sflag:s22] =	ssyncset.done $0x0  }
0xc4: {  	s6 =	sadd.s32 $0x14080, s2;
	[sflag:s22] =	ssyncadd.s32 $0xFFFFC180  }
0xc5: {  	[tilespmem:s26], [sflag:$0x2] =	stream.indirect.gather [hbm4b:s4+s25], $0x80, s6, s25, $0xb8;
	[tilespmem:$0x1E800] =	vst v63  }
0xc6: {  	_ =	swait.ge [sflag:s28], $0x3E80  }
0xc7: {  	[sflag:s28] =	ssyncset.done $0x0  }
0xc8: {  	s8 =	sadd.s32 $0x15400, s2;
	[sflag:s28] =	ssyncadd.s32 $0xFFFFC180  }
0xc9: {  	[spmem:s1] =	stream.indirect.scatter.add.f32 [tilespmem:s21], [sflag:$0x3], $0x80, s8, s25, $0xb8;
	[tilespmem:$0x1E800] =	vst v63  }
0xca: {  	_ =	swait.ge [sflag:s22], $0x3E80  }
0xcb: {  	[sflag:s22] =	ssyncset.done $0x0  }
0xcc: {  	s9 =	sadd.s32 $0x14100, s2;
	[sflag:s22] =	ssyncadd.s32 $0xFFFFC180  }
0xcd: {  	[tilespmem:s21], [sflag:$0x1] =	stream.indirect.gather [hbm4b:s4+s25], $0x80, s9, s25, $0xb8;
	[tilespmem:$0x1E800] =	vst v63  }
0xce: {  	_ =	swait.ge [sflag:s29], $0x3E80  }
0xcf: {  	[sflag:s29] =	ssyncset.done $0x0  }
0xd0: {  	s7 =	sadd.s32 $0x15480, s2;
	[sflag:s29] =	ssyncadd.s32 $0xFFFFC180  }
0xd1: {  	[spmem:s1] =	stream.indirect.scatter.add.f32 [tilespmem:s26], [sflag:$0x3], $0x80, s7, s25, $0xb8;
	[tilespmem:$0x1E800] =	vst v63  }
0xd2: {  	_ =	swait.ge [sflag:s22], $0x3E80  }
0xd3: {  	[sflag:s22] =	ssyncset.done $0x0  }
0xd4: {  	[sflag:s22] =	ssyncadd.s32 $0xFFFFC180  }
0xd5: {  	[tilespmem:s26], [sflag:$0x2] =	stream.indirect.gather [hbm4b:s4+s25], $0x80, s30, s25, $0xb8;
	[tilespmem:$0x1E800] =	vst v63  }
0xd6: {  	_ =	swait.ge [sflag:s28], $0x3E80  }
0xd7: {  	[sflag:s28] =	ssyncset.done $0x0  }
0xd8: {  	[sflag:s28] =	ssyncadd.s32 $0xFFFFC180  }
0xd9: {  	[spmem:s1] =	stream.indirect.scatter.add.f32 [tilespmem:s21], [sflag:$0x3], $0x80, s31, s25, $0xb8;
	[tilespmem:$0x1E800] =	vst v63  }
0xda: {  	_ =	swait.ge [sflag:s22], $0x3E80  }
0xdb: {  	[sflag:s22] =	ssyncset.done $0x0  }
0xdc: {  	[sflag:s22] =	ssyncadd.s32 $0xFFFFC180  }
0xdd: {  	_ =	swait.ge [sflag:s29], $0x3E80  }
0xde: {  	[sflag:s29] =	ssyncset.done $0x0  }
0xdf: {  	[sflag:s29] =	ssyncadd.s32 $0xFFFFC180  }
0xe0: {  	[spmem:s1] =	stream.indirect.scatter.add.f32 [tilespmem:s26], [sflag:$0x3], $0x80, s0, s25, $0xb8;
	[tilespmem:$0x1E800] =	vst v63  }
0xe1: {  	s8 =	stileid.u32;
	_ =	swait.ge [sflag:s22], $0x3E80  }
0xe2: {  	s3 =	sadd.s32 $0x1, s3;
	s2 =	sshll.u32 s8, $0x6;
	[sflag:s22] =	ssyncset.done $0x0  }
0xe3: {  	p0 =	sne.s32 s3, s11;
	s2 =	sor.u32 $0x1C03, s2;
	[sflag:s22] =	ssyncadd.s32 $0xFFFFC180  }
.Ltmp3:
0xe4: {  	s9 =	sshrl.u32 s5, $0x3;
	[bflag:$0x0] =	sbarrier.arrive $0xFFFF;
	(pc) =	sbr.rel @p0 .LBB2_1-.Ltmp3, $4  }
0xe5: {  	[hbm:s10], [sflag:s2] =	dma.local [spmem:s9], $0x2800  }
0xe6: {  	_ =	swait.ge [sflag:s22], $0x2800  }
0xe7: {  	[sflag:s22] =	ssyncset.done $0x0  }
0xe8: {  	[sflag:s22] =	ssyncadd.s32 $0xFFFFD800  }
0xe9: {  	_ =	sfence.sel $0x180000  }
0xea: {  	[bflag:$0x0] =	sbarrier.arrive $0xFFFF  }
0xeb: {  	_ =	strace $0x9000004A  }
0xec: {  	s0 =	stileid.u32;
	[bflag:$0x2] =	sbarrier.arrive $0xFFFF  }
0xed: {  	p0 =	sne.s32 s0, $0x0;
	s0 =	rddreg [dreg:$0x2]  }
0xee: {  	s0 =	sadd.s32 @!p0 $0x100000, s0  }
0xef: {  	[sflag:s0] =	ssyncadd.tile.s32 @!p0 $0x1;
	_ =	shalt  }
.Lfunc_end2:
_tile_overlayer_lowered:
.L_overlay_start_2:
0xf0: {  	(tag) =	ssettag $0x2  }
0xf1: {  	s0 =	rddreg [dreg:$0x0];
	s2 =	stileid.u32  }
0xf2: {  	s1 =	rddreg [dreg:$0x1];
	p0 =	sne.s32 s2, $0x0  }
0xf3: {  	s3 =	rddreg [dreg:$0x2];
	[bflag:$0x3] =	sbarrier.arrive $0xFFFF;
	s2 =	simm.s32 @!p0 $0x1C03  }
0xf4: {  	[timem:s3], [sflag:s2] =	dma.local @!p0 [hbm:s0], s1  }
0xf5: {  	s0 =	simm.s32 @!p0 $0x3  }
0xf6: {  	_ =	swait.ge @!p0 [sflag:s0], s1  }
0xf7: {  	s1 =	ssub.s32 @!p0 $0x0, s1;
	[sflag:s0] =	ssyncset.done @!p0 $0x0  }
0xf8: {  	[sflag:s0] =	ssyncadd.s32 @!p0 s1  }
0xf9: {  	[bflag:$0x3] =	sbarrier.arrive $0xFFFF  }
0xfa: {  	_ =	shalt  }

// kernel: kernel.16.cloned.1.call-start
scs
__scs_entry_jumppad:
0x0: {  	(pc) =	sbr.rel $0x88, $3  }
0x1: {  	(tag) =	ssettag $0x0;
	lr =	simm.s32 $0x1  }
0x2: {  	[smem:$0x3F92] =	sst lr;
	_ =	strace $0xD0000000  }
0x3: {  	_ = 	snop  }
0x4: {  	_ = 	snop  }
0x5: {  	_ = 	snop  }
0x6: {  	_ = 	snop  }
0x7: {  	_ = 	snop  }
__scs_overlays_trampoline_lowered:
0x8: {  	[smem:$0x3FA1] =	sst s0  }
0x9: {  	[smem:$0x3FA2] =	sst s1  }
0xa: {  	[smem:$0x3FA3] =	sst s2  }
0xb: {  	[smem:$0x3FA4] =	sst s3  }
0xc: {  	[smem:$0x3FA5] =	sst s4  }
0xd: {  	[smem:$0x3FA6] =	sst s5  }
0xe: {  	[smem:$0x3FA7] =	sst s6  }
0xf: {  	[smem:$0x3FA8] =	sst s7  }
0x10: {  	[smem:$0x3FA9] =	sst s8  }
0x11: {  	[smem:$0x3FAA] =	sst s9;
	s0 =	simm.s32 @!p0 $0x0  }
0x12: {  	s1 =	sld [smem:$0x3F90];
	s0 =	simm.s32 @p0 $0x1  }
0x13: {  	[smem:$0x3FAB] =	sst s0;
	s0 =	simm.s32 @!p1 $0x0  }
0x14: {  	s2 =	sld [smem:$0x3F8F];
	s0 =	simm.s32 @p1 $0x1  }
0x15: {  	[smem:$0x3FAC] =	sst s0;
	s0 =	simm.s32 @!p2 $0x0  }
0x16: {  	s3 =	sld [smem:$0x3FDB];
	s0 =	simm.s32 @p2 $0x1  }
0x17: {  	s4 =	simm.s32 $0x1BF5;
	[smem:$0x3FAE] =	sst s0  }
0x18: {  	s0 =	sld [smem:$0x3F91];
	_ =	swait.ge [sflag:s4], $0x0  }
0x19: {  	s7 =	sld [smem:$0x3F92]  }
0x1a: {  	s8 =	sadd.s32 $0xFFFFE003, lr  }
0x1b: {  	s9 =	sadd.s32 $0xFFFFFEF7, lr;
	s5 =	simm.s32 $0xFFFFFFFF;
	p2 =	slt.u32 s8, $0xFFFFF086  }
0x1c: {  	p1 =	slt.u32 s9, $0xF7A;
	s5 =	simm.s32 @!p2 $0x0  }
0x1d: {  	s5 =	simm.s32 @p1 $0x1;
	p0 =	seq.s32 s7, s2  }
0x1e: {  	s7 =	smul.u32 @!p0 $0xF7A, s2;
	p2 =	seq.s32 @!p0 s5, $0x0  }
0x1f: {  	s9 =	smul.u32 $0xF7A, s1;
	s8 =	simm.s32 @!p0 $0x1BF5;
	p2 =	por !p2, p0  }
0x20: {  	[sflag:s8] =	ssyncset.s32 @!p0 $0xFFFFF086;
	s6 =	sadd.s32 @!p0 s3, s7;
	s7 =	simm.s32 @!p0 $0x108  }
0x21: {  	s3 =	sadd.s32 s3, s9;
	s6 =	sadd.s32 @!p0 $0x88, s6;
	s7 =	simm.s32 @p2 $0x1082  }
0x22: {  	[simem:s7], [sflag:s8] =	dma.local @!p0 [hbm:s6], $0xF7A  }
0x23: {  	s9 =	sor.u32 $0xD0000000, s2;
	s6 =	simm.s32 $0x108;
	_ =	swait.ge @!p0 [sflag:s8], $0x0  }
0x24: {  	s3 =	sadd.s32 $0x88, s3;
	s6 =	simm.s32 @!p1 $0x1082;
	[sflag:s4] =	ssyncset.s32 $0xFFFFF086  }
0x25: {  	[simem:s6], [sflag:s4] =	dma.local [hbm:s3], $0xF7A  }
0x26: {  	[smem:$0x3F92] =	sst s1;
	(tag) =	ssettag s2;
	_ =	strace s9  }
0x27: {  	s1 =	sld [smem:$0x3FA2]  }
0x28: {  	s2 =	sld [smem:$0x3FA3]  }
0x29: {  	s4 =	sld [smem:$0x3FA5]  }
0x2a: {  	p0 =	seq.s32 s5, $0x0;
	s5 =	sld [smem:$0x3FA6]  }
0x2b: {  	s6 =	sld [smem:$0x3FA7]  }
0x2c: {  	s7 =	sld [smem:$0x3FA8]  }
0x2d: {  	s3 =	simm.s32 $0x108;
	s8 =	sld [smem:$0x3FA9]  }
0x2e: {  	s3 =	simm.s32 @!p0 $0x1082;
	s9 =	sld [smem:$0x3FAA]  }
0x2f: {  	lr =	sadd.s32 s0, s3;
	s0 =	sld [smem:$0x3FA1]  }
0x30: {  	s3 =	sld [smem:$0x3FA4]  }
0x31: {  	[smem:$0x3FAD] =	sst s10  }
0x32: {  	s10 =	sld [smem:$0x3FAB];
	_ =	sdelay $0x3  }
0x33: {  	p0 =	seq.s32 s10, $0x1;
	s10 =	sld [smem:$0x3FAD];
	_ =	sdelay $0x3  }
0x34: {  	[smem:$0x3FAD] =	sst s10  }
0x35: {  	s10 =	sld [smem:$0x3FAC];
	_ =	sdelay $0x3  }
0x36: {  	p1 =	seq.s32 s10, $0x1;
	s10 =	sld [smem:$0x3FAD];
	_ =	sdelay $0x3  }
0x37: {  	[smem:$0x3FAD] =	sst s10  }
0x38: {  	s10 =	sld [smem:$0x3FAE]  }
0x39: {  	_ = 	snop;
	(pc) =	sbr.ind lr, $3  }
0x3a: {  	_ = 	snop  }
0x3b: {  	_ = 	snop  }
0x3c: {  	p2 =	seq.s32 s10, $0x1;
	s10 =	sld [smem:$0x3FAD]  }
0x3d: {  	_ =	shalt  }
0x3e: {  	_ =	shalt  }
0x3f: {  	_ =	shalt  }
0x40: {  	_ =	shalt  }
0x41: {  	_ =	shalt  }
0x42: {  	_ =	shalt  }
0x43: {  	_ =	shalt  }
0x44: {  	_ =	shalt  }
0x45: {  	_ =	shalt  }
0x46: {  	_ =	shalt  }
0x47: {  	_ =	shalt  }
0x48: {  	_ =	shalt  }
0x49: {  	_ =	shalt  }
0x4a: {  	_ =	shalt  }
0x4b: {  	_ =	shalt  }
0x4c: {  	_ =	shalt  }
0x4d: {  	_ =	shalt  }
0x4e: {  	_ =	shalt  }
0x4f: {  	_ =	shalt  }
0x50: {  	_ =	shalt  }
0x51: {  	_ =	shalt  }
0x52: {  	_ =	shalt  }
0x53: {  	_ =	shalt  }
0x54: {  	_ =	shalt  }
0x55: {  	_ =	shalt  }
0x56: {  	_ =	shalt  }
0x57: {  	_ =	shalt  }
0x58: {  	_ =	shalt  }
0x59: {  	_ =	shalt  }
0x5a: {  	_ =	shalt  }
0x5b: {  	_ =	shalt  }
0x5c: {  	_ =	shalt  }
0x5d: {  	_ =	shalt  }
0x5e: {  	_ =	shalt  }
0x5f: {  	_ =	shalt  }
0x60: {  	_ =	shalt  }
0x61: {  	_ =	shalt  }
0x62: {  	_ =	shalt  }
0x63: {  	_ =	shalt  }
0x64: {  	_ =	shalt  }
0x65: {  	_ =	shalt  }
0x66: {  	_ =	shalt  }
0x67: {  	_ =	shalt  }
0x68: {  	_ =	shalt  }
0x69: {  	_ =	shalt  }
0x6a: {  	_ =	shalt  }
0x6b: {  	_ =	shalt  }
0x6c: {  	_ =	shalt  }
0x6d: {  	_ =	shalt  }
0x6e: {  	_ =	shalt  }
0x6f: {  	_ =	shalt  }
0x70: {  	_ =	shalt  }
0x71: {  	_ =	shalt  }
0x72: {  	_ =	shalt  }
0x73: {  	_ =	shalt  }
0x74: {  	_ =	shalt  }
0x75: {  	_ =	shalt  }
0x76: {  	_ =	shalt  }
0x77: {  	_ =	shalt  }
0x78: {  	_ =	shalt  }
0x79: {  	_ =	shalt  }
0x7a: {  	_ =	shalt  }
0x7b: {  	_ =	shalt  }
0x7c: {  	_ =	shalt  }
0x7d: {  	_ =	shalt  }
0x7e: {  	_ =	shalt  }
0x7f: {  	_ =	shalt  }
0x80: {  	_ =	shalt  }
0x81: {  	_ =	shalt  }
0x82: {  	_ =	shalt  }
0x83: {  	_ =	shalt  }
0x84: {  	_ =	shalt  }
0x85: {  	_ =	shalt  }
0x86: {  	_ =	shalt  }
0x87: {  	_ =	shalt  }
.Lfunc_end0:
.L_simem_size_0:
called_computation.2_lowered:
.L_overlay_start_0:
0x88: {  	s2 =	sld [smem:$0x3FD9]  }
0x89: {  	s3 =	sld [smem:$0x3FFE];
	_ =	sdelay $0x1  }
0x8a: {  	s1 =	srdreg.scid  }
0x8b: {  	s0 =	sand.u32 $0x1, s1  }
0x8c: {  	s16 =	sshll.u32 s0, $0xA;
	s2 =	sadd.s32 s3, s2  }
0x8d: {  	s2 =	sadd.s32 s2, s16  }
0x8e: {  	[smem:$0x3FB9] =	sst s2  }
0x8f: {  	_ = 	snop  }
0x90: {  	(tm) =	ssettm $0x1  }
0x91: {  	s17 =	sld [smem:$0x3FFB];
	_ =	sdelay $0x3  }
0x92: {  	_ =	strace s17  }
0x93: {  	s2 =	sld [smem:$0x3FFC];
	_ =	sdelay $0x3  }
0x94: {  	_ =	strace s2  }
0x95: {  	s2 =	sld [smem:$0x3FFD];
	_ =	sdelay $0x3  }
0x96: {  	_ =	strace s2  }
0x97: {  	_ =	strace $0x8FFFFFFF  }
0x98: {  	s18 =	sld [smem:$0x3FDB];
	_ =	sdelay $0x1  }
0x99: {  	s19 =	simm.s32 $_scs_section_size  }
0x9a: {  	s4 =	simm.s32 $_size__tile_overlayer_lowered;
	s5 =	simm.s32 $_tile_overlayer_lowered  }
0x9b: {  	s22 =	simm.s32 $0x1BFF;
	s21 =	sshll.u32 s5, $0x1;
	s2 =	sadd.s32 s19, s18  }
0x9c: {  	s6 =	simm.s32 $0x0;
	s20 =	sshll.u32 s4, $0x1;
	s4 =	sadd.s32 s21, s2  }
0x9d: {  	[timem:s6], [sflag:s22] =	dma.local [hbm:s4], s20  }
0x9e: {  	_ =	swait.ge [sflag:s22], s20  }
0x9f: {  	s3 =	ssub.s32 $0x0, s20;
	[sflag:s22] =	ssyncset.done $0x0  }
0xa0: {  	[sflag:s22] =	ssyncadd.s32 s3;
	_ =	sdelay $0x1  }
0xa1: {  	s23 =	simm.s32 $0x1B8B  }
0xa2: {  	_ =	swait.ge [sflag:s23], $0x1  }
0xa3: {  	[sflag:s23] =	ssyncset.done $0x0  }
0xa4: {  	s25 =	simm.s32 $0x1B8E;
	s24 =	sld [smem:$0x3FFE];
	[sflag:s23] =	ssyncadd.s32 $0xFFFFFFFF  }
0xa5: {  	s26 =	simm.s32 $execute0_lowered;
	[smem:$0x3FD2] =	sst s25  }
0xa6: {  	s4 =	sshll.u32 s26, $0x1;
	_ =	strace $0x8000004C;
	[dreg:$0x1] =	wrdreg $0xFFFFFFFF  }
0xa7: {  	s28 =	simm.s32 $_size_execute0_lowered;
	s2 =	sadd.s32 s2, s4;
	[dreg:$0x0] =	wrdreg $0x0  }
0xa8: {  	s4 =	sshll.u32 s28, $0x1;
	[dreg:$0x2] =	wrdreg s2  }
0xa9: {  	[dreg:$0x3] =	wrdreg s4  }
0xaa: {  	[dreg:$0x4] =	wrdreg $0xC0  }
0xab: {  	_ =	task [dreg:s6], $0x5FFFF  }
0xac: {  	[dreg:$0x1] =	wrdreg $0xFFFFFFFF  }
0xad: {  	[dreg:$0x0] =	wrdreg $0x60  }
0xae: {  	[dreg:$0x2] =	wrdreg s24  }
0xaf: {  	[dreg:$0x3] =	wrdreg $0x0  }
0xb0: {  	[dreg:$0x4] =	wrdreg $0x9  }
0xb1: {  	_ =	task.clear_ibuf [dreg:s6], $0x5FFFF;
	_ =	strace $0x9000004C  }
0xb2: {  	s29 =	simm.s32 $0x9;
	_ =	strace $0x8000004E  }
0xb3: {  	_ =	swait.ge [sflag:s29], $0x1  }
0xb4: {  	[sflag:s29] =	ssyncadd.s32 $0xFFFFFFFF  }
0xb5: {  	_ =	strace $0x9000004E  }
0xb6: {  	_ =	sfence  }
0xb7: {  	s30 =	sld [smem:$0x0];
	_ =	sdelay $0x2  }
0xb8: {  	s31 =	sshll.u32 s1, $0xD;
	s1 =	sshrl.u32 s1, $0x2  }
0xb9: {  	s3 =	sand.u32 $0x4000, s31;
	s1 =	sadd.s32 s1, s30  }
0xba: {  	s0 =	sor.u32 s3, s0;
	s1 =	sshll.u32 s1, $0x11  }
0xbb: {  	s0 =	sor.u32 s1, s0  }
0xbc: {  	s0 =	sadd.s32 $0x8F2B, s0  }
0xbd: {  	[sflag:s0] =	ssyncadd.remote.s32 $0x1  }
0xbe: {  	_ =	sfence.sel $0xFFFF  }
0xbf: {  	[dreg:$0x0] =	wrdreg $0xFFFFFFFF;
	(pc) =	sbr.abs _section_cstart, $3  }
0xc0: {  	[dreg:$0x1] =	wrdreg $0xFFFFFFFF  }
0xc1: {  	_ =	task.clear_ibuf [dreg:s6], $0x2FFFF;
	_ =	strace $0x9FFFFFFF  }
0xc2: {  	(tm) =	ssettm $0x7FFFFFFF  }
0xc3: {  	_ =	shalt  }
tec
execute0_lowered:
.L_overlay_start_1:
0x0: {  	(tag) =	ssettag $0x1  }
0x1: {  	s0 =	rddreg [dreg:$0x0]  }
0x2: {  	s1 =	rddreg [dreg:$0x1];
	s3 =	simm.s32 $0x0  }
0x3: {  	s2 =	srdreg.scid;
	s10 =	stileid.u32;
	s28 =	simm.s32 $0x1  }
0x4: {  	s29 =	simm.s32 $0x2;
	s30 =	simm.s32 $0x15380;
	s31 =	simm.s32 $0x16700  }
0x5: {  	[smem:$0x7FF] =	sst s3;
	s2 =	sand.u32 $0x1, s2;
	s6 =	smul.u32 $0x14000, s10  }
0x6: {  	s4 =	sadd.s32 $0x2C400, s0;
	s8 =	sadd.s32 $0x22400, s0;
	s22 =	smul.u32 $0x50000, s10  }
0x7: {  	s9 =	sadd.s32 $0x18400, s0;
	s7 =	sshll.u32 s10, $0x1;
	s5 =	smul.u32 $0x140000, s2  }
0x8: {  	_ =	strace $0x8000004D;
	s21 =	sor.u32 s2, s7;
	s2 =	ssub.s32 $0x2, s2  }
0x9: {  	s23 =	sshrl.u32 s2, $0x1;
	s7 =	sshrl.u32 s22, $0x2;
	s22 =	simm.s32 $0x3  }
0xa: {  	s5 =	sadd.s32 s6, s5;
	s6 =	smul.u32 $0x2800, s21;
	s2 =	ssub.s32 s2, s23  }
0xb: {  	s21 =	simm.s32 $0x16800;
	s23 =	simm.s32 $0x14000;
	s5 =	sshrl.u32 s5, $0x3  }
0xc: {  	s11 =	smax.u32 s2, $0x1;
	s0 =	sadd.s32 s5, s0;
	s6 =	sshrl.u32 s6, $0x3  }
0xd: {  	s5 =	sadd.s32 s7, s1;
	s24 =	sadd.s32 s8, s6;
	s25 =	sadd.s32 s9, s6  }
0xe: {  	s6 =	sadd.s32 $0x280, s6;
	s10 =	sadd.s32 $0x7A800, s0;
	s12 =	sadd.s32 $0x2000, s5  }
0xf: {  	s13 =	sadd.s32 $0x4000, s5;
	s14 =	sadd.s32 $0x6000, s5;
	s15 =	sadd.s32 $0x8000, s5  }
0x10: {  	s16 =	sadd.s32 $0xA000, s5;
	s17 =	sadd.s32 $0xC000, s5;
	s18 =	sadd.s32 $0xE000, s5  }
0x11: {  	s19 =	sadd.s32 $0x10000, s5;
	s20 =	sadd.s32 $0x12000, s5;
	[dreg:$0x3] =	wrdreg s24  }
0x12: {  	s0 =	simm.s32 $0x16780;
	[dreg:$0x4] =	wrdreg s25;
	s26 =	sadd.s32 s8, s6  }
0x13: {  	s6 =	sadd.s32 s9, s6;
	s24 =	simm.s32 $0x15400;
	[dreg:$0x5] =	wrdreg s26  }
0x14: {  	v0 =	vimm.f32 $0.0e+00;
	s25 =	simm.s32 $0x7D;
	[dreg:$0x6] =	wrdreg s6;
	s26 =	simm.s32 $0x1A800  }
.LBB2_1:
0x15: {  	s2 =	simm.s32 $0x16840  }
0x16: {  	[tilespmem:s2+$0xFFFFFFC0] =	vst v0  }
0x17: {  	[tilespmem:s2+$0x30] =	vst v0  }
0x18: {  	[tilespmem:s2+$0x20] =	vst v0  }
0x19: {  	[tilespmem:s2+$0x10] =	vst v0  }
0x1a: {  	[tilespmem:s2+$0x0] =	vst v0  }
0x1b: {  	[tilespmem:s2+$0xFFFFFFF0] =	vst v0  }
0x1c: {  	s6 =	simm.s32 $0x0;
	[tilespmem:s2+$0xFFFFFFE0] =	vst v0  }
.LBB2_2:
0x1d: {  	s6 =	sadd.s32 $0x8, s6;
	[tilespmem:s2+$0xFFFFFFD0] =	vst v0;
	s2 =	sadd.s32 $0x80, s2  }
0x1e: {  	[tilespmem:s2+$0xFFFFFFC0] =	vst v0;
	p0 =	slt.u32 s6, $0x1F8  }
0x1f: {  	[tilespmem:s2+$0x30] =	vst v0  }
.Ltmp0:
0x20: {  	[tilespmem:s2+$0x20] =	vst v0;
	(pc) =	sbr.rel @p0 .LBB2_2-.Ltmp0, $4  }
0x21: {  	[tilespmem:s2+$0x10] =	vst v0  }
0x22: {  	[tilespmem:s2+$0x0] =	vst v0  }
0x23: {  	[tilespmem:s2+$0xFFFFFFF0] =	vst v0  }
0x24: {  	[tilespmem:s2+$0xFFFFFFE0] =	vst v0  }
0x25: {  	[tilespmem:s2+$0xFFFFFFD0] =	vst v0  }
0x26: {  	[spmem:s5] =	stream.linear.scatter [tilespmem:s21], [sflag:$0x3], $0x2000, $0x38;
	[tilespmem:$0x1E800] =	vst v63  }
0x27: {  	_ =	swait.ge [sflag:s22], $0x2000  }
0x28: {  	[sflag:s22] =	ssyncset.done $0x0  }
0x29: {  	[sflag:s22] =	ssyncadd.s32 $0xFFFFE000  }
0x2a: {  	[spmem:s12] =	stream.linear.scatter [tilespmem:s21], [sflag:$0x3], $0x2000, $0x38;
	[tilespmem:$0x1E800] =	vst v63  }
0x2b: {  	_ =	swait.ge [sflag:s22], $0x2000  }
0x2c: {  	[sflag:s22] =	ssyncset.done $0x0  }
0x2d: {  	[sflag:s22] =	ssyncadd.s32 $0xFFFFE000  }
0x2e: {  	[spmem:s13] =	stream.linear.scatter [tilespmem:s21], [sflag:$0x3], $0x2000, $0x38;
	[tilespmem:$0x1E800] =	vst v63  }
0x2f: {  	_ =	swait.ge [sflag:s22], $0x2000  }
0x30: {  	[sflag:s22] =	ssyncset.done $0x0  }
0x31: {  	[sflag:s22] =	ssyncadd.s32 $0xFFFFE000  }
0x32: {  	[spmem:s14] =	stream.linear.scatter [tilespmem:s21], [sflag:$0x3], $0x2000, $0x38;
	[tilespmem:$0x1E800] =	vst v63  }
0x33: {  	_ =	swait.ge [sflag:s22], $0x2000  }
0x34: {  	[sflag:s22] =	ssyncset.done $0x0  }
0x35: {  	[sflag:s22] =	ssyncadd.s32 $0xFFFFE000  }
0x36: {  	[spmem:s15] =	stream.linear.scatter [tilespmem:s21], [sflag:$0x3], $0x2000, $0x38;
	[tilespmem:$0x1E800] =	vst v63  }
0x37: {  	_ =	swait.ge [sflag:s22], $0x2000  }
0x38: {  	[sflag:s22] =	ssyncset.done $0x0  }
0x39: {  	[sflag:s22] =	ssyncadd.s32 $0xFFFFE000  }
0x3a: {  	[spmem:s16] =	stream.linear.scatter [tilespmem:s21], [sflag:$0x3], $0x2000, $0x38;
	[tilespmem:$0x1E800] =	vst v63  }
0x3b: {  	_ =	swait.ge [sflag:s22], $0x2000  }
0x3c: {  	[sflag:s22] =	ssyncset.done $0x0  }
0x3d: {  	[sflag:s22] =	ssyncadd.s32 $0xFFFFE000  }
0x3e: {  	[spmem:s17] =	stream.linear.scatter [tilespmem:s21], [sflag:$0x3], $0x2000, $0x38;
	[tilespmem:$0x1E800] =	vst v63  }
0x3f: {  	_ =	swait.ge [sflag:s22], $0x2000  }
0x40: {  	[sflag:s22] =	ssyncset.done $0x0  }
0x41: {  	[sflag:s22] =	ssyncadd.s32 $0xFFFFE000  }
0x42: {  	[spmem:s18] =	stream.linear.scatter [tilespmem:s21], [sflag:$0x3], $0x2000, $0x38;
	[tilespmem:$0x1E800] =	vst v63  }
0x43: {  	_ =	swait.ge [sflag:s22], $0x2000  }
0x44: {  	[sflag:s22] =	ssyncset.done $0x0  }
0x45: {  	[sflag:s22] =	ssyncadd.s32 $0xFFFFE000  }
0x46: {  	[spmem:s19] =	stream.linear.scatter [tilespmem:s21], [sflag:$0x3], $0x2000, $0x38;
	[tilespmem:$0x1E800] =	vst v63  }
0x47: {  	_ =	swait.ge [sflag:s22], $0x2000  }
0x48: {  	[sflag:s22] =	ssyncset.done $0x0  }
0x49: {  	[sflag:s22] =	ssyncadd.s32 $0xFFFFE000  }
0x4a: {  	[spmem:s20] =	stream.linear.scatter [tilespmem:s21], [sflag:$0x3], $0x2000, $0x38;
	[tilespmem:$0x1E800] =	vst v63  }
0x4b: {  	_ =	swait.ge [sflag:s22], $0x2000  }
0x4c: {  	[sflag:s22] =	ssyncset.done $0x0  }
0x4d: {  	[sflag:s22] =	ssyncadd.s32 $0xFFFFE000  }
0x4e: {  	[bflag:$0x0] =	sbarrier.arrive $0xFFFF  }
0x4f: {  	s8 =	simm.s32 $0x0;
	s6 =	rddreg [dreg:$0x3]  }
0x50: {  	[tilespmem:s23], [sflag:$0x3] =	stream.linear.gather [hbm4b:s6+s8], $0x1400, $0x38;
	[tilespmem:$0x1E800] =	vst v63  }
0x51: {  	_ =	swait.ge [sflag:s22], $0x1400  }
0x52: {  	[sflag:s22] =	ssyncset.done $0x0  }
0x53: {  	s9 =	rddreg [dreg:$0x4];
	[sflag:s22] =	ssyncadd.s32 $0xFFFFEC00  }
0x54: {  	[tilespmem:s24], [sflag:$0x3] =	stream.linear.gather [hbm4b:s9+s8], $0x1400, $0x38;
	[tilespmem:$0x1E800] =	vst v63  }
0x55: {  	_ =	swait.ge [sflag:s22], $0x1400  }
0x56: {  	[sflag:s22] =	ssyncset.done $0x0  }
0x57: {  	[sflag:s22] =	ssyncadd.s32 $0xFFFFEC00  }
0x58: {  	[tilespmem:s21], [sflag:$0x1] =	stream.indirect.gather [hbm4b:s4+s25], $0x80, s23, s25, $0xb8;
	[tilespmem:$0x1E800] =	vst v63  }
0x59: {  	s6 =	simm.s32 $0x14080  }
0x5a: {  	[tilespmem:s26], [sflag:$0x2] =	stream.indirect.gather [hbm4b:s4+s25], $0x80, s6, s25, $0xb8;
	[tilespmem:$0x1E800] =	vst v63  }
0x5b: {  	_ =	swait.ge [sflag:s28], $0x3E80  }
0x5c: {  	[sflag:s28] =	ssyncset.done $0x0  }
0x5d: {  	s7 =	simm.s32 $0x15400;
	[sflag:s28] =	ssyncadd.s32 $0xFFFFC180  }
0x5e: {  	[spmem:s1] =	stream.indirect.scatter.add.f32 [tilespmem:s21], [sflag:$0x3], $0x80, s7, s25, $0xb8;
	[tilespmem:$0x1E800] =	vst v63  }
0x5f: {  	_ =	swait.ge [sflag:s22], $0x3E80  }
0x60: {  	[sflag:s22] =	ssyncset.done $0x0  }
0x61: {  	s8 =	simm.s32 $0x14100;
	[sflag:s22] =	ssyncadd.s32 $0xFFFFC180  }
0x62: {  	[tilespmem:s21], [sflag:$0x1] =	stream.indirect.gather [hbm4b:s4+s25], $0x80, s8, s25, $0xb8;
	[tilespmem:$0x1E800] =	vst v63  }
0x63: {  	_ =	swait.ge [sflag:s29], $0x3E80  }
0x64: {  	[sflag:s29] =	ssyncset.done $0x0  }
0x65: {  	s9 =	simm.s32 $0x15480;
	[sflag:s29] =	ssyncadd.s32 $0xFFFFC180  }
0x66: {  	[spmem:s1] =	stream.indirect.scatter.add.f32 [tilespmem:s26], [sflag:$0x3], $0x80, s9, s25, $0xb8;
	[tilespmem:$0x1E800] =	vst v63  }
0x67: {  	_ =	swait.ge [sflag:s22], $0x3E80  }
0x68: {  	s2 =	simm.s32 $0x100;
	s6 =	simm.s32 $0x800;
	[sflag:s22] =	ssyncset.done $0x0  }
.LBB2_4:
0x69: {  	s7 =	sadd.s32 $0x14080, s2  }
0x6a: {  	[sflag:s22] =	ssyncadd.s32 $0xFFFFC180;
	s8 =	smov.u32 s6;
	s9 =	sadd.s32 $0x400, s6  }
0x6b: {  	[tilespmem:s26], [sflag:$0x2] =	stream.indirect.gather [hbm4b:s4+s25], $0x80, s7, s25, $0xb8;
	[tilespmem:$0x1E800] =	vst v63  }
0x6c: {  	p0 =	sne.s32 s6, $0x4800;
	_ =	swait.ge [sflag:s28], $0x3E80  }
0x6d: {  	[sflag:s28] =	ssyncset.done $0x0  }
0x6e: {  	s6 =	sadd.s32 $0x15400, s2;
	[sflag:s28] =	ssyncadd.s32 $0xFFFFC180  }
0x6f: {  	[spmem:s1] =	stream.indirect.scatter.add.f32 [tilespmem:s21], [sflag:$0x3], $0x80, s6, s25, $0xb8;
	[tilespmem:$0x1E800] =	vst v63  }
0x70: {  	_ =	swait.ge [sflag:s22], $0x3E80  }
0x71: {  	[sflag:s22] =	ssyncset.done $0x0  }
0x72: {  	s6 =	sadd.s32 $0x14100, s2;
	[sflag:s22] =	ssyncadd.s32 $0xFFFFC180  }
0x73: {  	[tilespmem:s21], [sflag:$0x1] =	stream.indirect.gather [hbm4b:s4+s25], $0x80, s6, s25, $0xb8;
	[tilespmem:$0x1E800] =	vst v63  }
0x74: {  	_ =	swait.ge [sflag:s29], $0x3E80  }
.Ltmp1:
0x75: {  	[sflag:s29] =	ssyncset.done $0x0;
	(pc) =	sbr.rel @p0 .LBB2_4-.Ltmp1, $4  }
0x76: {  	s2 =	sadd.s32 $0x15480, s2;
	[sflag:s29] =	ssyncadd.s32 $0xFFFFC180  }
0x77: {  	[spmem:s1] =	stream.indirect.scatter.add.f32 [tilespmem:s26], [sflag:$0x3], $0x80, s2, s25, $0xb8;
	[tilespmem:$0x1E800] =	vst v63  }
0x78: {  	_ =	swait.ge [sflag:s22], $0x3E80  }
0x79: {  	s6 =	smov.u32 s9;
	s2 =	sshra.s32 s8, $0x2;
	[sflag:s22] =	ssyncset.done $0x0  }
0x7a: {  	s6 =	sadd.s32 $0x14080, s2;
	[sflag:s22] =	ssyncadd.s32 $0xFFFFC180  }
0x7b: {  	[tilespmem:s26], [sflag:$0x2] =	stream.indirect.gather [hbm4b:s4+s25], $0x80, s6, s25, $0xb8;
	[tilespmem:$0x1E800] =	vst v63  }
0x7c: {  	_ =	swait.ge [sflag:s28], $0x3E80  }
0x7d: {  	[sflag:s28] =	ssyncset.done $0x0  }
0x7e: {  	s8 =	sadd.s32 $0x15400, s2;
	[sflag:s28] =	ssyncadd.s32 $0xFFFFC180  }
0x7f: {  	[spmem:s1] =	stream.indirect.scatter.add.f32 [tilespmem:s21], [sflag:$0x3], $0x80, s8, s25, $0xb8;
	[tilespmem:$0x1E800] =	vst v63  }
0x80: {  	_ =	swait.ge [sflag:s22], $0x3E80  }
0x81: {  	[sflag:s22] =	ssyncset.done $0x0  }
0x82: {  	s9 =	sadd.s32 $0x14100, s2;
	[sflag:s22] =	ssyncadd.s32 $0xFFFFC180  }
0x83: {  	[tilespmem:s21], [sflag:$0x1] =	stream.indirect.gather [hbm4b:s4+s25], $0x80, s9, s25, $0xb8;
	[tilespmem:$0x1E800] =	vst v63  }
0x84: {  	_ =	swait.ge [sflag:s29], $0x3E80  }
0x85: {  	[sflag:s29] =	ssyncset.done $0x0  }
0x86: {  	s6 =	sadd.s32 $0x15480, s2;
	[sflag:s29] =	ssyncadd.s32 $0xFFFFC180  }
0x87: {  	[spmem:s1] =	stream.indirect.scatter.add.f32 [tilespmem:s26], [sflag:$0x3], $0x80, s6, s25, $0xb8;
	[tilespmem:$0x1E800] =	vst v63  }
0x88: {  	_ =	swait.ge [sflag:s22], $0x3E80  }
0x89: {  	[sflag:s22] =	ssyncset.done $0x0  }
0x8a: {  	[sflag:s22] =	ssyncadd.s32 $0xFFFFC180  }
0x8b: {  	[tilespmem:s26], [sflag:$0x2] =	stream.indirect.gather [hbm4b:s4+s25], $0x80, s30, s25, $0xb8;
	[tilespmem:$0x1E800] =	vst v63  }
0x8c: {  	_ =	swait.ge [sflag:s28], $0x3E80  }
0x8d: {  	[sflag:s28] =	ssyncset.done $0x0  }
0x8e: {  	[sflag:s28] =	ssyncadd.s32 $0xFFFFC180  }
0x8f: {  	[spmem:s1] =	stream.indirect.scatter.add.f32 [tilespmem:s21], [sflag:$0x3], $0x80, s31, s25, $0xb8;
	[tilespmem:$0x1E800] =	vst v63  }
0x90: {  	_ =	swait.ge [sflag:s22], $0x3E80  }
0x91: {  	[sflag:s22] =	ssyncset.done $0x0  }
0x92: {  	[sflag:s22] =	ssyncadd.s32 $0xFFFFC180  }
0x93: {  	_ =	swait.ge [sflag:s29], $0x3E80  }
0x94: {  	[sflag:s29] =	ssyncset.done $0x0  }
0x95: {  	[sflag:s29] =	ssyncadd.s32 $0xFFFFC180  }
0x96: {  	[spmem:s1] =	stream.indirect.scatter.add.f32 [tilespmem:s26], [sflag:$0x3], $0x80, s0, s25, $0xb8;
	[tilespmem:$0x1E800] =	vst v63  }
0x97: {  	_ =	swait.ge [sflag:s22], $0x3E80  }
0x98: {  	[sflag:s22] =	ssyncset.done $0x0  }
0x99: {  	s7 =	simm.s32 $0x0;
	s8 =	rddreg [dreg:$0x5];
	[sflag:s22] =	ssyncadd.s32 $0xFFFFC180  }
0x9a: {  	[tilespmem:s23], [sflag:$0x3] =	stream.linear.gather [hbm4b:s8+s7], $0x1400, $0x38;
	[tilespmem:$0x1E800] =	vst v63  }
0x9b: {  	_ =	swait.ge [sflag:s22], $0x1400  }
0x9c: {  	[sflag:s22] =	ssyncset.done $0x0  }
0x9d: {  	s9 =	rddreg [dreg:$0x6];
	[sflag:s22] =	ssyncadd.s32 $0xFFFFEC00  }
0x9e: {  	[tilespmem:s24], [sflag:$0x3] =	stream.linear.gather [hbm4b:s9+s7], $0x1400, $0x38;
	[tilespmem:$0x1E800] =	vst v63  }
0x9f: {  	_ =	swait.ge [sflag:s22], $0x1400  }
0xa0: {  	[sflag:s22] =	ssyncset.done $0x0  }
0xa1: {  	[sflag:s22] =	ssyncadd.s32 $0xFFFFEC00  }
0xa2: {  	[tilespmem:s21], [sflag:$0x1] =	stream.indirect.gather [hbm4b:s4+s25], $0x80, s23, s25, $0xb8;
	[tilespmem:$0x1E800] =	vst v63  }
0xa3: {  	s6 =	simm.s32 $0x14080  }
0xa4: {  	[tilespmem:s26], [sflag:$0x2] =	stream.indirect.gather [hbm4b:s4+s25], $0x80, s6, s25, $0xb8;
	[tilespmem:$0x1E800] =	vst v63  }
0xa5: {  	_ =	swait.ge [sflag:s28], $0x3E80  }
0xa6: {  	[sflag:s28] =	ssyncset.done $0x0  }
0xa7: {  	s7 =	simm.s32 $0x15400;
	[sflag:s28] =	ssyncadd.s32 $0xFFFFC180  }
0xa8: {  	[spmem:s1] =	stream.indirect.scatter.add.f32 [tilespmem:s21], [sflag:$0x3], $0x80, s7, s25, $0xb8;
	[tilespmem:$0x1E800] =	vst v63  }
0xa9: {  	_ =	swait.ge [sflag:s22], $0x3E80  }
0xaa: {  	[sflag:s22] =	ssyncset.done $0x0  }
0xab: {  	s8 =	simm.s32 $0x14100;
	[sflag:s22] =	ssyncadd.s32 $0xFFFFC180  }
0xac: {  	[tilespmem:s21], [sflag:$0x1] =	stream.indirect.gather [hbm4b:s4+s25], $0x80, s8, s25, $0xb8;
	[tilespmem:$0x1E800] =	vst v63  }
0xad: {  	_ =	swait.ge [sflag:s29], $0x3E80  }
0xae: {  	[sflag:s29] =	ssyncset.done $0x0  }
0xaf: {  	s9 =	simm.s32 $0x15480;
	[sflag:s29] =	ssyncadd.s32 $0xFFFFC180  }
0xb0: {  	[spmem:s1] =	stream.indirect.scatter.add.f32 [tilespmem:s26], [sflag:$0x3], $0x80, s9, s25, $0xb8;
	[tilespmem:$0x1E800] =	vst v63  }
0xb1: {  	_ =	swait.ge [sflag:s22], $0x3E80  }
0xb2: {  	s2 =	simm.s32 $0x100;
	s6 =	simm.s32 $0x800;
	[sflag:s22] =	ssyncset.done $0x0  }
.LBB2_6:
0xb3: {  	s7 =	sadd.s32 $0x14080, s2  }
0xb4: {  	[sflag:s22] =	ssyncadd.s32 $0xFFFFC180;
	s8 =	smov.u32 s6;
	s9 =	sadd.s32 $0x400, s6  }
0xb5: {  	[tilespmem:s26], [sflag:$0x2] =	stream.indirect.gather [hbm4b:s4+s25], $0x80, s7, s25, $0xb8;
	[tilespmem:$0x1E800] =	vst v63  }
0xb6: {  	p0 =	sne.s32 s6, $0x4800;
	_ =	swait.ge [sflag:s28], $0x3E80  }
0xb7: {  	[sflag:s28] =	ssyncset.done $0x0  }
0xb8: {  	s6 =	sadd.s32 $0x15400, s2;
	[sflag:s28] =	ssyncadd.s32 $0xFFFFC180  }
0xb9: {  	[spmem:s1] =	stream.indirect.scatter.add.f32 [tilespmem:s21], [sflag:$0x3], $0x80, s6, s25, $0xb8;
	[tilespmem:$0x1E800] =	vst v63  }
0xba: {  	_ =	swait.ge [sflag:s22], $0x3E80  }
0xbb: {  	[sflag:s22] =	ssyncset.done $0x0  }
0xbc: {  	s6 =	sadd.s32 $0x14100, s2;
	[sflag:s22] =	ssyncadd.s32 $0xFFFFC180  }
0xbd: {  	[tilespmem:s21], [sflag:$0x1] =	stream.indirect.gather [hbm4b:s4+s25], $0x80, s6, s25, $0xb8;
	[tilespmem:$0x1E800] =	vst v63  }
0xbe: {  	_ =	swait.ge [sflag:s29], $0x3E80  }
.Ltmp2:
0xbf: {  	[sflag:s29] =	ssyncset.done $0x0;
	(pc) =	sbr.rel @p0 .LBB2_6-.Ltmp2, $4  }
0xc0: {  	s2 =	sadd.s32 $0x15480, s2;
	[sflag:s29] =	ssyncadd.s32 $0xFFFFC180  }
0xc1: {  	[spmem:s1] =	stream.indirect.scatter.add.f32 [tilespmem:s26], [sflag:$0x3], $0x80, s2, s25, $0xb8;
	[tilespmem:$0x1E800] =	vst v63  }
0xc2: {  	_ =	swait.ge [sflag:s22], $0x3E80  }
0xc3: {  	s6 =	smov.u32 s9;
	s2 =	sshra.s32 s8, $0x2;
	[sflag:s22] =	ssyncset.done $0x0  }
0xc4: {  	s6 =	sadd.s32 $0x14080, s2;
	[sflag:s22] =	ssyncadd.s32 $0xFFFFC180  }
0xc5: {  	[tilespmem:s26], [sflag:$0x2] =	stream.indirect.gather [hbm4b:s4+s25], $0x80, s6, s25, $0xb8;
	[tilespmem:$0x1E800] =	vst v63  }
0xc6: {  	_ =	swait.ge [sflag:s28], $0x3E80  }
0xc7: {  	[sflag:s28] =	ssyncset.done $0x0  }
0xc8: {  	s8 =	sadd.s32 $0x15400, s2;
	[sflag:s28] =	ssyncadd.s32 $0xFFFFC180  }
0xc9: {  	[spmem:s1] =	stream.indirect.scatter.add.f32 [tilespmem:s21], [sflag:$0x3], $0x80, s8, s25, $0xb8;
	[tilespmem:$0x1E800] =	vst v63  }
0xca: {  	_ =	swait.ge [sflag:s22], $0x3E80  }
0xcb: {  	[sflag:s22] =	ssyncset.done $0x0  }
0xcc: {  	s9 =	sadd.s32 $0x14100, s2;
	[sflag:s22] =	ssyncadd.s32 $0xFFFFC180  }
0xcd: {  	[tilespmem:s21], [sflag:$0x1] =	stream.indirect.gather [hbm4b:s4+s25], $0x80, s9, s25, $0xb8;
	[tilespmem:$0x1E800] =	vst v63  }
0xce: {  	_ =	swait.ge [sflag:s29], $0x3E80  }
0xcf: {  	[sflag:s29] =	ssyncset.done $0x0  }
0xd0: {  	s7 =	sadd.s32 $0x15480, s2;
	[sflag:s29] =	ssyncadd.s32 $0xFFFFC180  }
0xd1: {  	[spmem:s1] =	stream.indirect.scatter.add.f32 [tilespmem:s26], [sflag:$0x3], $0x80, s7, s25, $0xb8;
	[tilespmem:$0x1E800] =	vst v63  }
0xd2: {  	_ =	swait.ge [sflag:s22], $0x3E80  }
0xd3: {  	[sflag:s22] =	ssyncset.done $0x0  }
0xd4: {  	[sflag:s22] =	ssyncadd.s32 $0xFFFFC180  }
0xd5: {  	[tilespmem:s26], [sflag:$0x2] =	stream.indirect.gather [hbm4b:s4+s25], $0x80, s30, s25, $0xb8;
	[tilespmem:$0x1E800] =	vst v63  }
0xd6: {  	_ =	swait.ge [sflag:s28], $0x3E80  }
0xd7: {  	[sflag:s28] =	ssyncset.done $0x0  }
0xd8: {  	[sflag:s28] =	ssyncadd.s32 $0xFFFFC180  }
0xd9: {  	[spmem:s1] =	stream.indirect.scatter.add.f32 [tilespmem:s21], [sflag:$0x3], $0x80, s31, s25, $0xb8;
	[tilespmem:$0x1E800] =	vst v63  }
0xda: {  	_ =	swait.ge [sflag:s22], $0x3E80  }
0xdb: {  	[sflag:s22] =	ssyncset.done $0x0  }
0xdc: {  	[sflag:s22] =	ssyncadd.s32 $0xFFFFC180  }
0xdd: {  	_ =	swait.ge [sflag:s29], $0x3E80  }
0xde: {  	[sflag:s29] =	ssyncset.done $0x0  }
0xdf: {  	[sflag:s29] =	ssyncadd.s32 $0xFFFFC180  }
0xe0: {  	[spmem:s1] =	stream.indirect.scatter.add.f32 [tilespmem:s26], [sflag:$0x3], $0x80, s0, s25, $0xb8;
	[tilespmem:$0x1E800] =	vst v63  }
0xe1: {  	s8 =	stileid.u32;
	_ =	swait.ge [sflag:s22], $0x3E80  }
0xe2: {  	s3 =	sadd.s32 $0x1, s3;
	s2 =	sshll.u32 s8, $0x6;
	[sflag:s22] =	ssyncset.done $0x0  }
0xe3: {  	p0 =	sne.s32 s3, s11;
	s2 =	sor.u32 $0x1C03, s2;
	[sflag:s22] =	ssyncadd.s32 $0xFFFFC180  }
.Ltmp3:
0xe4: {  	s9 =	sshrl.u32 s5, $0x3;
	[bflag:$0x0] =	sbarrier.arrive $0xFFFF;
	(pc) =	sbr.rel @p0 .LBB2_1-.Ltmp3, $4  }
0xe5: {  	[hbm:s10], [sflag:s2] =	dma.local [spmem:s9], $0x2800  }
0xe6: {  	_ =	swait.ge [sflag:s22], $0x2800  }
0xe7: {  	[sflag:s22] =	ssyncset.done $0x0  }
0xe8: {  	[sflag:s22] =	ssyncadd.s32 $0xFFFFD800  }
0xe9: {  	_ =	sfence.sel $0x180000  }
0xea: {  	[bflag:$0x0] =	sbarrier.arrive $0xFFFF  }
0xeb: {  	_ =	strace $0x9000004D  }
0xec: {  	s0 =	stileid.u32;
	[bflag:$0x2] =	sbarrier.arrive $0xFFFF  }
0xed: {  	p0 =	sne.s32 s0, $0x0;
	s0 =	rddreg [dreg:$0x2]  }
0xee: {  	s0 =	sadd.s32 @!p0 $0x100000, s0  }
0xef: {  	[sflag:s0] =	ssyncadd.tile.s32 @!p0 $0x1;
	_ =	shalt  }
.Lfunc_end2:
_tile_overlayer_lowered:
.L_overlay_start_2:
0xf0: {  	(tag) =	ssettag $0x2  }
0xf1: {  	s0 =	rddreg [dreg:$0x0];
	s2 =	stileid.u32  }
0xf2: {  	s1 =	rddreg [dreg:$0x1];
	p0 =	sne.s32 s2, $0x0  }
0xf3: {  	s3 =	rddreg [dreg:$0x2];
	[bflag:$0x3] =	sbarrier.arrive $0xFFFF;
	s2 =	simm.s32 @!p0 $0x1C03  }
0xf4: {  	[timem:s3], [sflag:s2] =	dma.local @!p0 [hbm:s0], s1  }
0xf5: {  	s0 =	simm.s32 @!p0 $0x3  }
0xf6: {  	_ =	swait.ge @!p0 [sflag:s0], s1  }
0xf7: {  	s1 =	ssub.s32 @!p0 $0x0, s1;
	[sflag:s0] =	ssyncset.done @!p0 $0x0  }
0xf8: {  	[sflag:s0] =	ssyncadd.s32 @!p0 s1  }
0xf9: {  	[bflag:$0x3] =	sbarrier.arrive $0xFFFF  }
0xfa: {  	_ =	shalt  }

// kernel: kernel.19.cloned.1.call-start
scs
__scs_entry_jumppad:
0x0: {  	(pc) =	sbr.rel $0x88, $3  }
0x1: {  	(tag) =	ssettag $0x0;
	lr =	simm.s32 $0x1  }
0x2: {  	[smem:$0x3F92] =	sst lr;
	_ =	strace $0xD0000000  }
0x3: {  	_ = 	snop  }
0x4: {  	_ = 	snop  }
0x5: {  	_ = 	snop  }
0x6: {  	_ = 	snop  }
0x7: {  	_ = 	snop  }
__scs_overlays_trampoline_lowered:
0x8: {  	[smem:$0x3FA1] =	sst s0  }
0x9: {  	[smem:$0x3FA2] =	sst s1  }
0xa: {  	[smem:$0x3FA3] =	sst s2  }
0xb: {  	[smem:$0x3FA4] =	sst s3  }
0xc: {  	[smem:$0x3FA5] =	sst s4  }
0xd: {  	[smem:$0x3FA6] =	sst s5  }
0xe: {  	[smem:$0x3FA7] =	sst s6  }
0xf: {  	[smem:$0x3FA8] =	sst s7  }
0x10: {  	[smem:$0x3FA9] =	sst s8  }
0x11: {  	[smem:$0x3FAA] =	sst s9;
	s0 =	simm.s32 @!p0 $0x0  }
0x12: {  	s1 =	sld [smem:$0x3F90];
	s0 =	simm.s32 @p0 $0x1  }
0x13: {  	[smem:$0x3FAB] =	sst s0;
	s0 =	simm.s32 @!p1 $0x0  }
0x14: {  	s2 =	sld [smem:$0x3F8F];
	s0 =	simm.s32 @p1 $0x1  }
0x15: {  	[smem:$0x3FAC] =	sst s0;
	s0 =	simm.s32 @!p2 $0x0  }
0x16: {  	s3 =	sld [smem:$0x3FDB];
	s0 =	simm.s32 @p2 $0x1  }
0x17: {  	s4 =	simm.s32 $0x1BF5;
	[smem:$0x3FAE] =	sst s0  }
0x18: {  	s0 =	sld [smem:$0x3F91];
	_ =	swait.ge [sflag:s4], $0x0  }
0x19: {  	s7 =	sld [smem:$0x3F92]  }
0x1a: {  	s8 =	sadd.s32 $0xFFFFE003, lr  }
0x1b: {  	s9 =	sadd.s32 $0xFFFFFEF7, lr;
	s5 =	simm.s32 $0xFFFFFFFF;
	p2 =	slt.u32 s8, $0xFFFFF086  }
0x1c: {  	p1 =	slt.u32 s9, $0xF7A;
	s5 =	simm.s32 @!p2 $0x0  }
0x1d: {  	s5 =	simm.s32 @p1 $0x1;
	p0 =	seq.s32 s7, s2  }
0x1e: {  	s7 =	smul.u32 @!p0 $0xF7A, s2;
	p2 =	seq.s32 @!p0 s5, $0x0  }
0x1f: {  	s9 =	smul.u32 $0xF7A, s1;
	s8 =	simm.s32 @!p0 $0x1BF5;
	p2 =	por !p2, p0  }
0x20: {  	[sflag:s8] =	ssyncset.s32 @!p0 $0xFFFFF086;
	s6 =	sadd.s32 @!p0 s3, s7;
	s7 =	simm.s32 @!p0 $0x108  }
0x21: {  	s3 =	sadd.s32 s3, s9;
	s6 =	sadd.s32 @!p0 $0x88, s6;
	s7 =	simm.s32 @p2 $0x1082  }
0x22: {  	[simem:s7], [sflag:s8] =	dma.local @!p0 [hbm:s6], $0xF7A  }
0x23: {  	s9 =	sor.u32 $0xD0000000, s2;
	s6 =	simm.s32 $0x108;
	_ =	swait.ge @!p0 [sflag:s8], $0x0  }
0x24: {  	s3 =	sadd.s32 $0x88, s3;
	s6 =	simm.s32 @!p1 $0x1082;
	[sflag:s4] =	ssyncset.s32 $0xFFFFF086  }
0x25: {  	[simem:s6], [sflag:s4] =	dma.local [hbm:s3], $0xF7A  }
0x26: {  	[smem:$0x3F92] =	sst s1;
	(tag) =	ssettag s2;
	_ =	strace s9  }
0x27: {  	s1 =	sld [smem:$0x3FA2]  }
0x28: {  	s2 =	sld [smem:$0x3FA3]  }
0x29: {  	s4 =	sld [smem:$0x3FA5]  }
0x2a: {  	p0 =	seq.s32 s5, $0x0;
	s5 =	sld [smem:$0x3FA6]  }
0x2b: {  	s6 =	sld [smem:$0x3FA7]  }
0x2c: {  	s7 =	sld [smem:$0x3FA8]  }
0x2d: {  	s3 =	simm.s32 $0x108;
	s8 =	sld [smem:$0x3FA9]  }
0x2e: {  	s3 =	simm.s32 @!p0 $0x1082;
	s9 =	sld [smem:$0x3FAA]  }
0x2f: {  	lr =	sadd.s32 s0, s3;
	s0 =	sld [smem:$0x3FA1]  }
0x30: {  	s3 =	sld [smem:$0x3FA4]  }
0x31: {  	[smem:$0x3FAD] =	sst s10  }
0x32: {  	s10 =	sld [smem:$0x3FAB];
	_ =	sdelay $0x3  }
0x33: {  	p0 =	seq.s32 s10, $0x1;
	s10 =	sld [smem:$0x3FAD];
	_ =	sdelay $0x3  }
0x34: {  	[smem:$0x3FAD] =	sst s10  }
0x35: {  	s10 =	sld [smem:$0x3FAC];
	_ =	sdelay $0x3  }
0x36: {  	p1 =	seq.s32 s10, $0x1;
	s10 =	sld [smem:$0x3FAD];
	_ =	sdelay $0x3  }
0x37: {  	[smem:$0x3FAD] =	sst s10  }
0x38: {  	s10 =	sld [smem:$0x3FAE]  }
0x39: {  	_ = 	snop;
	(pc) =	sbr.ind lr, $3  }
0x3a: {  	_ = 	snop  }
0x3b: {  	_ = 	snop  }
0x3c: {  	p2 =	seq.s32 s10, $0x1;
	s10 =	sld [smem:$0x3FAD]  }
0x3d: {  	_ =	shalt  }
0x3e: {  	_ =	shalt  }
0x3f: {  	_ =	shalt  }
0x40: {  	_ =	shalt  }
0x41: {  	_ =	shalt  }
0x42: {  	_ =	shalt  }
0x43: {  	_ =	shalt  }
0x44: {  	_ =	shalt  }
0x45: {  	_ =	shalt  }
0x46: {  	_ =	shalt  }
0x47: {  	_ =	shalt  }
0x48: {  	_ =	shalt  }
0x49: {  	_ =	shalt  }
0x4a: {  	_ =	shalt  }
0x4b: {  	_ =	shalt  }
0x4c: {  	_ =	shalt  }
0x4d: {  	_ =	shalt  }
0x4e: {  	_ =	shalt  }
0x4f: {  	_ =	shalt  }
0x50: {  	_ =	shalt  }
0x51: {  	_ =	shalt  }
0x52: {  	_ =	shalt  }
0x53: {  	_ =	shalt  }
0x54: {  	_ =	shalt  }
0x55: {  	_ =	shalt  }
0x56: {  	_ =	shalt  }
0x57: {  	_ =	shalt  }
0x58: {  	_ =	shalt  }
0x59: {  	_ =	shalt  }
0x5a: {  	_ =	shalt  }
0x5b: {  	_ =	shalt  }
0x5c: {  	_ =	shalt  }
0x5d: {  	_ =	shalt  }
0x5e: {  	_ =	shalt  }
0x5f: {  	_ =	shalt  }
0x60: {  	_ =	shalt  }
0x61: {  	_ =	shalt  }
0x62: {  	_ =	shalt  }
0x63: {  	_ =	shalt  }
0x64: {  	_ =	shalt  }
0x65: {  	_ =	shalt  }
0x66: {  	_ =	shalt  }
0x67: {  	_ =	shalt  }
0x68: {  	_ =	shalt  }
0x69: {  	_ =	shalt  }
0x6a: {  	_ =	shalt  }
0x6b: {  	_ =	shalt  }
0x6c: {  	_ =	shalt  }
0x6d: {  	_ =	shalt  }
0x6e: {  	_ =	shalt  }
0x6f: {  	_ =	shalt  }
0x70: {  	_ =	shalt  }
0x71: {  	_ =	shalt  }
0x72: {  	_ =	shalt  }
0x73: {  	_ =	shalt  }
0x74: {  	_ =	shalt  }
0x75: {  	_ =	shalt  }
0x76: {  	_ =	shalt  }
0x77: {  	_ =	shalt  }
0x78: {  	_ =	shalt  }
0x79: {  	_ =	shalt  }
0x7a: {  	_ =	shalt  }
0x7b: {  	_ =	shalt  }
0x7c: {  	_ =	shalt  }
0x7d: {  	_ =	shalt  }
0x7e: {  	_ =	shalt  }
0x7f: {  	_ =	shalt  }
0x80: {  	_ =	shalt  }
0x81: {  	_ =	shalt  }
0x82: {  	_ =	shalt  }
0x83: {  	_ =	shalt  }
0x84: {  	_ =	shalt  }
0x85: {  	_ =	shalt  }
0x86: {  	_ =	shalt  }
0x87: {  	_ =	shalt  }
.Lfunc_end0:
.L_simem_size_0:
called_computation.3_lowered:
.L_overlay_start_0:
0x88: {  	s2 =	sld [smem:$0x3FD9]  }
0x89: {  	s3 =	sld [smem:$0x3FFE];
	_ =	sdelay $0x1  }
0x8a: {  	s1 =	srdreg.scid  }
0x8b: {  	s0 =	sand.u32 $0x1, s1  }
0x8c: {  	s16 =	sshll.u32 s0, $0xA;
	s2 =	sadd.s32 s3, s2  }
0x8d: {  	s2 =	sadd.s32 s2, s16  }
0x8e: {  	[smem:$0x3FB9] =	sst s2  }
0x8f: {  	_ = 	snop  }
0x90: {  	(tm) =	ssettm $0x1  }
0x91: {  	s17 =	sld [smem:$0x3FFB];
	_ =	sdelay $0x3  }
0x92: {  	_ =	strace s17  }
0x93: {  	s2 =	sld [smem:$0x3FFC];
	_ =	sdelay $0x3  }
0x94: {  	_ =	strace s2  }
0x95: {  	s2 =	sld [smem:$0x3FFD];
	_ =	sdelay $0x3  }
0x96: {  	_ =	strace s2  }
0x97: {  	_ =	strace $0x8FFFFFFF  }
0x98: {  	s18 =	sld [smem:$0x3FDB];
	_ =	sdelay $0x1  }
0x99: {  	s19 =	simm.s32 $_scs_section_size  }
0x9a: {  	s4 =	simm.s32 $_size__tile_overlayer_lowered;
	s5 =	simm.s32 $_tile_overlayer_lowered  }
0x9b: {  	s22 =	simm.s32 $0x1BFF;
	s21 =	sshll.u32 s5, $0x1;
	s2 =	sadd.s32 s19, s18  }
0x9c: {  	s6 =	simm.s32 $0x0;
	s20 =	sshll.u32 s4, $0x1;
	s4 =	sadd.s32 s21, s2  }
0x9d: {  	[timem:s6], [sflag:s22] =	dma.local [hbm:s4], s20  }
0x9e: {  	_ =	swait.ge [sflag:s22], s20  }
0x9f: {  	s3 =	ssub.s32 $0x0, s20;
	[sflag:s22] =	ssyncset.done $0x0  }
0xa0: {  	[sflag:s22] =	ssyncadd.s32 s3;
	_ =	sdelay $0x1  }
0xa1: {  	s23 =	simm.s32 $0x1B8B  }
0xa2: {  	_ =	swait.ge [sflag:s23], $0x1  }
0xa3: {  	[sflag:s23] =	ssyncset.done $0x0  }
0xa4: {  	s25 =	simm.s32 $0x1B8E;
	s24 =	sld [smem:$0x3FFE];
	[sflag:s23] =	ssyncadd.s32 $0xFFFFFFFF  }
0xa5: {  	s26 =	simm.s32 $execute0_lowered;
	[smem:$0x3FD2] =	sst s25  }
0xa6: {  	s4 =	sshll.u32 s26, $0x1;
	_ =	strace $0x8000004F;
	[dreg:$0x1] =	wrdreg $0xFFFFFFFF  }
0xa7: {  	s28 =	simm.s32 $_size_execute0_lowered;
	s2 =	sadd.s32 s2, s4;
	[dreg:$0x0] =	wrdreg $0x0  }
0xa8: {  	s4 =	sshll.u32 s28, $0x1;
	[dreg:$0x2] =	wrdreg s2  }
0xa9: {  	[dreg:$0x3] =	wrdreg s4  }
0xaa: {  	[dreg:$0x4] =	wrdreg $0xC0  }
0xab: {  	_ =	task [dreg:s6], $0x5FFFF  }
0xac: {  	[dreg:$0x1] =	wrdreg $0xFFFFFFFF  }
0xad: {  	[dreg:$0x0] =	wrdreg $0x60  }
0xae: {  	[dreg:$0x2] =	wrdreg s24  }
0xaf: {  	[dreg:$0x3] =	wrdreg $0x0  }
0xb0: {  	[dreg:$0x4] =	wrdreg $0x9  }
0xb1: {  	_ =	task.clear_ibuf [dreg:s6], $0x5FFFF;
	_ =	strace $0x9000004F  }
0xb2: {  	s29 =	simm.s32 $0x9;
	_ =	strace $0x80000051  }
0xb3: {  	_ =	swait.ge [sflag:s29], $0x1  }
0xb4: {  	[sflag:s29] =	ssyncadd.s32 $0xFFFFFFFF  }
0xb5: {  	_ =	strace $0x90000051  }
0xb6: {  	_ =	sfence  }
0xb7: {  	s30 =	sld [smem:$0x0];
	_ =	sdelay $0x2  }
0xb8: {  	s31 =	sshll.u32 s1, $0xD;
	s1 =	sshrl.u32 s1, $0x2  }
0xb9: {  	s3 =	sand.u32 $0x4000, s31;
	s1 =	sadd.s32 s1, s30  }
0xba: {  	s0 =	sor.u32 s3, s0;
	s1 =	sshll.u32 s1, $0x11  }
0xbb: {  	s0 =	sor.u32 s1, s0  }
0xbc: {  	s0 =	sadd.s32 $0x8F2B, s0  }
0xbd: {  	[sflag:s0] =	ssyncadd.remote.s32 $0x1  }
0xbe: {  	_ =	sfence.sel $0xFFFF  }
0xbf: {  	[dreg:$0x0] =	wrdreg $0xFFFFFFFF;
	(pc) =	sbr.abs _section_cstart, $3  }
0xc0: {  	[dreg:$0x1] =	wrdreg $0xFFFFFFFF  }
0xc1: {  	_ =	task.clear_ibuf [dreg:s6], $0x2FFFF;
	_ =	strace $0x9FFFFFFF  }
0xc2: {  	(tm) =	ssettm $0x7FFFFFFF  }
0xc3: {  	_ =	shalt  }
tec
execute0_lowered:
.L_overlay_start_1:
0x0: {  	(tag) =	ssettag $0x1  }
0x1: {  	s0 =	rddreg [dreg:$0x0]  }
0x2: {  	s1 =	rddreg [dreg:$0x1];
	s3 =	simm.s32 $0x0  }
0x3: {  	s2 =	srdreg.scid;
	s10 =	stileid.u32;
	s28 =	simm.s32 $0x1  }
0x4: {  	s29 =	simm.s32 $0x2;
	s30 =	simm.s32 $0x15380;
	s31 =	simm.s32 $0x16700  }
0x5: {  	[smem:$0x7FF] =	sst s3;
	s2 =	sand.u32 $0x1, s2;
	s6 =	smul.u32 $0x14000, s10  }
0x6: {  	s4 =	sadd.s32 $0x2C400, s0;
	s8 =	sadd.s32 $0x22400, s0;
	s22 =	smul.u32 $0x50000, s10  }
0x7: {  	s9 =	sadd.s32 $0x18400, s0;
	s7 =	sshll.u32 s10, $0x1;
	s5 =	smul.u32 $0x140000, s2  }
0x8: {  	_ =	strace $0x80000050;
	s21 =	sor.u32 s2, s7;
	s2 =	ssub.s32 $0x2, s2  }
0x9: {  	s23 =	sshrl.u32 s2, $0x1;
	s7 =	sshrl.u32 s22, $0x2;
	s22 =	simm.s32 $0x3  }
0xa: {  	s5 =	sadd.s32 s6, s5;
	s6 =	smul.u32 $0x2800, s21;
	s2 =	ssub.s32 s2, s23  }
0xb: {  	s21 =	simm.s32 $0x16800;
	s23 =	simm.s32 $0x14000;
	s5 =	sshrl.u32 s5, $0x3  }
0xc: {  	s11 =	smax.u32 s2, $0x1;
	s0 =	sadd.s32 s5, s0;
	s6 =	sshrl.u32 s6, $0x3  }
0xd: {  	s5 =	sadd.s32 s7, s1;
	s24 =	sadd.s32 s8, s6;
	s25 =	sadd.s32 s9, s6  }
0xe: {  	s6 =	sadd.s32 $0x280, s6;
	s10 =	sadd.s32 $0x53600, s0;
	s12 =	sadd.s32 $0x2000, s5  }
0xf: {  	s13 =	sadd.s32 $0x4000, s5;
	s14 =	sadd.s32 $0x6000, s5;
	s15 =	sadd.s32 $0x8000, s5  }
0x10: {  	s16 =	sadd.s32 $0xA000, s5;
	s17 =	sadd.s32 $0xC000, s5;
	s18 =	sadd.s32 $0xE000, s5  }
0x11: {  	s19 =	sadd.s32 $0x10000, s5;
	s20 =	sadd.s32 $0x12000, s5;
	[dreg:$0x3] =	wrdreg s24  }
0x12: {  	s0 =	simm.s32 $0x16780;
	[dreg:$0x4] =	wrdreg s25;
	s26 =	sadd.s32 s8, s6  }
0x13: {  	s6 =	sadd.s32 s9, s6;
	s24 =	simm.s32 $0x15400;
	[dreg:$0x5] =	wrdreg s26  }
0x14: {  	v0 =	vimm.f32 $0.0e+00;
	s25 =	simm.s32 $0x7D;
	[dreg:$0x6] =	wrdreg s6;
	s26 =	simm.s32 $0x1A800  }
.LBB2_1:
0x15: {  	s2 =	simm.s32 $0x16840  }
0x16: {  	[tilespmem:s2+$0xFFFFFFC0] =	vst v0  }
0x17: {  	[tilespmem:s2+$0x30] =	vst v0  }
0x18: {  	[tilespmem:s2+$0x20] =	vst v0  }
0x19: {  	[tilespmem:s2+$0x10] =	vst v0  }
0x1a: {  	[tilespmem:s2+$0x0] =	vst v0  }
0x1b: {  	[tilespmem:s2+$0xFFFFFFF0] =	vst v0  }
0x1c: {  	s6 =	simm.s32 $0x0;
	[tilespmem:s2+$0xFFFFFFE0] =	vst v0  }
.LBB2_2:
0x1d: {  	s6 =	sadd.s32 $0x8, s6;
	[tilespmem:s2+$0xFFFFFFD0] =	vst v0;
	s2 =	sadd.s32 $0x80, s2  }
0x1e: {  	[tilespmem:s2+$0xFFFFFFC0] =	vst v0;
	p0 =	slt.u32 s6, $0x1F8  }
0x1f: {  	[tilespmem:s2+$0x30] =	vst v0  }
.Ltmp0:
0x20: {  	[tilespmem:s2+$0x20] =	vst v0;
	(pc) =	sbr.rel @p0 .LBB2_2-.Ltmp0, $4  }
0x21: {  	[tilespmem:s2+$0x10] =	vst v0  }
0x22: {  	[tilespmem:s2+$0x0] =	vst v0  }
0x23: {  	[tilespmem:s2+$0xFFFFFFF0] =	vst v0  }
0x24: {  	[tilespmem:s2+$0xFFFFFFE0] =	vst v0  }
0x25: {  	[tilespmem:s2+$0xFFFFFFD0] =	vst v0  }
0x26: {  	[spmem:s5] =	stream.linear.scatter [tilespmem:s21], [sflag:$0x3], $0x2000, $0x38;
	[tilespmem:$0x1E800] =	vst v63  }
0x27: {  	_ =	swait.ge [sflag:s22], $0x2000  }
0x28: {  	[sflag:s22] =	ssyncset.done $0x0  }
0x29: {  	[sflag:s22] =	ssyncadd.s32 $0xFFFFE000  }
0x2a: {  	[spmem:s12] =	stream.linear.scatter [tilespmem:s21], [sflag:$0x3], $0x2000, $0x38;
	[tilespmem:$0x1E800] =	vst v63  }
0x2b: {  	_ =	swait.ge [sflag:s22], $0x2000  }
0x2c: {  	[sflag:s22] =	ssyncset.done $0x0  }
0x2d: {  	[sflag:s22] =	ssyncadd.s32 $0xFFFFE000  }
0x2e: {  	[spmem:s13] =	stream.linear.scatter [tilespmem:s21], [sflag:$0x3], $0x2000, $0x38;
	[tilespmem:$0x1E800] =	vst v63  }
0x2f: {  	_ =	swait.ge [sflag:s22], $0x2000  }
0x30: {  	[sflag:s22] =	ssyncset.done $0x0  }
0x31: {  	[sflag:s22] =	ssyncadd.s32 $0xFFFFE000  }
0x32: {  	[spmem:s14] =	stream.linear.scatter [tilespmem:s21], [sflag:$0x3], $0x2000, $0x38;
	[tilespmem:$0x1E800] =	vst v63  }
0x33: {  	_ =	swait.ge [sflag:s22], $0x2000  }
0x34: {  	[sflag:s22] =	ssyncset.done $0x0  }
0x35: {  	[sflag:s22] =	ssyncadd.s32 $0xFFFFE000  }
0x36: {  	[spmem:s15] =	stream.linear.scatter [tilespmem:s21], [sflag:$0x3], $0x2000, $0x38;
	[tilespmem:$0x1E800] =	vst v63  }
0x37: {  	_ =	swait.ge [sflag:s22], $0x2000  }
0x38: {  	[sflag:s22] =	ssyncset.done $0x0  }
0x39: {  	[sflag:s22] =	ssyncadd.s32 $0xFFFFE000  }
0x3a: {  	[spmem:s16] =	stream.linear.scatter [tilespmem:s21], [sflag:$0x3], $0x2000, $0x38;
	[tilespmem:$0x1E800] =	vst v63  }
0x3b: {  	_ =	swait.ge [sflag:s22], $0x2000  }
0x3c: {  	[sflag:s22] =	ssyncset.done $0x0  }
0x3d: {  	[sflag:s22] =	ssyncadd.s32 $0xFFFFE000  }
0x3e: {  	[spmem:s17] =	stream.linear.scatter [tilespmem:s21], [sflag:$0x3], $0x2000, $0x38;
	[tilespmem:$0x1E800] =	vst v63  }
0x3f: {  	_ =	swait.ge [sflag:s22], $0x2000  }
0x40: {  	[sflag:s22] =	ssyncset.done $0x0  }
0x41: {  	[sflag:s22] =	ssyncadd.s32 $0xFFFFE000  }
0x42: {  	[spmem:s18] =	stream.linear.scatter [tilespmem:s21], [sflag:$0x3], $0x2000, $0x38;
	[tilespmem:$0x1E800] =	vst v63  }
0x43: {  	_ =	swait.ge [sflag:s22], $0x2000  }
0x44: {  	[sflag:s22] =	ssyncset.done $0x0  }
0x45: {  	[sflag:s22] =	ssyncadd.s32 $0xFFFFE000  }
0x46: {  	[spmem:s19] =	stream.linear.scatter [tilespmem:s21], [sflag:$0x3], $0x2000, $0x38;
	[tilespmem:$0x1E800] =	vst v63  }
0x47: {  	_ =	swait.ge [sflag:s22], $0x2000  }
0x48: {  	[sflag:s22] =	ssyncset.done $0x0  }
0x49: {  	[sflag:s22] =	ssyncadd.s32 $0xFFFFE000  }
0x4a: {  	[spmem:s20] =	stream.linear.scatter [tilespmem:s21], [sflag:$0x3], $0x2000, $0x38;
	[tilespmem:$0x1E800] =	vst v63  }
0x4b: {  	_ =	swait.ge [sflag:s22], $0x2000  }
0x4c: {  	[sflag:s22] =	ssyncset.done $0x0  }
0x4d: {  	[sflag:s22] =	ssyncadd.s32 $0xFFFFE000  }
0x4e: {  	[bflag:$0x0] =	sbarrier.arrive $0xFFFF  }
0x4f: {  	s8 =	simm.s32 $0x0;
	s6 =	rddreg [dreg:$0x3]  }
0x50: {  	[tilespmem:s23], [sflag:$0x3] =	stream.linear.gather [hbm4b:s6+s8], $0x1400, $0x38;
	[tilespmem:$0x1E800] =	vst v63  }
0x51: {  	_ =	swait.ge [sflag:s22], $0x1400  }
0x52: {  	[sflag:s22] =	ssyncset.done $0x0  }
0x53: {  	s9 =	rddreg [dreg:$0x4];
	[sflag:s22] =	ssyncadd.s32 $0xFFFFEC00  }
0x54: {  	[tilespmem:s24], [sflag:$0x3] =	stream.linear.gather [hbm4b:s9+s8], $0x1400, $0x38;
	[tilespmem:$0x1E800] =	vst v63  }
0x55: {  	_ =	swait.ge [sflag:s22], $0x1400  }
0x56: {  	[sflag:s22] =	ssyncset.done $0x0  }
0x57: {  	[sflag:s22] =	ssyncadd.s32 $0xFFFFEC00  }
0x58: {  	[tilespmem:s21], [sflag:$0x1] =	stream.indirect.gather [hbm4b:s4+s25], $0x80, s23, s25, $0xb8;
	[tilespmem:$0x1E800] =	vst v63  }
0x59: {  	s6 =	simm.s32 $0x14080  }
0x5a: {  	[tilespmem:s26], [sflag:$0x2] =	stream.indirect.gather [hbm4b:s4+s25], $0x80, s6, s25, $0xb8;
	[tilespmem:$0x1E800] =	vst v63  }
0x5b: {  	_ =	swait.ge [sflag:s28], $0x3E80  }
0x5c: {  	[sflag:s28] =	ssyncset.done $0x0  }
0x5d: {  	s7 =	simm.s32 $0x15400;
	[sflag:s28] =	ssyncadd.s32 $0xFFFFC180  }
0x5e: {  	[spmem:s1] =	stream.indirect.scatter.add.f32 [tilespmem:s21], [sflag:$0x3], $0x80, s7, s25, $0xb8;
	[tilespmem:$0x1E800] =	vst v63  }
0x5f: {  	_ =	swait.ge [sflag:s22], $0x3E80  }
0x60: {  	[sflag:s22] =	ssyncset.done $0x0  }
0x61: {  	s8 =	simm.s32 $0x14100;
	[sflag:s22] =	ssyncadd.s32 $0xFFFFC180  }
0x62: {  	[tilespmem:s21], [sflag:$0x1] =	stream.indirect.gather [hbm4b:s4+s25], $0x80, s8, s25, $0xb8;
	[tilespmem:$0x1E800] =	vst v63  }
0x63: {  	_ =	swait.ge [sflag:s29], $0x3E80  }
0x64: {  	[sflag:s29] =	ssyncset.done $0x0  }
0x65: {  	s9 =	simm.s32 $0x15480;
	[sflag:s29] =	ssyncadd.s32 $0xFFFFC180  }
0x66: {  	[spmem:s1] =	stream.indirect.scatter.add.f32 [tilespmem:s26], [sflag:$0x3], $0x80, s9, s25, $0xb8;
	[tilespmem:$0x1E800] =	vst v63  }
0x67: {  	_ =	swait.ge [sflag:s22], $0x3E80  }
0x68: {  	s2 =	simm.s32 $0x100;
	s6 =	simm.s32 $0x800;
	[sflag:s22] =	ssyncset.done $0x0  }
.LBB2_4:
0x69: {  	s7 =	sadd.s32 $0x14080, s2  }
0x6a: {  	[sflag:s22] =	ssyncadd.s32 $0xFFFFC180;
	s8 =	smov.u32 s6;
	s9 =	sadd.s32 $0x400, s6  }
0x6b: {  	[tilespmem:s26], [sflag:$0x2] =	stream.indirect.gather [hbm4b:s4+s25], $0x80, s7, s25, $0xb8;
	[tilespmem:$0x1E800] =	vst v63  }
0x6c: {  	p0 =	sne.s32 s6, $0x4800;
	_ =	swait.ge [sflag:s28], $0x3E80  }
0x6d: {  	[sflag:s28] =	ssyncset.done $0x0  }
0x6e: {  	s6 =	sadd.s32 $0x15400, s2;
	[sflag:s28] =	ssyncadd.s32 $0xFFFFC180  }
0x6f: {  	[spmem:s1] =	stream.indirect.scatter.add.f32 [tilespmem:s21], [sflag:$0x3], $0x80, s6, s25, $0xb8;
	[tilespmem:$0x1E800] =	vst v63  }
0x70: {  	_ =	swait.ge [sflag:s22], $0x3E80  }
0x71: {  	[sflag:s22] =	ssyncset.done $0x0  }
0x72: {  	s6 =	sadd.s32 $0x14100, s2;
	[sflag:s22] =	ssyncadd.s32 $0xFFFFC180  }
0x73: {  	[tilespmem:s21], [sflag:$0x1] =	stream.indirect.gather [hbm4b:s4+s25], $0x80, s6, s25, $0xb8;
	[tilespmem:$0x1E800] =	vst v63  }
0x74: {  	_ =	swait.ge [sflag:s29], $0x3E80  }
.Ltmp1:
0x75: {  	[sflag:s29] =	ssyncset.done $0x0;
	(pc) =	sbr.rel @p0 .LBB2_4-.Ltmp1, $4  }
0x76: {  	s2 =	sadd.s32 $0x15480, s2;
	[sflag:s29] =	ssyncadd.s32 $0xFFFFC180  }
0x77: {  	[spmem:s1] =	stream.indirect.scatter.add.f32 [tilespmem:s26], [sflag:$0x3], $0x80, s2, s25, $0xb8;
	[tilespmem:$0x1E800] =	vst v63  }
0x78: {  	_ =	swait.ge [sflag:s22], $0x3E80  }
0x79: {  	s6 =	smov.u32 s9;
	s2 =	sshra.s32 s8, $0x2;
	[sflag:s22] =	ssyncset.done $0x0  }
0x7a: {  	s6 =	sadd.s32 $0x14080, s2;
	[sflag:s22] =	ssyncadd.s32 $0xFFFFC180  }
0x7b: {  	[tilespmem:s26], [sflag:$0x2] =	stream.indirect.gather [hbm4b:s4+s25], $0x80, s6, s25, $0xb8;
	[tilespmem:$0x1E800] =	vst v63  }
0x7c: {  	_ =	swait.ge [sflag:s28], $0x3E80  }
0x7d: {  	[sflag:s28] =	ssyncset.done $0x0  }
0x7e: {  	s8 =	sadd.s32 $0x15400, s2;
	[sflag:s28] =	ssyncadd.s32 $0xFFFFC180  }
0x7f: {  	[spmem:s1] =	stream.indirect.scatter.add.f32 [tilespmem:s21], [sflag:$0x3], $0x80, s8, s25, $0xb8;
	[tilespmem:$0x1E800] =	vst v63  }
0x80: {  	_ =	swait.ge [sflag:s22], $0x3E80  }
0x81: {  	[sflag:s22] =	ssyncset.done $0x0  }
0x82: {  	s9 =	sadd.s32 $0x14100, s2;
	[sflag:s22] =	ssyncadd.s32 $0xFFFFC180  }
0x83: {  	[tilespmem:s21], [sflag:$0x1] =	stream.indirect.gather [hbm4b:s4+s25], $0x80, s9, s25, $0xb8;
	[tilespmem:$0x1E800] =	vst v63  }
0x84: {  	_ =	swait.ge [sflag:s29], $0x3E80  }
0x85: {  	[sflag:s29] =	ssyncset.done $0x0  }
0x86: {  	s6 =	sadd.s32 $0x15480, s2;
	[sflag:s29] =	ssyncadd.s32 $0xFFFFC180  }
0x87: {  	[spmem:s1] =	stream.indirect.scatter.add.f32 [tilespmem:s26], [sflag:$0x3], $0x80, s6, s25, $0xb8;
	[tilespmem:$0x1E800] =	vst v63  }
0x88: {  	_ =	swait.ge [sflag:s22], $0x3E80  }
0x89: {  	[sflag:s22] =	ssyncset.done $0x0  }
0x8a: {  	[sflag:s22] =	ssyncadd.s32 $0xFFFFC180  }
0x8b: {  	[tilespmem:s26], [sflag:$0x2] =	stream.indirect.gather [hbm4b:s4+s25], $0x80, s30, s25, $0xb8;
	[tilespmem:$0x1E800] =	vst v63  }
0x8c: {  	_ =	swait.ge [sflag:s28], $0x3E80  }
0x8d: {  	[sflag:s28] =	ssyncset.done $0x0  }
0x8e: {  	[sflag:s28] =	ssyncadd.s32 $0xFFFFC180  }
0x8f: {  	[spmem:s1] =	stream.indirect.scatter.add.f32 [tilespmem:s21], [sflag:$0x3], $0x80, s31, s25, $0xb8;
	[tilespmem:$0x1E800] =	vst v63  }
0x90: {  	_ =	swait.ge [sflag:s22], $0x3E80  }
0x91: {  	[sflag:s22] =	ssyncset.done $0x0  }
0x92: {  	[sflag:s22] =	ssyncadd.s32 $0xFFFFC180  }
0x93: {  	_ =	swait.ge [sflag:s29], $0x3E80  }
0x94: {  	[sflag:s29] =	ssyncset.done $0x0  }
0x95: {  	[sflag:s29] =	ssyncadd.s32 $0xFFFFC180  }
0x96: {  	[spmem:s1] =	stream.indirect.scatter.add.f32 [tilespmem:s26], [sflag:$0x3], $0x80, s0, s25, $0xb8;
	[tilespmem:$0x1E800] =	vst v63  }
0x97: {  	_ =	swait.ge [sflag:s22], $0x3E80  }
0x98: {  	[sflag:s22] =	ssyncset.done $0x0  }
0x99: {  	s7 =	simm.s32 $0x0;
	s8 =	rddreg [dreg:$0x5];
	[sflag:s22] =	ssyncadd.s32 $0xFFFFC180  }
0x9a: {  	[tilespmem:s23], [sflag:$0x3] =	stream.linear.gather [hbm4b:s8+s7], $0x1400, $0x38;
	[tilespmem:$0x1E800] =	vst v63  }
0x9b: {  	_ =	swait.ge [sflag:s22], $0x1400  }
0x9c: {  	[sflag:s22] =	ssyncset.done $0x0  }
0x9d: {  	s9 =	rddreg [dreg:$0x6];
	[sflag:s22] =	ssyncadd.s32 $0xFFFFEC00  }
0x9e: {  	[tilespmem:s24], [sflag:$0x3] =	stream.linear.gather [hbm4b:s9+s7], $0x1400, $0x38;
	[tilespmem:$0x1E800] =	vst v63  }
0x9f: {  	_ =	swait.ge [sflag:s22], $0x1400  }
0xa0: {  	[sflag:s22] =	ssyncset.done $0x0  }
0xa1: {  	[sflag:s22] =	ssyncadd.s32 $0xFFFFEC00  }
0xa2: {  	[tilespmem:s21], [sflag:$0x1] =	stream.indirect.gather [hbm4b:s4+s25], $0x80, s23, s25, $0xb8;
	[tilespmem:$0x1E800] =	vst v63  }
0xa3: {  	s6 =	simm.s32 $0x14080  }
0xa4: {  	[tilespmem:s26], [sflag:$0x2] =	stream.indirect.gather [hbm4b:s4+s25], $0x80, s6, s25, $0xb8;
	[tilespmem:$0x1E800] =	vst v63  }
0xa5: {  	_ =	swait.ge [sflag:s28], $0x3E80  }
0xa6: {  	[sflag:s28] =	ssyncset.done $0x0  }
0xa7: {  	s7 =	simm.s32 $0x15400;
	[sflag:s28] =	ssyncadd.s32 $0xFFFFC180  }
0xa8: {  	[spmem:s1] =	stream.indirect.scatter.add.f32 [tilespmem:s21], [sflag:$0x3], $0x80, s7, s25, $0xb8;
	[tilespmem:$0x1E800] =	vst v63  }
0xa9: {  	_ =	swait.ge [sflag:s22], $0x3E80  }
0xaa: {  	[sflag:s22] =	ssyncset.done $0x0  }
0xab: {  	s8 =	simm.s32 $0x14100;
	[sflag:s22] =	ssyncadd.s32 $0xFFFFC180  }
0xac: {  	[tilespmem:s21], [sflag:$0x1] =	stream.indirect.gather [hbm4b:s4+s25], $0x80, s8, s25, $0xb8;
	[tilespmem:$0x1E800] =	vst v63  }
0xad: {  	_ =	swait.ge [sflag:s29], $0x3E80  }
0xae: {  	[sflag:s29] =	ssyncset.done $0x0  }
0xaf: {  	s9 =	simm.s32 $0x15480;
	[sflag:s29] =	ssyncadd.s32 $0xFFFFC180  }
0xb0: {  	[spmem:s1] =	stream.indirect.scatter.add.f32 [tilespmem:s26], [sflag:$0x3], $0x80, s9, s25, $0xb8;
	[tilespmem:$0x1E800] =	vst v63  }
0xb1: {  	_ =	swait.ge [sflag:s22], $0x3E80  }
0xb2: {  	s2 =	simm.s32 $0x100;
	s6 =	simm.s32 $0x800;
	[sflag:s22] =	ssyncset.done $0x0  }
.LBB2_6:
0xb3: {  	s7 =	sadd.s32 $0x14080, s2  }
0xb4: {  	[sflag:s22] =	ssyncadd.s32 $0xFFFFC180;
	s8 =	smov.u32 s6;
	s9 =	sadd.s32 $0x400, s6  }
0xb5: {  	[tilespmem:s26], [sflag:$0x2] =	stream.indirect.gather [hbm4b:s4+s25], $0x80, s7, s25, $0xb8;
	[tilespmem:$0x1E800] =	vst v63  }
0xb6: {  	p0 =	sne.s32 s6, $0x4800;
	_ =	swait.ge [sflag:s28], $0x3E80  }
0xb7: {  	[sflag:s28] =	ssyncset.done $0x0  }
0xb8: {  	s6 =	sadd.s32 $0x15400, s2;
	[sflag:s28] =	ssyncadd.s32 $0xFFFFC180  }
0xb9: {  	[spmem:s1] =	stream.indirect.scatter.add.f32 [tilespmem:s21], [sflag:$0x3], $0x80, s6, s25, $0xb8;
	[tilespmem:$0x1E800] =	vst v63  }
0xba: {  	_ =	swait.ge [sflag:s22], $0x3E80  }
0xbb: {  	[sflag:s22] =	ssyncset.done $0x0  }
0xbc: {  	s6 =	sadd.s32 $0x14100, s2;
	[sflag:s22] =	ssyncadd.s32 $0xFFFFC180  }
0xbd: {  	[tilespmem:s21], [sflag:$0x1] =	stream.indirect.gather [hbm4b:s4+s25], $0x80, s6, s25, $0xb8;
	[tilespmem:$0x1E800] =	vst v63  }
0xbe: {  	_ =	swait.ge [sflag:s29], $0x3E80  }
.Ltmp2:
0xbf: {  	[sflag:s29] =	ssyncset.done $0x0;
	(pc) =	sbr.rel @p0 .LBB2_6-.Ltmp2, $4  }
0xc0: {  	s2 =	sadd.s32 $0x15480, s2;
	[sflag:s29] =	ssyncadd.s32 $0xFFFFC180  }
0xc1: {  	[spmem:s1] =	stream.indirect.scatter.add.f32 [tilespmem:s26], [sflag:$0x3], $0x80, s2, s25, $0xb8;
	[tilespmem:$0x1E800] =	vst v63  }
0xc2: {  	_ =	swait.ge [sflag:s22], $0x3E80  }
0xc3: {  	s6 =	smov.u32 s9;
	s2 =	sshra.s32 s8, $0x2;
	[sflag:s22] =	ssyncset.done $0x0  }
0xc4: {  	s6 =	sadd.s32 $0x14080, s2;
	[sflag:s22] =	ssyncadd.s32 $0xFFFFC180  }
0xc5: {  	[tilespmem:s26], [sflag:$0x2] =	stream.indirect.gather [hbm4b:s4+s25], $0x80, s6, s25, $0xb8;
	[tilespmem:$0x1E800] =	vst v63  }
0xc6: {  	_ =	swait.ge [sflag:s28], $0x3E80  }
0xc7: {  	[sflag:s28] =	ssyncset.done $0x0  }
0xc8: {  	s8 =	sadd.s32 $0x15400, s2;
	[sflag:s28] =	ssyncadd.s32 $0xFFFFC180  }
0xc9: {  	[spmem:s1] =	stream.indirect.scatter.add.f32 [tilespmem:s21], [sflag:$0x3], $0x80, s8, s25, $0xb8;
	[tilespmem:$0x1E800] =	vst v63  }
0xca: {  	_ =	swait.ge [sflag:s22], $0x3E80  }
0xcb: {  	[sflag:s22] =	ssyncset.done $0x0  }
0xcc: {  	s9 =	sadd.s32 $0x14100, s2;
	[sflag:s22] =	ssyncadd.s32 $0xFFFFC180  }
0xcd: {  	[tilespmem:s21], [sflag:$0x1] =	stream.indirect.gather [hbm4b:s4+s25], $0x80, s9, s25, $0xb8;
	[tilespmem:$0x1E800] =	vst v63  }
0xce: {  	_ =	swait.ge [sflag:s29], $0x3E80  }
0xcf: {  	[sflag:s29] =	ssyncset.done $0x0  }
0xd0: {  	s7 =	sadd.s32 $0x15480, s2;
	[sflag:s29] =	ssyncadd.s32 $0xFFFFC180  }
0xd1: {  	[spmem:s1] =	stream.indirect.scatter.add.f32 [tilespmem:s26], [sflag:$0x3], $0x80, s7, s25, $0xb8;
	[tilespmem:$0x1E800] =	vst v63  }
0xd2: {  	_ =	swait.ge [sflag:s22], $0x3E80  }
0xd3: {  	[sflag:s22] =	ssyncset.done $0x0  }
0xd4: {  	[sflag:s22] =	ssyncadd.s32 $0xFFFFC180  }
0xd5: {  	[tilespmem:s26], [sflag:$0x2] =	stream.indirect.gather [hbm4b:s4+s25], $0x80, s30, s25, $0xb8;
	[tilespmem:$0x1E800] =	vst v63  }
0xd6: {  	_ =	swait.ge [sflag:s28], $0x3E80  }
0xd7: {  	[sflag:s28] =	ssyncset.done $0x0  }
0xd8: {  	[sflag:s28] =	ssyncadd.s32 $0xFFFFC180  }
0xd9: {  	[spmem:s1] =	stream.indirect.scatter.add.f32 [tilespmem:s21], [sflag:$0x3], $0x80, s31, s25, $0xb8;
	[tilespmem:$0x1E800] =	vst v63  }
0xda: {  	_ =	swait.ge [sflag:s22], $0x3E80  }
0xdb: {  	[sflag:s22] =	ssyncset.done $0x0  }
0xdc: {  	[sflag:s22] =	ssyncadd.s32 $0xFFFFC180  }
0xdd: {  	_ =	swait.ge [sflag:s29], $0x3E80  }
0xde: {  	[sflag:s29] =	ssyncset.done $0x0  }
0xdf: {  	[sflag:s29] =	ssyncadd.s32 $0xFFFFC180  }
0xe0: {  	[spmem:s1] =	stream.indirect.scatter.add.f32 [tilespmem:s26], [sflag:$0x3], $0x80, s0, s25, $0xb8;
	[tilespmem:$0x1E800] =	vst v63  }
0xe1: {  	s8 =	stileid.u32;
	_ =	swait.ge [sflag:s22], $0x3E80  }
0xe2: {  	s3 =	sadd.s32 $0x1, s3;
	s2 =	sshll.u32 s8, $0x6;
	[sflag:s22] =	ssyncset.done $0x0  }
0xe3: {  	p0 =	sne.s32 s3, s11;
	s2 =	sor.u32 $0x1C03, s2;
	[sflag:s22] =	ssyncadd.s32 $0xFFFFC180  }
.Ltmp3:
0xe4: {  	s9 =	sshrl.u32 s5, $0x3;
	[bflag:$0x0] =	sbarrier.arrive $0xFFFF;
	(pc) =	sbr.rel @p0 .LBB2_1-.Ltmp3, $4  }
0xe5: {  	[hbm:s10], [sflag:s2] =	dma.local [spmem:s9], $0x2800  }
0xe6: {  	_ =	swait.ge [sflag:s22], $0x2800  }
0xe7: {  	[sflag:s22] =	ssyncset.done $0x0  }
0xe8: {  	[sflag:s22] =	ssyncadd.s32 $0xFFFFD800  }
0xe9: {  	_ =	sfence.sel $0x180000  }
0xea: {  	[bflag:$0x0] =	sbarrier.arrive $0xFFFF  }
0xeb: {  	_ =	strace $0x90000050  }
0xec: {  	s0 =	stileid.u32;
	[bflag:$0x2] =	sbarrier.arrive $0xFFFF  }
0xed: {  	p0 =	sne.s32 s0, $0x0;
	s0 =	rddreg [dreg:$0x2]  }
0xee: {  	s0 =	sadd.s32 @!p0 $0x100000, s0  }
0xef: {  	[sflag:s0] =	ssyncadd.tile.s32 @!p0 $0x1;
	_ =	shalt  }
.Lfunc_end2:
_tile_overlayer_lowered:
.L_overlay_start_2:
0xf0: {  	(tag) =	ssettag $0x2  }
0xf1: {  	s0 =	rddreg [dreg:$0x0];
	s2 =	stileid.u32  }
0xf2: {  	s1 =	rddreg [dreg:$0x1];
	p0 =	sne.s32 s2, $0x0  }
0xf3: {  	s3 =	rddreg [dreg:$0x2];
	[bflag:$0x3] =	sbarrier.arrive $0xFFFF;
	s2 =	simm.s32 @!p0 $0x1C03  }
0xf4: {  	[timem:s3], [sflag:s2] =	dma.local @!p0 [hbm:s0], s1  }
0xf5: {  	s0 =	simm.s32 @!p0 $0x3  }
0xf6: {  	_ =	swait.ge @!p0 [sflag:s0], s1  }
0xf7: {  	s1 =	ssub.s32 @!p0 $0x0, s1;
	[sflag:s0] =	ssyncset.done @!p0 $0x0  }
0xf8: {  	[sflag:s0] =	ssyncadd.s32 @!p0 s1  }
0xf9: {  	[bflag:$0x3] =	sbarrier.arrive $0xFFFF  }
0xfa: {  	_ =	shalt  }

</sc_bundles>
